<compile_context>
chip_gen: v7x
topology: tpu7x:2x2x1
jax: 0.10.2.dev20260603
libtpu: 0.0.44.dev20260713+nightly
codegen_flags: <defaults>
</compile_context>

<pallas_src>
import functools

import jax
import jax.numpy as jnp
import numpy as np
from jax import lax
from jax.experimental import pallas as pl
from jax.experimental.pallas import tpu as pltpu
from jax.experimental.pallas import tpu_sc as plsc

NUM_CLASSES = 13
BN_EPS = 1e-5
_BNS = float(1.0 / np.sqrt(np.float32(1.0 + BN_EPS), dtype=np.float32))



def _fps_body(x_ref, y_ref, z_ref, out_ref, dist_ref):
    b, n = x_ref.shape
    x = x_ref[...]
    y = y_ref[...]
    z = z_ref[...]
    iota = jax.lax.broadcasted_iota(jnp.int32, (b, n), 1)
    dist_ref[...] = jnp.full((b, n), 1e10, jnp.float32)
    npoint = out_ref.shape[0]

    def step(t, far):
        oh = iota == far
        cx = jnp.sum(jnp.where(oh, x, 0.0), axis=1, keepdims=True)
        cy = jnp.sum(jnp.where(oh, y, 0.0), axis=1, keepdims=True)
        cz = jnp.sum(jnp.where(oh, z, 0.0), axis=1, keepdims=True)
        out_ref[t] = jnp.concatenate([cx, cy, cz], axis=1)
        dx = x - cx
        dy = y - cy
        dz = z - cz
        d = dx * dx + dy * dy + dz * dz
        dist = jnp.minimum(dist_ref[...], d)
        dist_ref[...] = dist
        m = jnp.max(dist, axis=1, keepdims=True)
        return jnp.min(jnp.where(dist == m, iota, n), axis=1, keepdims=True)

    jax.lax.fori_loop(0, npoint, step, jnp.zeros((b, 1), jnp.int32))


def _fps(xyz_c, npoint):
    b, _, n = xyz_c.shape
    out = pl.pallas_call(
        _fps_body,
        grid=(1,),
        in_specs=[pl.BlockSpec((b, n), lambda i: (0, 0))] * 3,
        out_specs=pl.BlockSpec((npoint, b, 3), lambda i: (0, 0, 0)),
        out_shape=jax.ShapeDtypeStruct((npoint, b, 3), jnp.float32),
        scratch_shapes=[pltpu.VMEM((b, n), jnp.float32)],
    )(xyz_c[:, 0, :], xyz_c[:, 1, :], xyz_c[:, 2, :])
    return jnp.transpose(out, (1, 0, 2))



def _bq_body(nx_ref, xyzc_ref, out_ref, *, radius, nsample):
    nx = nx_ref[0]
    xyzc = xyzc_ref[0]
    sb = nx.shape[0]
    n = xyzc.shape[1]
    src2 = jnp.sum(nx * nx, axis=1, keepdims=True)
    dst2 = jnp.sum(xyzc * xyzc, axis=0, keepdims=True)
    cross = jax.lax.dot_general(nx, xyzc, (((1,), (0,)), ((), ())),
                                preferred_element_type=jnp.float32)
    sq = src2 + dst2 - 2.0 * cross
    iota = jax.lax.broadcasted_iota(jnp.int32, (sb, n), 1)
    keys = jnp.where(sq > radius * radius, n, iota)
    cols = []
    for _ in range(nsample):
        m = jnp.min(keys, axis=1, keepdims=True)
        cols.append(m)
        keys = jnp.where(keys == m, n, keys)
    idx = jnp.concatenate(cols, axis=1)
    idx = jnp.where(idx == n, cols[0], idx)
    out_ref[0] = idx


def _bq(new_xyz, xyz_c, radius, nsample, sb):
    b, s, _ = new_xyz.shape
    n = xyz_c.shape[2]
    grid = (b, s // sb)
    return pl.pallas_call(
        functools.partial(_bq_body, radius=radius, nsample=nsample),
        grid=grid,
        in_specs=[
            pl.BlockSpec((1, sb, 3), lambda i, j: (i, j, 0)),
            pl.BlockSpec((1, 3, n), lambda i, j: (i, 0, 0)),
        ],
        out_specs=pl.BlockSpec((1, sb, nsample), lambda i, j: (i, j, 0)),
        out_shape=jax.ShapeDtypeStruct((b, s, nsample), jnp.int32),
    )(new_xyz, xyz_c)



def _sc_gather(table, idx, nchunks):
    r, d = table.shape
    m = idx.shape[0]
    nw = 32
    bpw = m // nw
    cs = bpw // nchunks
    mesh = plsc.VectorSubcoreMesh(core_axis_name="c", subcore_axis_name="s")

    @functools.partial(
        pl.kernel, mesh=mesh,
        compiler_params=pltpu.CompilerParams(use_tc_tiling_on_sc=False),
        out_type=jax.ShapeDtypeStruct((m, d), jnp.float32),
        scratch_types=[
            pltpu.VMEM((cs,), jnp.int32),
            pltpu.VMEM((cs, d), jnp.float32),
            pltpu.SemaphoreType.DMA,
        ],
    )
    def k(table_hbm, idx_hbm, out_hbm, idx_v, rows_v, sem):
        wid = lax.axis_index("s") * 2 + lax.axis_index("c")
        base = wid * bpw
        for c in range(nchunks):
            off = base + c * cs
            pltpu.sync_copy(idx_hbm.at[pl.ds(off, cs)], idx_v)
            pltpu.async_copy(table_hbm.at[idx_v], rows_v, sem).wait()
            pltpu.sync_copy(rows_v, out_hbm.at[pl.ds(off, cs)])

    return k(table, idx)



def _sa_mlp_body(g_ref, nx_ref, *refs):
    nl = (len(refs) - 1) // 4
    out_ref = refs[-1]
    _, sb, ns, c = g_ref.shape
    x = g_ref[0].reshape(sb * ns, c)
    nx = nx_ref[0]
    for li in range(nl):
        w, bb, g, be = refs[4 * li:4 * li + 4]
        x = jax.lax.dot_general(x, w[...], (((1,), (1,)), ((), ())),
                                preferred_element_type=jnp.float32) + bb[...]
        if li == 0:
            corr = jax.lax.dot_general(
                nx, w[:, :3], (((1,), (1,)), ((), ())),
                preferred_element_type=jnp.float32)
            x = (x.reshape(sb, ns, -1) - corr[:, None, :]).reshape(sb * ns, -1)
        x = x * _BNS * g[...] + be[...]
        x = jnp.maximum(x, 0.0)
    x = x.reshape(sb, ns, x.shape[-1])
    out_ref[0] = jnp.max(x, axis=1)


def _sa_mlp(grouped, new_xyz, layers, sb):
    b, s, ns, c = grouped.shape
    cout = layers[-1]['W'].shape[0]
    grid = (b, s // sb)
    in_specs = [
        pl.BlockSpec((1, sb, ns, c), lambda i, j: (i, j, 0, 0)),
        pl.BlockSpec((1, sb, 3), lambda i, j: (i, j, 0)),
    ]
    args = [grouped, new_xyz]
    for li, p in enumerate(layers):
        co, ci = p['W'].shape
        w = p['W']
        if li == 0 and ci != c:
            w = jnp.pad(w, ((0, 0), (0, c - ci)))
        in_specs += [
            pl.BlockSpec((co, c if li == 0 else ci), lambda i, j: (0, 0)),
            pl.BlockSpec((co,), lambda i, j: (0,)),
            pl.BlockSpec((co,), lambda i, j: (0,)),
            pl.BlockSpec((co,), lambda i, j: (0,)),
        ]
        args += [w, p['b'], p['g'], p['be']]
    return pl.pallas_call(
        _sa_mlp_body,
        grid=grid,
        in_specs=in_specs,
        out_specs=pl.BlockSpec((1, sb, cout), lambda i, j: (i, j, 0)),
        out_shape=jax.ShapeDtypeStruct((b, s, cout), jnp.float32),
    )(*args)



def _fp_body(x1_ref, x2c_ref, p2_ref, *refs, has_p1, nl, head):
    if has_p1:
        p1_ref = refs[0]
        refs = refs[1:]
    out_ref = refs[-1]
    x1 = x1_ref[0]
    x2c = x2c_ref[0]
    p2 = p2_ref[0]
    nb = x1.shape[0]
    s = x2c.shape[1]
    src2 = jnp.sum(x1 * x1, axis=1, keepdims=True)
    dst2 = jnp.sum(x2c * x2c, axis=0, keepdims=True)
    cross = jax.lax.dot_general(x1, x2c, (((1,), (0,)), ((), ())),
                                preferred_element_type=jnp.float32)
    d = src2 + dst2 - 2.0 * cross
    iota = jax.lax.broadcasted_iota(jnp.int32, (nb, s), 1)
    ws = []
    poss = []
    for _ in range(3):
        m = jnp.min(d, axis=1, keepdims=True)
        pos = jnp.min(jnp.where(d == m, iota, s), axis=1, keepdims=True)
        ws.append(1.0 / (m + 1e-8))
        poss.append(pos)
        d = jnp.where(iota == pos, jnp.float32(3.4e38), d)
    norm = ws[0] + ws[1] + ws[2]
    wmat = jnp.zeros((nb, s), jnp.float32)
    for k in range(3):
        wmat = jnp.where(iota == poss[k], ws[k] / norm, wmat)
    x = jax.lax.dot_general(wmat, p2, (((1,), (0,)), ((), ())),
                            preferred_element_type=jnp.float32)
    if has_p1:
        x = jnp.concatenate([p1_ref[0], x], axis=1)
    for li in range(nl):
        w, bb, g, be = refs[4 * li:4 * li + 4]
        x = jax.lax.dot_general(x, w[...], (((1,), (1,)), ((), ())),
                                preferred_element_type=jnp.float32) + bb[...]
        x = x * _BNS * g[...] + be[...]
        x = jnp.maximum(x, 0.0)
    if head:
        w1, b1, g1, be1, w2, b2 = refs[4 * nl:4 * nl + 6]
        h = jax.lax.dot_general(x, w1[...], (((1,), (1,)), ((), ())),
                                preferred_element_type=jnp.float32) + b1[...]
        h = h * _BNS * g1[...] + be1[...]
        h = jnp.maximum(h, 0.0)
        logits = jax.lax.dot_general(h, w2[...], (((1,), (1,)), ((), ())),
                                     preferred_element_type=jnp.float32) + b2[...]
        x = jax.nn.log_softmax(logits, axis=-1)
    out_ref[0] = x


def _fp(x1, x2_c, p1, p2, layers, nb, head=None):
    b, n, _ = x1.shape
    s = x2_c.shape[2]
    c2 = p2.shape[2]
    cout = NUM_CLASSES if head is not None else layers[-1]['W'].shape[0]
    grid = (b, n // nb)
    in_specs = [
        pl.BlockSpec((1, nb, 3), lambda i, j: (i, j, 0)),
        pl.BlockSpec((1, 3, s), lambda i, j: (i, 0, 0)),
        pl.BlockSpec((1, s, c2), lambda i, j: (i, 0, 0)),
    ]
    args = [x1, x2_c, p2]
    if p1 is not None:
        in_specs.append(pl.BlockSpec((1, nb, p1.shape[2]), lambda i, j: (i, j, 0)))
        args.append(p1)
    for p in layers:
        co, ci = p['W'].shape
        in_specs += [
            pl.BlockSpec((co, ci), lambda i, j: (0, 0)),
            pl.BlockSpec((co,), lambda i, j: (0,)),
            pl.BlockSpec((co,), lambda i, j: (0,)),
            pl.BlockSpec((co,), lambda i, j: (0,)),
        ]
        args += [p['W'], p['b'], p['g'], p['be']]
    if head is not None:
        p1h, p2h = head
        in_specs += [
            pl.BlockSpec((128, 128), lambda i, j: (0, 0)),
            pl.BlockSpec((128,), lambda i, j: (0,)),
            pl.BlockSpec((128,), lambda i, j: (0,)),
            pl.BlockSpec((128,), lambda i, j: (0,)),
            pl.BlockSpec((NUM_CLASSES, 128), lambda i, j: (0, 0)),
            pl.BlockSpec((NUM_CLASSES,), lambda i, j: (0,)),
        ]
        args += [p1h['W'], p1h['b'], p1h['g'], p1h['be'], p2h['W'], p2h['b']]
    return pl.pallas_call(
        functools.partial(_fp_body, has_p1=p1 is not None, nl=len(layers),
                          head=head is not None),
        grid=grid,
        in_specs=in_specs,
        out_specs=pl.BlockSpec((1, nb, cout), lambda i, j: (i, j, 0)),
        out_shape=jax.ShapeDtypeStruct((b, n, cout), jnp.float32),
    )(*args)



def _head_body(x_ref, w1_ref, b1_ref, g1_ref, be1_ref, w2_ref, b2_ref, out_ref):
    x = x_ref[0]
    h = jax.lax.dot_general(x, w1_ref[...], (((1,), (1,)), ((), ())),
                            preferred_element_type=jnp.float32) + b1_ref[...]
    h = h * _BNS * g1_ref[...] + be1_ref[...]
    h = jnp.maximum(h, 0.0)
    logits = jax.lax.dot_general(h, w2_ref[...], (((1,), (1,)), ((), ())),
                                 preferred_element_type=jnp.float32) + b2_ref[...]
    out_ref[0] = jax.nn.log_softmax(logits, axis=-1)


def _head(t, p1, p2):
    b, n, c = t.shape
    blk = 1024
    grid = (b, n // blk)
    return pl.pallas_call(
        _head_body,
        grid=grid,
        in_specs=[
            pl.BlockSpec((1, blk, c), lambda i, j: (i, j, 0)),
            pl.BlockSpec((128, c), lambda i, j: (0, 0)),
            pl.BlockSpec((128,), lambda i, j: (0,)),
            pl.BlockSpec((128,), lambda i, j: (0,)),
            pl.BlockSpec((128,), lambda i, j: (0,)),
            pl.BlockSpec((NUM_CLASSES, c), lambda i, j: (0, 0)),
            pl.BlockSpec((NUM_CLASSES,), lambda i, j: (0,)),
        ],
        out_specs=pl.BlockSpec((1, blk, NUM_CLASSES), lambda i, j: (i, j, 0)),
        out_shape=jax.ShapeDtypeStruct((b, n, NUM_CLASSES), jnp.float32),
    )(t, p1['W'], p1['b'], p1['g'], p1['be'], p2['W'], p2['b'])



def _index_points(points, idx):
    return jax.vmap(lambda p, i: p[i])(points, idx)


def _sa(xyz_c, pts_t, npoint, radius, nsample, layers, sb, nchunks):
    b, _, n = xyz_c.shape
    new_xyz = _fps(xyz_c, npoint)
    idx = _bq(new_xyz, xyz_c, radius, nsample, sb)
    xyz_t = jnp.transpose(xyz_c, (0, 2, 1))
    table = jnp.concatenate([xyz_t, pts_t], axis=-1)
    c = table.shape[-1]
    dp = -(-(c) // 16) * 16
    tablep = jnp.pad(table, ((0, 0), (0, 0), (0, dp - c))).reshape(b * n, dp)
    idxf = (idx + (jnp.arange(b, dtype=jnp.int32) * n)[:, None, None]).reshape(-1)
    g = _sc_gather(tablep, idxf, nchunks).reshape(b, npoint, nsample, dp)
    return new_xyz, _sa_mlp(g, new_xyz, layers, sb)


def kernel(xyz, params):
    l0_xyz_c = xyz[:, :3, :]
    l0_pts_t = jnp.transpose(xyz, (0, 2, 1))

    l1_xyz, l1_pts = _sa(l0_xyz_c, l0_pts_t, 1024, 0.1, 32, params['sa1'], sb=256, nchunks=2)
    l1_xyz_c = jnp.transpose(l1_xyz, (0, 2, 1))
    l2_xyz, l2_pts = _sa(l1_xyz_c, l1_pts, 256, 0.2, 32, params['sa2'], sb=256, nchunks=2)
    l2_xyz_c = jnp.transpose(l2_xyz, (0, 2, 1))
    l3_xyz, l3_pts = _sa(l2_xyz_c, l2_pts, 64, 0.4, 32, params['sa3'], sb=64, nchunks=1)
    l3_xyz_c = jnp.transpose(l3_xyz, (0, 2, 1))
    l4_xyz, l4_pts = _sa(l3_xyz_c, l3_pts, 16, 0.8, 32, params['sa4'], sb=16, nchunks=1)
    l4_xyz_c = jnp.transpose(l4_xyz, (0, 2, 1))

    l3_pts = _fp(l3_xyz, l4_xyz_c, l3_pts, l4_pts, params['fp4'], nb=64)
    l2_pts = _fp(l2_xyz, l3_xyz_c, l2_pts, l3_pts, params['fp3'], nb=256)
    l1_pts = _fp(l1_xyz, l2_xyz_c, l1_pts, l2_pts, params['fp2'], nb=512)
    return _fp(l0_pts_t[..., :3], l1_xyz_c, None, l1_pts, params['fp1'], nb=512,
               head=(params['head1'], params['head2']))

# --- scband reference (transcript-rebuilt; emitter-appended) ---
"""Pipeline reference for scband-get-model-3143916061240 (READ-ONLY COPY).

The authoritative reference and input builder live on the scoring server;
editing this copy changes nothing except your own understanding.
"""

import jax, jax.numpy as jnp
import numpy as np

NUM_CLASSES = 13
BN_EPS = 1e-5
B, N_PTS = 8, 4096


def square_distance(src, dst):
    return (jnp.sum(src ** 2, -1)[:, :, None] + jnp.sum(dst ** 2, -1)[:, None, :]
            - 2.0 * jnp.einsum('bnc,bmc->bnm', src, dst))


def index_points(points, idx):
    return jax.vmap(lambda p, i: p[i])(points, idx)


def farthest_point_sample(xyz, npoint):
    xyz = jax.lax.stop_gradient(xyz)
    b, n, _ = xyz.shape

    def step(carry, _):
        distance, farthest = carry
        centroid = jnp.take_along_axis(xyz, farthest[:, None, None], axis=1)
        dist = jnp.sum((xyz - centroid) ** 2, -1)
        distance = jnp.minimum(distance, dist)
        new_far = jnp.argmax(distance, -1).astype(jnp.int32)
        return (distance, new_far), farthest

    init = (jnp.full((b, n), 1e10, dtype=xyz.dtype), jnp.zeros((b,), jnp.int32))
    _, cents = jax.lax.scan(step, init, None, length=npoint)
    return jnp.transpose(cents, (1, 0))


def query_ball_point(radius, nsample, xyz, new_xyz):
    b, n, _ = xyz.shape
    s = new_xyz.shape[1]
    sqrdists = square_distance(new_xyz, xyz)
    group_idx = jnp.broadcast_to(jnp.arange(n, dtype=jnp.int32), (b, s, n))
    group_idx = jnp.where(sqrdists > radius ** 2, n, group_idx)
    group_idx = jnp.sort(group_idx, axis=-1)[:, :, :nsample]
    group_first = jnp.broadcast_to(group_idx[:, :, :1], group_idx.shape)
    group_idx = jnp.where(group_idx == n, group_first, group_idx)
    return group_idx


def bn_relu(x, p):
    x = x @ p['W'].T + p['b']
    x = x / jnp.sqrt(1.0 + BN_EPS) * p['g'] + p['be']
    return jax.nn.relu(x)


def set_abstraction(xyz, points, npoint, radius, nsample, layers):
    xyz_t = jnp.transpose(xyz, (0, 2, 1))
    fps_idx = farthest_point_sample(xyz_t, npoint)
    new_xyz = index_points(xyz_t, fps_idx)
    idx = query_ball_point(radius, nsample, xyz_t, new_xyz)
    grouped_xyz = index_points(xyz_t, idx) - new_xyz[:, :, None, :]
    if points is not None:
        pts_t = jnp.transpose(points, (0, 2, 1))
        grouped = jnp.concatenate([grouped_xyz, index_points(pts_t, idx)], axis=-1)
    else:
        grouped = grouped_xyz
    x = grouped
    for p in layers:
        x = bn_relu(x, p)
    x = jnp.max(x, axis=2)
    return jnp.transpose(new_xyz, (0, 2, 1)), jnp.transpose(x, (0, 2, 1))


def feature_propagation(xyz1, xyz2, points1, points2, layers):
    x1 = jnp.transpose(xyz1, (0, 2, 1))
    x2 = jnp.transpose(xyz2, (0, 2, 1))
    p2 = jnp.transpose(points2, (0, 2, 1))
    b, n, _ = x1.shape
    s = x2.shape[1]
    if s == 1:
        interpolated = jnp.repeat(p2, n, axis=1)
    else:
        dists = square_distance(x1, x2)
        idx = jnp.argsort(dists, axis=-1)[:, :, :3]
        d = jnp.take_along_axis(dists, idx, axis=-1)
        dist_recip = 1.0 / (d + 1e-8)
        norm = jnp.sum(dist_recip, axis=2, keepdims=True)
        weight = dist_recip / norm
        interpolated = jnp.sum(index_points(p2, idx) * weight[..., None], axis=2)
    if points1 is not None:
        p1 = jnp.transpose(points1, (0, 2, 1))
        new_points = jnp.concatenate([p1, interpolated], axis=-1)
    else:
        new_points = interpolated
    x = new_points
    for p in layers:
        x = bn_relu(x, p)
    return jnp.transpose(x, (0, 2, 1))


def forward(xyz, params):
    l0_points = xyz
    l0_xyz = xyz[:, :3, :]
    l1_xyz, l1_points = set_abstraction(l0_xyz, l0_points, 1024, 0.1, 32, params['sa1'])
    l2_xyz, l2_points = set_abstraction(l1_xyz, l1_points, 256, 0.2, 32, params['sa2'])
    l3_xyz, l3_points = set_abstraction(l2_xyz, l2_points, 64, 0.4, 32, params['sa3'])
    l4_xyz, l4_points = set_abstraction(l3_xyz, l3_points, 16, 0.8, 32, params['sa4'])
    l3_points = feature_propagation(l3_xyz, l4_xyz, l3_points, l4_points, params['fp4'])
    l2_points = feature_propagation(l2_xyz, l3_xyz, l2_points, l3_points, params['fp3'])
    l1_points = feature_propagation(l1_xyz, l2_xyz, l1_points, l2_points, params['fp2'])
    l0_out = feature_propagation(l0_xyz, l1_xyz, None, l1_points, params['fp1'])
    t = jnp.transpose(l0_out, (0, 2, 1))
    h = bn_relu(t, params['head1'])
    logits = h @ params['head2']['W'].T + params['head2']['b']
    return jax.nn.log_softmax(logits, axis=-1)


def _mlp_params(key, in_c, mlp):
    layers = []
    c = in_c
    for out_c in mlp:
        key, k = jax.random.split(key)
        layers.append({
            'W': jax.random.normal(k, (out_c, c), jnp.float32) / np.sqrt(c),
            'b': jnp.zeros((out_c,), jnp.float32),
            'g': jnp.ones((out_c,), jnp.float32),
            'be': jnp.zeros((out_c,), jnp.float32),
        })
        c = out_c
    return key, layers


def setup_inputs(seed: int = 0):
    key = jax.random.key(seed)
    key, kx = jax.random.split(key)
    xyz = jax.random.uniform(kx, (B, 3, N_PTS), jnp.float32)
    params = {}
    key, params['sa1'] = _mlp_params(key, 6, [32, 32, 64])
    key, params['sa2'] = _mlp_params(key, 67, [64, 64, 128])
    key, params['sa3'] = _mlp_params(key, 131, [128, 128, 256])
    key, params['sa4'] = _mlp_params(key, 259, [256, 256, 512])
    key, params['fp4'] = _mlp_params(key, 768, [256, 256])
    key, params['fp3'] = _mlp_params(key, 384, [256, 256])
    key, params['fp2'] = _mlp_params(key, 320, [256, 128])
    key, params['fp1'] = _mlp_params(key, 128, [128, 128, 128])
    key, h1 = _mlp_params(key, 128, [128])
    params['head1'] = h1[0]
    key, h2 = _mlp_params(key, 128, [NUM_CLASSES])
    params['head2'] = h2[0]
    return {'xyz': xyz, 'params': params}


def reference(xyz, params):
    return forward(xyz, params)

if __name__ == "__main__":
    import jax
    _d = setup_inputs()
    print(jax.jit(kernel)(*tuple(_d.values())))

</pallas_src>

<mosaic_0001>
#map = affine_map<(d0, d1) -> (0, 0)>
#map1 = affine_map<(d0, d1) -> (0)>
module attributes {stable_mosaic.version = 14 : i64} {
  func.func @k(%arg0: i32, %arg1: i32, %arg2: memref<512x272xf32, #tpu.memory_space<hbm>>, %arg3: memref<4096xi32, #tpu.memory_space<hbm>>, %arg4: memref<4096x272xf32, #tpu.memory_space<hbm>>, %arg5: memref<128xi32, #tpu.memory_space<vmem>>, %arg6: memref<128x272xf32, #tpu.memory_space<vmem>>, %arg7: memref<!tpu.dma_semaphore, #tpu.memory_space<semaphore_mem>>) attributes {dimension_semantics = [#tpu.dimension_semantics<core_parallel>, #tpu.dimension_semantics<subcore_parallel>], iteration_bounds = array<i64: 2, 16>, scalar_prefetch = 0 : i64, scratch_operands = 3 : i64, tpu.core_type = #tpu.core_type<sc_vector_subcore>, window_params = [{transform_indices = #map}, {transform_indices = #map1}, {transform_indices = #map}]} {
    %mul3A = arith.constant 2 : i32
    %mul3A_0 = arith.muli %arg1, %mul3A : i32
    %add3A = arith.addi %mul3A_0, %arg0 : i32
    %mul3A_1 = arith.constant 128 : i32
    %mul3A_2 = arith.muli %add3A, %mul3A_1 : i32
    %add3A_3 = arith.constant 0 : i32
    %add3A_4 = arith.addi %mul3A_2, %add3A_3 : i32
    "tpu.region"() ({
      %run_scoped3A = tpu.sem_alloc : memref<!tpu.dma_semaphore, #tpu.memory_space<semaphore_mem>>
      %dma_start3A_9 = tpu.memref_slice %arg3[%add3A_4] : memref<4096xi32, #tpu.memory_space<hbm>> -> memref<128xi32, #tpu.memory_space<hbm>>
      %dma_start3A_10 = tpu.memref_slice %arg3[%add3A_4] : memref<4096xi32, #tpu.memory_space<hbm>> -> memref<128xi32, #tpu.memory_space<hbm>>
      tpu.enqueue_dma source(%dma_start3A_10 : memref<128xi32, #tpu.memory_space<hbm>>) target(%arg5 : memref<128xi32, #tpu.memory_space<vmem>>) target_semaphore(%run_scoped3A : memref<!tpu.dma_semaphore, #tpu.memory_space<semaphore_mem>>)
      %dma_wait3A_11 = tpu.memref_slice %arg3[%add3A_4] : memref<4096xi32, #tpu.memory_space<hbm>> -> memref<128xi32, #tpu.memory_space<hbm>>
      %dma_wait3A_12 = tpu.memref_slice %arg3[%add3A_4] : memref<4096xi32, #tpu.memory_space<hbm>> -> memref<128xi32, #tpu.memory_space<hbm>>
      tpu.wait_dma2 semaphore(%run_scoped3A : memref<!tpu.dma_semaphore, #tpu.memory_space<semaphore_mem>>) src(%dma_wait3A_12 : memref<128xi32, #tpu.memory_space<hbm>>) dst(%arg5 : memref<128xi32, #tpu.memory_space<vmem>>)
      tpu.yield
    }) : () -> ()
    %dma_start3A = arith.constant 0 : i32
    %dma_start3A_5 = arith.constant 0 : i32
    %dma_start3A_6 = tpu.memref_slice %arg2[%dma_start3A, %dma_start3A_5] : memref<512x272xf32, #tpu.memory_space<hbm>> -> memref<512x272xf32, #tpu.memory_space<hbm>>
    tpu.enqueue_indirect_dma source(%dma_start3A_6 : memref<512x272xf32, #tpu.memory_space<hbm>>) target(%arg6 : memref<128x272xf32, #tpu.memory_space<vmem>>) offsets(%arg5 : memref<128xi32, #tpu.memory_space<vmem>>) semaphore(%arg7 : memref<!tpu.dma_semaphore, #tpu.memory_space<semaphore_mem>>)
    %dma_wait3A = arith.constant 0 : i32
    %dma_wait3A_7 = arith.constant 0 : i32
    %dma_wait3A_8 = tpu.memref_slice %arg2[%dma_wait3A, %dma_wait3A_7] : memref<512x272xf32, #tpu.memory_space<hbm>> -> memref<512x272xf32, #tpu.memory_space<hbm>>
    tpu.wait_indirect_dma semaphore(%arg7 : memref<!tpu.dma_semaphore, #tpu.memory_space<semaphore_mem>>) src(%dma_wait3A_8 : memref<512x272xf32, #tpu.memory_space<hbm>>) dst(%arg6 : memref<128x272xf32, #tpu.memory_space<vmem>>)
    "tpu.region"() ({
      %run_scoped3A = tpu.sem_alloc : memref<!tpu.dma_semaphore, #tpu.memory_space<semaphore_mem>>
      %dma_start3A_9 = arith.constant 0 : i32
      %dma_start3A_10 = tpu.memref_slice %arg4[%add3A_4, %dma_start3A_9] : memref<4096x272xf32, #tpu.memory_space<hbm>> -> memref<128x272xf32, #tpu.memory_space<hbm>>
      %dma_start3A_11 = arith.constant 0 : i32
      %dma_start3A_12 = tpu.memref_slice %arg4[%add3A_4, %dma_start3A_11] : memref<4096x272xf32, #tpu.memory_space<hbm>> -> memref<128x272xf32, #tpu.memory_space<hbm>>
      tpu.enqueue_dma source(%arg6 : memref<128x272xf32, #tpu.memory_space<vmem>>) target(%dma_start3A_12 : memref<128x272xf32, #tpu.memory_space<hbm>>) target_semaphore(%run_scoped3A : memref<!tpu.dma_semaphore, #tpu.memory_space<semaphore_mem>>)
      %dma_wait3A_13 = arith.constant 0 : i32
      %dma_wait3A_14 = tpu.memref_slice %arg4[%add3A_4, %dma_wait3A_13] : memref<4096x272xf32, #tpu.memory_space<hbm>> -> memref<128x272xf32, #tpu.memory_space<hbm>>
      %dma_wait3A_15 = arith.constant 0 : i32
      %dma_wait3A_16 = tpu.memref_slice %arg4[%add3A_4, %dma_wait3A_15] : memref<4096x272xf32, #tpu.memory_space<hbm>> -> memref<128x272xf32, #tpu.memory_space<hbm>>
      tpu.wait_dma2 semaphore(%run_scoped3A : memref<!tpu.dma_semaphore, #tpu.memory_space<semaphore_mem>>) src(%arg6 : memref<128x272xf32, #tpu.memory_space<vmem>>) dst(%dma_wait3A_16 : memref<128x272xf32, #tpu.memory_space<hbm>>)
      tpu.yield
    }) : () -> ()
    return
  }
}

#map = affine_map<(d0, d1) -> (0, 0)>
#map1 = affine_map<(d0, d1) -> (0)>
module attributes {stable_mosaic.version = 14 : i64} {
  func.func @k(%arg0: i32, %arg1: i32, %arg2: memref<32768x16xf32, #tpu.memory_space<hbm>>, %arg3: memref<262144xi32, #tpu.memory_space<hbm>>, %arg4: memref<262144x16xf32, #tpu.memory_space<hbm>>, %arg5: memref<4096xi32, #tpu.memory_space<vmem>>, %arg6: memref<4096x16xf32, #tpu.memory_space<vmem>>, %arg7: memref<!tpu.dma_semaphore, #tpu.memory_space<semaphore_mem>>) attributes {dimension_semantics = [#tpu.dimension_semantics<core_parallel>, #tpu.dimension_semantics<subcore_parallel>], iteration_bounds = array<i64: 2, 16>, scalar_prefetch = 0 : i64, scratch_operands = 3 : i64, tpu.core_type = #tpu.core_type<sc_vector_subcore>, window_params = [{transform_indices = #map}, {transform_indices = #map1}, {transform_indices = #map}]} {
    %mul3A = arith.constant 2 : i32
    %mul3A_0 = arith.muli %arg1, %mul3A : i32
    %add3A = arith.addi %mul3A_0, %arg0 : i32
    %mul3A_1 = arith.constant 8192 : i32
    %mul3A_2 = arith.muli %add3A, %mul3A_1 : i32
    %add3A_3 = arith.constant 0 : i32
    %add3A_4 = arith.addi %mul3A_2, %add3A_3 : i32
    "tpu.region"() ({
      %run_scoped3A = tpu.sem_alloc : memref<!tpu.dma_semaphore, #tpu.memory_space<semaphore_mem>>
      %dma_start3A_17 = tpu.memref_slice %arg3[%add3A_4] : memref<262144xi32, #tpu.memory_space<hbm>> -> memref<4096xi32, #tpu.memory_space<hbm>>
      %dma_start3A_18 = tpu.memref_slice %arg3[%add3A_4] : memref<262144xi32, #tpu.memory_space<hbm>> -> memref<4096xi32, #tpu.memory_space<hbm>>
      tpu.enqueue_dma source(%dma_start3A_18 : memref<4096xi32, #tpu.memory_space<hbm>>) target(%arg5 : memref<4096xi32, #tpu.memory_space<vmem>>) target_semaphore(%run_scoped3A : memref<!tpu.dma_semaphore, #tpu.memory_space<semaphore_mem>>)
      %dma_wait3A_19 = tpu.memref_slice %arg3[%add3A_4] : memref<262144xi32, #tpu.memory_space<hbm>> -> memref<4096xi32, #tpu.memory_space<hbm>>
      %dma_wait3A_20 = tpu.memref_slice %arg3[%add3A_4] : memref<262144xi32, #tpu.memory_space<hbm>> -> memref<4096xi32, #tpu.memory_space<hbm>>
      tpu.wait_dma2 semaphore(%run_scoped3A : memref<!tpu.dma_semaphore, #tpu.memory_space<semaphore_mem>>) src(%dma_wait3A_20 : memref<4096xi32, #tpu.memory_space<hbm>>) dst(%arg5 : memref<4096xi32, #tpu.memory_space<vmem>>)
      tpu.yield
    }) : () -> ()
    %dma_start3A = arith.constant 0 : i32
    %dma_start3A_5 = arith.constant 0 : i32
    %dma_start3A_6 = tpu.memref_slice %arg2[%dma_start3A, %dma_start3A_5] : memref<32768x16xf32, #tpu.memory_space<hbm>> -> memref<32768x16xf32, #tpu.memory_space<hbm>>
    tpu.enqueue_indirect_dma source(%dma_start3A_6 : memref<32768x16xf32, #tpu.memory_space<hbm>>) target(%arg6 : memref<4096x16xf32, #tpu.memory_space<vmem>>) offsets(%arg5 : memref<4096xi32, #tpu.memory_space<vmem>>) semaphore(%arg7 : memref<!tpu.dma_semaphore, #tpu.memory_space<semaphore_mem>>)
    %dma_wait3A = arith.constant 0 : i32
    %dma_wait3A_7 = arith.constant 0 : i32
    %dma_wait3A_8 = tpu.memref_slice %arg2[%dma_wait3A, %dma_wait3A_7] : memref<32768x16xf32, #tpu.memory_space<hbm>> -> memref<32768x16xf32, #tpu.memory_space<hbm>>
    tpu.wait_indirect_dma semaphore(%arg7 : memref<!tpu.dma_semaphore, #tpu.memory_space<semaphore_mem>>) src(%dma_wait3A_8 : memref<32768x16xf32, #tpu.memory_space<hbm>>) dst(%arg6 : memref<4096x16xf32, #tpu.memory_space<vmem>>)
    "tpu.region"() ({
      %run_scoped3A = tpu.sem_alloc : memref<!tpu.dma_semaphore, #tpu.memory_space<semaphore_mem>>
      %dma_start3A_17 = arith.constant 0 : i32
      %dma_start3A_18 = tpu.memref_slice %arg4[%add3A_4, %dma_start3A_17] : memref<262144x16xf32, #tpu.memory_space<hbm>> -> memref<4096x16xf32, #tpu.memory_space<hbm>>
      %dma_start3A_19 = arith.constant 0 : i32
      %dma_start3A_20 = tpu.memref_slice %arg4[%add3A_4, %dma_start3A_19] : memref<262144x16xf32, #tpu.memory_space<hbm>> -> memref<4096x16xf32, #tpu.memory_space<hbm>>
      tpu.enqueue_dma source(%arg6 : memref<4096x16xf32, #tpu.memory_space<vmem>>) target(%dma_start3A_20 : memref<4096x16xf32, #tpu.memory_space<hbm>>) target_semaphore(%run_scoped3A : memref<!tpu.dma_semaphore, #tpu.memory_space<semaphore_mem>>)
      %dma_wait3A_21 = arith.constant 0 : i32
      %dma_wait3A_22 = tpu.memref_slice %arg4[%add3A_4, %dma_wait3A_21] : memref<262144x16xf32, #tpu.memory_space<hbm>> -> memref<4096x16xf32, #tpu.memory_space<hbm>>
      %dma_wait3A_23 = arith.constant 0 : i32
      %dma_wait3A_24 = tpu.memref_slice %arg4[%add3A_4, %dma_wait3A_23] : memref<262144x16xf32, #tpu.memory_space<hbm>> -> memref<4096x16xf32, #tpu.memory_space<hbm>>
      tpu.wait_dma2 semaphore(%run_scoped3A : memref<!tpu.dma_semaphore, #tpu.memory_space<semaphore_mem>>) src(%arg6 : memref<4096x16xf32, #tpu.memory_space<vmem>>) dst(%dma_wait3A_24 : memref<4096x16xf32, #tpu.memory_space<hbm>>)
      tpu.yield
    }) : () -> ()
    %add3A_9 = arith.constant 4096 : i32
    %add3A_10 = arith.addi %mul3A_2, %add3A_9 : i32
    "tpu.region"() ({
      %run_scoped3A = tpu.sem_alloc : memref<!tpu.dma_semaphore, #tpu.memory_space<semaphore_mem>>
      %dma_start3A_17 = tpu.memref_slice %arg3[%add3A_10] : memref<262144xi32, #tpu.memory_space<hbm>> -> memref<4096xi32, #tpu.memory_space<hbm>>
      %dma_start3A_18 = tpu.memref_slice %arg3[%add3A_10] : memref<262144xi32, #tpu.memory_space<hbm>> -> memref<4096xi32, #tpu.memory_space<hbm>>
      tpu.enqueue_dma source(%dma_start3A_18 : memref<4096xi32, #tpu.memory_space<hbm>>) target(%arg5 : memref<4096xi32, #tpu.memory_space<vmem>>) target_semaphore(%run_scoped3A : memref<!tpu.dma_semaphore, #tpu.memory_space<semaphore_mem>>)
      %dma_wait3A_19 = tpu.memref_slice %arg3[%add3A_10] : memref<262144xi32, #tpu.memory_space<hbm>> -> memref<4096xi32, #tpu.memory_space<hbm>>
      %dma_wait3A_20 = tpu.memref_slice %arg3[%add3A_10] : memref<262144xi32, #tpu.memory_space<hbm>> -> memref<4096xi32, #tpu.memory_space<hbm>>
      tpu.wait_dma2 semaphore(%run_scoped3A : memref<!tpu.dma_semaphore, #tpu.memory_space<semaphore_mem>>) src(%dma_wait3A_20 : memref<4096xi32, #tpu.memory_space<hbm>>) dst(%arg5 : memref<4096xi32, #tpu.memory_space<vmem>>)
      tpu.yield
    }) : () -> ()
    %dma_start3A_11 = arith.constant 0 : i32
    %dma_start3A_12 = arith.constant 0 : i32
    %dma_start3A_13 = tpu.memref_slice %arg2[%dma_start3A_11, %dma_start3A_12] : memref<32768x16xf32, #tpu.memory_space<hbm>> -> memref<32768x16xf32, #tpu.memory_space<hbm>>
    tpu.enqueue_indirect_dma source(%dma_start3A_13 : memref<32768x16xf32, #tpu.memory_space<hbm>>) target(%arg6 : memref<4096x16xf32, #tpu.memory_space<vmem>>) offsets(%arg5 : memref<4096xi32, #tpu.memory_space<vmem>>) semaphore(%arg7 : memref<!tpu.dma_semaphore, #tpu.memory_space<semaphore_mem>>)
    %dma_wait3A_14 = arith.constant 0 : i32
    %dma_wait3A_15 = arith.constant 0 : i32
    %dma_wait3A_16 = tpu.memref_slice %arg2[%dma_wait3A_14, %dma_wait3A_15] : memref<32768x16xf32, #tpu.memory_space<hbm>> -> memref<32768x16xf32, #tpu.memory_space<hbm>>
    tpu.wait_indirect_dma semaphore(%arg7 : memref<!tpu.dma_semaphore, #tpu.memory_space<semaphore_mem>>) src(%dma_wait3A_16 : memref<32768x16xf32, #tpu.memory_space<hbm>>) dst(%arg6 : memref<4096x16xf32, #tpu.memory_space<vmem>>)
    "tpu.region"() ({
      %run_scoped3A = tpu.sem_alloc : memref<!tpu.dma_semaphore, #tpu.memory_space<semaphore_mem>>
      %dma_start3A_17 = arith.constant 0 : i32
      %dma_start3A_18 = tpu.memref_slice %arg4[%add3A_10, %dma_start3A_17] : memref<262144x16xf32, #tpu.memory_space<hbm>> -> memref<4096x16xf32, #tpu.memory_space<hbm>>
      %dma_start3A_19 = arith.constant 0 : i32
      %dma_start3A_20 = tpu.memref_slice %arg4[%add3A_10, %dma_start3A_19] : memref<262144x16xf32, #tpu.memory_space<hbm>> -> memref<4096x16xf32, #tpu.memory_space<hbm>>
      tpu.enqueue_dma source(%arg6 : memref<4096x16xf32, #tpu.memory_space<vmem>>) target(%dma_start3A_20 : memref<4096x16xf32, #tpu.memory_space<hbm>>) target_semaphore(%run_scoped3A : memref<!tpu.dma_semaphore, #tpu.memory_space<semaphore_mem>>)
      %dma_wait3A_21 = arith.constant 0 : i32
      %dma_wait3A_22 = tpu.memref_slice %arg4[%add3A_10, %dma_wait3A_21] : memref<262144x16xf32, #tpu.memory_space<hbm>> -> memref<4096x16xf32, #tpu.memory_space<hbm>>
      %dma_wait3A_23 = arith.constant 0 : i32
      %dma_wait3A_24 = tpu.memref_slice %arg4[%add3A_10, %dma_wait3A_23] : memref<262144x16xf32, #tpu.memory_space<hbm>> -> memref<4096x16xf32, #tpu.memory_space<hbm>>
      tpu.wait_dma2 semaphore(%run_scoped3A : memref<!tpu.dma_semaphore, #tpu.memory_space<semaphore_mem>>) src(%arg6 : memref<4096x16xf32, #tpu.memory_space<vmem>>) dst(%dma_wait3A_24 : memref<4096x16xf32, #tpu.memory_space<hbm>>)
      tpu.yield
    }) : () -> ()
    return
  }
}

#map = affine_map<(d0, d1) -> (0, 0)>
#map1 = affine_map<(d0, d1) -> (0)>
module attributes {stable_mosaic.version = 14 : i64} {
  func.func @k(%arg0: i32, %arg1: i32, %arg2: memref<2048x144xf32, #tpu.memory_space<hbm>>, %arg3: memref<16384xi32, #tpu.memory_space<hbm>>, %arg4: memref<16384x144xf32, #tpu.memory_space<hbm>>, %arg5: memref<512xi32, #tpu.memory_space<vmem>>, %arg6: memref<512x144xf32, #tpu.memory_space<vmem>>, %arg7: memref<!tpu.dma_semaphore, #tpu.memory_space<semaphore_mem>>) attributes {dimension_semantics = [#tpu.dimension_semantics<core_parallel>, #tpu.dimension_semantics<subcore_parallel>], iteration_bounds = array<i64: 2, 16>, scalar_prefetch = 0 : i64, scratch_operands = 3 : i64, tpu.core_type = #tpu.core_type<sc_vector_subcore>, window_params = [{transform_indices = #map}, {transform_indices = #map1}, {transform_indices = #map}]} {
    %mul3A = arith.constant 2 : i32
    %mul3A_0 = arith.muli %arg1, %mul3A : i32
    %add3A = arith.addi %mul3A_0, %arg0 : i32
    %mul3A_1 = arith.constant 512 : i32
    %mul3A_2 = arith.muli %add3A, %mul3A_1 : i32
    %add3A_3 = arith.constant 0 : i32
    %add3A_4 = arith.addi %mul3A_2, %add3A_3 : i32
    "tpu.region"() ({
      %run_scoped3A = tpu.sem_alloc : memref<!tpu.dma_semaphore, #tpu.memory_space<semaphore_mem>>
      %dma_start3A_9 = tpu.memref_slice %arg3[%add3A_4] : memref<16384xi32, #tpu.memory_space<hbm>> -> memref<512xi32, #tpu.memory_space<hbm>>
      %dma_start3A_10 = tpu.memref_slice %arg3[%add3A_4] : memref<16384xi32, #tpu.memory_space<hbm>> -> memref<512xi32, #tpu.memory_space<hbm>>
      tpu.enqueue_dma source(%dma_start3A_10 : memref<512xi32, #tpu.memory_space<hbm>>) target(%arg5 : memref<512xi32, #tpu.memory_space<vmem>>) target_semaphore(%run_scoped3A : memref<!tpu.dma_semaphore, #tpu.memory_space<semaphore_mem>>)
      %dma_wait3A_11 = tpu.memref_slice %arg3[%add3A_4] : memref<16384xi32, #tpu.memory_space<hbm>> -> memref<512xi32, #tpu.memory_space<hbm>>
      %dma_wait3A_12 = tpu.memref_slice %arg3[%add3A_4] : memref<16384xi32, #tpu.memory_space<hbm>> -> memref<512xi32, #tpu.memory_space<hbm>>
      tpu.wait_dma2 semaphore(%run_scoped3A : memref<!tpu.dma_semaphore, #tpu.memory_space<semaphore_mem>>) src(%dma_wait3A_12 : memref<512xi32, #tpu.memory_space<hbm>>) dst(%arg5 : memref<512xi32, #tpu.memory_space<vmem>>)
      tpu.yield
    }) : () -> ()
    %dma_start3A = arith.constant 0 : i32
    %dma_start3A_5 = arith.constant 0 : i32
    %dma_start3A_6 = tpu.memref_slice %arg2[%dma_start3A, %dma_start3A_5] : memref<2048x144xf32, #tpu.memory_space<hbm>> -> memref<2048x144xf32, #tpu.memory_space<hbm>>
    tpu.enqueue_indirect_dma source(%dma_start3A_6 : memref<2048x144xf32, #tpu.memory_space<hbm>>) target(%arg6 : memref<512x144xf32, #tpu.memory_space<vmem>>) offsets(%arg5 : memref<512xi32, #tpu.memory_space<vmem>>) semaphore(%arg7 : memref<!tpu.dma_semaphore, #tpu.memory_space<semaphore_mem>>)
    %dma_wait3A = arith.constant 0 : i32
    %dma_wait3A_7 = arith.constant 0 : i32
    %dma_wait3A_8 = tpu.memref_slice %arg2[%dma_wait3A, %dma_wait3A_7] : memref<2048x144xf32, #tpu.memory_space<hbm>> -> memref<2048x144xf32, #tpu.memory_space<hbm>>
    tpu.wait_indirect_dma semaphore(%arg7 : memref<!tpu.dma_semaphore, #tpu.memory_space<semaphore_mem>>) src(%dma_wait3A_8 : memref<2048x144xf32, #tpu.memory_space<hbm>>) dst(%arg6 : memref<512x144xf32, #tpu.memory_space<vmem>>)
    "tpu.region"() ({
      %run_scoped3A = tpu.sem_alloc : memref<!tpu.dma_semaphore, #tpu.memory_space<semaphore_mem>>
      %dma_start3A_9 = arith.constant 0 : i32
      %dma_start3A_10 = tpu.memref_slice %arg4[%add3A_4, %dma_start3A_9] : memref<16384x144xf32, #tpu.memory_space<hbm>> -> memref<512x144xf32, #tpu.memory_space<hbm>>
      %dma_start3A_11 = arith.constant 0 : i32
      %dma_start3A_12 = tpu.memref_slice %arg4[%add3A_4, %dma_start3A_11] : memref<16384x144xf32, #tpu.memory_space<hbm>> -> memref<512x144xf32, #tpu.memory_space<hbm>>
      tpu.enqueue_dma source(%arg6 : memref<512x144xf32, #tpu.memory_space<vmem>>) target(%dma_start3A_12 : memref<512x144xf32, #tpu.memory_space<hbm>>) target_semaphore(%run_scoped3A : memref<!tpu.dma_semaphore, #tpu.memory_space<semaphore_mem>>)
      %dma_wait3A_13 = arith.constant 0 : i32
      %dma_wait3A_14 = tpu.memref_slice %arg4[%add3A_4, %dma_wait3A_13] : memref<16384x144xf32, #tpu.memory_space<hbm>> -> memref<512x144xf32, #tpu.memory_space<hbm>>
      %dma_wait3A_15 = arith.constant 0 : i32
      %dma_wait3A_16 = tpu.memref_slice %arg4[%add3A_4, %dma_wait3A_15] : memref<16384x144xf32, #tpu.memory_space<hbm>> -> memref<512x144xf32, #tpu.memory_space<hbm>>
      tpu.wait_dma2 semaphore(%run_scoped3A : memref<!tpu.dma_semaphore, #tpu.memory_space<semaphore_mem>>) src(%arg6 : memref<512x144xf32, #tpu.memory_space<vmem>>) dst(%dma_wait3A_16 : memref<512x144xf32, #tpu.memory_space<hbm>>)
      tpu.yield
    }) : () -> ()
    return
  }
}

#map = affine_map<(d0, d1) -> (0, 0)>
#map1 = affine_map<(d0, d1) -> (0)>
module attributes {stable_mosaic.version = 14 : i64} {
  func.func @k(%arg0: i32, %arg1: i32, %arg2: memref<8192x80xf32, #tpu.memory_space<hbm>>, %arg3: memref<65536xi32, #tpu.memory_space<hbm>>, %arg4: memref<65536x80xf32, #tpu.memory_space<hbm>>, %arg5: memref<1024xi32, #tpu.memory_space<vmem>>, %arg6: memref<1024x80xf32, #tpu.memory_space<vmem>>, %arg7: memref<!tpu.dma_semaphore, #tpu.memory_space<semaphore_mem>>) attributes {dimension_semantics = [#tpu.dimension_semantics<core_parallel>, #tpu.dimension_semantics<subcore_parallel>], iteration_bounds = array<i64: 2, 16>, scalar_prefetch = 0 : i64, scratch_operands = 3 : i64, tpu.core_type = #tpu.core_type<sc_vector_subcore>, window_params = [{transform_indices = #map}, {transform_indices = #map1}, {transform_indices = #map}]} {
    %mul3A = arith.constant 2 : i32
    %mul3A_0 = arith.muli %arg1, %mul3A : i32
    %add3A = arith.addi %mul3A_0, %arg0 : i32
    %mul3A_1 = arith.constant 2048 : i32
    %mul3A_2 = arith.muli %add3A, %mul3A_1 : i32
    %add3A_3 = arith.constant 0 : i32
    %add3A_4 = arith.addi %mul3A_2, %add3A_3 : i32
    "tpu.region"() ({
      %run_scoped3A = tpu.sem_alloc : memref<!tpu.dma_semaphore, #tpu.memory_space<semaphore_mem>>
      %dma_start3A_17 = tpu.memref_slice %arg3[%add3A_4] : memref<65536xi32, #tpu.memory_space<hbm>> -> memref<1024xi32, #tpu.memory_space<hbm>>
      %dma_start3A_18 = tpu.memref_slice %arg3[%add3A_4] : memref<65536xi32, #tpu.memory_space<hbm>> -> memref<1024xi32, #tpu.memory_space<hbm>>
      tpu.enqueue_dma source(%dma_start3A_18 : memref<1024xi32, #tpu.memory_space<hbm>>) target(%arg5 : memref<1024xi32, #tpu.memory_space<vmem>>) target_semaphore(%run_scoped3A : memref<!tpu.dma_semaphore, #tpu.memory_space<semaphore_mem>>)
      %dma_wait3A_19 = tpu.memref_slice %arg3[%add3A_4] : memref<65536xi32, #tpu.memory_space<hbm>> -> memref<1024xi32, #tpu.memory_space<hbm>>
      %dma_wait3A_20 = tpu.memref_slice %arg3[%add3A_4] : memref<65536xi32, #tpu.memory_space<hbm>> -> memref<1024xi32, #tpu.memory_space<hbm>>
      tpu.wait_dma2 semaphore(%run_scoped3A : memref<!tpu.dma_semaphore, #tpu.memory_space<semaphore_mem>>) src(%dma_wait3A_20 : memref<1024xi32, #tpu.memory_space<hbm>>) dst(%arg5 : memref<1024xi32, #tpu.memory_space<vmem>>)
      tpu.yield
    }) : () -> ()
    %dma_start3A = arith.constant 0 : i32
    %dma_start3A_5 = arith.constant 0 : i32
    %dma_start3A_6 = tpu.memref_slice %arg2[%dma_start3A, %dma_start3A_5] : memref<8192x80xf32, #tpu.memory_space<hbm>> -> memref<8192x80xf32, #tpu.memory_space<hbm>>
    tpu.enqueue_indirect_dma source(%dma_start3A_6 : memref<8192x80xf32, #tpu.memory_space<hbm>>) target(%arg6 : memref<1024x80xf32, #tpu.memory_space<vmem>>) offsets(%arg5 : memref<1024xi32, #tpu.memory_space<vmem>>) semaphore(%arg7 : memref<!tpu.dma_semaphore, #tpu.memory_space<semaphore_mem>>)
    %dma_wait3A = arith.constant 0 : i32
    %dma_wait3A_7 = arith.constant 0 : i32
    %dma_wait3A_8 = tpu.memref_slice %arg2[%dma_wait3A, %dma_wait3A_7] : memref<8192x80xf32, #tpu.memory_space<hbm>> -> memref<8192x80xf32, #tpu.memory_space<hbm>>
    tpu.wait_indirect_dma semaphore(%arg7 : memref<!tpu.dma_semaphore, #tpu.memory_space<semaphore_mem>>) src(%dma_wait3A_8 : memref<8192x80xf32, #tpu.memory_space<hbm>>) dst(%arg6 : memref<1024x80xf32, #tpu.memory_space<vmem>>)
    "tpu.region"() ({
      %run_scoped3A = tpu.sem_alloc : memref<!tpu.dma_semaphore, #tpu.memory_space<semaphore_mem>>
      %dma_start3A_17 = arith.constant 0 : i32
      %dma_start3A_18 = tpu.memref_slice %arg4[%add3A_4, %dma_start3A_17] : memref<65536x80xf32, #tpu.memory_space<hbm>> -> memref<1024x80xf32, #tpu.memory_space<hbm>>
      %dma_start3A_19 = arith.constant 0 : i32
      %dma_start3A_20 = tpu.memref_slice %arg4[%add3A_4, %dma_start3A_19] : memref<65536x80xf32, #tpu.memory_space<hbm>> -> memref<1024x80xf32, #tpu.memory_space<hbm>>
      tpu.enqueue_dma source(%arg6 : memref<1024x80xf32, #tpu.memory_space<vmem>>) target(%dma_start3A_20 : memref<1024x80xf32, #tpu.memory_space<hbm>>) target_semaphore(%run_scoped3A : memref<!tpu.dma_semaphore, #tpu.memory_space<semaphore_mem>>)
      %dma_wait3A_21 = arith.constant 0 : i32
      %dma_wait3A_22 = tpu.memref_slice %arg4[%add3A_4, %dma_wait3A_21] : memref<65536x80xf32, #tpu.memory_space<hbm>> -> memref<1024x80xf32, #tpu.memory_space<hbm>>
      %dma_wait3A_23 = arith.constant 0 : i32
      %dma_wait3A_24 = tpu.memref_slice %arg4[%add3A_4, %dma_wait3A_23] : memref<65536x80xf32, #tpu.memory_space<hbm>> -> memref<1024x80xf32, #tpu.memory_space<hbm>>
      tpu.wait_dma2 semaphore(%run_scoped3A : memref<!tpu.dma_semaphore, #tpu.memory_space<semaphore_mem>>) src(%arg6 : memref<1024x80xf32, #tpu.memory_space<vmem>>) dst(%dma_wait3A_24 : memref<1024x80xf32, #tpu.memory_space<hbm>>)
      tpu.yield
    }) : () -> ()
    %add3A_9 = arith.constant 1024 : i32
    %add3A_10 = arith.addi %mul3A_2, %add3A_9 : i32
    "tpu.region"() ({
      %run_scoped3A = tpu.sem_alloc : memref<!tpu.dma_semaphore, #tpu.memory_space<semaphore_mem>>
      %dma_start3A_17 = tpu.memref_slice %arg3[%add3A_10] : memref<65536xi32, #tpu.memory_space<hbm>> -> memref<1024xi32, #tpu.memory_space<hbm>>
      %dma_start3A_18 = tpu.memref_slice %arg3[%add3A_10] : memref<65536xi32, #tpu.memory_space<hbm>> -> memref<1024xi32, #tpu.memory_space<hbm>>
      tpu.enqueue_dma source(%dma_start3A_18 : memref<1024xi32, #tpu.memory_space<hbm>>) target(%arg5 : memref<1024xi32, #tpu.memory_space<vmem>>) target_semaphore(%run_scoped3A : memref<!tpu.dma_semaphore, #tpu.memory_space<semaphore_mem>>)
      %dma_wait3A_19 = tpu.memref_slice %arg3[%add3A_10] : memref<65536xi32, #tpu.memory_space<hbm>> -> memref<1024xi32, #tpu.memory_space<hbm>>
      %dma_wait3A_20 = tpu.memref_slice %arg3[%add3A_10] : memref<65536xi32, #tpu.memory_space<hbm>> -> memref<1024xi32, #tpu.memory_space<hbm>>
      tpu.wait_dma2 semaphore(%run_scoped3A : memref<!tpu.dma_semaphore, #tpu.memory_space<semaphore_mem>>) src(%dma_wait3A_20 : memref<1024xi32, #tpu.memory_space<hbm>>) dst(%arg5 : memref<1024xi32, #tpu.memory_space<vmem>>)
      tpu.yield
    }) : () -> ()
    %dma_start3A_11 = arith.constant 0 : i32
    %dma_start3A_12 = arith.constant 0 : i32
    %dma_start3A_13 = tpu.memref_slice %arg2[%dma_start3A_11, %dma_start3A_12] : memref<8192x80xf32, #tpu.memory_space<hbm>> -> memref<8192x80xf32, #tpu.memory_space<hbm>>
    tpu.enqueue_indirect_dma source(%dma_start3A_13 : memref<8192x80xf32, #tpu.memory_space<hbm>>) target(%arg6 : memref<1024x80xf32, #tpu.memory_space<vmem>>) offsets(%arg5 : memref<1024xi32, #tpu.memory_space<vmem>>) semaphore(%arg7 : memref<!tpu.dma_semaphore, #tpu.memory_space<semaphore_mem>>)
    %dma_wait3A_14 = arith.constant 0 : i32
    %dma_wait3A_15 = arith.constant 0 : i32
    %dma_wait3A_16 = tpu.memref_slice %arg2[%dma_wait3A_14, %dma_wait3A_15] : memref<8192x80xf32, #tpu.memory_space<hbm>> -> memref<8192x80xf32, #tpu.memory_space<hbm>>
    tpu.wait_indirect_dma semaphore(%arg7 : memref<!tpu.dma_semaphore, #tpu.memory_space<semaphore_mem>>) src(%dma_wait3A_16 : memref<8192x80xf32, #tpu.memory_space<hbm>>) dst(%arg6 : memref<1024x80xf32, #tpu.memory_space<vmem>>)
    "tpu.region"() ({
      %run_scoped3A = tpu.sem_alloc : memref<!tpu.dma_semaphore, #tpu.memory_space<semaphore_mem>>
      %dma_start3A_17 = arith.constant 0 : i32
      %dma_start3A_18 = tpu.memref_slice %arg4[%add3A_10, %dma_start3A_17] : memref<65536x80xf32, #tpu.memory_space<hbm>> -> memref<1024x80xf32, #tpu.memory_space<hbm>>
      %dma_start3A_19 = arith.constant 0 : i32
      %dma_start3A_20 = tpu.memref_slice %arg4[%add3A_10, %dma_start3A_19] : memref<65536x80xf32, #tpu.memory_space<hbm>> -> memref<1024x80xf32, #tpu.memory_space<hbm>>
      tpu.enqueue_dma source(%arg6 : memref<1024x80xf32, #tpu.memory_space<vmem>>) target(%dma_start3A_20 : memref<1024x80xf32, #tpu.memory_space<hbm>>) target_semaphore(%run_scoped3A : memref<!tpu.dma_semaphore, #tpu.memory_space<semaphore_mem>>)
      %dma_wait3A_21 = arith.constant 0 : i32
      %dma_wait3A_22 = tpu.memref_slice %arg4[%add3A_10, %dma_wait3A_21] : memref<65536x80xf32, #tpu.memory_space<hbm>> -> memref<1024x80xf32, #tpu.memory_space<hbm>>
      %dma_wait3A_23 = arith.constant 0 : i32
      %dma_wait3A_24 = tpu.memref_slice %arg4[%add3A_10, %dma_wait3A_23] : memref<65536x80xf32, #tpu.memory_space<hbm>> -> memref<1024x80xf32, #tpu.memory_space<hbm>>
      tpu.wait_dma2 semaphore(%run_scoped3A : memref<!tpu.dma_semaphore, #tpu.memory_space<semaphore_mem>>) src(%arg6 : memref<1024x80xf32, #tpu.memory_space<vmem>>) dst(%dma_wait3A_24 : memref<1024x80xf32, #tpu.memory_space<hbm>>)
      tpu.yield
    }) : () -> ()
    return
  }
}

module attributes {stable_mosaic.version = 14 : i64} {
  func.func @_fps_body(%arg0: i32, %arg1: memref<8x4096xf32, #tpu.memory_space<vmem>>, %arg2: memref<8x4096xf32, #tpu.memory_space<vmem>>, %arg3: memref<8x4096xf32, #tpu.memory_space<vmem>>, %arg4: memref<1024x8x3xf32, #tpu.memory_space<vmem>>, %arg5: memref<8x4096xf32, #tpu.memory_space<vmem>>) attributes {dimension_semantics = [#tpu.dimension_semantics<arbitrary>], iteration_bounds = array<i64: 1>, scalar_prefetch = 0 : i64, scratch_operands = 1 : i64, tpu.core_type = #tpu.core_type<tc>, window_params = [{pipeline_mode = #tpu.pipeline_mode<synchronous>, transform_indices = @transform_0, window_bounds = array<i64: 8, 4096>}, {pipeline_mode = #tpu.pipeline_mode<synchronous>, transform_indices = @transform_1, window_bounds = array<i64: 8, 4096>}, {pipeline_mode = #tpu.pipeline_mode<synchronous>, transform_indices = @transform_2, window_bounds = array<i64: 8, 4096>}, {pipeline_mode = #tpu.pipeline_mode<synchronous>, transform_indices = @transform_3, window_bounds = array<i64: 1024, 8, 3>}]} {
    %get3A = arith.constant 0 : index
    %get3A_0 = arith.constant 0 : index
    %get3A_1 = vector.load %arg1[%get3A, %get3A_0] : memref<8x4096xf32, #tpu.memory_space<vmem>>, vector<8x4096xf32>
    %get3A_2 = arith.constant 0 : index
    %get3A_3 = arith.constant 0 : index
    %get3A_4 = vector.load %arg2[%get3A_2, %get3A_3] : memref<8x4096xf32, #tpu.memory_space<vmem>>, vector<8x4096xf32>
    %get3A_5 = arith.constant 0 : index
    %get3A_6 = arith.constant 0 : index
    %get3A_7 = vector.load %arg3[%get3A_5, %get3A_6] : memref<8x4096xf32, #tpu.memory_space<vmem>>, vector<8x4096xf32>
    %iota3A = tpu.iota {dimensions = array<i32: 1>} : vector<8x4096xi32>
    %broadcast_in_dim3A = arith.constant 1.000000e+10 : f32
    %broadcast_in_dim3A_8 = vector.broadcast %broadcast_in_dim3A : f32 to vector<8x4096xf32>
    %swap3A = arith.constant 0 : index
    %swap3A_9 = arith.constant 0 : index
    %swap3A_10 = vector.load %arg5[%swap3A, %swap3A_9] : memref<8x4096xf32, #tpu.memory_space<vmem>>, vector<8x4096xf32>
    tpu.vector_store %arg5[%swap3A, %swap3A_9], %broadcast_in_dim3A_8 {strides = array<i32>} : memref<8x4096xf32, #tpu.memory_space<vmem>>, vector<8x4096xf32>,
    %broadcast_in_dim3A_11 = arith.constant 0 : i32
    %broadcast_in_dim3A_12 = vector.broadcast %broadcast_in_dim3A_11 : i32 to vector<8x1xi32>
    %scan3A = arith.constant 0 : i32
    %scan3A_13 = arith.constant 1024 : i32
    %scan3A_14 = arith.addi %scan3A, %scan3A_13 : i32
    %scan3A_15 = arith.constant 1 : i32
    %scan3A_16 = scf.for %scan3A_18 = %scan3A to %scan3A_14 step %scan3A_15 iter_args(%scan3A_19 = %broadcast_in_dim3A_12) -> (vector<8x1xi32>)  : i32 {
      %eq3A = vector.broadcast %scan3A_19 : vector<8x1xi32> to vector<8x4096xi32>
      %eq3A_20 = arith.cmpi eq, %iota3A, %eq3A : vector<8x4096xi32>
      %jit3A = arith.constant 0.000000e+00 : f32
      %broadcast_in_dim3A_21 = vector.broadcast %jit3A : f32 to vector<8x4096xf32>
      %select_n3A = arith.select %eq3A_20, %get3A_1, %broadcast_in_dim3A_21 : vector<8x4096xi1>, vector<8x4096xf32>
      %reduce_sum3A = arith.constant dense<0.000000e+00> : vector<8xf32>
      %reduce_sum3A_22 = vector.multi_reduction <add>, %select_n3A, %reduce_sum3A [1] : vector<8x4096xf32> to vector<8xf32>
      %broadcast_in_dim3A_23 = vector.shape_cast %reduce_sum3A_22 : vector<8xf32> to vector<8x1xf32>
      %jit3A_24 = arith.constant 0.000000e+00 : f32
      %broadcast_in_dim3A_25 = vector.broadcast %jit3A_24 : f32 to vector<8x4096xf32>
      %select_n3A_26 = arith.select %eq3A_20, %get3A_4, %broadcast_in_dim3A_25 : vector<8x4096xi1>, vector<8x4096xf32>
      %reduce_sum3A_27 = arith.constant dense<0.000000e+00> : vector<8xf32>
      %reduce_sum3A_28 = vector.multi_reduction <add>, %select_n3A_26, %reduce_sum3A_27 [1] : vector<8x4096xf32> to vector<8xf32>
      %broadcast_in_dim3A_29 = vector.shape_cast %reduce_sum3A_28 : vector<8xf32> to vector<8x1xf32>
      %jit3A_30 = arith.constant 0.000000e+00 : f32
      %broadcast_in_dim3A_31 = vector.broadcast %jit3A_30 : f32 to vector<8x4096xf32>
      %select_n3A_32 = arith.select %eq3A_20, %get3A_7, %broadcast_in_dim3A_31 : vector<8x4096xi1>, vector<8x4096xf32>
      %reduce_sum3A_33 = arith.constant dense<0.000000e+00> : vector<8xf32>
      %reduce_sum3A_34 = vector.multi_reduction <add>, %select_n3A_32, %reduce_sum3A_33 [1] : vector<8x4096xf32> to vector<8xf32>
      %broadcast_in_dim3A_35 = vector.shape_cast %reduce_sum3A_34 : vector<8xf32> to vector<8x1xf32>
      %concatenate3A = tpu.concatenate %broadcast_in_dim3A_23, %broadcast_in_dim3A_29, %broadcast_in_dim3A_35 in 1 : vector<8x1xf32>, vector<8x1xf32>, vector<8x1xf32> -> vector<8x3xf32>
      %swap3A_36 = arith.index_cast %scan3A_18 : i32 to index
      %swap3A_37 = arith.constant 0 : index
      %swap3A_38 = arith.constant 0 : index
      %swap3A_39 = vector.load %arg4[%swap3A_36, %swap3A_37, %swap3A_38] : memref<1024x8x3xf32, #tpu.memory_space<vmem>>, vector<1x8x3xf32>
      %swap3A_40 = vector.shape_cast %swap3A_39 : vector<1x8x3xf32> to vector<8x3xf32>
      %swap3A_41 = vector.shape_cast %concatenate3A : vector<8x3xf32> to vector<1x8x3xf32>
      tpu.vector_store %arg4[%swap3A_36, %swap3A_37, %swap3A_38], %swap3A_41 {strides = array<i32>} : memref<1024x8x3xf32, #tpu.memory_space<vmem>>, vector<1x8x3xf32>,
      %sub3A = vector.broadcast %broadcast_in_dim3A_23 : vector<8x1xf32> to vector<8x4096xf32>
      %sub3A_42 = arith.subf %get3A_1, %sub3A : vector<8x4096xf32>
      %sub3A_43 = vector.broadcast %broadcast_in_dim3A_29 : vector<8x1xf32> to vector<8x4096xf32>
      %sub3A_44 = arith.subf %get3A_4, %sub3A_43 : vector<8x4096xf32>
      %sub3A_45 = vector.broadcast %broadcast_in_dim3A_35 : vector<8x1xf32> to vector<8x4096xf32>
      %sub3A_46 = arith.subf %get3A_7, %sub3A_45 : vector<8x4096xf32>
      %mul3A = arith.mulf %sub3A_42, %sub3A_42 : vector<8x4096xf32>
      %mul3A_47 = arith.mulf %sub3A_44, %sub3A_44 : vector<8x4096xf32>
      %add3A = arith.addf %mul3A, %mul3A_47 : vector<8x4096xf32>
      %mul3A_48 = arith.mulf %sub3A_46, %sub3A_46 : vector<8x4096xf32>
      %add3A_49 = arith.addf %add3A, %mul3A_48 : vector<8x4096xf32>
      %get3A_50 = arith.constant 0 : index
      %get3A_51 = arith.constant 0 : index
      %get3A_52 = vector.load %arg5[%get3A_50, %get3A_51] : memref<8x4096xf32, #tpu.memory_space<vmem>>, vector<8x4096xf32>
      %min3A = arith.minimumf %get3A_52, %add3A_49 : vector<8x4096xf32>
      %swap3A_53 = arith.constant 0 : index
      %swap3A_54 = arith.constant 0 : index
      %swap3A_55 = vector.load %arg5[%swap3A_53, %swap3A_54] : memref<8x4096xf32, #tpu.memory_space<vmem>>, vector<8x4096xf32>
      tpu.vector_store %arg5[%swap3A_53, %swap3A_54], %min3A {strides = array<i32>} : memref<8x4096xf32, #tpu.memory_space<vmem>>, vector<8x4096xf32>,
      %reduce_max3A = arith.constant dense<0xFF800000> : vector<8xf32>
      %reduce_max3A_56 = vector.multi_reduction <maximumf>, %min3A, %reduce_max3A [1] : vector<8x4096xf32> to vector<8xf32>
      %broadcast_in_dim3A_57 = vector.shape_cast %reduce_max3A_56 : vector<8xf32> to vector<8x1xf32>
      %eq3A_58 = vector.broadcast %broadcast_in_dim3A_57 : vector<8x1xf32> to vector<8x4096xf32>
      %eq3A_59 = arith.cmpf oeq, %min3A, %eq3A_58 : vector<8x4096xf32>
      %jit3A_60 = arith.constant 4096 : i32
      %broadcast_in_dim3A_61 = vector.broadcast %jit3A_60 : i32 to vector<8x4096xi32>
      %select_n3A_62 = arith.select %eq3A_59, %iota3A, %broadcast_in_dim3A_61 : vector<8x4096xi1>, vector<8x4096xi32>
      %reduce_min3A = arith.constant dense<2147483647> : vector<8xi32>
      %reduce_min3A_63 = vector.multi_reduction <minsi>, %select_n3A_62, %reduce_min3A [1] : vector<8x4096xi32> to vector<8xi32>
      %broadcast_in_dim3A_64 = vector.shape_cast %reduce_min3A_63 : vector<8xi32> to vector<8x1xi32>
      scf.yield %broadcast_in_dim3A_64 : vector<8x1xi32>
    }
    %scan3A_17 = arith.constant 1024 : i32
    return
  }
  func.func @transform_0(%arg0: i32) -> (i32, i32) {
    %c0_i32 = arith.constant 0 : i32
    %c0_i32_0 = arith.constant 0 : i32
    %c0_i32_1 = arith.constant 0 : i32
    return %c0_i32, %c0_i32_0 : i32, i32
  }
  func.func @transform_1(%arg0: i32) -> (i32, i32) {
    %c0_i32 = arith.constant 0 : i32
    %c0_i32_0 = arith.constant 0 : i32
    %c0_i32_1 = arith.constant 0 : i32
    return %c0_i32, %c0_i32_0 : i32, i32
  }
  func.func @transform_2(%arg0: i32) -> (i32, i32) {
    %c0_i32 = arith.constant 0 : i32
    %c0_i32_0 = arith.constant 0 : i32
    %c0_i32_1 = arith.constant 0 : i32
    return %c0_i32, %c0_i32_0 : i32, i32
  }
  func.func @transform_3(%arg0: i32) -> (i32, i32, i32) {
    %c0_i32 = arith.constant 0 : i32
    %c0_i32_0 = arith.constant 0 : i32
    %c0_i32_1 = arith.constant 0 : i32
    %c0_i32_2 = arith.constant 0 : i32
    return %c0_i32, %c0_i32_0, %c0_i32_1 : i32, i32, i32
  }
}

module attributes {stable_mosaic.version = 14 : i64} {
  func.func @_bq_body(%arg0: i32, %arg1: i32, %arg2: memref<1x256x3xf32, #tpu.memory_space<vmem>>, %arg3: memref<1x3x4096xf32, #tpu.memory_space<vmem>>, %arg4: memref<1x256x32xi32, #tpu.memory_space<vmem>>) attributes {dimension_semantics = [#tpu.dimension_semantics<arbitrary>, #tpu.dimension_semantics<arbitrary>], iteration_bounds = array<i64: 8, 4>, scalar_prefetch = 0 : i64, scratch_operands = 0 : i64, tpu.core_type = #tpu.core_type<tc>, window_params = [{transform_indices = @transform_0, window_bounds = array<i64: 1, 256, 3>}, {transform_indices = @transform_1, window_bounds = array<i64: 1, 3, 4096>}, {transform_indices = @transform_2, window_bounds = array<i64: 1, 256, 32>}]} {
    %get3A = arith.constant 0 : index
    %get3A_0 = arith.constant 0 : index
    %get3A_1 = arith.constant 0 : index
    %get3A_2 = vector.load %arg2[%get3A, %get3A_0, %get3A_1] : memref<1x256x3xf32, #tpu.memory_space<vmem>>, vector<1x256x3xf32>
    %get3A_3 = vector.shape_cast %get3A_2 : vector<1x256x3xf32> to vector<256x3xf32>
    %get3A_4 = arith.constant 0 : index
    %get3A_5 = arith.constant 0 : index
    %get3A_6 = arith.constant 0 : index
    %get3A_7 = vector.load %arg3[%get3A_4, %get3A_5, %get3A_6] : memref<1x3x4096xf32, #tpu.memory_space<vmem>>, vector<1x3x4096xf32>
    %get3A_8 = vector.shape_cast %get3A_7 : vector<1x3x4096xf32> to vector<3x4096xf32>
    %mul3A = arith.mulf %get3A_3, %get3A_3 : vector<256x3xf32>
    %reduce_sum3A = arith.constant dense<0.000000e+00> : vector<256xf32>
    %reduce_sum3A_9 = vector.multi_reduction <add>, %mul3A, %reduce_sum3A [1] : vector<256x3xf32> to vector<256xf32>
    %broadcast_in_dim3A = vector.shape_cast %reduce_sum3A_9 : vector<256xf32> to vector<256x1xf32>
    %mul3A_10 = arith.mulf %get3A_8, %get3A_8 : vector<3x4096xf32>
    %reduce_sum3A_11 = arith.constant dense<0.000000e+00> : vector<4096xf32>
    %reduce_sum3A_12 = vector.multi_reduction <add>, %mul3A_10, %reduce_sum3A_11 [0] : vector<3x4096xf32> to vector<4096xf32>
    %broadcast_in_dim3A_13 = vector.shape_cast %reduce_sum3A_12 : vector<4096xf32> to vector<1x4096xf32>
    %dot_general3A = arith.constant dense<0.000000e+00> : vector<256x4096xf32>
    %dot_general3A_14 = tpu.matmul %get3A_3, %get3A_8, %dot_general3A {dimension_numbers = #tpu.dot_dimension_numbers<[1], [0], [0], [1], [0, 0, 1, 1], [], []>, transpose_lhs_hint = false} : vector<256x3xf32>, vector<3x4096xf32>, vector<256x4096xf32> -> vector<256x4096xf32>
    %add3A = vector.broadcast %broadcast_in_dim3A : vector<256x1xf32> to vector<256x4096xf32>
    %add3A_15 = vector.broadcast %broadcast_in_dim3A_13 : vector<1x4096xf32> to vector<256x4096xf32>
    %add3A_16 = arith.addf %add3A, %add3A_15 : vector<256x4096xf32>
    %mul3A_17 = arith.constant 2.000000e+00 : f32
    %mul3A_18 = vector.broadcast %mul3A_17 : f32 to vector<256x4096xf32>
    %mul3A_19 = arith.mulf %mul3A_18, %dot_general3A_14 : vector<256x4096xf32>
    %sub3A = arith.subf %add3A_16, %mul3A_19 : vector<256x4096xf32>
    %iota3A = tpu.iota {dimensions = array<i32: 1>} : vector<256x4096xi32>
    %gt3A = arith.constant 0.00999999977 : f32
    %gt3A_20 = vector.broadcast %gt3A : f32 to vector<256x4096xf32>
    %gt3A_21 = arith.cmpf ogt, %sub3A, %gt3A_20 : vector<256x4096xf32>
    %jit3A = arith.constant 4096 : i32
    %broadcast_in_dim3A_22 = vector.broadcast %jit3A : i32 to vector<256x4096xi32>
    %select_n3A = arith.select %gt3A_21, %broadcast_in_dim3A_22, %iota3A : vector<256x4096xi1>, vector<256x4096xi32>
    %reduce_min3A = arith.constant dense<2147483647> : vector<256xi32>
    %reduce_min3A_23 = vector.multi_reduction <minsi>, %select_n3A, %reduce_min3A [1] : vector<256x4096xi32> to vector<256xi32>
    %broadcast_in_dim3A_24 = vector.shape_cast %reduce_min3A_23 : vector<256xi32> to vector<256x1xi32>
    %eq3A = vector.broadcast %broadcast_in_dim3A_24 : vector<256x1xi32> to vector<256x4096xi32>
    %eq3A_25 = arith.cmpi eq, %select_n3A, %eq3A : vector<256x4096xi32>
    %jit3A_26 = arith.constant 4096 : i32
    %broadcast_in_dim3A_27 = vector.broadcast %jit3A_26 : i32 to vector<256x4096xi32>
    %select_n3A_28 = arith.select %eq3A_25, %broadcast_in_dim3A_27, %select_n3A : vector<256x4096xi1>, vector<256x4096xi32>
    %reduce_min3A_29 = arith.constant dense<2147483647> : vector<256xi32>
    %reduce_min3A_30 = vector.multi_reduction <minsi>, %select_n3A_28, %reduce_min3A_29 [1] : vector<256x4096xi32> to vector<256xi32>
    %broadcast_in_dim3A_31 = vector.shape_cast %reduce_min3A_30 : vector<256xi32> to vector<256x1xi32>
    %eq3A_32 = vector.broadcast %broadcast_in_dim3A_31 : vector<256x1xi32> to vector<256x4096xi32>
    %eq3A_33 = arith.cmpi eq, %select_n3A_28, %eq3A_32 : vector<256x4096xi32>
    %jit3A_34 = arith.constant 4096 : i32
    %broadcast_in_dim3A_35 = vector.broadcast %jit3A_34 : i32 to vector<256x4096xi32>
    %select_n3A_36 = arith.select %eq3A_33, %broadcast_in_dim3A_35, %select_n3A_28 : vector<256x4096xi1>, vector<256x4096xi32>
    %reduce_min3A_37 = arith.constant dense<2147483647> : vector<256xi32>
    %reduce_min3A_38 = vector.multi_reduction <minsi>, %select_n3A_36, %reduce_min3A_37 [1] : vector<256x4096xi32> to vector<256xi32>
    %broadcast_in_dim3A_39 = vector.shape_cast %reduce_min3A_38 : vector<256xi32> to vector<256x1xi32>
    %eq3A_40 = vector.broadcast %broadcast_in_dim3A_39 : vector<256x1xi32> to vector<256x4096xi32>
    %eq3A_41 = arith.cmpi eq, %select_n3A_36, %eq3A_40 : vector<256x4096xi32>
    %jit3A_42 = arith.constant 4096 : i32
    %broadcast_in_dim3A_43 = vector.broadcast %jit3A_42 : i32 to vector<256x4096xi32>
    %select_n3A_44 = arith.select %eq3A_41, %broadcast_in_dim3A_43, %select_n3A_36 : vector<256x4096xi1>, vector<256x4096xi32>
    %reduce_min3A_45 = arith.constant dense<2147483647> : vector<256xi32>
    %reduce_min3A_46 = vector.multi_reduction <minsi>, %select_n3A_44, %reduce_min3A_45 [1] : vector<256x4096xi32> to vector<256xi32>
    %broadcast_in_dim3A_47 = vector.shape_cast %reduce_min3A_46 : vector<256xi32> to vector<256x1xi32>
    %eq3A_48 = vector.broadcast %broadcast_in_dim3A_47 : vector<256x1xi32> to vector<256x4096xi32>
    %eq3A_49 = arith.cmpi eq, %select_n3A_44, %eq3A_48 : vector<256x4096xi32>
    %jit3A_50 = arith.constant 4096 : i32
    %broadcast_in_dim3A_51 = vector.broadcast %jit3A_50 : i32 to vector<256x4096xi32>
    %select_n3A_52 = arith.select %eq3A_49, %broadcast_in_dim3A_51, %select_n3A_44 : vector<256x4096xi1>, vector<256x4096xi32>
    %reduce_min3A_53 = arith.constant dense<2147483647> : vector<256xi32>
    %reduce_min3A_54 = vector.multi_reduction <minsi>, %select_n3A_52, %reduce_min3A_53 [1] : vector<256x4096xi32> to vector<256xi32>
    %broadcast_in_dim3A_55 = vector.shape_cast %reduce_min3A_54 : vector<256xi32> to vector<256x1xi32>
    %eq3A_56 = vector.broadcast %broadcast_in_dim3A_55 : vector<256x1xi32> to vector<256x4096xi32>
    %eq3A_57 = arith.cmpi eq, %select_n3A_52, %eq3A_56 : vector<256x4096xi32>
    %jit3A_58 = arith.constant 4096 : i32
    %broadcast_in_dim3A_59 = vector.broadcast %jit3A_58 : i32 to vector<256x4096xi32>
    %select_n3A_60 = arith.select %eq3A_57, %broadcast_in_dim3A_59, %select_n3A_52 : vector<256x4096xi1>, vector<256x4096xi32>
    %reduce_min3A_61 = arith.constant dense<2147483647> : vector<256xi32>
    %reduce_min3A_62 = vector.multi_reduction <minsi>, %select_n3A_60, %reduce_min3A_61 [1] : vector<256x4096xi32> to vector<256xi32>
    %broadcast_in_dim3A_63 = vector.shape_cast %reduce_min3A_62 : vector<256xi32> to vector<256x1xi32>
    %eq3A_64 = vector.broadcast %broadcast_in_dim3A_63 : vector<256x1xi32> to vector<256x4096xi32>
    %eq3A_65 = arith.cmpi eq, %select_n3A_60, %eq3A_64 : vector<256x4096xi32>
    %jit3A_66 = arith.constant 4096 : i32
    %broadcast_in_dim3A_67 = vector.broadcast %jit3A_66 : i32 to vector<256x4096xi32>
    %select_n3A_68 = arith.select %eq3A_65, %broadcast_in_dim3A_67, %select_n3A_60 : vector<256x4096xi1>, vector<256x4096xi32>
    %reduce_min3A_69 = arith.constant dense<2147483647> : vector<256xi32>
    %reduce_min3A_70 = vector.multi_reduction <minsi>, %select_n3A_68, %reduce_min3A_69 [1] : vector<256x4096xi32> to vector<256xi32>
    %broadcast_in_dim3A_71 = vector.shape_cast %reduce_min3A_70 : vector<256xi32> to vector<256x1xi32>
    %eq3A_72 = vector.broadcast %broadcast_in_dim3A_71 : vector<256x1xi32> to vector<256x4096xi32>
    %eq3A_73 = arith.cmpi eq, %select_n3A_68, %eq3A_72 : vector<256x4096xi32>
    %jit3A_74 = arith.constant 4096 : i32
    %broadcast_in_dim3A_75 = vector.broadcast %jit3A_74 : i32 to vector<256x4096xi32>
    %select_n3A_76 = arith.select %eq3A_73, %broadcast_in_dim3A_75, %select_n3A_68 : vector<256x4096xi1>, vector<256x4096xi32>
    %reduce_min3A_77 = arith.constant dense<2147483647> : vector<256xi32>
    %reduce_min3A_78 = vector.multi_reduction <minsi>, %select_n3A_76, %reduce_min3A_77 [1] : vector<256x4096xi32> to vector<256xi32>
    %broadcast_in_dim3A_79 = vector.shape_cast %reduce_min3A_78 : vector<256xi32> to vector<256x1xi32>
    %eq3A_80 = vector.broadcast %broadcast_in_dim3A_79 : vector<256x1xi32> to vector<256x4096xi32>
    %eq3A_81 = arith.cmpi eq, %select_n3A_76, %eq3A_80 : vector<256x4096xi32>
    %jit3A_82 = arith.constant 4096 : i32
    %broadcast_in_dim3A_83 = vector.broadcast %jit3A_82 : i32 to vector<256x4096xi32>
    %select_n3A_84 = arith.select %eq3A_81, %broadcast_in_dim3A_83, %select_n3A_76 : vector<256x4096xi1>, vector<256x4096xi32>
    %reduce_min3A_85 = arith.constant dense<2147483647> : vector<256xi32>
    %reduce_min3A_86 = vector.multi_reduction <minsi>, %select_n3A_84, %reduce_min3A_85 [1] : vector<256x4096xi32> to vector<256xi32>
    %broadcast_in_dim3A_87 = vector.shape_cast %reduce_min3A_86 : vector<256xi32> to vector<256x1xi32>
    %eq3A_88 = vector.broadcast %broadcast_in_dim3A_87 : vector<256x1xi32> to vector<256x4096xi32>
    %eq3A_89 = arith.cmpi eq, %select_n3A_84, %eq3A_88 : vector<256x4096xi32>
    %jit3A_90 = arith.constant 4096 : i32
    %broadcast_in_dim3A_91 = vector.broadcast %jit3A_90 : i32 to vector<256x4096xi32>
    %select_n3A_92 = arith.select %eq3A_89, %broadcast_in_dim3A_91, %select_n3A_84 : vector<256x4096xi1>, vector<256x4096xi32>
    %reduce_min3A_93 = arith.constant dense<2147483647> : vector<256xi32>
    %reduce_min3A_94 = vector.multi_reduction <minsi>, %select_n3A_92, %reduce_min3A_93 [1] : vector<256x4096xi32> to vector<256xi32>
    %broadcast_in_dim3A_95 = vector.shape_cast %reduce_min3A_94 : vector<256xi32> to vector<256x1xi32>
    %eq3A_96 = vector.broadcast %broadcast_in_dim3A_95 : vector<256x1xi32> to vector<256x4096xi32>
    %eq3A_97 = arith.cmpi eq, %select_n3A_92, %eq3A_96 : vector<256x4096xi32>
    %jit3A_98 = arith.constant 4096 : i32
    %broadcast_in_dim3A_99 = vector.broadcast %jit3A_98 : i32 to vector<256x4096xi32>
    %select_n3A_100 = arith.select %eq3A_97, %broadcast_in_dim3A_99, %select_n3A_92 : vector<256x4096xi1>, vector<256x4096xi32>
    %reduce_min3A_101 = arith.constant dense<2147483647> : vector<256xi32>
    %reduce_min3A_102 = vector.multi_reduction <minsi>, %select_n3A_100, %reduce_min3A_101 [1] : vector<256x4096xi32> to vector<256xi32>
    %broadcast_in_dim3A_103 = vector.shape_cast %reduce_min3A_102 : vector<256xi32> to vector<256x1xi32>
    %eq3A_104 = vector.broadcast %broadcast_in_dim3A_103 : vector<256x1xi32> to vector<256x4096xi32>
    %eq3A_105 = arith.cmpi eq, %select_n3A_100, %eq3A_104 : vector<256x4096xi32>
    %jit3A_106 = arith.constant 4096 : i32
    %broadcast_in_dim3A_107 = vector.broadcast %jit3A_106 : i32 to vector<256x4096xi32>
    %select_n3A_108 = arith.select %eq3A_105, %broadcast_in_dim3A_107, %select_n3A_100 : vector<256x4096xi1>, vector<256x4096xi32>
    %reduce_min3A_109 = arith.constant dense<2147483647> : vector<256xi32>
    %reduce_min3A_110 = vector.multi_reduction <minsi>, %select_n3A_108, %reduce_min3A_109 [1] : vector<256x4096xi32> to vector<256xi32>
    %broadcast_in_dim3A_111 = vector.shape_cast %reduce_min3A_110 : vector<256xi32> to vector<256x1xi32>
    %eq3A_112 = vector.broadcast %broadcast_in_dim3A_111 : vector<256x1xi32> to vector<256x4096xi32>
    %eq3A_113 = arith.cmpi eq, %select_n3A_108, %eq3A_112 : vector<256x4096xi32>
    %jit3A_114 = arith.constant 4096 : i32
    %broadcast_in_dim3A_115 = vector.broadcast %jit3A_114 : i32 to vector<256x4096xi32>
    %select_n3A_116 = arith.select %eq3A_113, %broadcast_in_dim3A_115, %select_n3A_108 : vector<256x4096xi1>, vector<256x4096xi32>
    %reduce_min3A_117 = arith.constant dense<2147483647> : vector<256xi32>
    %reduce_min3A_118 = vector.multi_reduction <minsi>, %select_n3A_116, %reduce_min3A_117 [1] : vector<256x4096xi32> to vector<256xi32>
    %broadcast_in_dim3A_119 = vector.shape_cast %reduce_min3A_118 : vector<256xi32> to vector<256x1xi32>
    %eq3A_120 = vector.broadcast %broadcast_in_dim3A_119 : vector<256x1xi32> to vector<256x4096xi32>
    %eq3A_121 = arith.cmpi eq, %select_n3A_116, %eq3A_120 : vector<256x4096xi32>
    %jit3A_122 = arith.constant 4096 : i32
    %broadcast_in_dim3A_123 = vector.broadcast %jit3A_122 : i32 to vector<256x4096xi32>
    %select_n3A_124 = arith.select %eq3A_121, %broadcast_in_dim3A_123, %select_n3A_116 : vector<256x4096xi1>, vector<256x4096xi32>
    %reduce_min3A_125 = arith.constant dense<2147483647> : vector<256xi32>
    %reduce_min3A_126 = vector.multi_reduction <minsi>, %select_n3A_124, %reduce_min3A_125 [1] : vector<256x4096xi32> to vector<256xi32>
    %broadcast_in_dim3A_127 = vector.shape_cast %reduce_min3A_126 : vector<256xi32> to vector<256x1xi32>
    %eq3A_128 = vector.broadcast %broadcast_in_dim3A_127 : vector<256x1xi32> to vector<256x4096xi32>
    %eq3A_129 = arith.cmpi eq, %select_n3A_124, %eq3A_128 : vector<256x4096xi32>
    %jit3A_130 = arith.constant 4096 : i32
    %broadcast_in_dim3A_131 = vector.broadcast %jit3A_130 : i32 to vector<256x4096xi32>
    %select_n3A_132 = arith.select %eq3A_129, %broadcast_in_dim3A_131, %select_n3A_124 : vector<256x4096xi1>, vector<256x4096xi32>
    %reduce_min3A_133 = arith.constant dense<2147483647> : vector<256xi32>
    %reduce_min3A_134 = vector.multi_reduction <minsi>, %select_n3A_132, %reduce_min3A_133 [1] : vector<256x4096xi32> to vector<256xi32>
    %broadcast_in_dim3A_135 = vector.shape_cast %reduce_min3A_134 : vector<256xi32> to vector<256x1xi32>
    %eq3A_136 = vector.broadcast %broadcast_in_dim3A_135 : vector<256x1xi32> to vector<256x4096xi32>
    %eq3A_137 = arith.cmpi eq, %select_n3A_132, %eq3A_136 : vector<256x4096xi32>
    %jit3A_138 = arith.constant 4096 : i32
    %broadcast_in_dim3A_139 = vector.broadcast %jit3A_138 : i32 to vector<256x4096xi32>
    %select_n3A_140 = arith.select %eq3A_137, %broadcast_in_dim3A_139, %select_n3A_132 : vector<256x4096xi1>, vector<256x4096xi32>
    %reduce_min3A_141 = arith.constant dense<2147483647> : vector<256xi32>
    %reduce_min3A_142 = vector.multi_reduction <minsi>, %select_n3A_140, %reduce_min3A_141 [1] : vector<256x4096xi32> to vector<256xi32>
    %broadcast_in_dim3A_143 = vector.shape_cast %reduce_min3A_142 : vector<256xi32> to vector<256x1xi32>
    %eq3A_144 = vector.broadcast %broadcast_in_dim3A_143 : vector<256x1xi32> to vector<256x4096xi32>
    %eq3A_145 = arith.cmpi eq, %select_n3A_140, %eq3A_144 : vector<256x4096xi32>
    %jit3A_146 = arith.constant 4096 : i32
    %broadcast_in_dim3A_147 = vector.broadcast %jit3A_146 : i32 to vector<256x4096xi32>
    %select_n3A_148 = arith.select %eq3A_145, %broadcast_in_dim3A_147, %select_n3A_140 : vector<256x4096xi1>, vector<256x4096xi32>
    %reduce_min3A_149 = arith.constant dense<2147483647> : vector<256xi32>
    %reduce_min3A_150 = vector.multi_reduction <minsi>, %select_n3A_148, %reduce_min3A_149 [1] : vector<256x4096xi32> to vector<256xi32>
    %broadcast_in_dim3A_151 = vector.shape_cast %reduce_min3A_150 : vector<256xi32> to vector<256x1xi32>
    %eq3A_152 = vector.broadcast %broadcast_in_dim3A_151 : vector<256x1xi32> to vector<256x4096xi32>
    %eq3A_153 = arith.cmpi eq, %select_n3A_148, %eq3A_152 : vector<256x4096xi32>
    %jit3A_154 = arith.constant 4096 : i32
    %broadcast_in_dim3A_155 = vector.broadcast %jit3A_154 : i32 to vector<256x4096xi32>
    %select_n3A_156 = arith.select %eq3A_153, %broadcast_in_dim3A_155, %select_n3A_148 : vector<256x4096xi1>, vector<256x4096xi32>
    %reduce_min3A_157 = arith.constant dense<2147483647> : vector<256xi32>
    %reduce_min3A_158 = vector.multi_reduction <minsi>, %select_n3A_156, %reduce_min3A_157 [1] : vector<256x4096xi32> to vector<256xi32>
    %broadcast_in_dim3A_159 = vector.shape_cast %reduce_min3A_158 : vector<256xi32> to vector<256x1xi32>
    %eq3A_160 = vector.broadcast %broadcast_in_dim3A_159 : vector<256x1xi32> to vector<256x4096xi32>
    %eq3A_161 = arith.cmpi eq, %select_n3A_156, %eq3A_160 : vector<256x4096xi32>
    %jit3A_162 = arith.constant 4096 : i32
    %broadcast_in_dim3A_163 = vector.broadcast %jit3A_162 : i32 to vector<256x4096xi32>
    %select_n3A_164 = arith.select %eq3A_161, %broadcast_in_dim3A_163, %select_n3A_156 : vector<256x4096xi1>, vector<256x4096xi32>
    %reduce_min3A_165 = arith.constant dense<2147483647> : vector<256xi32>
    %reduce_min3A_166 = vector.multi_reduction <minsi>, %select_n3A_164, %reduce_min3A_165 [1] : vector<256x4096xi32> to vector<256xi32>
    %broadcast_in_dim3A_167 = vector.shape_cast %reduce_min3A_166 : vector<256xi32> to vector<256x1xi32>
    %eq3A_168 = vector.broadcast %broadcast_in_dim3A_167 : vector<256x1xi32> to vector<256x4096xi32>
    %eq3A_169 = arith.cmpi eq, %select_n3A_164, %eq3A_168 : vector<256x4096xi32>
    %jit3A_170 = arith.constant 4096 : i32
    %broadcast_in_dim3A_171 = vector.broadcast %jit3A_170 : i32 to vector<256x4096xi32>
    %select_n3A_172 = arith.select %eq3A_169, %broadcast_in_dim3A_171, %select_n3A_164 : vector<256x4096xi1>, vector<256x4096xi32>
    %reduce_min3A_173 = arith.constant dense<2147483647> : vector<256xi32>
    %reduce_min3A_174 = vector.multi_reduction <minsi>, %select_n3A_172, %reduce_min3A_173 [1] : vector<256x4096xi32> to vector<256xi32>
    %broadcast_in_dim3A_175 = vector.shape_cast %reduce_min3A_174 : vector<256xi32> to vector<256x1xi32>
    %eq3A_176 = vector.broadcast %broadcast_in_dim3A_175 : vector<256x1xi32> to vector<256x4096xi32>
    %eq3A_177 = arith.cmpi eq, %select_n3A_172, %eq3A_176 : vector<256x4096xi32>
    %jit3A_178 = arith.constant 4096 : i32
    %broadcast_in_dim3A_179 = vector.broadcast %jit3A_178 : i32 to vector<256x4096xi32>
    %select_n3A_180 = arith.select %eq3A_177, %broadcast_in_dim3A_179, %select_n3A_172 : vector<256x4096xi1>, vector<256x4096xi32>
    %reduce_min3A_181 = arith.constant dense<2147483647> : vector<256xi32>
    %reduce_min3A_182 = vector.multi_reduction <minsi>, %select_n3A_180, %reduce_min3A_181 [1] : vector<256x4096xi32> to vector<256xi32>
    %broadcast_in_dim3A_183 = vector.shape_cast %reduce_min3A_182 : vector<256xi32> to vector<256x1xi32>
    %eq3A_184 = vector.broadcast %broadcast_in_dim3A_183 : vector<256x1xi32> to vector<256x4096xi32>
    %eq3A_185 = arith.cmpi eq, %select_n3A_180, %eq3A_184 : vector<256x4096xi32>
    %jit3A_186 = arith.constant 4096 : i32
    %broadcast_in_dim3A_187 = vector.broadcast %jit3A_186 : i32 to vector<256x4096xi32>
    %select_n3A_188 = arith.select %eq3A_185, %broadcast_in_dim3A_187, %select_n3A_180 : vector<256x4096xi1>, vector<256x4096xi32>
    %reduce_min3A_189 = arith.constant dense<2147483647> : vector<256xi32>
    %reduce_min3A_190 = vector.multi_reduction <minsi>, %select_n3A_188, %reduce_min3A_189 [1] : vector<256x4096xi32> to vector<256xi32>
    %broadcast_in_dim3A_191 = vector.shape_cast %reduce_min3A_190 : vector<256xi32> to vector<256x1xi32>
    %eq3A_192 = vector.broadcast %broadcast_in_dim3A_191 : vector<256x1xi32> to vector<256x4096xi32>
    %eq3A_193 = arith.cmpi eq, %select_n3A_188, %eq3A_192 : vector<256x4096xi32>
    %jit3A_194 = arith.constant 4096 : i32
    %broadcast_in_dim3A_195 = vector.broadcast %jit3A_194 : i32 to vector<256x4096xi32>
    %select_n3A_196 = arith.select %eq3A_193, %broadcast_in_dim3A_195, %select_n3A_188 : vector<256x4096xi1>, vector<256x4096xi32>
    %reduce_min3A_197 = arith.constant dense<2147483647> : vector<256xi32>
    %reduce_min3A_198 = vector.multi_reduction <minsi>, %select_n3A_196, %reduce_min3A_197 [1] : vector<256x4096xi32> to vector<256xi32>
    %broadcast_in_dim3A_199 = vector.shape_cast %reduce_min3A_198 : vector<256xi32> to vector<256x1xi32>
    %eq3A_200 = vector.broadcast %broadcast_in_dim3A_199 : vector<256x1xi32> to vector<256x4096xi32>
    %eq3A_201 = arith.cmpi eq, %select_n3A_196, %eq3A_200 : vector<256x4096xi32>
    %jit3A_202 = arith.constant 4096 : i32
    %broadcast_in_dim3A_203 = vector.broadcast %jit3A_202 : i32 to vector<256x4096xi32>
    %select_n3A_204 = arith.select %eq3A_201, %broadcast_in_dim3A_203, %select_n3A_196 : vector<256x4096xi1>, vector<256x4096xi32>
    %reduce_min3A_205 = arith.constant dense<2147483647> : vector<256xi32>
    %reduce_min3A_206 = vector.multi_reduction <minsi>, %select_n3A_204, %reduce_min3A_205 [1] : vector<256x4096xi32> to vector<256xi32>
    %broadcast_in_dim3A_207 = vector.shape_cast %reduce_min3A_206 : vector<256xi32> to vector<256x1xi32>
    %eq3A_208 = vector.broadcast %broadcast_in_dim3A_207 : vector<256x1xi32> to vector<256x4096xi32>
    %eq3A_209 = arith.cmpi eq, %select_n3A_204, %eq3A_208 : vector<256x4096xi32>
    %jit3A_210 = arith.constant 4096 : i32
    %broadcast_in_dim3A_211 = vector.broadcast %jit3A_210 : i32 to vector<256x4096xi32>
    %select_n3A_212 = arith.select %eq3A_209, %broadcast_in_dim3A_211, %select_n3A_204 : vector<256x4096xi1>, vector<256x4096xi32>
    %reduce_min3A_213 = arith.constant dense<2147483647> : vector<256xi32>
    %reduce_min3A_214 = vector.multi_reduction <minsi>, %select_n3A_212, %reduce_min3A_213 [1] : vector<256x4096xi32> to vector<256xi32>
    %broadcast_in_dim3A_215 = vector.shape_cast %reduce_min3A_214 : vector<256xi32> to vector<256x1xi32>
    %eq3A_216 = vector.broadcast %broadcast_in_dim3A_215 : vector<256x1xi32> to vector<256x4096xi32>
    %eq3A_217 = arith.cmpi eq, %select_n3A_212, %eq3A_216 : vector<256x4096xi32>
    %jit3A_218 = arith.constant 4096 : i32
    %broadcast_in_dim3A_219 = vector.broadcast %jit3A_218 : i32 to vector<256x4096xi32>
    %select_n3A_220 = arith.select %eq3A_217, %broadcast_in_dim3A_219, %select_n3A_212 : vector<256x4096xi1>, vector<256x4096xi32>
    %reduce_min3A_221 = arith.constant dense<2147483647> : vector<256xi32>
    %reduce_min3A_222 = vector.multi_reduction <minsi>, %select_n3A_220, %reduce_min3A_221 [1] : vector<256x4096xi32> to vector<256xi32>
    %broadcast_in_dim3A_223 = vector.shape_cast %reduce_min3A_222 : vector<256xi32> to vector<256x1xi32>
    %eq3A_224 = vector.broadcast %broadcast_in_dim3A_223 : vector<256x1xi32> to vector<256x4096xi32>
    %eq3A_225 = arith.cmpi eq, %select_n3A_220, %eq3A_224 : vector<256x4096xi32>
    %jit3A_226 = arith.constant 4096 : i32
    %broadcast_in_dim3A_227 = vector.broadcast %jit3A_226 : i32 to vector<256x4096xi32>
    %select_n3A_228 = arith.select %eq3A_225, %broadcast_in_dim3A_227, %select_n3A_220 : vector<256x4096xi1>, vector<256x4096xi32>
    %reduce_min3A_229 = arith.constant dense<2147483647> : vector<256xi32>
    %reduce_min3A_230 = vector.multi_reduction <minsi>, %select_n3A_228, %reduce_min3A_229 [1] : vector<256x4096xi32> to vector<256xi32>
    %broadcast_in_dim3A_231 = vector.shape_cast %reduce_min3A_230 : vector<256xi32> to vector<256x1xi32>
    %eq3A_232 = vector.broadcast %broadcast_in_dim3A_231 : vector<256x1xi32> to vector<256x4096xi32>
    %eq3A_233 = arith.cmpi eq, %select_n3A_228, %eq3A_232 : vector<256x4096xi32>
    %jit3A_234 = arith.constant 4096 : i32
    %broadcast_in_dim3A_235 = vector.broadcast %jit3A_234 : i32 to vector<256x4096xi32>
    %select_n3A_236 = arith.select %eq3A_233, %broadcast_in_dim3A_235, %select_n3A_228 : vector<256x4096xi1>, vector<256x4096xi32>
    %reduce_min3A_237 = arith.constant dense<2147483647> : vector<256xi32>
    %reduce_min3A_238 = vector.multi_reduction <minsi>, %select_n3A_236, %reduce_min3A_237 [1] : vector<256x4096xi32> to vector<256xi32>
    %broadcast_in_dim3A_239 = vector.shape_cast %reduce_min3A_238 : vector<256xi32> to vector<256x1xi32>
    %eq3A_240 = vector.broadcast %broadcast_in_dim3A_239 : vector<256x1xi32> to vector<256x4096xi32>
    %eq3A_241 = arith.cmpi eq, %select_n3A_236, %eq3A_240 : vector<256x4096xi32>
    %jit3A_242 = arith.constant 4096 : i32
    %broadcast_in_dim3A_243 = vector.broadcast %jit3A_242 : i32 to vector<256x4096xi32>
    %select_n3A_244 = arith.select %eq3A_241, %broadcast_in_dim3A_243, %select_n3A_236 : vector<256x4096xi1>, vector<256x4096xi32>
    %reduce_min3A_245 = arith.constant dense<2147483647> : vector<256xi32>
    %reduce_min3A_246 = vector.multi_reduction <minsi>, %select_n3A_244, %reduce_min3A_245 [1] : vector<256x4096xi32> to vector<256xi32>
    %broadcast_in_dim3A_247 = vector.shape_cast %reduce_min3A_246 : vector<256xi32> to vector<256x1xi32>
    %eq3A_248 = vector.broadcast %broadcast_in_dim3A_247 : vector<256x1xi32> to vector<256x4096xi32>
    %eq3A_249 = arith.cmpi eq, %select_n3A_244, %eq3A_248 : vector<256x4096xi32>
    %jit3A_250 = arith.constant 4096 : i32
    %broadcast_in_dim3A_251 = vector.broadcast %jit3A_250 : i32 to vector<256x4096xi32>
    %select_n3A_252 = arith.select %eq3A_249, %broadcast_in_dim3A_251, %select_n3A_244 : vector<256x4096xi1>, vector<256x4096xi32>
    %reduce_min3A_253 = arith.constant dense<2147483647> : vector<256xi32>
    %reduce_min3A_254 = vector.multi_reduction <minsi>, %select_n3A_252, %reduce_min3A_253 [1] : vector<256x4096xi32> to vector<256xi32>
    %broadcast_in_dim3A_255 = vector.shape_cast %reduce_min3A_254 : vector<256xi32> to vector<256x1xi32>
    %eq3A_256 = vector.broadcast %broadcast_in_dim3A_255 : vector<256x1xi32> to vector<256x4096xi32>
    %eq3A_257 = arith.cmpi eq, %select_n3A_252, %eq3A_256 : vector<256x4096xi32>
    %jit3A_258 = arith.constant 4096 : i32
    %broadcast_in_dim3A_259 = vector.broadcast %jit3A_258 : i32 to vector<256x4096xi32>
    %select_n3A_260 = arith.select %eq3A_257, %broadcast_in_dim3A_259, %select_n3A_252 : vector<256x4096xi1>, vector<256x4096xi32>
    %reduce_min3A_261 = arith.constant dense<2147483647> : vector<256xi32>
    %reduce_min3A_262 = vector.multi_reduction <minsi>, %select_n3A_260, %reduce_min3A_261 [1] : vector<256x4096xi32> to vector<256xi32>
    %broadcast_in_dim3A_263 = vector.shape_cast %reduce_min3A_262 : vector<256xi32> to vector<256x1xi32>
    %eq3A_264 = vector.broadcast %broadcast_in_dim3A_263 : vector<256x1xi32> to vector<256x4096xi32>
    %eq3A_265 = arith.cmpi eq, %select_n3A_260, %eq3A_264 : vector<256x4096xi32>
    %jit3A_266 = arith.constant 4096 : i32
    %broadcast_in_dim3A_267 = vector.broadcast %jit3A_266 : i32 to vector<256x4096xi32>
    %select_n3A_268 = arith.select %eq3A_265, %broadcast_in_dim3A_267, %select_n3A_260 : vector<256x4096xi1>, vector<256x4096xi32>
    %reduce_min3A_269 = arith.constant dense<2147483647> : vector<256xi32>
    %reduce_min3A_270 = vector.multi_reduction <minsi>, %select_n3A_268, %reduce_min3A_269 [1] : vector<256x4096xi32> to vector<256xi32>
    %broadcast_in_dim3A_271 = vector.shape_cast %reduce_min3A_270 : vector<256xi32> to vector<256x1xi32>
    %concatenate3A = tpu.concatenate %broadcast_in_dim3A_24, %broadcast_in_dim3A_31, %broadcast_in_dim3A_39, %broadcast_in_dim3A_47, %broadcast_in_dim3A_55, %broadcast_in_dim3A_63, %broadcast_in_dim3A_71, %broadcast_in_dim3A_79, %broadcast_in_dim3A_87, %broadcast_in_dim3A_95, %broadcast_in_dim3A_103, %broadcast_in_dim3A_111, %broadcast_in_dim3A_119, %broadcast_in_dim3A_127, %broadcast_in_dim3A_135, %broadcast_in_dim3A_143, %broadcast_in_dim3A_151, %broadcast_in_dim3A_159, %broadcast_in_dim3A_167, %broadcast_in_dim3A_175, %broadcast_in_dim3A_183, %broadcast_in_dim3A_191, %broadcast_in_dim3A_199, %broadcast_in_dim3A_207, %broadcast_in_dim3A_215, %broadcast_in_dim3A_223, %broadcast_in_dim3A_231, %broadcast_in_dim3A_239, %broadcast_in_dim3A_247, %broadcast_in_dim3A_255, %broadcast_in_dim3A_263, %broadcast_in_dim3A_271 in 1 : vector<256x1xi32>, vector<256x1xi32>, vector<256x1xi32>, vector<256x1xi32>, vector<256x1xi32>, vector<256x1xi32>, vector<256x1xi32>, vector<256x1xi32>, vector<256x1xi32>, vector<256x1xi32>, vector<256x1xi32>, vector<256x1xi32>, vector<256x1xi32>, vector<256x1xi32>, vector<256x1xi32>, vector<256x1xi32>, vector<256x1xi32>, vector<256x1xi32>, vector<256x1xi32>, vector<256x1xi32>, vector<256x1xi32>, vector<256x1xi32>, vector<256x1xi32>, vector<256x1xi32>, vector<256x1xi32>, vector<256x1xi32>, vector<256x1xi32>, vector<256x1xi32>, vector<256x1xi32>, vector<256x1xi32>, vector<256x1xi32>, vector<256x1xi32> -> vector<256x32xi32>
    %eq3A_272 = arith.constant 4096 : i32
    %eq3A_273 = vector.broadcast %eq3A_272 : i32 to vector<256x32xi32>
    %eq3A_274 = arith.cmpi eq, %concatenate3A, %eq3A_273 : vector<256x32xi32>
    %broadcast_in_dim3A_275 = vector.shape_cast %broadcast_in_dim3A_24 : vector<256x1xi32> to vector<256x1xi32>
    %broadcast_in_dim3A_276 = vector.broadcast %broadcast_in_dim3A_275 : vector<256x1xi32> to vector<256x32xi32>
    %select_n3A_277 = arith.select %eq3A_274, %broadcast_in_dim3A_276, %concatenate3A : vector<256x32xi1>, vector<256x32xi32>
    %swap3A = arith.constant 0 : index
    %swap3A_278 = arith.constant 0 : index
    %swap3A_279 = arith.constant 0 : index
    %swap3A_280 = vector.load %arg4[%swap3A, %swap3A_278, %swap3A_279] : memref<1x256x32xi32, #tpu.memory_space<vmem>>, vector<1x256x32xi32>
    %swap3A_281 = vector.shape_cast %swap3A_280 : vector<1x256x32xi32> to vector<256x32xi32>
    %swap3A_282 = vector.shape_cast %select_n3A_277 : vector<256x32xi32> to vector<1x256x32xi32>
    tpu.vector_store %arg4[%swap3A, %swap3A_278, %swap3A_279], %swap3A_282 {strides = array<i32>} : memref<1x256x32xi32, #tpu.memory_space<vmem>>, vector<1x256x32xi32>,
    return
  }
  func.func @transform_0(%arg0: i32, %arg1: i32) -> (i32, i32, i32) {
    %c0_i32 = arith.constant 0 : i32
    %c0_i32_0 = arith.constant 0 : i32
    return %arg0, %arg1, %c0_i32 : i32, i32, i32
  }
  func.func @transform_1(%arg0: i32, %arg1: i32) -> (i32, i32, i32) {
    %c0_i32 = arith.constant 0 : i32
    %c0_i32_0 = arith.constant 0 : i32
    %c0_i32_1 = arith.constant 0 : i32
    return %arg0, %c0_i32, %c0_i32_0 : i32, i32, i32
  }
  func.func @transform_2(%arg0: i32, %arg1: i32) -> (i32, i32, i32) {
    %c0_i32 = arith.constant 0 : i32
    %c0_i32_0 = arith.constant 0 : i32
    return %arg0, %arg1, %c0_i32 : i32, i32, i32
  }
}

module attributes {stable_mosaic.version = 14 : i64} {
  func.func @_fps_body(%arg0: i32, %arg1: memref<8x1024xf32, #tpu.memory_space<vmem>>, %arg2: memref<8x1024xf32, #tpu.memory_space<vmem>>, %arg3: memref<8x1024xf32, #tpu.memory_space<vmem>>, %arg4: memref<256x8x3xf32, #tpu.memory_space<vmem>>, %arg5: memref<8x1024xf32, #tpu.memory_space<vmem>>) attributes {dimension_semantics = [#tpu.dimension_semantics<arbitrary>], iteration_bounds = array<i64: 1>, scalar_prefetch = 0 : i64, scratch_operands = 1 : i64, tpu.core_type = #tpu.core_type<tc>, window_params = [{pipeline_mode = #tpu.pipeline_mode<synchronous>, transform_indices = @transform_0, window_bounds = array<i64: 8, 1024>}, {pipeline_mode = #tpu.pipeline_mode<synchronous>, transform_indices = @transform_1, window_bounds = array<i64: 8, 1024>}, {pipeline_mode = #tpu.pipeline_mode<synchronous>, transform_indices = @transform_2, window_bounds = array<i64: 8, 1024>}, {pipeline_mode = #tpu.pipeline_mode<synchronous>, transform_indices = @transform_3, window_bounds = array<i64: 256, 8, 3>}]} {
    %get3A = arith.constant 0 : index
    %get3A_0 = arith.constant 0 : index
    %get3A_1 = vector.load %arg1[%get3A, %get3A_0] : memref<8x1024xf32, #tpu.memory_space<vmem>>, vector<8x1024xf32>
    %get3A_2 = arith.constant 0 : index
    %get3A_3 = arith.constant 0 : index
    %get3A_4 = vector.load %arg2[%get3A_2, %get3A_3] : memref<8x1024xf32, #tpu.memory_space<vmem>>, vector<8x1024xf32>
    %get3A_5 = arith.constant 0 : index
    %get3A_6 = arith.constant 0 : index
    %get3A_7 = vector.load %arg3[%get3A_5, %get3A_6] : memref<8x1024xf32, #tpu.memory_space<vmem>>, vector<8x1024xf32>
    %iota3A = tpu.iota {dimensions = array<i32: 1>} : vector<8x1024xi32>
    %broadcast_in_dim3A = arith.constant 1.000000e+10 : f32
    %broadcast_in_dim3A_8 = vector.broadcast %broadcast_in_dim3A : f32 to vector<8x1024xf32>
    %swap3A = arith.constant 0 : index
    %swap3A_9 = arith.constant 0 : index
    %swap3A_10 = vector.load %arg5[%swap3A, %swap3A_9] : memref<8x1024xf32, #tpu.memory_space<vmem>>, vector<8x1024xf32>
    tpu.vector_store %arg5[%swap3A, %swap3A_9], %broadcast_in_dim3A_8 {strides = array<i32>} : memref<8x1024xf32, #tpu.memory_space<vmem>>, vector<8x1024xf32>,
    %broadcast_in_dim3A_11 = arith.constant 0 : i32
    %broadcast_in_dim3A_12 = vector.broadcast %broadcast_in_dim3A_11 : i32 to vector<8x1xi32>
    %scan3A = arith.constant 0 : i32
    %scan3A_13 = arith.constant 256 : i32
    %scan3A_14 = arith.addi %scan3A, %scan3A_13 : i32
    %scan3A_15 = arith.constant 1 : i32
    %scan3A_16 = scf.for %scan3A_18 = %scan3A to %scan3A_14 step %scan3A_15 iter_args(%scan3A_19 = %broadcast_in_dim3A_12) -> (vector<8x1xi32>)  : i32 {
      %eq3A = vector.broadcast %scan3A_19 : vector<8x1xi32> to vector<8x1024xi32>
      %eq3A_20 = arith.cmpi eq, %iota3A, %eq3A : vector<8x1024xi32>
      %jit3A = arith.constant 0.000000e+00 : f32
      %broadcast_in_dim3A_21 = vector.broadcast %jit3A : f32 to vector<8x1024xf32>
      %select_n3A = arith.select %eq3A_20, %get3A_1, %broadcast_in_dim3A_21 : vector<8x1024xi1>, vector<8x1024xf32>
      %reduce_sum3A = arith.constant dense<0.000000e+00> : vector<8xf32>
      %reduce_sum3A_22 = vector.multi_reduction <add>, %select_n3A, %reduce_sum3A [1] : vector<8x1024xf32> to vector<8xf32>
      %broadcast_in_dim3A_23 = vector.shape_cast %reduce_sum3A_22 : vector<8xf32> to vector<8x1xf32>
      %jit3A_24 = arith.constant 0.000000e+00 : f32
      %broadcast_in_dim3A_25 = vector.broadcast %jit3A_24 : f32 to vector<8x1024xf32>
      %select_n3A_26 = arith.select %eq3A_20, %get3A_4, %broadcast_in_dim3A_25 : vector<8x1024xi1>, vector<8x1024xf32>
      %reduce_sum3A_27 = arith.constant dense<0.000000e+00> : vector<8xf32>
      %reduce_sum3A_28 = vector.multi_reduction <add>, %select_n3A_26, %reduce_sum3A_27 [1] : vector<8x1024xf32> to vector<8xf32>
      %broadcast_in_dim3A_29 = vector.shape_cast %reduce_sum3A_28 : vector<8xf32> to vector<8x1xf32>
      %jit3A_30 = arith.constant 0.000000e+00 : f32
      %broadcast_in_dim3A_31 = vector.broadcast %jit3A_30 : f32 to vector<8x1024xf32>
      %select_n3A_32 = arith.select %eq3A_20, %get3A_7, %broadcast_in_dim3A_31 : vector<8x1024xi1>, vector<8x1024xf32>
      %reduce_sum3A_33 = arith.constant dense<0.000000e+00> : vector<8xf32>
      %reduce_sum3A_34 = vector.multi_reduction <add>, %select_n3A_32, %reduce_sum3A_33 [1] : vector<8x1024xf32> to vector<8xf32>
      %broadcast_in_dim3A_35 = vector.shape_cast %reduce_sum3A_34 : vector<8xf32> to vector<8x1xf32>
      %concatenate3A = tpu.concatenate %broadcast_in_dim3A_23, %broadcast_in_dim3A_29, %broadcast_in_dim3A_35 in 1 : vector<8x1xf32>, vector<8x1xf32>, vector<8x1xf32> -> vector<8x3xf32>
      %swap3A_36 = arith.index_cast %scan3A_18 : i32 to index
      %swap3A_37 = arith.constant 0 : index
      %swap3A_38 = arith.constant 0 : index
      %swap3A_39 = vector.load %arg4[%swap3A_36, %swap3A_37, %swap3A_38] : memref<256x8x3xf32, #tpu.memory_space<vmem>>, vector<1x8x3xf32>
      %swap3A_40 = vector.shape_cast %swap3A_39 : vector<1x8x3xf32> to vector<8x3xf32>
      %swap3A_41 = vector.shape_cast %concatenate3A : vector<8x3xf32> to vector<1x8x3xf32>
      tpu.vector_store %arg4[%swap3A_36, %swap3A_37, %swap3A_38], %swap3A_41 {strides = array<i32>} : memref<256x8x3xf32, #tpu.memory_space<vmem>>, vector<1x8x3xf32>,
      %sub3A = vector.broadcast %broadcast_in_dim3A_23 : vector<8x1xf32> to vector<8x1024xf32>
      %sub3A_42 = arith.subf %get3A_1, %sub3A : vector<8x1024xf32>
      %sub3A_43 = vector.broadcast %broadcast_in_dim3A_29 : vector<8x1xf32> to vector<8x1024xf32>
      %sub3A_44 = arith.subf %get3A_4, %sub3A_43 : vector<8x1024xf32>
      %sub3A_45 = vector.broadcast %broadcast_in_dim3A_35 : vector<8x1xf32> to vector<8x1024xf32>
      %sub3A_46 = arith.subf %get3A_7, %sub3A_45 : vector<8x1024xf32>
      %mul3A = arith.mulf %sub3A_42, %sub3A_42 : vector<8x1024xf32>
      %mul3A_47 = arith.mulf %sub3A_44, %sub3A_44 : vector<8x1024xf32>
      %add3A = arith.addf %mul3A, %mul3A_47 : vector<8x1024xf32>
      %mul3A_48 = arith.mulf %sub3A_46, %sub3A_46 : vector<8x1024xf32>
      %add3A_49 = arith.addf %add3A, %mul3A_48 : vector<8x1024xf32>
      %get3A_50 = arith.constant 0 : index
      %get3A_51 = arith.constant 0 : index
      %get3A_52 = vector.load %arg5[%get3A_50, %get3A_51] : memref<8x1024xf32, #tpu.memory_space<vmem>>, vector<8x1024xf32>
      %min3A = arith.minimumf %get3A_52, %add3A_49 : vector<8x1024xf32>
      %swap3A_53 = arith.constant 0 : index
      %swap3A_54 = arith.constant 0 : index
      %swap3A_55 = vector.load %arg5[%swap3A_53, %swap3A_54] : memref<8x1024xf32, #tpu.memory_space<vmem>>, vector<8x1024xf32>
      tpu.vector_store %arg5[%swap3A_53, %swap3A_54], %min3A {strides = array<i32>} : memref<8x1024xf32, #tpu.memory_space<vmem>>, vector<8x1024xf32>,
      %reduce_max3A = arith.constant dense<0xFF800000> : vector<8xf32>
      %reduce_max3A_56 = vector.multi_reduction <maximumf>, %min3A, %reduce_max3A [1] : vector<8x1024xf32> to vector<8xf32>
      %broadcast_in_dim3A_57 = vector.shape_cast %reduce_max3A_56 : vector<8xf32> to vector<8x1xf32>
      %eq3A_58 = vector.broadcast %broadcast_in_dim3A_57 : vector<8x1xf32> to vector<8x1024xf32>
      %eq3A_59 = arith.cmpf oeq, %min3A, %eq3A_58 : vector<8x1024xf32>
      %jit3A_60 = arith.constant 1024 : i32
      %broadcast_in_dim3A_61 = vector.broadcast %jit3A_60 : i32 to vector<8x1024xi32>
      %select_n3A_62 = arith.select %eq3A_59, %iota3A, %broadcast_in_dim3A_61 : vector<8x1024xi1>, vector<8x1024xi32>
      %reduce_min3A = arith.constant dense<2147483647> : vector<8xi32>
      %reduce_min3A_63 = vector.multi_reduction <minsi>, %select_n3A_62, %reduce_min3A [1] : vector<8x1024xi32> to vector<8xi32>
      %broadcast_in_dim3A_64 = vector.shape_cast %reduce_min3A_63 : vector<8xi32> to vector<8x1xi32>
      scf.yield %broadcast_in_dim3A_64 : vector<8x1xi32>
    }
    %scan3A_17 = arith.constant 256 : i32
    return
  }
  func.func @transform_0(%arg0: i32) -> (i32, i32) {
    %c0_i32 = arith.constant 0 : i32
    %c0_i32_0 = arith.constant 0 : i32
    %c0_i32_1 = arith.constant 0 : i32
    return %c0_i32, %c0_i32_0 : i32, i32
  }
  func.func @transform_1(%arg0: i32) -> (i32, i32) {
    %c0_i32 = arith.constant 0 : i32
    %c0_i32_0 = arith.constant 0 : i32
    %c0_i32_1 = arith.constant 0 : i32
    return %c0_i32, %c0_i32_0 : i32, i32
  }
  func.func @transform_2(%arg0: i32) -> (i32, i32) {
    %c0_i32 = arith.constant 0 : i32
    %c0_i32_0 = arith.constant 0 : i32
    %c0_i32_1 = arith.constant 0 : i32
    return %c0_i32, %c0_i32_0 : i32, i32
  }
  func.func @transform_3(%arg0: i32) -> (i32, i32, i32) {
    %c0_i32 = arith.constant 0 : i32
    %c0_i32_0 = arith.constant 0 : i32
    %c0_i32_1 = arith.constant 0 : i32
    %c0_i32_2 = arith.constant 0 : i32
    return %c0_i32, %c0_i32_0, %c0_i32_1 : i32, i32, i32
  }
}

module attributes {stable_mosaic.version = 14 : i64} {
  func.func @_bq_body(%arg0: i32, %arg1: i32, %arg2: memref<1x256x3xf32, #tpu.memory_space<vmem>>, %arg3: memref<1x3x1024xf32, #tpu.memory_space<vmem>>, %arg4: memref<1x256x32xi32, #tpu.memory_space<vmem>>) attributes {dimension_semantics = [#tpu.dimension_semantics<arbitrary>, #tpu.dimension_semantics<arbitrary>], iteration_bounds = array<i64: 8, 1>, scalar_prefetch = 0 : i64, scratch_operands = 0 : i64, tpu.core_type = #tpu.core_type<tc>, window_params = [{transform_indices = @transform_0, window_bounds = array<i64: 1, 256, 3>}, {transform_indices = @transform_1, window_bounds = array<i64: 1, 3, 1024>}, {transform_indices = @transform_2, window_bounds = array<i64: 1, 256, 32>}]} {
    %get3A = arith.constant 0 : index
    %get3A_0 = arith.constant 0 : index
    %get3A_1 = arith.constant 0 : index
    %get3A_2 = vector.load %arg2[%get3A, %get3A_0, %get3A_1] : memref<1x256x3xf32, #tpu.memory_space<vmem>>, vector<1x256x3xf32>
    %get3A_3 = vector.shape_cast %get3A_2 : vector<1x256x3xf32> to vector<256x3xf32>
    %get3A_4 = arith.constant 0 : index
    %get3A_5 = arith.constant 0 : index
    %get3A_6 = arith.constant 0 : index
    %get3A_7 = vector.load %arg3[%get3A_4, %get3A_5, %get3A_6] : memref<1x3x1024xf32, #tpu.memory_space<vmem>>, vector<1x3x1024xf32>
    %get3A_8 = vector.shape_cast %get3A_7 : vector<1x3x1024xf32> to vector<3x1024xf32>
    %mul3A = arith.mulf %get3A_3, %get3A_3 : vector<256x3xf32>
    %reduce_sum3A = arith.constant dense<0.000000e+00> : vector<256xf32>
    %reduce_sum3A_9 = vector.multi_reduction <add>, %mul3A, %reduce_sum3A [1] : vector<256x3xf32> to vector<256xf32>
    %broadcast_in_dim3A = vector.shape_cast %reduce_sum3A_9 : vector<256xf32> to vector<256x1xf32>
    %mul3A_10 = arith.mulf %get3A_8, %get3A_8 : vector<3x1024xf32>
    %reduce_sum3A_11 = arith.constant dense<0.000000e+00> : vector<1024xf32>
    %reduce_sum3A_12 = vector.multi_reduction <add>, %mul3A_10, %reduce_sum3A_11 [0] : vector<3x1024xf32> to vector<1024xf32>
    %broadcast_in_dim3A_13 = vector.shape_cast %reduce_sum3A_12 : vector<1024xf32> to vector<1x1024xf32>
    %dot_general3A = arith.constant dense<0.000000e+00> : vector<256x1024xf32>
    %dot_general3A_14 = tpu.matmul %get3A_3, %get3A_8, %dot_general3A {dimension_numbers = #tpu.dot_dimension_numbers<[1], [0], [0], [1], [0, 0, 1, 1], [], []>, transpose_lhs_hint = false} : vector<256x3xf32>, vector<3x1024xf32>, vector<256x1024xf32> -> vector<256x1024xf32>
    %add3A = vector.broadcast %broadcast_in_dim3A : vector<256x1xf32> to vector<256x1024xf32>
    %add3A_15 = vector.broadcast %broadcast_in_dim3A_13 : vector<1x1024xf32> to vector<256x1024xf32>
    %add3A_16 = arith.addf %add3A, %add3A_15 : vector<256x1024xf32>
    %mul3A_17 = arith.constant 2.000000e+00 : f32
    %mul3A_18 = vector.broadcast %mul3A_17 : f32 to vector<256x1024xf32>
    %mul3A_19 = arith.mulf %mul3A_18, %dot_general3A_14 : vector<256x1024xf32>
    %sub3A = arith.subf %add3A_16, %mul3A_19 : vector<256x1024xf32>
    %iota3A = tpu.iota {dimensions = array<i32: 1>} : vector<256x1024xi32>
    %gt3A = arith.constant 4.000000e-02 : f32
    %gt3A_20 = vector.broadcast %gt3A : f32 to vector<256x1024xf32>
    %gt3A_21 = arith.cmpf ogt, %sub3A, %gt3A_20 : vector<256x1024xf32>
    %jit3A = arith.constant 1024 : i32
    %broadcast_in_dim3A_22 = vector.broadcast %jit3A : i32 to vector<256x1024xi32>
    %select_n3A = arith.select %gt3A_21, %broadcast_in_dim3A_22, %iota3A : vector<256x1024xi1>, vector<256x1024xi32>
    %reduce_min3A = arith.constant dense<2147483647> : vector<256xi32>
    %reduce_min3A_23 = vector.multi_reduction <minsi>, %select_n3A, %reduce_min3A [1] : vector<256x1024xi32> to vector<256xi32>
    %broadcast_in_dim3A_24 = vector.shape_cast %reduce_min3A_23 : vector<256xi32> to vector<256x1xi32>
    %eq3A = vector.broadcast %broadcast_in_dim3A_24 : vector<256x1xi32> to vector<256x1024xi32>
    %eq3A_25 = arith.cmpi eq, %select_n3A, %eq3A : vector<256x1024xi32>
    %jit3A_26 = arith.constant 1024 : i32
    %broadcast_in_dim3A_27 = vector.broadcast %jit3A_26 : i32 to vector<256x1024xi32>
    %select_n3A_28 = arith.select %eq3A_25, %broadcast_in_dim3A_27, %select_n3A : vector<256x1024xi1>, vector<256x1024xi32>
    %reduce_min3A_29 = arith.constant dense<2147483647> : vector<256xi32>
    %reduce_min3A_30 = vector.multi_reduction <minsi>, %select_n3A_28, %reduce_min3A_29 [1] : vector<256x1024xi32> to vector<256xi32>
    %broadcast_in_dim3A_31 = vector.shape_cast %reduce_min3A_30 : vector<256xi32> to vector<256x1xi32>
    %eq3A_32 = vector.broadcast %broadcast_in_dim3A_31 : vector<256x1xi32> to vector<256x1024xi32>
    %eq3A_33 = arith.cmpi eq, %select_n3A_28, %eq3A_32 : vector<256x1024xi32>
    %jit3A_34 = arith.constant 1024 : i32
    %broadcast_in_dim3A_35 = vector.broadcast %jit3A_34 : i32 to vector<256x1024xi32>
    %select_n3A_36 = arith.select %eq3A_33, %broadcast_in_dim3A_35, %select_n3A_28 : vector<256x1024xi1>, vector<256x1024xi32>
    %reduce_min3A_37 = arith.constant dense<2147483647> : vector<256xi32>
    %reduce_min3A_38 = vector.multi_reduction <minsi>, %select_n3A_36, %reduce_min3A_37 [1] : vector<256x1024xi32> to vector<256xi32>
    %broadcast_in_dim3A_39 = vector.shape_cast %reduce_min3A_38 : vector<256xi32> to vector<256x1xi32>
    %eq3A_40 = vector.broadcast %broadcast_in_dim3A_39 : vector<256x1xi32> to vector<256x1024xi32>
    %eq3A_41 = arith.cmpi eq, %select_n3A_36, %eq3A_40 : vector<256x1024xi32>
    %jit3A_42 = arith.constant 1024 : i32
    %broadcast_in_dim3A_43 = vector.broadcast %jit3A_42 : i32 to vector<256x1024xi32>
    %select_n3A_44 = arith.select %eq3A_41, %broadcast_in_dim3A_43, %select_n3A_36 : vector<256x1024xi1>, vector<256x1024xi32>
    %reduce_min3A_45 = arith.constant dense<2147483647> : vector<256xi32>
    %reduce_min3A_46 = vector.multi_reduction <minsi>, %select_n3A_44, %reduce_min3A_45 [1] : vector<256x1024xi32> to vector<256xi32>
    %broadcast_in_dim3A_47 = vector.shape_cast %reduce_min3A_46 : vector<256xi32> to vector<256x1xi32>
    %eq3A_48 = vector.broadcast %broadcast_in_dim3A_47 : vector<256x1xi32> to vector<256x1024xi32>
    %eq3A_49 = arith.cmpi eq, %select_n3A_44, %eq3A_48 : vector<256x1024xi32>
    %jit3A_50 = arith.constant 1024 : i32
    %broadcast_in_dim3A_51 = vector.broadcast %jit3A_50 : i32 to vector<256x1024xi32>
    %select_n3A_52 = arith.select %eq3A_49, %broadcast_in_dim3A_51, %select_n3A_44 : vector<256x1024xi1>, vector<256x1024xi32>
    %reduce_min3A_53 = arith.constant dense<2147483647> : vector<256xi32>
    %reduce_min3A_54 = vector.multi_reduction <minsi>, %select_n3A_52, %reduce_min3A_53 [1] : vector<256x1024xi32> to vector<256xi32>
    %broadcast_in_dim3A_55 = vector.shape_cast %reduce_min3A_54 : vector<256xi32> to vector<256x1xi32>
    %eq3A_56 = vector.broadcast %broadcast_in_dim3A_55 : vector<256x1xi32> to vector<256x1024xi32>
    %eq3A_57 = arith.cmpi eq, %select_n3A_52, %eq3A_56 : vector<256x1024xi32>
    %jit3A_58 = arith.constant 1024 : i32
    %broadcast_in_dim3A_59 = vector.broadcast %jit3A_58 : i32 to vector<256x1024xi32>
    %select_n3A_60 = arith.select %eq3A_57, %broadcast_in_dim3A_59, %select_n3A_52 : vector<256x1024xi1>, vector<256x1024xi32>
    %reduce_min3A_61 = arith.constant dense<2147483647> : vector<256xi32>
    %reduce_min3A_62 = vector.multi_reduction <minsi>, %select_n3A_60, %reduce_min3A_61 [1] : vector<256x1024xi32> to vector<256xi32>
    %broadcast_in_dim3A_63 = vector.shape_cast %reduce_min3A_62 : vector<256xi32> to vector<256x1xi32>
    %eq3A_64 = vector.broadcast %broadcast_in_dim3A_63 : vector<256x1xi32> to vector<256x1024xi32>
    %eq3A_65 = arith.cmpi eq, %select_n3A_60, %eq3A_64 : vector<256x1024xi32>
    %jit3A_66 = arith.constant 1024 : i32
    %broadcast_in_dim3A_67 = vector.broadcast %jit3A_66 : i32 to vector<256x1024xi32>
    %select_n3A_68 = arith.select %eq3A_65, %broadcast_in_dim3A_67, %select_n3A_60 : vector<256x1024xi1>, vector<256x1024xi32>
    %reduce_min3A_69 = arith.constant dense<2147483647> : vector<256xi32>
    %reduce_min3A_70 = vector.multi_reduction <minsi>, %select_n3A_68, %reduce_min3A_69 [1] : vector<256x1024xi32> to vector<256xi32>
    %broadcast_in_dim3A_71 = vector.shape_cast %reduce_min3A_70 : vector<256xi32> to vector<256x1xi32>
    %eq3A_72 = vector.broadcast %broadcast_in_dim3A_71 : vector<256x1xi32> to vector<256x1024xi32>
    %eq3A_73 = arith.cmpi eq, %select_n3A_68, %eq3A_72 : vector<256x1024xi32>
    %jit3A_74 = arith.constant 1024 : i32
    %broadcast_in_dim3A_75 = vector.broadcast %jit3A_74 : i32 to vector<256x1024xi32>
    %select_n3A_76 = arith.select %eq3A_73, %broadcast_in_dim3A_75, %select_n3A_68 : vector<256x1024xi1>, vector<256x1024xi32>
    %reduce_min3A_77 = arith.constant dense<2147483647> : vector<256xi32>
    %reduce_min3A_78 = vector.multi_reduction <minsi>, %select_n3A_76, %reduce_min3A_77 [1] : vector<256x1024xi32> to vector<256xi32>
    %broadcast_in_dim3A_79 = vector.shape_cast %reduce_min3A_78 : vector<256xi32> to vector<256x1xi32>
    %eq3A_80 = vector.broadcast %broadcast_in_dim3A_79 : vector<256x1xi32> to vector<256x1024xi32>
    %eq3A_81 = arith.cmpi eq, %select_n3A_76, %eq3A_80 : vector<256x1024xi32>
    %jit3A_82 = arith.constant 1024 : i32
    %broadcast_in_dim3A_83 = vector.broadcast %jit3A_82 : i32 to vector<256x1024xi32>
    %select_n3A_84 = arith.select %eq3A_81, %broadcast_in_dim3A_83, %select_n3A_76 : vector<256x1024xi1>, vector<256x1024xi32>
    %reduce_min3A_85 = arith.constant dense<2147483647> : vector<256xi32>
    %reduce_min3A_86 = vector.multi_reduction <minsi>, %select_n3A_84, %reduce_min3A_85 [1] : vector<256x1024xi32> to vector<256xi32>
    %broadcast_in_dim3A_87 = vector.shape_cast %reduce_min3A_86 : vector<256xi32> to vector<256x1xi32>
    %eq3A_88 = vector.broadcast %broadcast_in_dim3A_87 : vector<256x1xi32> to vector<256x1024xi32>
    %eq3A_89 = arith.cmpi eq, %select_n3A_84, %eq3A_88 : vector<256x1024xi32>
    %jit3A_90 = arith.constant 1024 : i32
    %broadcast_in_dim3A_91 = vector.broadcast %jit3A_90 : i32 to vector<256x1024xi32>
    %select_n3A_92 = arith.select %eq3A_89, %broadcast_in_dim3A_91, %select_n3A_84 : vector<256x1024xi1>, vector<256x1024xi32>
    %reduce_min3A_93 = arith.constant dense<2147483647> : vector<256xi32>
    %reduce_min3A_94 = vector.multi_reduction <minsi>, %select_n3A_92, %reduce_min3A_93 [1] : vector<256x1024xi32> to vector<256xi32>
    %broadcast_in_dim3A_95 = vector.shape_cast %reduce_min3A_94 : vector<256xi32> to vector<256x1xi32>
    %eq3A_96 = vector.broadcast %broadcast_in_dim3A_95 : vector<256x1xi32> to vector<256x1024xi32>
    %eq3A_97 = arith.cmpi eq, %select_n3A_92, %eq3A_96 : vector<256x1024xi32>
    %jit3A_98 = arith.constant 1024 : i32
    %broadcast_in_dim3A_99 = vector.broadcast %jit3A_98 : i32 to vector<256x1024xi32>
    %select_n3A_100 = arith.select %eq3A_97, %broadcast_in_dim3A_99, %select_n3A_92 : vector<256x1024xi1>, vector<256x1024xi32>
    %reduce_min3A_101 = arith.constant dense<2147483647> : vector<256xi32>
    %reduce_min3A_102 = vector.multi_reduction <minsi>, %select_n3A_100, %reduce_min3A_101 [1] : vector<256x1024xi32> to vector<256xi32>
    %broadcast_in_dim3A_103 = vector.shape_cast %reduce_min3A_102 : vector<256xi32> to vector<256x1xi32>
    %eq3A_104 = vector.broadcast %broadcast_in_dim3A_103 : vector<256x1xi32> to vector<256x1024xi32>
    %eq3A_105 = arith.cmpi eq, %select_n3A_100, %eq3A_104 : vector<256x1024xi32>
    %jit3A_106 = arith.constant 1024 : i32
    %broadcast_in_dim3A_107 = vector.broadcast %jit3A_106 : i32 to vector<256x1024xi32>
    %select_n3A_108 = arith.select %eq3A_105, %broadcast_in_dim3A_107, %select_n3A_100 : vector<256x1024xi1>, vector<256x1024xi32>
    %reduce_min3A_109 = arith.constant dense<2147483647> : vector<256xi32>
    %reduce_min3A_110 = vector.multi_reduction <minsi>, %select_n3A_108, %reduce_min3A_109 [1] : vector<256x1024xi32> to vector<256xi32>
    %broadcast_in_dim3A_111 = vector.shape_cast %reduce_min3A_110 : vector<256xi32> to vector<256x1xi32>
    %eq3A_112 = vector.broadcast %broadcast_in_dim3A_111 : vector<256x1xi32> to vector<256x1024xi32>
    %eq3A_113 = arith.cmpi eq, %select_n3A_108, %eq3A_112 : vector<256x1024xi32>
    %jit3A_114 = arith.constant 1024 : i32
    %broadcast_in_dim3A_115 = vector.broadcast %jit3A_114 : i32 to vector<256x1024xi32>
    %select_n3A_116 = arith.select %eq3A_113, %broadcast_in_dim3A_115, %select_n3A_108 : vector<256x1024xi1>, vector<256x1024xi32>
    %reduce_min3A_117 = arith.constant dense<2147483647> : vector<256xi32>
    %reduce_min3A_118 = vector.multi_reduction <minsi>, %select_n3A_116, %reduce_min3A_117 [1] : vector<256x1024xi32> to vector<256xi32>
    %broadcast_in_dim3A_119 = vector.shape_cast %reduce_min3A_118 : vector<256xi32> to vector<256x1xi32>
    %eq3A_120 = vector.broadcast %broadcast_in_dim3A_119 : vector<256x1xi32> to vector<256x1024xi32>
    %eq3A_121 = arith.cmpi eq, %select_n3A_116, %eq3A_120 : vector<256x1024xi32>
    %jit3A_122 = arith.constant 1024 : i32
    %broadcast_in_dim3A_123 = vector.broadcast %jit3A_122 : i32 to vector<256x1024xi32>
    %select_n3A_124 = arith.select %eq3A_121, %broadcast_in_dim3A_123, %select_n3A_116 : vector<256x1024xi1>, vector<256x1024xi32>
    %reduce_min3A_125 = arith.constant dense<2147483647> : vector<256xi32>
    %reduce_min3A_126 = vector.multi_reduction <minsi>, %select_n3A_124, %reduce_min3A_125 [1] : vector<256x1024xi32> to vector<256xi32>
    %broadcast_in_dim3A_127 = vector.shape_cast %reduce_min3A_126 : vector<256xi32> to vector<256x1xi32>
    %eq3A_128 = vector.broadcast %broadcast_in_dim3A_127 : vector<256x1xi32> to vector<256x1024xi32>
    %eq3A_129 = arith.cmpi eq, %select_n3A_124, %eq3A_128 : vector<256x1024xi32>
    %jit3A_130 = arith.constant 1024 : i32
    %broadcast_in_dim3A_131 = vector.broadcast %jit3A_130 : i32 to vector<256x1024xi32>
    %select_n3A_132 = arith.select %eq3A_129, %broadcast_in_dim3A_131, %select_n3A_124 : vector<256x1024xi1>, vector<256x1024xi32>
    %reduce_min3A_133 = arith.constant dense<2147483647> : vector<256xi32>
    %reduce_min3A_134 = vector.multi_reduction <minsi>, %select_n3A_132, %reduce_min3A_133 [1] : vector<256x1024xi32> to vector<256xi32>
    %broadcast_in_dim3A_135 = vector.shape_cast %reduce_min3A_134 : vector<256xi32> to vector<256x1xi32>
    %eq3A_136 = vector.broadcast %broadcast_in_dim3A_135 : vector<256x1xi32> to vector<256x1024xi32>
    %eq3A_137 = arith.cmpi eq, %select_n3A_132, %eq3A_136 : vector<256x1024xi32>
    %jit3A_138 = arith.constant 1024 : i32
    %broadcast_in_dim3A_139 = vector.broadcast %jit3A_138 : i32 to vector<256x1024xi32>
    %select_n3A_140 = arith.select %eq3A_137, %broadcast_in_dim3A_139, %select_n3A_132 : vector<256x1024xi1>, vector<256x1024xi32>
    %reduce_min3A_141 = arith.constant dense<2147483647> : vector<256xi32>
    %reduce_min3A_142 = vector.multi_reduction <minsi>, %select_n3A_140, %reduce_min3A_141 [1] : vector<256x1024xi32> to vector<256xi32>
    %broadcast_in_dim3A_143 = vector.shape_cast %reduce_min3A_142 : vector<256xi32> to vector<256x1xi32>
    %eq3A_144 = vector.broadcast %broadcast_in_dim3A_143 : vector<256x1xi32> to vector<256x1024xi32>
    %eq3A_145 = arith.cmpi eq, %select_n3A_140, %eq3A_144 : vector<256x1024xi32>
    %jit3A_146 = arith.constant 1024 : i32
    %broadcast_in_dim3A_147 = vector.broadcast %jit3A_146 : i32 to vector<256x1024xi32>
    %select_n3A_148 = arith.select %eq3A_145, %broadcast_in_dim3A_147, %select_n3A_140 : vector<256x1024xi1>, vector<256x1024xi32>
    %reduce_min3A_149 = arith.constant dense<2147483647> : vector<256xi32>
    %reduce_min3A_150 = vector.multi_reduction <minsi>, %select_n3A_148, %reduce_min3A_149 [1] : vector<256x1024xi32> to vector<256xi32>
    %broadcast_in_dim3A_151 = vector.shape_cast %reduce_min3A_150 : vector<256xi32> to vector<256x1xi32>
    %eq3A_152 = vector.broadcast %broadcast_in_dim3A_151 : vector<256x1xi32> to vector<256x1024xi32>
    %eq3A_153 = arith.cmpi eq, %select_n3A_148, %eq3A_152 : vector<256x1024xi32>
    %jit3A_154 = arith.constant 1024 : i32
    %broadcast_in_dim3A_155 = vector.broadcast %jit3A_154 : i32 to vector<256x1024xi32>
    %select_n3A_156 = arith.select %eq3A_153, %broadcast_in_dim3A_155, %select_n3A_148 : vector<256x1024xi1>, vector<256x1024xi32>
    %reduce_min3A_157 = arith.constant dense<2147483647> : vector<256xi32>
    %reduce_min3A_158 = vector.multi_reduction <minsi>, %select_n3A_156, %reduce_min3A_157 [1] : vector<256x1024xi32> to vector<256xi32>
    %broadcast_in_dim3A_159 = vector.shape_cast %reduce_min3A_158 : vector<256xi32> to vector<256x1xi32>
    %eq3A_160 = vector.broadcast %broadcast_in_dim3A_159 : vector<256x1xi32> to vector<256x1024xi32>
    %eq3A_161 = arith.cmpi eq, %select_n3A_156, %eq3A_160 : vector<256x1024xi32>
    %jit3A_162 = arith.constant 1024 : i32
    %broadcast_in_dim3A_163 = vector.broadcast %jit3A_162 : i32 to vector<256x1024xi32>
    %select_n3A_164 = arith.select %eq3A_161, %broadcast_in_dim3A_163, %select_n3A_156 : vector<256x1024xi1>, vector<256x1024xi32>
    %reduce_min3A_165 = arith.constant dense<2147483647> : vector<256xi32>
    %reduce_min3A_166 = vector.multi_reduction <minsi>, %select_n3A_164, %reduce_min3A_165 [1] : vector<256x1024xi32> to vector<256xi32>
    %broadcast_in_dim3A_167 = vector.shape_cast %reduce_min3A_166 : vector<256xi32> to vector<256x1xi32>
    %eq3A_168 = vector.broadcast %broadcast_in_dim3A_167 : vector<256x1xi32> to vector<256x1024xi32>
    %eq3A_169 = arith.cmpi eq, %select_n3A_164, %eq3A_168 : vector<256x1024xi32>
    %jit3A_170 = arith.constant 1024 : i32
    %broadcast_in_dim3A_171 = vector.broadcast %jit3A_170 : i32 to vector<256x1024xi32>
    %select_n3A_172 = arith.select %eq3A_169, %broadcast_in_dim3A_171, %select_n3A_164 : vector<256x1024xi1>, vector<256x1024xi32>
    %reduce_min3A_173 = arith.constant dense<2147483647> : vector<256xi32>
    %reduce_min3A_174 = vector.multi_reduction <minsi>, %select_n3A_172, %reduce_min3A_173 [1] : vector<256x1024xi32> to vector<256xi32>
    %broadcast_in_dim3A_175 = vector.shape_cast %reduce_min3A_174 : vector<256xi32> to vector<256x1xi32>
    %eq3A_176 = vector.broadcast %broadcast_in_dim3A_175 : vector<256x1xi32> to vector<256x1024xi32>
    %eq3A_177 = arith.cmpi eq, %select_n3A_172, %eq3A_176 : vector<256x1024xi32>
    %jit3A_178 = arith.constant 1024 : i32
    %broadcast_in_dim3A_179 = vector.broadcast %jit3A_178 : i32 to vector<256x1024xi32>
    %select_n3A_180 = arith.select %eq3A_177, %broadcast_in_dim3A_179, %select_n3A_172 : vector<256x1024xi1>, vector<256x1024xi32>
    %reduce_min3A_181 = arith.constant dense<2147483647> : vector<256xi32>
    %reduce_min3A_182 = vector.multi_reduction <minsi>, %select_n3A_180, %reduce_min3A_181 [1] : vector<256x1024xi32> to vector<256xi32>
    %broadcast_in_dim3A_183 = vector.shape_cast %reduce_min3A_182 : vector<256xi32> to vector<256x1xi32>
    %eq3A_184 = vector.broadcast %broadcast_in_dim3A_183 : vector<256x1xi32> to vector<256x1024xi32>
    %eq3A_185 = arith.cmpi eq, %select_n3A_180, %eq3A_184 : vector<256x1024xi32>
    %jit3A_186 = arith.constant 1024 : i32
    %broadcast_in_dim3A_187 = vector.broadcast %jit3A_186 : i32 to vector<256x1024xi32>
    %select_n3A_188 = arith.select %eq3A_185, %broadcast_in_dim3A_187, %select_n3A_180 : vector<256x1024xi1>, vector<256x1024xi32>
    %reduce_min3A_189 = arith.constant dense<2147483647> : vector<256xi32>
    %reduce_min3A_190 = vector.multi_reduction <minsi>, %select_n3A_188, %reduce_min3A_189 [1] : vector<256x1024xi32> to vector<256xi32>
    %broadcast_in_dim3A_191 = vector.shape_cast %reduce_min3A_190 : vector<256xi32> to vector<256x1xi32>
    %eq3A_192 = vector.broadcast %broadcast_in_dim3A_191 : vector<256x1xi32> to vector<256x1024xi32>
    %eq3A_193 = arith.cmpi eq, %select_n3A_188, %eq3A_192 : vector<256x1024xi32>
    %jit3A_194 = arith.constant 1024 : i32
    %broadcast_in_dim3A_195 = vector.broadcast %jit3A_194 : i32 to vector<256x1024xi32>
    %select_n3A_196 = arith.select %eq3A_193, %broadcast_in_dim3A_195, %select_n3A_188 : vector<256x1024xi1>, vector<256x1024xi32>
    %reduce_min3A_197 = arith.constant dense<2147483647> : vector<256xi32>
    %reduce_min3A_198 = vector.multi_reduction <minsi>, %select_n3A_196, %reduce_min3A_197 [1] : vector<256x1024xi32> to vector<256xi32>
    %broadcast_in_dim3A_199 = vector.shape_cast %reduce_min3A_198 : vector<256xi32> to vector<256x1xi32>
    %eq3A_200 = vector.broadcast %broadcast_in_dim3A_199 : vector<256x1xi32> to vector<256x1024xi32>
    %eq3A_201 = arith.cmpi eq, %select_n3A_196, %eq3A_200 : vector<256x1024xi32>
    %jit3A_202 = arith.constant 1024 : i32
    %broadcast_in_dim3A_203 = vector.broadcast %jit3A_202 : i32 to vector<256x1024xi32>
    %select_n3A_204 = arith.select %eq3A_201, %broadcast_in_dim3A_203, %select_n3A_196 : vector<256x1024xi1>, vector<256x1024xi32>
    %reduce_min3A_205 = arith.constant dense<2147483647> : vector<256xi32>
    %reduce_min3A_206 = vector.multi_reduction <minsi>, %select_n3A_204, %reduce_min3A_205 [1] : vector<256x1024xi32> to vector<256xi32>
    %broadcast_in_dim3A_207 = vector.shape_cast %reduce_min3A_206 : vector<256xi32> to vector<256x1xi32>
    %eq3A_208 = vector.broadcast %broadcast_in_dim3A_207 : vector<256x1xi32> to vector<256x1024xi32>
    %eq3A_209 = arith.cmpi eq, %select_n3A_204, %eq3A_208 : vector<256x1024xi32>
    %jit3A_210 = arith.constant 1024 : i32
    %broadcast_in_dim3A_211 = vector.broadcast %jit3A_210 : i32 to vector<256x1024xi32>
    %select_n3A_212 = arith.select %eq3A_209, %broadcast_in_dim3A_211, %select_n3A_204 : vector<256x1024xi1>, vector<256x1024xi32>
    %reduce_min3A_213 = arith.constant dense<2147483647> : vector<256xi32>
    %reduce_min3A_214 = vector.multi_reduction <minsi>, %select_n3A_212, %reduce_min3A_213 [1] : vector<256x1024xi32> to vector<256xi32>
    %broadcast_in_dim3A_215 = vector.shape_cast %reduce_min3A_214 : vector<256xi32> to vector<256x1xi32>
    %eq3A_216 = vector.broadcast %broadcast_in_dim3A_215 : vector<256x1xi32> to vector<256x1024xi32>
    %eq3A_217 = arith.cmpi eq, %select_n3A_212, %eq3A_216 : vector<256x1024xi32>
    %jit3A_218 = arith.constant 1024 : i32
    %broadcast_in_dim3A_219 = vector.broadcast %jit3A_218 : i32 to vector<256x1024xi32>
    %select_n3A_220 = arith.select %eq3A_217, %broadcast_in_dim3A_219, %select_n3A_212 : vector<256x1024xi1>, vector<256x1024xi32>
    %reduce_min3A_221 = arith.constant dense<2147483647> : vector<256xi32>
    %reduce_min3A_222 = vector.multi_reduction <minsi>, %select_n3A_220, %reduce_min3A_221 [1] : vector<256x1024xi32> to vector<256xi32>
    %broadcast_in_dim3A_223 = vector.shape_cast %reduce_min3A_222 : vector<256xi32> to vector<256x1xi32>
    %eq3A_224 = vector.broadcast %broadcast_in_dim3A_223 : vector<256x1xi32> to vector<256x1024xi32>
    %eq3A_225 = arith.cmpi eq, %select_n3A_220, %eq3A_224 : vector<256x1024xi32>
    %jit3A_226 = arith.constant 1024 : i32
    %broadcast_in_dim3A_227 = vector.broadcast %jit3A_226 : i32 to vector<256x1024xi32>
    %select_n3A_228 = arith.select %eq3A_225, %broadcast_in_dim3A_227, %select_n3A_220 : vector<256x1024xi1>, vector<256x1024xi32>
    %reduce_min3A_229 = arith.constant dense<2147483647> : vector<256xi32>
    %reduce_min3A_230 = vector.multi_reduction <minsi>, %select_n3A_228, %reduce_min3A_229 [1] : vector<256x1024xi32> to vector<256xi32>
    %broadcast_in_dim3A_231 = vector.shape_cast %reduce_min3A_230 : vector<256xi32> to vector<256x1xi32>
    %eq3A_232 = vector.broadcast %broadcast_in_dim3A_231 : vector<256x1xi32> to vector<256x1024xi32>
    %eq3A_233 = arith.cmpi eq, %select_n3A_228, %eq3A_232 : vector<256x1024xi32>
    %jit3A_234 = arith.constant 1024 : i32
    %broadcast_in_dim3A_235 = vector.broadcast %jit3A_234 : i32 to vector<256x1024xi32>
    %select_n3A_236 = arith.select %eq3A_233, %broadcast_in_dim3A_235, %select_n3A_228 : vector<256x1024xi1>, vector<256x1024xi32>
    %reduce_min3A_237 = arith.constant dense<2147483647> : vector<256xi32>
    %reduce_min3A_238 = vector.multi_reduction <minsi>, %select_n3A_236, %reduce_min3A_237 [1] : vector<256x1024xi32> to vector<256xi32>
    %broadcast_in_dim3A_239 = vector.shape_cast %reduce_min3A_238 : vector<256xi32> to vector<256x1xi32>
    %eq3A_240 = vector.broadcast %broadcast_in_dim3A_239 : vector<256x1xi32> to vector<256x1024xi32>
    %eq3A_241 = arith.cmpi eq, %select_n3A_236, %eq3A_240 : vector<256x1024xi32>
    %jit3A_242 = arith.constant 1024 : i32
    %broadcast_in_dim3A_243 = vector.broadcast %jit3A_242 : i32 to vector<256x1024xi32>
    %select_n3A_244 = arith.select %eq3A_241, %broadcast_in_dim3A_243, %select_n3A_236 : vector<256x1024xi1>, vector<256x1024xi32>
    %reduce_min3A_245 = arith.constant dense<2147483647> : vector<256xi32>
    %reduce_min3A_246 = vector.multi_reduction <minsi>, %select_n3A_244, %reduce_min3A_245 [1] : vector<256x1024xi32> to vector<256xi32>
    %broadcast_in_dim3A_247 = vector.shape_cast %reduce_min3A_246 : vector<256xi32> to vector<256x1xi32>
    %eq3A_248 = vector.broadcast %broadcast_in_dim3A_247 : vector<256x1xi32> to vector<256x1024xi32>
    %eq3A_249 = arith.cmpi eq, %select_n3A_244, %eq3A_248 : vector<256x1024xi32>
    %jit3A_250 = arith.constant 1024 : i32
    %broadcast_in_dim3A_251 = vector.broadcast %jit3A_250 : i32 to vector<256x1024xi32>
    %select_n3A_252 = arith.select %eq3A_249, %broadcast_in_dim3A_251, %select_n3A_244 : vector<256x1024xi1>, vector<256x1024xi32>
    %reduce_min3A_253 = arith.constant dense<2147483647> : vector<256xi32>
    %reduce_min3A_254 = vector.multi_reduction <minsi>, %select_n3A_252, %reduce_min3A_253 [1] : vector<256x1024xi32> to vector<256xi32>
    %broadcast_in_dim3A_255 = vector.shape_cast %reduce_min3A_254 : vector<256xi32> to vector<256x1xi32>
    %eq3A_256 = vector.broadcast %broadcast_in_dim3A_255 : vector<256x1xi32> to vector<256x1024xi32>
    %eq3A_257 = arith.cmpi eq, %select_n3A_252, %eq3A_256 : vector<256x1024xi32>
    %jit3A_258 = arith.constant 1024 : i32
    %broadcast_in_dim3A_259 = vector.broadcast %jit3A_258 : i32 to vector<256x1024xi32>
    %select_n3A_260 = arith.select %eq3A_257, %broadcast_in_dim3A_259, %select_n3A_252 : vector<256x1024xi1>, vector<256x1024xi32>
    %reduce_min3A_261 = arith.constant dense<2147483647> : vector<256xi32>
    %reduce_min3A_262 = vector.multi_reduction <minsi>, %select_n3A_260, %reduce_min3A_261 [1] : vector<256x1024xi32> to vector<256xi32>
    %broadcast_in_dim3A_263 = vector.shape_cast %reduce_min3A_262 : vector<256xi32> to vector<256x1xi32>
    %eq3A_264 = vector.broadcast %broadcast_in_dim3A_263 : vector<256x1xi32> to vector<256x1024xi32>
    %eq3A_265 = arith.cmpi eq, %select_n3A_260, %eq3A_264 : vector<256x1024xi32>
    %jit3A_266 = arith.constant 1024 : i32
    %broadcast_in_dim3A_267 = vector.broadcast %jit3A_266 : i32 to vector<256x1024xi32>
    %select_n3A_268 = arith.select %eq3A_265, %broadcast_in_dim3A_267, %select_n3A_260 : vector<256x1024xi1>, vector<256x1024xi32>
    %reduce_min3A_269 = arith.constant dense<2147483647> : vector<256xi32>
    %reduce_min3A_270 = vector.multi_reduction <minsi>, %select_n3A_268, %reduce_min3A_269 [1] : vector<256x1024xi32> to vector<256xi32>
    %broadcast_in_dim3A_271 = vector.shape_cast %reduce_min3A_270 : vector<256xi32> to vector<256x1xi32>
    %concatenate3A = tpu.concatenate %broadcast_in_dim3A_24, %broadcast_in_dim3A_31, %broadcast_in_dim3A_39, %broadcast_in_dim3A_47, %broadcast_in_dim3A_55, %broadcast_in_dim3A_63, %broadcast_in_dim3A_71, %broadcast_in_dim3A_79, %broadcast_in_dim3A_87, %broadcast_in_dim3A_95, %broadcast_in_dim3A_103, %broadcast_in_dim3A_111, %broadcast_in_dim3A_119, %broadcast_in_dim3A_127, %broadcast_in_dim3A_135, %broadcast_in_dim3A_143, %broadcast_in_dim3A_151, %broadcast_in_dim3A_159, %broadcast_in_dim3A_167, %broadcast_in_dim3A_175, %broadcast_in_dim3A_183, %broadcast_in_dim3A_191, %broadcast_in_dim3A_199, %broadcast_in_dim3A_207, %broadcast_in_dim3A_215, %broadcast_in_dim3A_223, %broadcast_in_dim3A_231, %broadcast_in_dim3A_239, %broadcast_in_dim3A_247, %broadcast_in_dim3A_255, %broadcast_in_dim3A_263, %broadcast_in_dim3A_271 in 1 : vector<256x1xi32>, vector<256x1xi32>, vector<256x1xi32>, vector<256x1xi32>, vector<256x1xi32>, vector<256x1xi32>, vector<256x1xi32>, vector<256x1xi32>, vector<256x1xi32>, vector<256x1xi32>, vector<256x1xi32>, vector<256x1xi32>, vector<256x1xi32>, vector<256x1xi32>, vector<256x1xi32>, vector<256x1xi32>, vector<256x1xi32>, vector<256x1xi32>, vector<256x1xi32>, vector<256x1xi32>, vector<256x1xi32>, vector<256x1xi32>, vector<256x1xi32>, vector<256x1xi32>, vector<256x1xi32>, vector<256x1xi32>, vector<256x1xi32>, vector<256x1xi32>, vector<256x1xi32>, vector<256x1xi32>, vector<256x1xi32>, vector<256x1xi32> -> vector<256x32xi32>
    %eq3A_272 = arith.constant 1024 : i32
    %eq3A_273 = vector.broadcast %eq3A_272 : i32 to vector<256x32xi32>
    %eq3A_274 = arith.cmpi eq, %concatenate3A, %eq3A_273 : vector<256x32xi32>
    %broadcast_in_dim3A_275 = vector.shape_cast %broadcast_in_dim3A_24 : vector<256x1xi32> to vector<256x1xi32>
    %broadcast_in_dim3A_276 = vector.broadcast %broadcast_in_dim3A_275 : vector<256x1xi32> to vector<256x32xi32>
    %select_n3A_277 = arith.select %eq3A_274, %broadcast_in_dim3A_276, %concatenate3A : vector<256x32xi1>, vector<256x32xi32>
    %swap3A = arith.constant 0 : index
    %swap3A_278 = arith.constant 0 : index
    %swap3A_279 = arith.constant 0 : index
    %swap3A_280 = vector.load %arg4[%swap3A, %swap3A_278, %swap3A_279] : memref<1x256x32xi32, #tpu.memory_space<vmem>>, vector<1x256x32xi32>
    %swap3A_281 = vector.shape_cast %swap3A_280 : vector<1x256x32xi32> to vector<256x32xi32>
    %swap3A_282 = vector.shape_cast %select_n3A_277 : vector<256x32xi32> to vector<1x256x32xi32>
    tpu.vector_store %arg4[%swap3A, %swap3A_278, %swap3A_279], %swap3A_282 {strides = array<i32>} : memref<1x256x32xi32, #tpu.memory_space<vmem>>, vector<1x256x32xi32>,
    return
  }
  func.func @transform_0(%arg0: i32, %arg1: i32) -> (i32, i32, i32) {
    %c0_i32 = arith.constant 0 : i32
    %c0_i32_0 = arith.constant 0 : i32
    return %arg0, %arg1, %c0_i32 : i32, i32, i32
  }
  func.func @transform_1(%arg0: i32, %arg1: i32) -> (i32, i32, i32) {
    %c0_i32 = arith.constant 0 : i32
    %c0_i32_0 = arith.constant 0 : i32
    %c0_i32_1 = arith.constant 0 : i32
    return %arg0, %c0_i32, %c0_i32_0 : i32, i32, i32
  }
  func.func @transform_2(%arg0: i32, %arg1: i32) -> (i32, i32, i32) {
    %c0_i32 = arith.constant 0 : i32
    %c0_i32_0 = arith.constant 0 : i32
    return %arg0, %arg1, %c0_i32 : i32, i32, i32
  }
}

module attributes {stable_mosaic.version = 14 : i64} {
  func.func @_sa_mlp_body(%arg0: i32, %arg1: i32, %arg2: memref<1x256x32x16xf32, #tpu.memory_space<vmem>>, %arg3: memref<1x256x3xf32, #tpu.memory_space<vmem>>, %arg4: memref<32x16xf32, #tpu.memory_space<vmem>>, %arg5: memref<32xf32, #tpu.memory_space<vmem>>, %arg6: memref<32xf32, #tpu.memory_space<vmem>>, %arg7: memref<32xf32, #tpu.memory_space<vmem>>, %arg8: memref<32x32xf32, #tpu.memory_space<vmem>>, %arg9: memref<32xf32, #tpu.memory_space<vmem>>, %arg10: memref<32xf32, #tpu.memory_space<vmem>>, %arg11: memref<32xf32, #tpu.memory_space<vmem>>, %arg12: memref<64x32xf32, #tpu.memory_space<vmem>>, %arg13: memref<64xf32, #tpu.memory_space<vmem>>, %arg14: memref<64xf32, #tpu.memory_space<vmem>>, %arg15: memref<64xf32, #tpu.memory_space<vmem>>, %arg16: memref<1x256x64xf32, #tpu.memory_space<vmem>>) attributes {dimension_semantics = [#tpu.dimension_semantics<arbitrary>, #tpu.dimension_semantics<arbitrary>], iteration_bounds = array<i64: 8, 4>, scalar_prefetch = 0 : i64, scratch_operands = 0 : i64, tpu.core_type = #tpu.core_type<tc>, window_params = [{transform_indices = @transform_0, window_bounds = array<i64: 1, 256, 32, 16>}, {transform_indices = @transform_1, window_bounds = array<i64: 1, 256, 3>}, {pipeline_mode = #tpu.pipeline_mode<synchronous>, transform_indices = @transform_2, window_bounds = array<i64: 32, 16>}, {pipeline_mode = #tpu.pipeline_mode<synchronous>, transform_indices = @transform_3, window_bounds = array<i64: 32>}, {pipeline_mode = #tpu.pipeline_mode<synchronous>, transform_indices = @transform_4, window_bounds = array<i64: 32>}, {pipeline_mode = #tpu.pipeline_mode<synchronous>, transform_indices = @transform_5, window_bounds = array<i64: 32>}, {pipeline_mode = #tpu.pipeline_mode<synchronous>, transform_indices = @transform_6, window_bounds = array<i64: 32, 32>}, {pipeline_mode = #tpu.pipeline_mode<synchronous>, transform_indices = @transform_7, window_bounds = array<i64: 32>}, {pipeline_mode = #tpu.pipeline_mode<synchronous>, transform_indices = @transform_8, window_bounds = array<i64: 32>}, {pipeline_mode = #tpu.pipeline_mode<synchronous>, transform_indices = @transform_9, window_bounds = array<i64: 32>}, {pipeline_mode = #tpu.pipeline_mode<synchronous>, transform_indices = @transform_10, window_bounds = array<i64: 64, 32>}, {pipeline_mode = #tpu.pipeline_mode<synchronous>, transform_indices = @transform_11, window_bounds = array<i64: 64>}, {pipeline_mode = #tpu.pipeline_mode<synchronous>, transform_indices = @transform_12, window_bounds = array<i64: 64>}, {pipeline_mode = #tpu.pipeline_mode<synchronous>, transform_indices = @transform_13, window_bounds = array<i64: 64>}, {transform_indices = @transform_14, window_bounds = array<i64: 1, 256, 64>}]} {
    %get3A = arith.constant 0 : index
    %get3A_0 = arith.constant 0 : index
    %get3A_1 = arith.constant 0 : index
    %get3A_2 = arith.constant 0 : index
    %get3A_3 = vector.load %arg2[%get3A, %get3A_0, %get3A_1, %get3A_2] : memref<1x256x32x16xf32, #tpu.memory_space<vmem>>, vector<1x256x32x16xf32>
    %get3A_4 = vector.shape_cast %get3A_3 : vector<1x256x32x16xf32> to vector<256x32x16xf32>
    %reshape3A = vector.shape_cast %get3A_4 : vector<256x32x16xf32> to vector<8192x16xf32>
    %get3A_5 = arith.constant 0 : index
    %get3A_6 = arith.constant 0 : index
    %get3A_7 = arith.constant 0 : index
    %get3A_8 = vector.load %arg3[%get3A_5, %get3A_6, %get3A_7] : memref<1x256x3xf32, #tpu.memory_space<vmem>>, vector<1x256x3xf32>
    %get3A_9 = vector.shape_cast %get3A_8 : vector<1x256x3xf32> to vector<256x3xf32>
    %get3A_10 = arith.constant 0 : index
    %get3A_11 = arith.constant 0 : index
    %get3A_12 = vector.load %arg4[%get3A_10, %get3A_11] : memref<32x16xf32, #tpu.memory_space<vmem>>, vector<32x16xf32>
    %dot_general3A = arith.constant dense<0.000000e+00> : vector<8192x32xf32>
    %dot_general3A_13 = tpu.matmul %reshape3A, %get3A_12, %dot_general3A {dimension_numbers = #tpu.dot_dimension_numbers<[1], [1], [0], [0], [0, 0, 1, 0], [], []>, transpose_lhs_hint = false} : vector<8192x16xf32>, vector<32x16xf32>, vector<8192x32xf32> -> vector<8192x32xf32>
    %get3A_14 = arith.constant 0 : index
    %get3A_15 = vector.load %arg5[%get3A_14] : memref<32xf32, #tpu.memory_space<vmem>>, vector<32xf32>
    %broadcast_in_dim3A = vector.shape_cast %get3A_15 : vector<32xf32> to vector<1x32xf32>
    %add3A = vector.broadcast %broadcast_in_dim3A : vector<1x32xf32> to vector<8192x32xf32>
    %add3A_16 = arith.addf %dot_general3A_13, %add3A : vector<8192x32xf32>
    %get3A_17 = arith.constant 0 : index
    %get3A_18 = arith.constant 0 : index
    %get3A_19 = vector.load %arg4[%get3A_17, %get3A_18] : memref<32x16xf32, #tpu.memory_space<vmem>>, vector<32x3xf32>
    %dot_general3A_20 = arith.constant dense<0.000000e+00> : vector<256x32xf32>
    %dot_general3A_21 = tpu.matmul %get3A_9, %get3A_19, %dot_general3A_20 {dimension_numbers = #tpu.dot_dimension_numbers<[1], [1], [0], [0], [0, 0, 1, 0], [], []>, transpose_lhs_hint = false} : vector<256x3xf32>, vector<32x3xf32>, vector<256x32xf32> -> vector<256x32xf32>
    %reshape3A_22 = vector.shape_cast %add3A_16 : vector<8192x32xf32> to vector<256x32x32xf32>
    %broadcast_in_dim3A_23 = vector.shape_cast %dot_general3A_21 : vector<256x32xf32> to vector<256x1x32xf32>
    %sub3A = vector.broadcast %broadcast_in_dim3A_23 : vector<256x1x32xf32> to vector<256x32x32xf32>
    %sub3A_24 = arith.subf %reshape3A_22, %sub3A : vector<256x32x32xf32>
    %reshape3A_25 = vector.shape_cast %sub3A_24 : vector<256x32x32xf32> to vector<8192x32xf32>
    %mul3A = arith.constant 0.999994993 : f32
    %mul3A_26 = vector.broadcast %mul3A : f32 to vector<8192x32xf32>
    %mul3A_27 = arith.mulf %reshape3A_25, %mul3A_26 : vector<8192x32xf32>
    %get3A_28 = arith.constant 0 : index
    %get3A_29 = vector.load %arg6[%get3A_28] : memref<32xf32, #tpu.memory_space<vmem>>, vector<32xf32>
    %broadcast_in_dim3A_30 = vector.shape_cast %get3A_29 : vector<32xf32> to vector<1x32xf32>
    %mul3A_31 = vector.broadcast %broadcast_in_dim3A_30 : vector<1x32xf32> to vector<8192x32xf32>
    %mul3A_32 = arith.mulf %mul3A_27, %mul3A_31 : vector<8192x32xf32>
    %get3A_33 = arith.constant 0 : index
    %get3A_34 = vector.load %arg7[%get3A_33] : memref<32xf32, #tpu.memory_space<vmem>>, vector<32xf32>
    %broadcast_in_dim3A_35 = vector.shape_cast %get3A_34 : vector<32xf32> to vector<1x32xf32>
    %add3A_36 = vector.broadcast %broadcast_in_dim3A_35 : vector<1x32xf32> to vector<8192x32xf32>
    %add3A_37 = arith.addf %mul3A_32, %add3A_36 : vector<8192x32xf32>
    %max3A = arith.constant 0.000000e+00 : f32
    %max3A_38 = vector.broadcast %max3A : f32 to vector<8192x32xf32>
    %max3A_39 = arith.maximumf %add3A_37, %max3A_38 : vector<8192x32xf32>
    %get3A_40 = arith.constant 0 : index
    %get3A_41 = arith.constant 0 : index
    %get3A_42 = vector.load %arg8[%get3A_40, %get3A_41] : memref<32x32xf32, #tpu.memory_space<vmem>>, vector<32x32xf32>
    %dot_general3A_43 = arith.constant dense<0.000000e+00> : vector<8192x32xf32>
    %dot_general3A_44 = tpu.matmul %max3A_39, %get3A_42, %dot_general3A_43 {dimension_numbers = #tpu.dot_dimension_numbers<[1], [1], [0], [0], [0, 0, 1, 0], [], []>, transpose_lhs_hint = false} : vector<8192x32xf32>, vector<32x32xf32>, vector<8192x32xf32> -> vector<8192x32xf32>
    %get3A_45 = arith.constant 0 : index
    %get3A_46 = vector.load %arg9[%get3A_45] : memref<32xf32, #tpu.memory_space<vmem>>, vector<32xf32>
    %broadcast_in_dim3A_47 = vector.shape_cast %get3A_46 : vector<32xf32> to vector<1x32xf32>
    %add3A_48 = vector.broadcast %broadcast_in_dim3A_47 : vector<1x32xf32> to vector<8192x32xf32>
    %add3A_49 = arith.addf %dot_general3A_44, %add3A_48 : vector<8192x32xf32>
    %mul3A_50 = arith.constant 0.999994993 : f32
    %mul3A_51 = vector.broadcast %mul3A_50 : f32 to vector<8192x32xf32>
    %mul3A_52 = arith.mulf %add3A_49, %mul3A_51 : vector<8192x32xf32>
    %get3A_53 = arith.constant 0 : index
    %get3A_54 = vector.load %arg10[%get3A_53] : memref<32xf32, #tpu.memory_space<vmem>>, vector<32xf32>
    %broadcast_in_dim3A_55 = vector.shape_cast %get3A_54 : vector<32xf32> to vector<1x32xf32>
    %mul3A_56 = vector.broadcast %broadcast_in_dim3A_55 : vector<1x32xf32> to vector<8192x32xf32>
    %mul3A_57 = arith.mulf %mul3A_52, %mul3A_56 : vector<8192x32xf32>
    %get3A_58 = arith.constant 0 : index
    %get3A_59 = vector.load %arg11[%get3A_58] : memref<32xf32, #tpu.memory_space<vmem>>, vector<32xf32>
    %broadcast_in_dim3A_60 = vector.shape_cast %get3A_59 : vector<32xf32> to vector<1x32xf32>
    %add3A_61 = vector.broadcast %broadcast_in_dim3A_60 : vector<1x32xf32> to vector<8192x32xf32>
    %add3A_62 = arith.addf %mul3A_57, %add3A_61 : vector<8192x32xf32>
    %max3A_63 = arith.constant 0.000000e+00 : f32
    %max3A_64 = vector.broadcast %max3A_63 : f32 to vector<8192x32xf32>
    %max3A_65 = arith.maximumf %add3A_62, %max3A_64 : vector<8192x32xf32>
    %get3A_66 = arith.constant 0 : index
    %get3A_67 = arith.constant 0 : index
    %get3A_68 = vector.load %arg12[%get3A_66, %get3A_67] : memref<64x32xf32, #tpu.memory_space<vmem>>, vector<64x32xf32>
    %dot_general3A_69 = arith.constant dense<0.000000e+00> : vector<8192x64xf32>
    %dot_general3A_70 = tpu.matmul %max3A_65, %get3A_68, %dot_general3A_69 {dimension_numbers = #tpu.dot_dimension_numbers<[1], [1], [0], [0], [0, 0, 1, 0], [], []>, transpose_lhs_hint = false} : vector<8192x32xf32>, vector<64x32xf32>, vector<8192x64xf32> -> vector<8192x64xf32>
    %get3A_71 = arith.constant 0 : index
    %get3A_72 = vector.load %arg13[%get3A_71] : memref<64xf32, #tpu.memory_space<vmem>>, vector<64xf32>
    %broadcast_in_dim3A_73 = vector.shape_cast %get3A_72 : vector<64xf32> to vector<1x64xf32>
    %add3A_74 = vector.broadcast %broadcast_in_dim3A_73 : vector<1x64xf32> to vector<8192x64xf32>
    %add3A_75 = arith.addf %dot_general3A_70, %add3A_74 : vector<8192x64xf32>
    %mul3A_76 = arith.constant 0.999994993 : f32
    %mul3A_77 = vector.broadcast %mul3A_76 : f32 to vector<8192x64xf32>
    %mul3A_78 = arith.mulf %add3A_75, %mul3A_77 : vector<8192x64xf32>
    %get3A_79 = arith.constant 0 : index
    %get3A_80 = vector.load %arg14[%get3A_79] : memref<64xf32, #tpu.memory_space<vmem>>, vector<64xf32>
    %broadcast_in_dim3A_81 = vector.shape_cast %get3A_80 : vector<64xf32> to vector<1x64xf32>
    %mul3A_82 = vector.broadcast %broadcast_in_dim3A_81 : vector<1x64xf32> to vector<8192x64xf32>
    %mul3A_83 = arith.mulf %mul3A_78, %mul3A_82 : vector<8192x64xf32>
    %get3A_84 = arith.constant 0 : index
    %get3A_85 = vector.load %arg15[%get3A_84] : memref<64xf32, #tpu.memory_space<vmem>>, vector<64xf32>
    %broadcast_in_dim3A_86 = vector.shape_cast %get3A_85 : vector<64xf32> to vector<1x64xf32>
    %add3A_87 = vector.broadcast %broadcast_in_dim3A_86 : vector<1x64xf32> to vector<8192x64xf32>
    %add3A_88 = arith.addf %mul3A_83, %add3A_87 : vector<8192x64xf32>
    %max3A_89 = arith.constant 0.000000e+00 : f32
    %max3A_90 = vector.broadcast %max3A_89 : f32 to vector<8192x64xf32>
    %max3A_91 = arith.maximumf %add3A_88, %max3A_90 : vector<8192x64xf32>
    %reshape3A_92 = vector.shape_cast %max3A_91 : vector<8192x64xf32> to vector<256x32x64xf32>
    %reduce_max3A = arith.constant dense<0xFF800000> : vector<256x64xf32>
    %reduce_max3A_93 = vector.multi_reduction <maximumf>, %reshape3A_92, %reduce_max3A [1] : vector<256x32x64xf32> to vector<256x64xf32>
    %swap3A = arith.constant 0 : index
    %swap3A_94 = arith.constant 0 : index
    %swap3A_95 = arith.constant 0 : index
    %swap3A_96 = vector.load %arg16[%swap3A, %swap3A_94, %swap3A_95] : memref<1x256x64xf32, #tpu.memory_space<vmem>>, vector<1x256x64xf32>
    %swap3A_97 = vector.shape_cast %swap3A_96 : vector<1x256x64xf32> to vector<256x64xf32>
    %swap3A_98 = vector.shape_cast %reduce_max3A_93 : vector<256x64xf32> to vector<1x256x64xf32>
    tpu.vector_store %arg16[%swap3A, %swap3A_94, %swap3A_95], %swap3A_98 {strides = array<i32>} : memref<1x256x64xf32, #tpu.memory_space<vmem>>, vector<1x256x64xf32>,
    return
  }
  func.func @transform_0(%arg0: i32, %arg1: i32) -> (i32, i32, i32, i32) {
    %c0_i32 = arith.constant 0 : i32
    %c0_i32_0 = arith.constant 0 : i32
    %c0_i32_1 = arith.constant 0 : i32
    return %arg0, %arg1, %c0_i32, %c0_i32_0 : i32, i32, i32, i32
  }
  func.func @transform_1(%arg0: i32, %arg1: i32) -> (i32, i32, i32) {
    %c0_i32 = arith.constant 0 : i32
    %c0_i32_0 = arith.constant 0 : i32
    return %arg0, %arg1, %c0_i32 : i32, i32, i32
  }
  func.func @transform_2(%arg0: i32, %arg1: i32) -> (i32, i32) {
    %c0_i32 = arith.constant 0 : i32
    %c0_i32_0 = arith.constant 0 : i32
    %c0_i32_1 = arith.constant 0 : i32
    return %c0_i32, %c0_i32_0 : i32, i32
  }
  func.func @transform_3(%arg0: i32, %arg1: i32) -> i32 {
    %c0_i32 = arith.constant 0 : i32
    %c0_i32_0 = arith.constant 0 : i32
    return %c0_i32 : i32
  }
  func.func @transform_4(%arg0: i32, %arg1: i32) -> i32 {
    %c0_i32 = arith.constant 0 : i32
    %c0_i32_0 = arith.constant 0 : i32
    return %c0_i32 : i32
  }
  func.func @transform_5(%arg0: i32, %arg1: i32) -> i32 {
    %c0_i32 = arith.constant 0 : i32
    %c0_i32_0 = arith.constant 0 : i32
    return %c0_i32 : i32
  }
  func.func @transform_6(%arg0: i32, %arg1: i32) -> (i32, i32) {
    %c0_i32 = arith.constant 0 : i32
    %c0_i32_0 = arith.constant 0 : i32
    %c0_i32_1 = arith.constant 0 : i32
    return %c0_i32, %c0_i32_0 : i32, i32
  }
  func.func @transform_7(%arg0: i32, %arg1: i32) -> i32 {
    %c0_i32 = arith.constant 0 : i32
    %c0_i32_0 = arith.constant 0 : i32
    return %c0_i32 : i32
  }
  func.func @transform_8(%arg0: i32, %arg1: i32) -> i32 {
    %c0_i32 = arith.constant 0 : i32
    %c0_i32_0 = arith.constant 0 : i32
    return %c0_i32 : i32
  }
  func.func @transform_9(%arg0: i32, %arg1: i32) -> i32 {
    %c0_i32 = arith.constant 0 : i32
    %c0_i32_0 = arith.constant 0 : i32
    return %c0_i32 : i32
  }
  func.func @transform_10(%arg0: i32, %arg1: i32) -> (i32, i32) {
    %c0_i32 = arith.constant 0 : i32
    %c0_i32_0 = arith.constant 0 : i32
    %c0_i32_1 = arith.constant 0 : i32
    return %c0_i32, %c0_i32_0 : i32, i32
  }
  func.func @transform_11(%arg0: i32, %arg1: i32) -> i32 {
    %c0_i32 = arith.constant 0 : i32
    %c0_i32_0 = arith.constant 0 : i32
    return %c0_i32 : i32
  }
  func.func @transform_12(%arg0: i32, %arg1: i32) -> i32 {
    %c0_i32 = arith.constant 0 : i32
    %c0_i32_0 = arith.constant 0 : i32
    return %c0_i32 : i32
  }
  func.func @transform_13(%arg0: i32, %arg1: i32) -> i32 {
    %c0_i32 = arith.constant 0 : i32
    %c0_i32_0 = arith.constant 0 : i32
    return %c0_i32 : i32
  }
  func.func @transform_14(%arg0: i32, %arg1: i32) -> (i32, i32, i32) {
    %c0_i32 = arith.constant 0 : i32
    %c0_i32_0 = arith.constant 0 : i32
    return %arg0, %arg1, %c0_i32 : i32, i32, i32
  }
}

module attributes {stable_mosaic.version = 14 : i64} {
  func.func @_fps_body(%arg0: i32, %arg1: memref<8x256xf32, #tpu.memory_space<vmem>>, %arg2: memref<8x256xf32, #tpu.memory_space<vmem>>, %arg3: memref<8x256xf32, #tpu.memory_space<vmem>>, %arg4: memref<64x8x3xf32, #tpu.memory_space<vmem>>, %arg5: memref<8x256xf32, #tpu.memory_space<vmem>>) attributes {dimension_semantics = [#tpu.dimension_semantics<arbitrary>], iteration_bounds = array<i64: 1>, scalar_prefetch = 0 : i64, scratch_operands = 1 : i64, tpu.core_type = #tpu.core_type<tc>, window_params = [{pipeline_mode = #tpu.pipeline_mode<synchronous>, transform_indices = @transform_0, window_bounds = array<i64: 8, 256>}, {pipeline_mode = #tpu.pipeline_mode<synchronous>, transform_indices = @transform_1, window_bounds = array<i64: 8, 256>}, {pipeline_mode = #tpu.pipeline_mode<synchronous>, transform_indices = @transform_2, window_bounds = array<i64: 8, 256>}, {pipeline_mode = #tpu.pipeline_mode<synchronous>, transform_indices = @transform_3, window_bounds = array<i64: 64, 8, 3>}]} {
    %get3A = arith.constant 0 : index
    %get3A_0 = arith.constant 0 : index
    %get3A_1 = vector.load %arg1[%get3A, %get3A_0] : memref<8x256xf32, #tpu.memory_space<vmem>>, vector<8x256xf32>
    %get3A_2 = arith.constant 0 : index
    %get3A_3 = arith.constant 0 : index
    %get3A_4 = vector.load %arg2[%get3A_2, %get3A_3] : memref<8x256xf32, #tpu.memory_space<vmem>>, vector<8x256xf32>
    %get3A_5 = arith.constant 0 : index
    %get3A_6 = arith.constant 0 : index
    %get3A_7 = vector.load %arg3[%get3A_5, %get3A_6] : memref<8x256xf32, #tpu.memory_space<vmem>>, vector<8x256xf32>
    %iota3A = tpu.iota {dimensions = array<i32: 1>} : vector<8x256xi32>
    %broadcast_in_dim3A = arith.constant 1.000000e+10 : f32
    %broadcast_in_dim3A_8 = vector.broadcast %broadcast_in_dim3A : f32 to vector<8x256xf32>
    %swap3A = arith.constant 0 : index
    %swap3A_9 = arith.constant 0 : index
    %swap3A_10 = vector.load %arg5[%swap3A, %swap3A_9] : memref<8x256xf32, #tpu.memory_space<vmem>>, vector<8x256xf32>
    tpu.vector_store %arg5[%swap3A, %swap3A_9], %broadcast_in_dim3A_8 {strides = array<i32>} : memref<8x256xf32, #tpu.memory_space<vmem>>, vector<8x256xf32>,
    %broadcast_in_dim3A_11 = arith.constant 0 : i32
    %broadcast_in_dim3A_12 = vector.broadcast %broadcast_in_dim3A_11 : i32 to vector<8x1xi32>
    %scan3A = arith.constant 0 : i32
    %scan3A_13 = arith.constant 64 : i32
    %scan3A_14 = arith.addi %scan3A, %scan3A_13 : i32
    %scan3A_15 = arith.constant 1 : i32
    %scan3A_16 = scf.for %scan3A_18 = %scan3A to %scan3A_14 step %scan3A_15 iter_args(%scan3A_19 = %broadcast_in_dim3A_12) -> (vector<8x1xi32>)  : i32 {
      %eq3A = vector.broadcast %scan3A_19 : vector<8x1xi32> to vector<8x256xi32>
      %eq3A_20 = arith.cmpi eq, %iota3A, %eq3A : vector<8x256xi32>
      %jit3A = arith.constant 0.000000e+00 : f32
      %broadcast_in_dim3A_21 = vector.broadcast %jit3A : f32 to vector<8x256xf32>
      %select_n3A = arith.select %eq3A_20, %get3A_1, %broadcast_in_dim3A_21 : vector<8x256xi1>, vector<8x256xf32>
      %reduce_sum3A = arith.constant dense<0.000000e+00> : vector<8xf32>
      %reduce_sum3A_22 = vector.multi_reduction <add>, %select_n3A, %reduce_sum3A [1] : vector<8x256xf32> to vector<8xf32>
      %broadcast_in_dim3A_23 = vector.shape_cast %reduce_sum3A_22 : vector<8xf32> to vector<8x1xf32>
      %jit3A_24 = arith.constant 0.000000e+00 : f32
      %broadcast_in_dim3A_25 = vector.broadcast %jit3A_24 : f32 to vector<8x256xf32>
      %select_n3A_26 = arith.select %eq3A_20, %get3A_4, %broadcast_in_dim3A_25 : vector<8x256xi1>, vector<8x256xf32>
      %reduce_sum3A_27 = arith.constant dense<0.000000e+00> : vector<8xf32>
      %reduce_sum3A_28 = vector.multi_reduction <add>, %select_n3A_26, %reduce_sum3A_27 [1] : vector<8x256xf32> to vector<8xf32>
      %broadcast_in_dim3A_29 = vector.shape_cast %reduce_sum3A_28 : vector<8xf32> to vector<8x1xf32>
      %jit3A_30 = arith.constant 0.000000e+00 : f32
      %broadcast_in_dim3A_31 = vector.broadcast %jit3A_30 : f32 to vector<8x256xf32>
      %select_n3A_32 = arith.select %eq3A_20, %get3A_7, %broadcast_in_dim3A_31 : vector<8x256xi1>, vector<8x256xf32>
      %reduce_sum3A_33 = arith.constant dense<0.000000e+00> : vector<8xf32>
      %reduce_sum3A_34 = vector.multi_reduction <add>, %select_n3A_32, %reduce_sum3A_33 [1] : vector<8x256xf32> to vector<8xf32>
      %broadcast_in_dim3A_35 = vector.shape_cast %reduce_sum3A_34 : vector<8xf32> to vector<8x1xf32>
      %concatenate3A = tpu.concatenate %broadcast_in_dim3A_23, %broadcast_in_dim3A_29, %broadcast_in_dim3A_35 in 1 : vector<8x1xf32>, vector<8x1xf32>, vector<8x1xf32> -> vector<8x3xf32>
      %swap3A_36 = arith.index_cast %scan3A_18 : i32 to index
      %swap3A_37 = arith.constant 0 : index
      %swap3A_38 = arith.constant 0 : index
      %swap3A_39 = vector.load %arg4[%swap3A_36, %swap3A_37, %swap3A_38] : memref<64x8x3xf32, #tpu.memory_space<vmem>>, vector<1x8x3xf32>
      %swap3A_40 = vector.shape_cast %swap3A_39 : vector<1x8x3xf32> to vector<8x3xf32>
      %swap3A_41 = vector.shape_cast %concatenate3A : vector<8x3xf32> to vector<1x8x3xf32>
      tpu.vector_store %arg4[%swap3A_36, %swap3A_37, %swap3A_38], %swap3A_41 {strides = array<i32>} : memref<64x8x3xf32, #tpu.memory_space<vmem>>, vector<1x8x3xf32>,
      %sub3A = vector.broadcast %broadcast_in_dim3A_23 : vector<8x1xf32> to vector<8x256xf32>
      %sub3A_42 = arith.subf %get3A_1, %sub3A : vector<8x256xf32>
      %sub3A_43 = vector.broadcast %broadcast_in_dim3A_29 : vector<8x1xf32> to vector<8x256xf32>
      %sub3A_44 = arith.subf %get3A_4, %sub3A_43 : vector<8x256xf32>
      %sub3A_45 = vector.broadcast %broadcast_in_dim3A_35 : vector<8x1xf32> to vector<8x256xf32>
      %sub3A_46 = arith.subf %get3A_7, %sub3A_45 : vector<8x256xf32>
      %mul3A = arith.mulf %sub3A_42, %sub3A_42 : vector<8x256xf32>
      %mul3A_47 = arith.mulf %sub3A_44, %sub3A_44 : vector<8x256xf32>
      %add3A = arith.addf %mul3A, %mul3A_47 : vector<8x256xf32>
      %mul3A_48 = arith.mulf %sub3A_46, %sub3A_46 : vector<8x256xf32>
      %add3A_49 = arith.addf %add3A, %mul3A_48 : vector<8x256xf32>
      %get3A_50 = arith.constant 0 : index
      %get3A_51 = arith.constant 0 : index
      %get3A_52 = vector.load %arg5[%get3A_50, %get3A_51] : memref<8x256xf32, #tpu.memory_space<vmem>>, vector<8x256xf32>
      %min3A = arith.minimumf %get3A_52, %add3A_49 : vector<8x256xf32>
      %swap3A_53 = arith.constant 0 : index
      %swap3A_54 = arith.constant 0 : index
      %swap3A_55 = vector.load %arg5[%swap3A_53, %swap3A_54] : memref<8x256xf32, #tpu.memory_space<vmem>>, vector<8x256xf32>
      tpu.vector_store %arg5[%swap3A_53, %swap3A_54], %min3A {strides = array<i32>} : memref<8x256xf32, #tpu.memory_space<vmem>>, vector<8x256xf32>,
      %reduce_max3A = arith.constant dense<0xFF800000> : vector<8xf32>
      %reduce_max3A_56 = vector.multi_reduction <maximumf>, %min3A, %reduce_max3A [1] : vector<8x256xf32> to vector<8xf32>
      %broadcast_in_dim3A_57 = vector.shape_cast %reduce_max3A_56 : vector<8xf32> to vector<8x1xf32>
      %eq3A_58 = vector.broadcast %broadcast_in_dim3A_57 : vector<8x1xf32> to vector<8x256xf32>
      %eq3A_59 = arith.cmpf oeq, %min3A, %eq3A_58 : vector<8x256xf32>
      %jit3A_60 = arith.constant 256 : i32
      %broadcast_in_dim3A_61 = vector.broadcast %jit3A_60 : i32 to vector<8x256xi32>
      %select_n3A_62 = arith.select %eq3A_59, %iota3A, %broadcast_in_dim3A_61 : vector<8x256xi1>, vector<8x256xi32>
      %reduce_min3A = arith.constant dense<2147483647> : vector<8xi32>
      %reduce_min3A_63 = vector.multi_reduction <minsi>, %select_n3A_62, %reduce_min3A [1] : vector<8x256xi32> to vector<8xi32>
      %broadcast_in_dim3A_64 = vector.shape_cast %reduce_min3A_63 : vector<8xi32> to vector<8x1xi32>
      scf.yield %broadcast_in_dim3A_64 : vector<8x1xi32>
    }
    %scan3A_17 = arith.constant 64 : i32
    return
  }
  func.func @transform_0(%arg0: i32) -> (i32, i32) {
    %c0_i32 = arith.constant 0 : i32
    %c0_i32_0 = arith.constant 0 : i32
    %c0_i32_1 = arith.constant 0 : i32
    return %c0_i32, %c0_i32_0 : i32, i32
  }
  func.func @transform_1(%arg0: i32) -> (i32, i32) {
    %c0_i32 = arith.constant 0 : i32
    %c0_i32_0 = arith.constant 0 : i32
    %c0_i32_1 = arith.constant 0 : i32
    return %c0_i32, %c0_i32_0 : i32, i32
  }
  func.func @transform_2(%arg0: i32) -> (i32, i32) {
    %c0_i32 = arith.constant 0 : i32
    %c0_i32_0 = arith.constant 0 : i32
    %c0_i32_1 = arith.constant 0 : i32
    return %c0_i32, %c0_i32_0 : i32, i32
  }
  func.func @transform_3(%arg0: i32) -> (i32, i32, i32) {
    %c0_i32 = arith.constant 0 : i32
    %c0_i32_0 = arith.constant 0 : i32
    %c0_i32_1 = arith.constant 0 : i32
    %c0_i32_2 = arith.constant 0 : i32
    return %c0_i32, %c0_i32_0, %c0_i32_1 : i32, i32, i32
  }
}

module attributes {stable_mosaic.version = 14 : i64} {
  func.func @_bq_body(%arg0: i32, %arg1: i32, %arg2: memref<1x64x3xf32, #tpu.memory_space<vmem>>, %arg3: memref<1x3x256xf32, #tpu.memory_space<vmem>>, %arg4: memref<1x64x32xi32, #tpu.memory_space<vmem>>) attributes {dimension_semantics = [#tpu.dimension_semantics<arbitrary>, #tpu.dimension_semantics<arbitrary>], iteration_bounds = array<i64: 8, 1>, scalar_prefetch = 0 : i64, scratch_operands = 0 : i64, tpu.core_type = #tpu.core_type<tc>, window_params = [{transform_indices = @transform_0, window_bounds = array<i64: 1, 64, 3>}, {transform_indices = @transform_1, window_bounds = array<i64: 1, 3, 256>}, {transform_indices = @transform_2, window_bounds = array<i64: 1, 64, 32>}]} {
    %get3A = arith.constant 0 : index
    %get3A_0 = arith.constant 0 : index
    %get3A_1 = arith.constant 0 : index
    %get3A_2 = vector.load %arg2[%get3A, %get3A_0, %get3A_1] : memref<1x64x3xf32, #tpu.memory_space<vmem>>, vector<1x64x3xf32>
    %get3A_3 = vector.shape_cast %get3A_2 : vector<1x64x3xf32> to vector<64x3xf32>
    %get3A_4 = arith.constant 0 : index
    %get3A_5 = arith.constant 0 : index
    %get3A_6 = arith.constant 0 : index
    %get3A_7 = vector.load %arg3[%get3A_4, %get3A_5, %get3A_6] : memref<1x3x256xf32, #tpu.memory_space<vmem>>, vector<1x3x256xf32>
    %get3A_8 = vector.shape_cast %get3A_7 : vector<1x3x256xf32> to vector<3x256xf32>
    %mul3A = arith.mulf %get3A_3, %get3A_3 : vector<64x3xf32>
    %reduce_sum3A = arith.constant dense<0.000000e+00> : vector<64xf32>
    %reduce_sum3A_9 = vector.multi_reduction <add>, %mul3A, %reduce_sum3A [1] : vector<64x3xf32> to vector<64xf32>
    %broadcast_in_dim3A = vector.shape_cast %reduce_sum3A_9 : vector<64xf32> to vector<64x1xf32>
    %mul3A_10 = arith.mulf %get3A_8, %get3A_8 : vector<3x256xf32>
    %reduce_sum3A_11 = arith.constant dense<0.000000e+00> : vector<256xf32>
    %reduce_sum3A_12 = vector.multi_reduction <add>, %mul3A_10, %reduce_sum3A_11 [0] : vector<3x256xf32> to vector<256xf32>
    %broadcast_in_dim3A_13 = vector.shape_cast %reduce_sum3A_12 : vector<256xf32> to vector<1x256xf32>
    %dot_general3A = arith.constant dense<0.000000e+00> : vector<64x256xf32>
    %dot_general3A_14 = tpu.matmul %get3A_3, %get3A_8, %dot_general3A {dimension_numbers = #tpu.dot_dimension_numbers<[1], [0], [0], [1], [0, 0, 1, 1], [], []>, transpose_lhs_hint = false} : vector<64x3xf32>, vector<3x256xf32>, vector<64x256xf32> -> vector<64x256xf32>
    %add3A = vector.broadcast %broadcast_in_dim3A : vector<64x1xf32> to vector<64x256xf32>
    %add3A_15 = vector.broadcast %broadcast_in_dim3A_13 : vector<1x256xf32> to vector<64x256xf32>
    %add3A_16 = arith.addf %add3A, %add3A_15 : vector<64x256xf32>
    %mul3A_17 = arith.constant 2.000000e+00 : f32
    %mul3A_18 = vector.broadcast %mul3A_17 : f32 to vector<64x256xf32>
    %mul3A_19 = arith.mulf %mul3A_18, %dot_general3A_14 : vector<64x256xf32>
    %sub3A = arith.subf %add3A_16, %mul3A_19 : vector<64x256xf32>
    %iota3A = tpu.iota {dimensions = array<i32: 1>} : vector<64x256xi32>
    %gt3A = arith.constant 1.600000e-01 : f32
    %gt3A_20 = vector.broadcast %gt3A : f32 to vector<64x256xf32>
    %gt3A_21 = arith.cmpf ogt, %sub3A, %gt3A_20 : vector<64x256xf32>
    %jit3A = arith.constant 256 : i32
    %broadcast_in_dim3A_22 = vector.broadcast %jit3A : i32 to vector<64x256xi32>
    %select_n3A = arith.select %gt3A_21, %broadcast_in_dim3A_22, %iota3A : vector<64x256xi1>, vector<64x256xi32>
    %reduce_min3A = arith.constant dense<2147483647> : vector<64xi32>
    %reduce_min3A_23 = vector.multi_reduction <minsi>, %select_n3A, %reduce_min3A [1] : vector<64x256xi32> to vector<64xi32>
    %broadcast_in_dim3A_24 = vector.shape_cast %reduce_min3A_23 : vector<64xi32> to vector<64x1xi32>
    %eq3A = vector.broadcast %broadcast_in_dim3A_24 : vector<64x1xi32> to vector<64x256xi32>
    %eq3A_25 = arith.cmpi eq, %select_n3A, %eq3A : vector<64x256xi32>
    %jit3A_26 = arith.constant 256 : i32
    %broadcast_in_dim3A_27 = vector.broadcast %jit3A_26 : i32 to vector<64x256xi32>
    %select_n3A_28 = arith.select %eq3A_25, %broadcast_in_dim3A_27, %select_n3A : vector<64x256xi1>, vector<64x256xi32>
    %reduce_min3A_29 = arith.constant dense<2147483647> : vector<64xi32>
    %reduce_min3A_30 = vector.multi_reduction <minsi>, %select_n3A_28, %reduce_min3A_29 [1] : vector<64x256xi32> to vector<64xi32>
    %broadcast_in_dim3A_31 = vector.shape_cast %reduce_min3A_30 : vector<64xi32> to vector<64x1xi32>
    %eq3A_32 = vector.broadcast %broadcast_in_dim3A_31 : vector<64x1xi32> to vector<64x256xi32>
    %eq3A_33 = arith.cmpi eq, %select_n3A_28, %eq3A_32 : vector<64x256xi32>
    %jit3A_34 = arith.constant 256 : i32
    %broadcast_in_dim3A_35 = vector.broadcast %jit3A_34 : i32 to vector<64x256xi32>
    %select_n3A_36 = arith.select %eq3A_33, %broadcast_in_dim3A_35, %select_n3A_28 : vector<64x256xi1>, vector<64x256xi32>
    %reduce_min3A_37 = arith.constant dense<2147483647> : vector<64xi32>
    %reduce_min3A_38 = vector.multi_reduction <minsi>, %select_n3A_36, %reduce_min3A_37 [1] : vector<64x256xi32> to vector<64xi32>
    %broadcast_in_dim3A_39 = vector.shape_cast %reduce_min3A_38 : vector<64xi32> to vector<64x1xi32>
    %eq3A_40 = vector.broadcast %broadcast_in_dim3A_39 : vector<64x1xi32> to vector<64x256xi32>
    %eq3A_41 = arith.cmpi eq, %select_n3A_36, %eq3A_40 : vector<64x256xi32>
    %jit3A_42 = arith.constant 256 : i32
    %broadcast_in_dim3A_43 = vector.broadcast %jit3A_42 : i32 to vector<64x256xi32>
    %select_n3A_44 = arith.select %eq3A_41, %broadcast_in_dim3A_43, %select_n3A_36 : vector<64x256xi1>, vector<64x256xi32>
    %reduce_min3A_45 = arith.constant dense<2147483647> : vector<64xi32>
    %reduce_min3A_46 = vector.multi_reduction <minsi>, %select_n3A_44, %reduce_min3A_45 [1] : vector<64x256xi32> to vector<64xi32>
    %broadcast_in_dim3A_47 = vector.shape_cast %reduce_min3A_46 : vector<64xi32> to vector<64x1xi32>
    %eq3A_48 = vector.broadcast %broadcast_in_dim3A_47 : vector<64x1xi32> to vector<64x256xi32>
    %eq3A_49 = arith.cmpi eq, %select_n3A_44, %eq3A_48 : vector<64x256xi32>
    %jit3A_50 = arith.constant 256 : i32
    %broadcast_in_dim3A_51 = vector.broadcast %jit3A_50 : i32 to vector<64x256xi32>
    %select_n3A_52 = arith.select %eq3A_49, %broadcast_in_dim3A_51, %select_n3A_44 : vector<64x256xi1>, vector<64x256xi32>
    %reduce_min3A_53 = arith.constant dense<2147483647> : vector<64xi32>
    %reduce_min3A_54 = vector.multi_reduction <minsi>, %select_n3A_52, %reduce_min3A_53 [1] : vector<64x256xi32> to vector<64xi32>
    %broadcast_in_dim3A_55 = vector.shape_cast %reduce_min3A_54 : vector<64xi32> to vector<64x1xi32>
    %eq3A_56 = vector.broadcast %broadcast_in_dim3A_55 : vector<64x1xi32> to vector<64x256xi32>
    %eq3A_57 = arith.cmpi eq, %select_n3A_52, %eq3A_56 : vector<64x256xi32>
    %jit3A_58 = arith.constant 256 : i32
    %broadcast_in_dim3A_59 = vector.broadcast %jit3A_58 : i32 to vector<64x256xi32>
    %select_n3A_60 = arith.select %eq3A_57, %broadcast_in_dim3A_59, %select_n3A_52 : vector<64x256xi1>, vector<64x256xi32>
    %reduce_min3A_61 = arith.constant dense<2147483647> : vector<64xi32>
    %reduce_min3A_62 = vector.multi_reduction <minsi>, %select_n3A_60, %reduce_min3A_61 [1] : vector<64x256xi32> to vector<64xi32>
    %broadcast_in_dim3A_63 = vector.shape_cast %reduce_min3A_62 : vector<64xi32> to vector<64x1xi32>
    %eq3A_64 = vector.broadcast %broadcast_in_dim3A_63 : vector<64x1xi32> to vector<64x256xi32>
    %eq3A_65 = arith.cmpi eq, %select_n3A_60, %eq3A_64 : vector<64x256xi32>
    %jit3A_66 = arith.constant 256 : i32
    %broadcast_in_dim3A_67 = vector.broadcast %jit3A_66 : i32 to vector<64x256xi32>
    %select_n3A_68 = arith.select %eq3A_65, %broadcast_in_dim3A_67, %select_n3A_60 : vector<64x256xi1>, vector<64x256xi32>
    %reduce_min3A_69 = arith.constant dense<2147483647> : vector<64xi32>
    %reduce_min3A_70 = vector.multi_reduction <minsi>, %select_n3A_68, %reduce_min3A_69 [1] : vector<64x256xi32> to vector<64xi32>
    %broadcast_in_dim3A_71 = vector.shape_cast %reduce_min3A_70 : vector<64xi32> to vector<64x1xi32>
    %eq3A_72 = vector.broadcast %broadcast_in_dim3A_71 : vector<64x1xi32> to vector<64x256xi32>
    %eq3A_73 = arith.cmpi eq, %select_n3A_68, %eq3A_72 : vector<64x256xi32>
    %jit3A_74 = arith.constant 256 : i32
    %broadcast_in_dim3A_75 = vector.broadcast %jit3A_74 : i32 to vector<64x256xi32>
    %select_n3A_76 = arith.select %eq3A_73, %broadcast_in_dim3A_75, %select_n3A_68 : vector<64x256xi1>, vector<64x256xi32>
    %reduce_min3A_77 = arith.constant dense<2147483647> : vector<64xi32>
    %reduce_min3A_78 = vector.multi_reduction <minsi>, %select_n3A_76, %reduce_min3A_77 [1] : vector<64x256xi32> to vector<64xi32>
    %broadcast_in_dim3A_79 = vector.shape_cast %reduce_min3A_78 : vector<64xi32> to vector<64x1xi32>
    %eq3A_80 = vector.broadcast %broadcast_in_dim3A_79 : vector<64x1xi32> to vector<64x256xi32>
    %eq3A_81 = arith.cmpi eq, %select_n3A_76, %eq3A_80 : vector<64x256xi32>
    %jit3A_82 = arith.constant 256 : i32
    %broadcast_in_dim3A_83 = vector.broadcast %jit3A_82 : i32 to vector<64x256xi32>
    %select_n3A_84 = arith.select %eq3A_81, %broadcast_in_dim3A_83, %select_n3A_76 : vector<64x256xi1>, vector<64x256xi32>
    %reduce_min3A_85 = arith.constant dense<2147483647> : vector<64xi32>
    %reduce_min3A_86 = vector.multi_reduction <minsi>, %select_n3A_84, %reduce_min3A_85 [1] : vector<64x256xi32> to vector<64xi32>
    %broadcast_in_dim3A_87 = vector.shape_cast %reduce_min3A_86 : vector<64xi32> to vector<64x1xi32>
    %eq3A_88 = vector.broadcast %broadcast_in_dim3A_87 : vector<64x1xi32> to vector<64x256xi32>
    %eq3A_89 = arith.cmpi eq, %select_n3A_84, %eq3A_88 : vector<64x256xi32>
    %jit3A_90 = arith.constant 256 : i32
    %broadcast_in_dim3A_91 = vector.broadcast %jit3A_90 : i32 to vector<64x256xi32>
    %select_n3A_92 = arith.select %eq3A_89, %broadcast_in_dim3A_91, %select_n3A_84 : vector<64x256xi1>, vector<64x256xi32>
    %reduce_min3A_93 = arith.constant dense<2147483647> : vector<64xi32>
    %reduce_min3A_94 = vector.multi_reduction <minsi>, %select_n3A_92, %reduce_min3A_93 [1] : vector<64x256xi32> to vector<64xi32>
    %broadcast_in_dim3A_95 = vector.shape_cast %reduce_min3A_94 : vector<64xi32> to vector<64x1xi32>
    %eq3A_96 = vector.broadcast %broadcast_in_dim3A_95 : vector<64x1xi32> to vector<64x256xi32>
    %eq3A_97 = arith.cmpi eq, %select_n3A_92, %eq3A_96 : vector<64x256xi32>
    %jit3A_98 = arith.constant 256 : i32
    %broadcast_in_dim3A_99 = vector.broadcast %jit3A_98 : i32 to vector<64x256xi32>
    %select_n3A_100 = arith.select %eq3A_97, %broadcast_in_dim3A_99, %select_n3A_92 : vector<64x256xi1>, vector<64x256xi32>
    %reduce_min3A_101 = arith.constant dense<2147483647> : vector<64xi32>
    %reduce_min3A_102 = vector.multi_reduction <minsi>, %select_n3A_100, %reduce_min3A_101 [1] : vector<64x256xi32> to vector<64xi32>
    %broadcast_in_dim3A_103 = vector.shape_cast %reduce_min3A_102 : vector<64xi32> to vector<64x1xi32>
    %eq3A_104 = vector.broadcast %broadcast_in_dim3A_103 : vector<64x1xi32> to vector<64x256xi32>
    %eq3A_105 = arith.cmpi eq, %select_n3A_100, %eq3A_104 : vector<64x256xi32>
    %jit3A_106 = arith.constant 256 : i32
    %broadcast_in_dim3A_107 = vector.broadcast %jit3A_106 : i32 to vector<64x256xi32>
    %select_n3A_108 = arith.select %eq3A_105, %broadcast_in_dim3A_107, %select_n3A_100 : vector<64x256xi1>, vector<64x256xi32>
    %reduce_min3A_109 = arith.constant dense<2147483647> : vector<64xi32>
    %reduce_min3A_110 = vector.multi_reduction <minsi>, %select_n3A_108, %reduce_min3A_109 [1] : vector<64x256xi32> to vector<64xi32>
    %broadcast_in_dim3A_111 = vector.shape_cast %reduce_min3A_110 : vector<64xi32> to vector<64x1xi32>
    %eq3A_112 = vector.broadcast %broadcast_in_dim3A_111 : vector<64x1xi32> to vector<64x256xi32>
    %eq3A_113 = arith.cmpi eq, %select_n3A_108, %eq3A_112 : vector<64x256xi32>
    %jit3A_114 = arith.constant 256 : i32
    %broadcast_in_dim3A_115 = vector.broadcast %jit3A_114 : i32 to vector<64x256xi32>
    %select_n3A_116 = arith.select %eq3A_113, %broadcast_in_dim3A_115, %select_n3A_108 : vector<64x256xi1>, vector<64x256xi32>
    %reduce_min3A_117 = arith.constant dense<2147483647> : vector<64xi32>
    %reduce_min3A_118 = vector.multi_reduction <minsi>, %select_n3A_116, %reduce_min3A_117 [1] : vector<64x256xi32> to vector<64xi32>
    %broadcast_in_dim3A_119 = vector.shape_cast %reduce_min3A_118 : vector<64xi32> to vector<64x1xi32>
    %eq3A_120 = vector.broadcast %broadcast_in_dim3A_119 : vector<64x1xi32> to vector<64x256xi32>
    %eq3A_121 = arith.cmpi eq, %select_n3A_116, %eq3A_120 : vector<64x256xi32>
    %jit3A_122 = arith.constant 256 : i32
    %broadcast_in_dim3A_123 = vector.broadcast %jit3A_122 : i32 to vector<64x256xi32>
    %select_n3A_124 = arith.select %eq3A_121, %broadcast_in_dim3A_123, %select_n3A_116 : vector<64x256xi1>, vector<64x256xi32>
    %reduce_min3A_125 = arith.constant dense<2147483647> : vector<64xi32>
    %reduce_min3A_126 = vector.multi_reduction <minsi>, %select_n3A_124, %reduce_min3A_125 [1] : vector<64x256xi32> to vector<64xi32>
    %broadcast_in_dim3A_127 = vector.shape_cast %reduce_min3A_126 : vector<64xi32> to vector<64x1xi32>
    %eq3A_128 = vector.broadcast %broadcast_in_dim3A_127 : vector<64x1xi32> to vector<64x256xi32>
    %eq3A_129 = arith.cmpi eq, %select_n3A_124, %eq3A_128 : vector<64x256xi32>
    %jit3A_130 = arith.constant 256 : i32
    %broadcast_in_dim3A_131 = vector.broadcast %jit3A_130 : i32 to vector<64x256xi32>
    %select_n3A_132 = arith.select %eq3A_129, %broadcast_in_dim3A_131, %select_n3A_124 : vector<64x256xi1>, vector<64x256xi32>
    %reduce_min3A_133 = arith.constant dense<2147483647> : vector<64xi32>
    %reduce_min3A_134 = vector.multi_reduction <minsi>, %select_n3A_132, %reduce_min3A_133 [1] : vector<64x256xi32> to vector<64xi32>
    %broadcast_in_dim3A_135 = vector.shape_cast %reduce_min3A_134 : vector<64xi32> to vector<64x1xi32>
    %eq3A_136 = vector.broadcast %broadcast_in_dim3A_135 : vector<64x1xi32> to vector<64x256xi32>
    %eq3A_137 = arith.cmpi eq, %select_n3A_132, %eq3A_136 : vector<64x256xi32>
    %jit3A_138 = arith.constant 256 : i32
    %broadcast_in_dim3A_139 = vector.broadcast %jit3A_138 : i32 to vector<64x256xi32>
    %select_n3A_140 = arith.select %eq3A_137, %broadcast_in_dim3A_139, %select_n3A_132 : vector<64x256xi1>, vector<64x256xi32>
    %reduce_min3A_141 = arith.constant dense<2147483647> : vector<64xi32>
    %reduce_min3A_142 = vector.multi_reduction <minsi>, %select_n3A_140, %reduce_min3A_141 [1] : vector<64x256xi32> to vector<64xi32>
    %broadcast_in_dim3A_143 = vector.shape_cast %reduce_min3A_142 : vector<64xi32> to vector<64x1xi32>
    %eq3A_144 = vector.broadcast %broadcast_in_dim3A_143 : vector<64x1xi32> to vector<64x256xi32>
    %eq3A_145 = arith.cmpi eq, %select_n3A_140, %eq3A_144 : vector<64x256xi32>
    %jit3A_146 = arith.constant 256 : i32
    %broadcast_in_dim3A_147 = vector.broadcast %jit3A_146 : i32 to vector<64x256xi32>
    %select_n3A_148 = arith.select %eq3A_145, %broadcast_in_dim3A_147, %select_n3A_140 : vector<64x256xi1>, vector<64x256xi32>
    %reduce_min3A_149 = arith.constant dense<2147483647> : vector<64xi32>
    %reduce_min3A_150 = vector.multi_reduction <minsi>, %select_n3A_148, %reduce_min3A_149 [1] : vector<64x256xi32> to vector<64xi32>
    %broadcast_in_dim3A_151 = vector.shape_cast %reduce_min3A_150 : vector<64xi32> to vector<64x1xi32>
    %eq3A_152 = vector.broadcast %broadcast_in_dim3A_151 : vector<64x1xi32> to vector<64x256xi32>
    %eq3A_153 = arith.cmpi eq, %select_n3A_148, %eq3A_152 : vector<64x256xi32>
    %jit3A_154 = arith.constant 256 : i32
    %broadcast_in_dim3A_155 = vector.broadcast %jit3A_154 : i32 to vector<64x256xi32>
    %select_n3A_156 = arith.select %eq3A_153, %broadcast_in_dim3A_155, %select_n3A_148 : vector<64x256xi1>, vector<64x256xi32>
    %reduce_min3A_157 = arith.constant dense<2147483647> : vector<64xi32>
    %reduce_min3A_158 = vector.multi_reduction <minsi>, %select_n3A_156, %reduce_min3A_157 [1] : vector<64x256xi32> to vector<64xi32>
    %broadcast_in_dim3A_159 = vector.shape_cast %reduce_min3A_158 : vector<64xi32> to vector<64x1xi32>
    %eq3A_160 = vector.broadcast %broadcast_in_dim3A_159 : vector<64x1xi32> to vector<64x256xi32>
    %eq3A_161 = arith.cmpi eq, %select_n3A_156, %eq3A_160 : vector<64x256xi32>
    %jit3A_162 = arith.constant 256 : i32
    %broadcast_in_dim3A_163 = vector.broadcast %jit3A_162 : i32 to vector<64x256xi32>
    %select_n3A_164 = arith.select %eq3A_161, %broadcast_in_dim3A_163, %select_n3A_156 : vector<64x256xi1>, vector<64x256xi32>
    %reduce_min3A_165 = arith.constant dense<2147483647> : vector<64xi32>
    %reduce_min3A_166 = vector.multi_reduction <minsi>, %select_n3A_164, %reduce_min3A_165 [1] : vector<64x256xi32> to vector<64xi32>
    %broadcast_in_dim3A_167 = vector.shape_cast %reduce_min3A_166 : vector<64xi32> to vector<64x1xi32>
    %eq3A_168 = vector.broadcast %broadcast_in_dim3A_167 : vector<64x1xi32> to vector<64x256xi32>
    %eq3A_169 = arith.cmpi eq, %select_n3A_164, %eq3A_168 : vector<64x256xi32>
    %jit3A_170 = arith.constant 256 : i32
    %broadcast_in_dim3A_171 = vector.broadcast %jit3A_170 : i32 to vector<64x256xi32>
    %select_n3A_172 = arith.select %eq3A_169, %broadcast_in_dim3A_171, %select_n3A_164 : vector<64x256xi1>, vector<64x256xi32>
    %reduce_min3A_173 = arith.constant dense<2147483647> : vector<64xi32>
    %reduce_min3A_174 = vector.multi_reduction <minsi>, %select_n3A_172, %reduce_min3A_173 [1] : vector<64x256xi32> to vector<64xi32>
    %broadcast_in_dim3A_175 = vector.shape_cast %reduce_min3A_174 : vector<64xi32> to vector<64x1xi32>
    %eq3A_176 = vector.broadcast %broadcast_in_dim3A_175 : vector<64x1xi32> to vector<64x256xi32>
    %eq3A_177 = arith.cmpi eq, %select_n3A_172, %eq3A_176 : vector<64x256xi32>
    %jit3A_178 = arith.constant 256 : i32
    %broadcast_in_dim3A_179 = vector.broadcast %jit3A_178 : i32 to vector<64x256xi32>
    %select_n3A_180 = arith.select %eq3A_177, %broadcast_in_dim3A_179, %select_n3A_172 : vector<64x256xi1>, vector<64x256xi32>
    %reduce_min3A_181 = arith.constant dense<2147483647> : vector<64xi32>
    %reduce_min3A_182 = vector.multi_reduction <minsi>, %select_n3A_180, %reduce_min3A_181 [1] : vector<64x256xi32> to vector<64xi32>
    %broadcast_in_dim3A_183 = vector.shape_cast %reduce_min3A_182 : vector<64xi32> to vector<64x1xi32>
    %eq3A_184 = vector.broadcast %broadcast_in_dim3A_183 : vector<64x1xi32> to vector<64x256xi32>
    %eq3A_185 = arith.cmpi eq, %select_n3A_180, %eq3A_184 : vector<64x256xi32>
    %jit3A_186 = arith.constant 256 : i32
    %broadcast_in_dim3A_187 = vector.broadcast %jit3A_186 : i32 to vector<64x256xi32>
    %select_n3A_188 = arith.select %eq3A_185, %broadcast_in_dim3A_187, %select_n3A_180 : vector<64x256xi1>, vector<64x256xi32>
    %reduce_min3A_189 = arith.constant dense<2147483647> : vector<64xi32>
    %reduce_min3A_190 = vector.multi_reduction <minsi>, %select_n3A_188, %reduce_min3A_189 [1] : vector<64x256xi32> to vector<64xi32>
    %broadcast_in_dim3A_191 = vector.shape_cast %reduce_min3A_190 : vector<64xi32> to vector<64x1xi32>
    %eq3A_192 = vector.broadcast %broadcast_in_dim3A_191 : vector<64x1xi32> to vector<64x256xi32>
    %eq3A_193 = arith.cmpi eq, %select_n3A_188, %eq3A_192 : vector<64x256xi32>
    %jit3A_194 = arith.constant 256 : i32
    %broadcast_in_dim3A_195 = vector.broadcast %jit3A_194 : i32 to vector<64x256xi32>
    %select_n3A_196 = arith.select %eq3A_193, %broadcast_in_dim3A_195, %select_n3A_188 : vector<64x256xi1>, vector<64x256xi32>
    %reduce_min3A_197 = arith.constant dense<2147483647> : vector<64xi32>
    %reduce_min3A_198 = vector.multi_reduction <minsi>, %select_n3A_196, %reduce_min3A_197 [1] : vector<64x256xi32> to vector<64xi32>
    %broadcast_in_dim3A_199 = vector.shape_cast %reduce_min3A_198 : vector<64xi32> to vector<64x1xi32>
    %eq3A_200 = vector.broadcast %broadcast_in_dim3A_199 : vector<64x1xi32> to vector<64x256xi32>
    %eq3A_201 = arith.cmpi eq, %select_n3A_196, %eq3A_200 : vector<64x256xi32>
    %jit3A_202 = arith.constant 256 : i32
    %broadcast_in_dim3A_203 = vector.broadcast %jit3A_202 : i32 to vector<64x256xi32>
    %select_n3A_204 = arith.select %eq3A_201, %broadcast_in_dim3A_203, %select_n3A_196 : vector<64x256xi1>, vector<64x256xi32>
    %reduce_min3A_205 = arith.constant dense<2147483647> : vector<64xi32>
    %reduce_min3A_206 = vector.multi_reduction <minsi>, %select_n3A_204, %reduce_min3A_205 [1] : vector<64x256xi32> to vector<64xi32>
    %broadcast_in_dim3A_207 = vector.shape_cast %reduce_min3A_206 : vector<64xi32> to vector<64x1xi32>
    %eq3A_208 = vector.broadcast %broadcast_in_dim3A_207 : vector<64x1xi32> to vector<64x256xi32>
    %eq3A_209 = arith.cmpi eq, %select_n3A_204, %eq3A_208 : vector<64x256xi32>
    %jit3A_210 = arith.constant 256 : i32
    %broadcast_in_dim3A_211 = vector.broadcast %jit3A_210 : i32 to vector<64x256xi32>
    %select_n3A_212 = arith.select %eq3A_209, %broadcast_in_dim3A_211, %select_n3A_204 : vector<64x256xi1>, vector<64x256xi32>
    %reduce_min3A_213 = arith.constant dense<2147483647> : vector<64xi32>
    %reduce_min3A_214 = vector.multi_reduction <minsi>, %select_n3A_212, %reduce_min3A_213 [1] : vector<64x256xi32> to vector<64xi32>
    %broadcast_in_dim3A_215 = vector.shape_cast %reduce_min3A_214 : vector<64xi32> to vector<64x1xi32>
    %eq3A_216 = vector.broadcast %broadcast_in_dim3A_215 : vector<64x1xi32> to vector<64x256xi32>
    %eq3A_217 = arith.cmpi eq, %select_n3A_212, %eq3A_216 : vector<64x256xi32>
    %jit3A_218 = arith.constant 256 : i32
    %broadcast_in_dim3A_219 = vector.broadcast %jit3A_218 : i32 to vector<64x256xi32>
    %select_n3A_220 = arith.select %eq3A_217, %broadcast_in_dim3A_219, %select_n3A_212 : vector<64x256xi1>, vector<64x256xi32>
    %reduce_min3A_221 = arith.constant dense<2147483647> : vector<64xi32>
    %reduce_min3A_222 = vector.multi_reduction <minsi>, %select_n3A_220, %reduce_min3A_221 [1] : vector<64x256xi32> to vector<64xi32>
    %broadcast_in_dim3A_223 = vector.shape_cast %reduce_min3A_222 : vector<64xi32> to vector<64x1xi32>
    %eq3A_224 = vector.broadcast %broadcast_in_dim3A_223 : vector<64x1xi32> to vector<64x256xi32>
    %eq3A_225 = arith.cmpi eq, %select_n3A_220, %eq3A_224 : vector<64x256xi32>
    %jit3A_226 = arith.constant 256 : i32
    %broadcast_in_dim3A_227 = vector.broadcast %jit3A_226 : i32 to vector<64x256xi32>
    %select_n3A_228 = arith.select %eq3A_225, %broadcast_in_dim3A_227, %select_n3A_220 : vector<64x256xi1>, vector<64x256xi32>
    %reduce_min3A_229 = arith.constant dense<2147483647> : vector<64xi32>
    %reduce_min3A_230 = vector.multi_reduction <minsi>, %select_n3A_228, %reduce_min3A_229 [1] : vector<64x256xi32> to vector<64xi32>
    %broadcast_in_dim3A_231 = vector.shape_cast %reduce_min3A_230 : vector<64xi32> to vector<64x1xi32>
    %eq3A_232 = vector.broadcast %broadcast_in_dim3A_231 : vector<64x1xi32> to vector<64x256xi32>
    %eq3A_233 = arith.cmpi eq, %select_n3A_228, %eq3A_232 : vector<64x256xi32>
    %jit3A_234 = arith.constant 256 : i32
    %broadcast_in_dim3A_235 = vector.broadcast %jit3A_234 : i32 to vector<64x256xi32>
    %select_n3A_236 = arith.select %eq3A_233, %broadcast_in_dim3A_235, %select_n3A_228 : vector<64x256xi1>, vector<64x256xi32>
    %reduce_min3A_237 = arith.constant dense<2147483647> : vector<64xi32>
    %reduce_min3A_238 = vector.multi_reduction <minsi>, %select_n3A_236, %reduce_min3A_237 [1] : vector<64x256xi32> to vector<64xi32>
    %broadcast_in_dim3A_239 = vector.shape_cast %reduce_min3A_238 : vector<64xi32> to vector<64x1xi32>
    %eq3A_240 = vector.broadcast %broadcast_in_dim3A_239 : vector<64x1xi32> to vector<64x256xi32>
    %eq3A_241 = arith.cmpi eq, %select_n3A_236, %eq3A_240 : vector<64x256xi32>
    %jit3A_242 = arith.constant 256 : i32
    %broadcast_in_dim3A_243 = vector.broadcast %jit3A_242 : i32 to vector<64x256xi32>
    %select_n3A_244 = arith.select %eq3A_241, %broadcast_in_dim3A_243, %select_n3A_236 : vector<64x256xi1>, vector<64x256xi32>
    %reduce_min3A_245 = arith.constant dense<2147483647> : vector<64xi32>
    %reduce_min3A_246 = vector.multi_reduction <minsi>, %select_n3A_244, %reduce_min3A_245 [1] : vector<64x256xi32> to vector<64xi32>
    %broadcast_in_dim3A_247 = vector.shape_cast %reduce_min3A_246 : vector<64xi32> to vector<64x1xi32>
    %eq3A_248 = vector.broadcast %broadcast_in_dim3A_247 : vector<64x1xi32> to vector<64x256xi32>
    %eq3A_249 = arith.cmpi eq, %select_n3A_244, %eq3A_248 : vector<64x256xi32>
    %jit3A_250 = arith.constant 256 : i32
    %broadcast_in_dim3A_251 = vector.broadcast %jit3A_250 : i32 to vector<64x256xi32>
    %select_n3A_252 = arith.select %eq3A_249, %broadcast_in_dim3A_251, %select_n3A_244 : vector<64x256xi1>, vector<64x256xi32>
    %reduce_min3A_253 = arith.constant dense<2147483647> : vector<64xi32>
    %reduce_min3A_254 = vector.multi_reduction <minsi>, %select_n3A_252, %reduce_min3A_253 [1] : vector<64x256xi32> to vector<64xi32>
    %broadcast_in_dim3A_255 = vector.shape_cast %reduce_min3A_254 : vector<64xi32> to vector<64x1xi32>
    %eq3A_256 = vector.broadcast %broadcast_in_dim3A_255 : vector<64x1xi32> to vector<64x256xi32>
    %eq3A_257 = arith.cmpi eq, %select_n3A_252, %eq3A_256 : vector<64x256xi32>
    %jit3A_258 = arith.constant 256 : i32
    %broadcast_in_dim3A_259 = vector.broadcast %jit3A_258 : i32 to vector<64x256xi32>
    %select_n3A_260 = arith.select %eq3A_257, %broadcast_in_dim3A_259, %select_n3A_252 : vector<64x256xi1>, vector<64x256xi32>
    %reduce_min3A_261 = arith.constant dense<2147483647> : vector<64xi32>
    %reduce_min3A_262 = vector.multi_reduction <minsi>, %select_n3A_260, %reduce_min3A_261 [1] : vector<64x256xi32> to vector<64xi32>
    %broadcast_in_dim3A_263 = vector.shape_cast %reduce_min3A_262 : vector<64xi32> to vector<64x1xi32>
    %eq3A_264 = vector.broadcast %broadcast_in_dim3A_263 : vector<64x1xi32> to vector<64x256xi32>
    %eq3A_265 = arith.cmpi eq, %select_n3A_260, %eq3A_264 : vector<64x256xi32>
    %jit3A_266 = arith.constant 256 : i32
    %broadcast_in_dim3A_267 = vector.broadcast %jit3A_266 : i32 to vector<64x256xi32>
    %select_n3A_268 = arith.select %eq3A_265, %broadcast_in_dim3A_267, %select_n3A_260 : vector<64x256xi1>, vector<64x256xi32>
    %reduce_min3A_269 = arith.constant dense<2147483647> : vector<64xi32>
    %reduce_min3A_270 = vector.multi_reduction <minsi>, %select_n3A_268, %reduce_min3A_269 [1] : vector<64x256xi32> to vector<64xi32>
    %broadcast_in_dim3A_271 = vector.shape_cast %reduce_min3A_270 : vector<64xi32> to vector<64x1xi32>
    %concatenate3A = tpu.concatenate %broadcast_in_dim3A_24, %broadcast_in_dim3A_31, %broadcast_in_dim3A_39, %broadcast_in_dim3A_47, %broadcast_in_dim3A_55, %broadcast_in_dim3A_63, %broadcast_in_dim3A_71, %broadcast_in_dim3A_79, %broadcast_in_dim3A_87, %broadcast_in_dim3A_95, %broadcast_in_dim3A_103, %broadcast_in_dim3A_111, %broadcast_in_dim3A_119, %broadcast_in_dim3A_127, %broadcast_in_dim3A_135, %broadcast_in_dim3A_143, %broadcast_in_dim3A_151, %broadcast_in_dim3A_159, %broadcast_in_dim3A_167, %broadcast_in_dim3A_175, %broadcast_in_dim3A_183, %broadcast_in_dim3A_191, %broadcast_in_dim3A_199, %broadcast_in_dim3A_207, %broadcast_in_dim3A_215, %broadcast_in_dim3A_223, %broadcast_in_dim3A_231, %broadcast_in_dim3A_239, %broadcast_in_dim3A_247, %broadcast_in_dim3A_255, %broadcast_in_dim3A_263, %broadcast_in_dim3A_271 in 1 : vector<64x1xi32>, vector<64x1xi32>, vector<64x1xi32>, vector<64x1xi32>, vector<64x1xi32>, vector<64x1xi32>, vector<64x1xi32>, vector<64x1xi32>, vector<64x1xi32>, vector<64x1xi32>, vector<64x1xi32>, vector<64x1xi32>, vector<64x1xi32>, vector<64x1xi32>, vector<64x1xi32>, vector<64x1xi32>, vector<64x1xi32>, vector<64x1xi32>, vector<64x1xi32>, vector<64x1xi32>, vector<64x1xi32>, vector<64x1xi32>, vector<64x1xi32>, vector<64x1xi32>, vector<64x1xi32>, vector<64x1xi32>, vector<64x1xi32>, vector<64x1xi32>, vector<64x1xi32>, vector<64x1xi32>, vector<64x1xi32>, vector<64x1xi32> -> vector<64x32xi32>
    %eq3A_272 = arith.constant 256 : i32
    %eq3A_273 = vector.broadcast %eq3A_272 : i32 to vector<64x32xi32>
    %eq3A_274 = arith.cmpi eq, %concatenate3A, %eq3A_273 : vector<64x32xi32>
    %broadcast_in_dim3A_275 = vector.shape_cast %broadcast_in_dim3A_24 : vector<64x1xi32> to vector<64x1xi32>
    %broadcast_in_dim3A_276 = vector.broadcast %broadcast_in_dim3A_275 : vector<64x1xi32> to vector<64x32xi32>
    %select_n3A_277 = arith.select %eq3A_274, %broadcast_in_dim3A_276, %concatenate3A : vector<64x32xi1>, vector<64x32xi32>
    %swap3A = arith.constant 0 : index
    %swap3A_278 = arith.constant 0 : index
    %swap3A_279 = arith.constant 0 : index
    %swap3A_280 = vector.load %arg4[%swap3A, %swap3A_278, %swap3A_279] : memref<1x64x32xi32, #tpu.memory_space<vmem>>, vector<1x64x32xi32>
    %swap3A_281 = vector.shape_cast %swap3A_280 : vector<1x64x32xi32> to vector<64x32xi32>
    %swap3A_282 = vector.shape_cast %select_n3A_277 : vector<64x32xi32> to vector<1x64x32xi32>
    tpu.vector_store %arg4[%swap3A, %swap3A_278, %swap3A_279], %swap3A_282 {strides = array<i32>} : memref<1x64x32xi32, #tpu.memory_space<vmem>>, vector<1x64x32xi32>,
    return
  }
  func.func @transform_0(%arg0: i32, %arg1: i32) -> (i32, i32, i32) {
    %c0_i32 = arith.constant 0 : i32
    %c0_i32_0 = arith.constant 0 : i32
    return %arg0, %arg1, %c0_i32 : i32, i32, i32
  }
  func.func @transform_1(%arg0: i32, %arg1: i32) -> (i32, i32, i32) {
    %c0_i32 = arith.constant 0 : i32
    %c0_i32_0 = arith.constant 0 : i32
    %c0_i32_1 = arith.constant 0 : i32
    return %arg0, %c0_i32, %c0_i32_0 : i32, i32, i32
  }
  func.func @transform_2(%arg0: i32, %arg1: i32) -> (i32, i32, i32) {
    %c0_i32 = arith.constant 0 : i32
    %c0_i32_0 = arith.constant 0 : i32
    return %arg0, %arg1, %c0_i32 : i32, i32, i32
  }
}

module attributes {stable_mosaic.version = 14 : i64} {
  func.func @_sa_mlp_body(%arg0: i32, %arg1: i32, %arg2: memref<1x256x32x80xf32, #tpu.memory_space<vmem>>, %arg3: memref<1x256x3xf32, #tpu.memory_space<vmem>>, %arg4: memref<64x80xf32, #tpu.memory_space<vmem>>, %arg5: memref<64xf32, #tpu.memory_space<vmem>>, %arg6: memref<64xf32, #tpu.memory_space<vmem>>, %arg7: memref<64xf32, #tpu.memory_space<vmem>>, %arg8: memref<64x64xf32, #tpu.memory_space<vmem>>, %arg9: memref<64xf32, #tpu.memory_space<vmem>>, %arg10: memref<64xf32, #tpu.memory_space<vmem>>, %arg11: memref<64xf32, #tpu.memory_space<vmem>>, %arg12: memref<128x64xf32, #tpu.memory_space<vmem>>, %arg13: memref<128xf32, #tpu.memory_space<vmem>>, %arg14: memref<128xf32, #tpu.memory_space<vmem>>, %arg15: memref<128xf32, #tpu.memory_space<vmem>>, %arg16: memref<1x256x128xf32, #tpu.memory_space<vmem>>) attributes {dimension_semantics = [#tpu.dimension_semantics<arbitrary>, #tpu.dimension_semantics<arbitrary>], iteration_bounds = array<i64: 8, 1>, scalar_prefetch = 0 : i64, scratch_operands = 0 : i64, tpu.core_type = #tpu.core_type<tc>, window_params = [{transform_indices = @transform_0, window_bounds = array<i64: 1, 256, 32, 80>}, {transform_indices = @transform_1, window_bounds = array<i64: 1, 256, 3>}, {pipeline_mode = #tpu.pipeline_mode<synchronous>, transform_indices = @transform_2, window_bounds = array<i64: 64, 80>}, {pipeline_mode = #tpu.pipeline_mode<synchronous>, transform_indices = @transform_3, window_bounds = array<i64: 64>}, {pipeline_mode = #tpu.pipeline_mode<synchronous>, transform_indices = @transform_4, window_bounds = array<i64: 64>}, {pipeline_mode = #tpu.pipeline_mode<synchronous>, transform_indices = @transform_5, window_bounds = array<i64: 64>}, {pipeline_mode = #tpu.pipeline_mode<synchronous>, transform_indices = @transform_6, window_bounds = array<i64: 64, 64>}, {pipeline_mode = #tpu.pipeline_mode<synchronous>, transform_indices = @transform_7, window_bounds = array<i64: 64>}, {pipeline_mode = #tpu.pipeline_mode<synchronous>, transform_indices = @transform_8, window_bounds = array<i64: 64>}, {pipeline_mode = #tpu.pipeline_mode<synchronous>, transform_indices = @transform_9, window_bounds = array<i64: 64>}, {pipeline_mode = #tpu.pipeline_mode<synchronous>, transform_indices = @transform_10, window_bounds = array<i64: 128, 64>}, {pipeline_mode = #tpu.pipeline_mode<synchronous>, transform_indices = @transform_11, window_bounds = array<i64: 128>}, {pipeline_mode = #tpu.pipeline_mode<synchronous>, transform_indices = @transform_12, window_bounds = array<i64: 128>}, {pipeline_mode = #tpu.pipeline_mode<synchronous>, transform_indices = @transform_13, window_bounds = array<i64: 128>}, {transform_indices = @transform_14, window_bounds = array<i64: 1, 256, 128>}]} {
    %get3A = arith.constant 0 : index
    %get3A_0 = arith.constant 0 : index
    %get3A_1 = arith.constant 0 : index
    %get3A_2 = arith.constant 0 : index
    %get3A_3 = vector.load %arg2[%get3A, %get3A_0, %get3A_1, %get3A_2] : memref<1x256x32x80xf32, #tpu.memory_space<vmem>>, vector<1x256x32x80xf32>
    %get3A_4 = vector.shape_cast %get3A_3 : vector<1x256x32x80xf32> to vector<256x32x80xf32>
    %reshape3A = vector.shape_cast %get3A_4 : vector<256x32x80xf32> to vector<8192x80xf32>
    %get3A_5 = arith.constant 0 : index
    %get3A_6 = arith.constant 0 : index
    %get3A_7 = arith.constant 0 : index
    %get3A_8 = vector.load %arg3[%get3A_5, %get3A_6, %get3A_7] : memref<1x256x3xf32, #tpu.memory_space<vmem>>, vector<1x256x3xf32>
    %get3A_9 = vector.shape_cast %get3A_8 : vector<1x256x3xf32> to vector<256x3xf32>
    %get3A_10 = arith.constant 0 : index
    %get3A_11 = arith.constant 0 : index
    %get3A_12 = vector.load %arg4[%get3A_10, %get3A_11] : memref<64x80xf32, #tpu.memory_space<vmem>>, vector<64x80xf32>
    %dot_general3A = arith.constant dense<0.000000e+00> : vector<8192x64xf32>
    %dot_general3A_13 = tpu.matmul %reshape3A, %get3A_12, %dot_general3A {dimension_numbers = #tpu.dot_dimension_numbers<[1], [1], [0], [0], [0, 0, 1, 0], [], []>, transpose_lhs_hint = false} : vector<8192x80xf32>, vector<64x80xf32>, vector<8192x64xf32> -> vector<8192x64xf32>
    %get3A_14 = arith.constant 0 : index
    %get3A_15 = vector.load %arg5[%get3A_14] : memref<64xf32, #tpu.memory_space<vmem>>, vector<64xf32>
    %broadcast_in_dim3A = vector.shape_cast %get3A_15 : vector<64xf32> to vector<1x64xf32>
    %add3A = vector.broadcast %broadcast_in_dim3A : vector<1x64xf32> to vector<8192x64xf32>
    %add3A_16 = arith.addf %dot_general3A_13, %add3A : vector<8192x64xf32>
    %get3A_17 = arith.constant 0 : index
    %get3A_18 = arith.constant 0 : index
    %get3A_19 = vector.load %arg4[%get3A_17, %get3A_18] : memref<64x80xf32, #tpu.memory_space<vmem>>, vector<64x3xf32>
    %dot_general3A_20 = arith.constant dense<0.000000e+00> : vector<256x64xf32>
    %dot_general3A_21 = tpu.matmul %get3A_9, %get3A_19, %dot_general3A_20 {dimension_numbers = #tpu.dot_dimension_numbers<[1], [1], [0], [0], [0, 0, 1, 0], [], []>, transpose_lhs_hint = false} : vector<256x3xf32>, vector<64x3xf32>, vector<256x64xf32> -> vector<256x64xf32>
    %reshape3A_22 = vector.shape_cast %add3A_16 : vector<8192x64xf32> to vector<256x32x64xf32>
    %broadcast_in_dim3A_23 = vector.shape_cast %dot_general3A_21 : vector<256x64xf32> to vector<256x1x64xf32>
    %sub3A = vector.broadcast %broadcast_in_dim3A_23 : vector<256x1x64xf32> to vector<256x32x64xf32>
    %sub3A_24 = arith.subf %reshape3A_22, %sub3A : vector<256x32x64xf32>
    %reshape3A_25 = vector.shape_cast %sub3A_24 : vector<256x32x64xf32> to vector<8192x64xf32>
    %mul3A = arith.constant 0.999994993 : f32
    %mul3A_26 = vector.broadcast %mul3A : f32 to vector<8192x64xf32>
    %mul3A_27 = arith.mulf %reshape3A_25, %mul3A_26 : vector<8192x64xf32>
    %get3A_28 = arith.constant 0 : index
    %get3A_29 = vector.load %arg6[%get3A_28] : memref<64xf32, #tpu.memory_space<vmem>>, vector<64xf32>
    %broadcast_in_dim3A_30 = vector.shape_cast %get3A_29 : vector<64xf32> to vector<1x64xf32>
    %mul3A_31 = vector.broadcast %broadcast_in_dim3A_30 : vector<1x64xf32> to vector<8192x64xf32>
    %mul3A_32 = arith.mulf %mul3A_27, %mul3A_31 : vector<8192x64xf32>
    %get3A_33 = arith.constant 0 : index
    %get3A_34 = vector.load %arg7[%get3A_33] : memref<64xf32, #tpu.memory_space<vmem>>, vector<64xf32>
    %broadcast_in_dim3A_35 = vector.shape_cast %get3A_34 : vector<64xf32> to vector<1x64xf32>
    %add3A_36 = vector.broadcast %broadcast_in_dim3A_35 : vector<1x64xf32> to vector<8192x64xf32>
    %add3A_37 = arith.addf %mul3A_32, %add3A_36 : vector<8192x64xf32>
    %max3A = arith.constant 0.000000e+00 : f32
    %max3A_38 = vector.broadcast %max3A : f32 to vector<8192x64xf32>
    %max3A_39 = arith.maximumf %add3A_37, %max3A_38 : vector<8192x64xf32>
    %get3A_40 = arith.constant 0 : index
    %get3A_41 = arith.constant 0 : index
    %get3A_42 = vector.load %arg8[%get3A_40, %get3A_41] : memref<64x64xf32, #tpu.memory_space<vmem>>, vector<64x64xf32>
    %dot_general3A_43 = arith.constant dense<0.000000e+00> : vector<8192x64xf32>
    %dot_general3A_44 = tpu.matmul %max3A_39, %get3A_42, %dot_general3A_43 {dimension_numbers = #tpu.dot_dimension_numbers<[1], [1], [0], [0], [0, 0, 1, 0], [], []>, transpose_lhs_hint = false} : vector<8192x64xf32>, vector<64x64xf32>, vector<8192x64xf32> -> vector<8192x64xf32>
    %get3A_45 = arith.constant 0 : index
    %get3A_46 = vector.load %arg9[%get3A_45] : memref<64xf32, #tpu.memory_space<vmem>>, vector<64xf32>
    %broadcast_in_dim3A_47 = vector.shape_cast %get3A_46 : vector<64xf32> to vector<1x64xf32>
    %add3A_48 = vector.broadcast %broadcast_in_dim3A_47 : vector<1x64xf32> to vector<8192x64xf32>
    %add3A_49 = arith.addf %dot_general3A_44, %add3A_48 : vector<8192x64xf32>
    %mul3A_50 = arith.constant 0.999994993 : f32
    %mul3A_51 = vector.broadcast %mul3A_50 : f32 to vector<8192x64xf32>
    %mul3A_52 = arith.mulf %add3A_49, %mul3A_51 : vector<8192x64xf32>
    %get3A_53 = arith.constant 0 : index
    %get3A_54 = vector.load %arg10[%get3A_53] : memref<64xf32, #tpu.memory_space<vmem>>, vector<64xf32>
    %broadcast_in_dim3A_55 = vector.shape_cast %get3A_54 : vector<64xf32> to vector<1x64xf32>
    %mul3A_56 = vector.broadcast %broadcast_in_dim3A_55 : vector<1x64xf32> to vector<8192x64xf32>
    %mul3A_57 = arith.mulf %mul3A_52, %mul3A_56 : vector<8192x64xf32>
    %get3A_58 = arith.constant 0 : index
    %get3A_59 = vector.load %arg11[%get3A_58] : memref<64xf32, #tpu.memory_space<vmem>>, vector<64xf32>
    %broadcast_in_dim3A_60 = vector.shape_cast %get3A_59 : vector<64xf32> to vector<1x64xf32>
    %add3A_61 = vector.broadcast %broadcast_in_dim3A_60 : vector<1x64xf32> to vector<8192x64xf32>
    %add3A_62 = arith.addf %mul3A_57, %add3A_61 : vector<8192x64xf32>
    %max3A_63 = arith.constant 0.000000e+00 : f32
    %max3A_64 = vector.broadcast %max3A_63 : f32 to vector<8192x64xf32>
    %max3A_65 = arith.maximumf %add3A_62, %max3A_64 : vector<8192x64xf32>
    %get3A_66 = arith.constant 0 : index
    %get3A_67 = arith.constant 0 : index
    %get3A_68 = vector.load %arg12[%get3A_66, %get3A_67] : memref<128x64xf32, #tpu.memory_space<vmem>>, vector<128x64xf32>
    %dot_general3A_69 = arith.constant dense<0.000000e+00> : vector<8192x128xf32>
    %dot_general3A_70 = tpu.matmul %max3A_65, %get3A_68, %dot_general3A_69 {dimension_numbers = #tpu.dot_dimension_numbers<[1], [1], [0], [0], [0, 0, 1, 0], [], []>, transpose_lhs_hint = false} : vector<8192x64xf32>, vector<128x64xf32>, vector<8192x128xf32> -> vector<8192x128xf32>
    %get3A_71 = arith.constant 0 : index
    %get3A_72 = vector.load %arg13[%get3A_71] : memref<128xf32, #tpu.memory_space<vmem>>, vector<128xf32>
    %broadcast_in_dim3A_73 = vector.shape_cast %get3A_72 : vector<128xf32> to vector<1x128xf32>
    %add3A_74 = vector.broadcast %broadcast_in_dim3A_73 : vector<1x128xf32> to vector<8192x128xf32>
    %add3A_75 = arith.addf %dot_general3A_70, %add3A_74 : vector<8192x128xf32>
    %mul3A_76 = arith.constant 0.999994993 : f32
    %mul3A_77 = vector.broadcast %mul3A_76 : f32 to vector<8192x128xf32>
    %mul3A_78 = arith.mulf %add3A_75, %mul3A_77 : vector<8192x128xf32>
    %get3A_79 = arith.constant 0 : index
    %get3A_80 = vector.load %arg14[%get3A_79] : memref<128xf32, #tpu.memory_space<vmem>>, vector<128xf32>
    %broadcast_in_dim3A_81 = vector.shape_cast %get3A_80 : vector<128xf32> to vector<1x128xf32>
    %mul3A_82 = vector.broadcast %broadcast_in_dim3A_81 : vector<1x128xf32> to vector<8192x128xf32>
    %mul3A_83 = arith.mulf %mul3A_78, %mul3A_82 : vector<8192x128xf32>
    %get3A_84 = arith.constant 0 : index
    %get3A_85 = vector.load %arg15[%get3A_84] : memref<128xf32, #tpu.memory_space<vmem>>, vector<128xf32>
    %broadcast_in_dim3A_86 = vector.shape_cast %get3A_85 : vector<128xf32> to vector<1x128xf32>
    %add3A_87 = vector.broadcast %broadcast_in_dim3A_86 : vector<1x128xf32> to vector<8192x128xf32>
    %add3A_88 = arith.addf %mul3A_83, %add3A_87 : vector<8192x128xf32>
    %max3A_89 = arith.constant 0.000000e+00 : f32
    %max3A_90 = vector.broadcast %max3A_89 : f32 to vector<8192x128xf32>
    %max3A_91 = arith.maximumf %add3A_88, %max3A_90 : vector<8192x128xf32>
    %reshape3A_92 = vector.shape_cast %max3A_91 : vector<8192x128xf32> to vector<256x32x128xf32>
    %reduce_max3A = arith.constant dense<0xFF800000> : vector<256x128xf32>
    %reduce_max3A_93 = vector.multi_reduction <maximumf>, %reshape3A_92, %reduce_max3A [1] : vector<256x32x128xf32> to vector<256x128xf32>
    %swap3A = arith.constant 0 : index
    %swap3A_94 = arith.constant 0 : index
    %swap3A_95 = arith.constant 0 : index
    %swap3A_96 = vector.load %arg16[%swap3A, %swap3A_94, %swap3A_95] : memref<1x256x128xf32, #tpu.memory_space<vmem>>, vector<1x256x128xf32>
    %swap3A_97 = vector.shape_cast %swap3A_96 : vector<1x256x128xf32> to vector<256x128xf32>
    %swap3A_98 = vector.shape_cast %reduce_max3A_93 : vector<256x128xf32> to vector<1x256x128xf32>
    tpu.vector_store %arg16[%swap3A, %swap3A_94, %swap3A_95], %swap3A_98 {strides = array<i32>} : memref<1x256x128xf32, #tpu.memory_space<vmem>>, vector<1x256x128xf32>,
    return
  }
  func.func @transform_0(%arg0: i32, %arg1: i32) -> (i32, i32, i32, i32) {
    %c0_i32 = arith.constant 0 : i32
    %c0_i32_0 = arith.constant 0 : i32
    %c0_i32_1 = arith.constant 0 : i32
    return %arg0, %arg1, %c0_i32, %c0_i32_0 : i32, i32, i32, i32
  }
  func.func @transform_1(%arg0: i32, %arg1: i32) -> (i32, i32, i32) {
    %c0_i32 = arith.constant 0 : i32
    %c0_i32_0 = arith.constant 0 : i32
    return %arg0, %arg1, %c0_i32 : i32, i32, i32
  }
  func.func @transform_2(%arg0: i32, %arg1: i32) -> (i32, i32) {
    %c0_i32 = arith.constant 0 : i32
    %c0_i32_0 = arith.constant 0 : i32
    %c0_i32_1 = arith.constant 0 : i32
    return %c0_i32, %c0_i32_0 : i32, i32
  }
  func.func @transform_3(%arg0: i32, %arg1: i32) -> i32 {
    %c0_i32 = arith.constant 0 : i32
    %c0_i32_0 = arith.constant 0 : i32
    return %c0_i32 : i32
  }
  func.func @transform_4(%arg0: i32, %arg1: i32) -> i32 {
    %c0_i32 = arith.constant 0 : i32
    %c0_i32_0 = arith.constant 0 : i32
    return %c0_i32 : i32
  }
  func.func @transform_5(%arg0: i32, %arg1: i32) -> i32 {
    %c0_i32 = arith.constant 0 : i32
    %c0_i32_0 = arith.constant 0 : i32
    return %c0_i32 : i32
  }
  func.func @transform_6(%arg0: i32, %arg1: i32) -> (i32, i32) {
    %c0_i32 = arith.constant 0 : i32
    %c0_i32_0 = arith.constant 0 : i32
    %c0_i32_1 = arith.constant 0 : i32
    return %c0_i32, %c0_i32_0 : i32, i32
  }
  func.func @transform_7(%arg0: i32, %arg1: i32) -> i32 {
    %c0_i32 = arith.constant 0 : i32
    %c0_i32_0 = arith.constant 0 : i32
    return %c0_i32 : i32
  }
  func.func @transform_8(%arg0: i32, %arg1: i32) -> i32 {
    %c0_i32 = arith.constant 0 : i32
    %c0_i32_0 = arith.constant 0 : i32
    return %c0_i32 : i32
  }
  func.func @transform_9(%arg0: i32, %arg1: i32) -> i32 {
    %c0_i32 = arith.constant 0 : i32
    %c0_i32_0 = arith.constant 0 : i32
    return %c0_i32 : i32
  }
  func.func @transform_10(%arg0: i32, %arg1: i32) -> (i32, i32) {
    %c0_i32 = arith.constant 0 : i32
    %c0_i32_0 = arith.constant 0 : i32
    %c0_i32_1 = arith.constant 0 : i32
    return %c0_i32, %c0_i32_0 : i32, i32
  }
  func.func @transform_11(%arg0: i32, %arg1: i32) -> i32 {
    %c0_i32 = arith.constant 0 : i32
    %c0_i32_0 = arith.constant 0 : i32
    return %c0_i32 : i32
  }
  func.func @transform_12(%arg0: i32, %arg1: i32) -> i32 {
    %c0_i32 = arith.constant 0 : i32
    %c0_i32_0 = arith.constant 0 : i32
    return %c0_i32 : i32
  }
  func.func @transform_13(%arg0: i32, %arg1: i32) -> i32 {
    %c0_i32 = arith.constant 0 : i32
    %c0_i32_0 = arith.constant 0 : i32
    return %c0_i32 : i32
  }
  func.func @transform_14(%arg0: i32, %arg1: i32) -> (i32, i32, i32) {
    %c0_i32 = arith.constant 0 : i32
    %c0_i32_0 = arith.constant 0 : i32
    return %arg0, %arg1, %c0_i32 : i32, i32, i32
  }
}

module attributes {stable_mosaic.version = 14 : i64} {
  func.func @_fps_body(%arg0: i32, %arg1: memref<8x64xf32, #tpu.memory_space<vmem>>, %arg2: memref<8x64xf32, #tpu.memory_space<vmem>>, %arg3: memref<8x64xf32, #tpu.memory_space<vmem>>, %arg4: memref<16x8x3xf32, #tpu.memory_space<vmem>>, %arg5: memref<8x64xf32, #tpu.memory_space<vmem>>) attributes {dimension_semantics = [#tpu.dimension_semantics<arbitrary>], iteration_bounds = array<i64: 1>, scalar_prefetch = 0 : i64, scratch_operands = 1 : i64, tpu.core_type = #tpu.core_type<tc>, window_params = [{pipeline_mode = #tpu.pipeline_mode<synchronous>, transform_indices = @transform_0, window_bounds = array<i64: 8, 64>}, {pipeline_mode = #tpu.pipeline_mode<synchronous>, transform_indices = @transform_1, window_bounds = array<i64: 8, 64>}, {pipeline_mode = #tpu.pipeline_mode<synchronous>, transform_indices = @transform_2, window_bounds = array<i64: 8, 64>}, {pipeline_mode = #tpu.pipeline_mode<synchronous>, transform_indices = @transform_3, window_bounds = array<i64: 16, 8, 3>}]} {
    %get3A = arith.constant 0 : index
    %get3A_0 = arith.constant 0 : index
    %get3A_1 = vector.load %arg1[%get3A, %get3A_0] : memref<8x64xf32, #tpu.memory_space<vmem>>, vector<8x64xf32>
    %get3A_2 = arith.constant 0 : index
    %get3A_3 = arith.constant 0 : index
    %get3A_4 = vector.load %arg2[%get3A_2, %get3A_3] : memref<8x64xf32, #tpu.memory_space<vmem>>, vector<8x64xf32>
    %get3A_5 = arith.constant 0 : index
    %get3A_6 = arith.constant 0 : index
    %get3A_7 = vector.load %arg3[%get3A_5, %get3A_6] : memref<8x64xf32, #tpu.memory_space<vmem>>, vector<8x64xf32>
    %iota3A = tpu.iota {dimensions = array<i32: 1>} : vector<8x64xi32>
    %broadcast_in_dim3A = arith.constant 1.000000e+10 : f32
    %broadcast_in_dim3A_8 = vector.broadcast %broadcast_in_dim3A : f32 to vector<8x64xf32>
    %swap3A = arith.constant 0 : index
    %swap3A_9 = arith.constant 0 : index
    %swap3A_10 = vector.load %arg5[%swap3A, %swap3A_9] : memref<8x64xf32, #tpu.memory_space<vmem>>, vector<8x64xf32>
    tpu.vector_store %arg5[%swap3A, %swap3A_9], %broadcast_in_dim3A_8 {strides = array<i32>} : memref<8x64xf32, #tpu.memory_space<vmem>>, vector<8x64xf32>,
    %broadcast_in_dim3A_11 = arith.constant 0 : i32
    %broadcast_in_dim3A_12 = vector.broadcast %broadcast_in_dim3A_11 : i32 to vector<8x1xi32>
    %scan3A = arith.constant 0 : i32
    %scan3A_13 = arith.constant 16 : i32
    %scan3A_14 = arith.addi %scan3A, %scan3A_13 : i32
    %scan3A_15 = arith.constant 1 : i32
    %scan3A_16 = scf.for %scan3A_18 = %scan3A to %scan3A_14 step %scan3A_15 iter_args(%scan3A_19 = %broadcast_in_dim3A_12) -> (vector<8x1xi32>)  : i32 {
      %eq3A = vector.broadcast %scan3A_19 : vector<8x1xi32> to vector<8x64xi32>
      %eq3A_20 = arith.cmpi eq, %iota3A, %eq3A : vector<8x64xi32>
      %jit3A = arith.constant 0.000000e+00 : f32
      %broadcast_in_dim3A_21 = vector.broadcast %jit3A : f32 to vector<8x64xf32>
      %select_n3A = arith.select %eq3A_20, %get3A_1, %broadcast_in_dim3A_21 : vector<8x64xi1>, vector<8x64xf32>
      %reduce_sum3A = arith.constant dense<0.000000e+00> : vector<8xf32>
      %reduce_sum3A_22 = vector.multi_reduction <add>, %select_n3A, %reduce_sum3A [1] : vector<8x64xf32> to vector<8xf32>
      %broadcast_in_dim3A_23 = vector.shape_cast %reduce_sum3A_22 : vector<8xf32> to vector<8x1xf32>
      %jit3A_24 = arith.constant 0.000000e+00 : f32
      %broadcast_in_dim3A_25 = vector.broadcast %jit3A_24 : f32 to vector<8x64xf32>
      %select_n3A_26 = arith.select %eq3A_20, %get3A_4, %broadcast_in_dim3A_25 : vector<8x64xi1>, vector<8x64xf32>
      %reduce_sum3A_27 = arith.constant dense<0.000000e+00> : vector<8xf32>
      %reduce_sum3A_28 = vector.multi_reduction <add>, %select_n3A_26, %reduce_sum3A_27 [1] : vector<8x64xf32> to vector<8xf32>
      %broadcast_in_dim3A_29 = vector.shape_cast %reduce_sum3A_28 : vector<8xf32> to vector<8x1xf32>
      %jit3A_30 = arith.constant 0.000000e+00 : f32
      %broadcast_in_dim3A_31 = vector.broadcast %jit3A_30 : f32 to vector<8x64xf32>
      %select_n3A_32 = arith.select %eq3A_20, %get3A_7, %broadcast_in_dim3A_31 : vector<8x64xi1>, vector<8x64xf32>
      %reduce_sum3A_33 = arith.constant dense<0.000000e+00> : vector<8xf32>
      %reduce_sum3A_34 = vector.multi_reduction <add>, %select_n3A_32, %reduce_sum3A_33 [1] : vector<8x64xf32> to vector<8xf32>
      %broadcast_in_dim3A_35 = vector.shape_cast %reduce_sum3A_34 : vector<8xf32> to vector<8x1xf32>
      %concatenate3A = tpu.concatenate %broadcast_in_dim3A_23, %broadcast_in_dim3A_29, %broadcast_in_dim3A_35 in 1 : vector<8x1xf32>, vector<8x1xf32>, vector<8x1xf32> -> vector<8x3xf32>
      %swap3A_36 = arith.index_cast %scan3A_18 : i32 to index
      %swap3A_37 = arith.constant 0 : index
      %swap3A_38 = arith.constant 0 : index
      %swap3A_39 = vector.load %arg4[%swap3A_36, %swap3A_37, %swap3A_38] : memref<16x8x3xf32, #tpu.memory_space<vmem>>, vector<1x8x3xf32>
      %swap3A_40 = vector.shape_cast %swap3A_39 : vector<1x8x3xf32> to vector<8x3xf32>
      %swap3A_41 = vector.shape_cast %concatenate3A : vector<8x3xf32> to vector<1x8x3xf32>
      tpu.vector_store %arg4[%swap3A_36, %swap3A_37, %swap3A_38], %swap3A_41 {strides = array<i32>} : memref<16x8x3xf32, #tpu.memory_space<vmem>>, vector<1x8x3xf32>,
      %sub3A = vector.broadcast %broadcast_in_dim3A_23 : vector<8x1xf32> to vector<8x64xf32>
      %sub3A_42 = arith.subf %get3A_1, %sub3A : vector<8x64xf32>
      %sub3A_43 = vector.broadcast %broadcast_in_dim3A_29 : vector<8x1xf32> to vector<8x64xf32>
      %sub3A_44 = arith.subf %get3A_4, %sub3A_43 : vector<8x64xf32>
      %sub3A_45 = vector.broadcast %broadcast_in_dim3A_35 : vector<8x1xf32> to vector<8x64xf32>
      %sub3A_46 = arith.subf %get3A_7, %sub3A_45 : vector<8x64xf32>
      %mul3A = arith.mulf %sub3A_42, %sub3A_42 : vector<8x64xf32>
      %mul3A_47 = arith.mulf %sub3A_44, %sub3A_44 : vector<8x64xf32>
      %add3A = arith.addf %mul3A, %mul3A_47 : vector<8x64xf32>
      %mul3A_48 = arith.mulf %sub3A_46, %sub3A_46 : vector<8x64xf32>
      %add3A_49 = arith.addf %add3A, %mul3A_48 : vector<8x64xf32>
      %get3A_50 = arith.constant 0 : index
      %get3A_51 = arith.constant 0 : index
      %get3A_52 = vector.load %arg5[%get3A_50, %get3A_51] : memref<8x64xf32, #tpu.memory_space<vmem>>, vector<8x64xf32>
      %min3A = arith.minimumf %get3A_52, %add3A_49 : vector<8x64xf32>
      %swap3A_53 = arith.constant 0 : index
      %swap3A_54 = arith.constant 0 : index
      %swap3A_55 = vector.load %arg5[%swap3A_53, %swap3A_54] : memref<8x64xf32, #tpu.memory_space<vmem>>, vector<8x64xf32>
      tpu.vector_store %arg5[%swap3A_53, %swap3A_54], %min3A {strides = array<i32>} : memref<8x64xf32, #tpu.memory_space<vmem>>, vector<8x64xf32>,
      %reduce_max3A = arith.constant dense<0xFF800000> : vector<8xf32>
      %reduce_max3A_56 = vector.multi_reduction <maximumf>, %min3A, %reduce_max3A [1] : vector<8x64xf32> to vector<8xf32>
      %broadcast_in_dim3A_57 = vector.shape_cast %reduce_max3A_56 : vector<8xf32> to vector<8x1xf32>
      %eq3A_58 = vector.broadcast %broadcast_in_dim3A_57 : vector<8x1xf32> to vector<8x64xf32>
      %eq3A_59 = arith.cmpf oeq, %min3A, %eq3A_58 : vector<8x64xf32>
      %jit3A_60 = arith.constant 64 : i32
      %broadcast_in_dim3A_61 = vector.broadcast %jit3A_60 : i32 to vector<8x64xi32>
      %select_n3A_62 = arith.select %eq3A_59, %iota3A, %broadcast_in_dim3A_61 : vector<8x64xi1>, vector<8x64xi32>
      %reduce_min3A = arith.constant dense<2147483647> : vector<8xi32>
      %reduce_min3A_63 = vector.multi_reduction <minsi>, %select_n3A_62, %reduce_min3A [1] : vector<8x64xi32> to vector<8xi32>
      %broadcast_in_dim3A_64 = vector.shape_cast %reduce_min3A_63 : vector<8xi32> to vector<8x1xi32>
      scf.yield %broadcast_in_dim3A_64 : vector<8x1xi32>
    }
    %scan3A_17 = arith.constant 16 : i32
    return
  }
  func.func @transform_0(%arg0: i32) -> (i32, i32) {
    %c0_i32 = arith.constant 0 : i32
    %c0_i32_0 = arith.constant 0 : i32
    %c0_i32_1 = arith.constant 0 : i32
    return %c0_i32, %c0_i32_0 : i32, i32
  }
  func.func @transform_1(%arg0: i32) -> (i32, i32) {
    %c0_i32 = arith.constant 0 : i32
    %c0_i32_0 = arith.constant 0 : i32
    %c0_i32_1 = arith.constant 0 : i32
    return %c0_i32, %c0_i32_0 : i32, i32
  }
  func.func @transform_2(%arg0: i32) -> (i32, i32) {
    %c0_i32 = arith.constant 0 : i32
    %c0_i32_0 = arith.constant 0 : i32
    %c0_i32_1 = arith.constant 0 : i32
    return %c0_i32, %c0_i32_0 : i32, i32
  }
  func.func @transform_3(%arg0: i32) -> (i32, i32, i32) {
    %c0_i32 = arith.constant 0 : i32
    %c0_i32_0 = arith.constant 0 : i32
    %c0_i32_1 = arith.constant 0 : i32
    %c0_i32_2 = arith.constant 0 : i32
    return %c0_i32, %c0_i32_0, %c0_i32_1 : i32, i32, i32
  }
}

module attributes {stable_mosaic.version = 14 : i64} {
  func.func @_bq_body(%arg0: i32, %arg1: i32, %arg2: memref<1x16x3xf32, #tpu.memory_space<vmem>>, %arg3: memref<1x3x64xf32, #tpu.memory_space<vmem>>, %arg4: memref<1x16x32xi32, #tpu.memory_space<vmem>>) attributes {dimension_semantics = [#tpu.dimension_semantics<arbitrary>, #tpu.dimension_semantics<arbitrary>], iteration_bounds = array<i64: 8, 1>, scalar_prefetch = 0 : i64, scratch_operands = 0 : i64, tpu.core_type = #tpu.core_type<tc>, window_params = [{transform_indices = @transform_0, window_bounds = array<i64: 1, 16, 3>}, {transform_indices = @transform_1, window_bounds = array<i64: 1, 3, 64>}, {transform_indices = @transform_2, window_bounds = array<i64: 1, 16, 32>}]} {
    %get3A = arith.constant 0 : index
    %get3A_0 = arith.constant 0 : index
    %get3A_1 = arith.constant 0 : index
    %get3A_2 = vector.load %arg2[%get3A, %get3A_0, %get3A_1] : memref<1x16x3xf32, #tpu.memory_space<vmem>>, vector<1x16x3xf32>
    %get3A_3 = vector.shape_cast %get3A_2 : vector<1x16x3xf32> to vector<16x3xf32>
    %get3A_4 = arith.constant 0 : index
    %get3A_5 = arith.constant 0 : index
    %get3A_6 = arith.constant 0 : index
    %get3A_7 = vector.load %arg3[%get3A_4, %get3A_5, %get3A_6] : memref<1x3x64xf32, #tpu.memory_space<vmem>>, vector<1x3x64xf32>
    %get3A_8 = vector.shape_cast %get3A_7 : vector<1x3x64xf32> to vector<3x64xf32>
    %mul3A = arith.mulf %get3A_3, %get3A_3 : vector<16x3xf32>
    %reduce_sum3A = arith.constant dense<0.000000e+00> : vector<16xf32>
    %reduce_sum3A_9 = vector.multi_reduction <add>, %mul3A, %reduce_sum3A [1] : vector<16x3xf32> to vector<16xf32>
    %broadcast_in_dim3A = vector.shape_cast %reduce_sum3A_9 : vector<16xf32> to vector<16x1xf32>
    %mul3A_10 = arith.mulf %get3A_8, %get3A_8 : vector<3x64xf32>
    %reduce_sum3A_11 = arith.constant dense<0.000000e+00> : vector<64xf32>
    %reduce_sum3A_12 = vector.multi_reduction <add>, %mul3A_10, %reduce_sum3A_11 [0] : vector<3x64xf32> to vector<64xf32>
    %broadcast_in_dim3A_13 = vector.shape_cast %reduce_sum3A_12 : vector<64xf32> to vector<1x64xf32>
    %dot_general3A = arith.constant dense<0.000000e+00> : vector<16x64xf32>
    %dot_general3A_14 = tpu.matmul %get3A_3, %get3A_8, %dot_general3A {dimension_numbers = #tpu.dot_dimension_numbers<[1], [0], [0], [1], [0, 0, 1, 1], [], []>, transpose_lhs_hint = false} : vector<16x3xf32>, vector<3x64xf32>, vector<16x64xf32> -> vector<16x64xf32>
    %add3A = vector.broadcast %broadcast_in_dim3A : vector<16x1xf32> to vector<16x64xf32>
    %add3A_15 = vector.broadcast %broadcast_in_dim3A_13 : vector<1x64xf32> to vector<16x64xf32>
    %add3A_16 = arith.addf %add3A, %add3A_15 : vector<16x64xf32>
    %mul3A_17 = arith.constant 2.000000e+00 : f32
    %mul3A_18 = vector.broadcast %mul3A_17 : f32 to vector<16x64xf32>
    %mul3A_19 = arith.mulf %mul3A_18, %dot_general3A_14 : vector<16x64xf32>
    %sub3A = arith.subf %add3A_16, %mul3A_19 : vector<16x64xf32>
    %iota3A = tpu.iota {dimensions = array<i32: 1>} : vector<16x64xi32>
    %gt3A = arith.constant 6.400000e-01 : f32
    %gt3A_20 = vector.broadcast %gt3A : f32 to vector<16x64xf32>
    %gt3A_21 = arith.cmpf ogt, %sub3A, %gt3A_20 : vector<16x64xf32>
    %jit3A = arith.constant 64 : i32
    %broadcast_in_dim3A_22 = vector.broadcast %jit3A : i32 to vector<16x64xi32>
    %select_n3A = arith.select %gt3A_21, %broadcast_in_dim3A_22, %iota3A : vector<16x64xi1>, vector<16x64xi32>
    %reduce_min3A = arith.constant dense<2147483647> : vector<16xi32>
    %reduce_min3A_23 = vector.multi_reduction <minsi>, %select_n3A, %reduce_min3A [1] : vector<16x64xi32> to vector<16xi32>
    %broadcast_in_dim3A_24 = vector.shape_cast %reduce_min3A_23 : vector<16xi32> to vector<16x1xi32>
    %eq3A = vector.broadcast %broadcast_in_dim3A_24 : vector<16x1xi32> to vector<16x64xi32>
    %eq3A_25 = arith.cmpi eq, %select_n3A, %eq3A : vector<16x64xi32>
    %jit3A_26 = arith.constant 64 : i32
    %broadcast_in_dim3A_27 = vector.broadcast %jit3A_26 : i32 to vector<16x64xi32>
    %select_n3A_28 = arith.select %eq3A_25, %broadcast_in_dim3A_27, %select_n3A : vector<16x64xi1>, vector<16x64xi32>
    %reduce_min3A_29 = arith.constant dense<2147483647> : vector<16xi32>
    %reduce_min3A_30 = vector.multi_reduction <minsi>, %select_n3A_28, %reduce_min3A_29 [1] : vector<16x64xi32> to vector<16xi32>
    %broadcast_in_dim3A_31 = vector.shape_cast %reduce_min3A_30 : vector<16xi32> to vector<16x1xi32>
    %eq3A_32 = vector.broadcast %broadcast_in_dim3A_31 : vector<16x1xi32> to vector<16x64xi32>
    %eq3A_33 = arith.cmpi eq, %select_n3A_28, %eq3A_32 : vector<16x64xi32>
    %jit3A_34 = arith.constant 64 : i32
    %broadcast_in_dim3A_35 = vector.broadcast %jit3A_34 : i32 to vector<16x64xi32>
    %select_n3A_36 = arith.select %eq3A_33, %broadcast_in_dim3A_35, %select_n3A_28 : vector<16x64xi1>, vector<16x64xi32>
    %reduce_min3A_37 = arith.constant dense<2147483647> : vector<16xi32>
    %reduce_min3A_38 = vector.multi_reduction <minsi>, %select_n3A_36, %reduce_min3A_37 [1] : vector<16x64xi32> to vector<16xi32>
    %broadcast_in_dim3A_39 = vector.shape_cast %reduce_min3A_38 : vector<16xi32> to vector<16x1xi32>
    %eq3A_40 = vector.broadcast %broadcast_in_dim3A_39 : vector<16x1xi32> to vector<16x64xi32>
    %eq3A_41 = arith.cmpi eq, %select_n3A_36, %eq3A_40 : vector<16x64xi32>
    %jit3A_42 = arith.constant 64 : i32
    %broadcast_in_dim3A_43 = vector.broadcast %jit3A_42 : i32 to vector<16x64xi32>
    %select_n3A_44 = arith.select %eq3A_41, %broadcast_in_dim3A_43, %select_n3A_36 : vector<16x64xi1>, vector<16x64xi32>
    %reduce_min3A_45 = arith.constant dense<2147483647> : vector<16xi32>
    %reduce_min3A_46 = vector.multi_reduction <minsi>, %select_n3A_44, %reduce_min3A_45 [1] : vector<16x64xi32> to vector<16xi32>
    %broadcast_in_dim3A_47 = vector.shape_cast %reduce_min3A_46 : vector<16xi32> to vector<16x1xi32>
    %eq3A_48 = vector.broadcast %broadcast_in_dim3A_47 : vector<16x1xi32> to vector<16x64xi32>
    %eq3A_49 = arith.cmpi eq, %select_n3A_44, %eq3A_48 : vector<16x64xi32>
    %jit3A_50 = arith.constant 64 : i32
    %broadcast_in_dim3A_51 = vector.broadcast %jit3A_50 : i32 to vector<16x64xi32>
    %select_n3A_52 = arith.select %eq3A_49, %broadcast_in_dim3A_51, %select_n3A_44 : vector<16x64xi1>, vector<16x64xi32>
    %reduce_min3A_53 = arith.constant dense<2147483647> : vector<16xi32>
    %reduce_min3A_54 = vector.multi_reduction <minsi>, %select_n3A_52, %reduce_min3A_53 [1] : vector<16x64xi32> to vector<16xi32>
    %broadcast_in_dim3A_55 = vector.shape_cast %reduce_min3A_54 : vector<16xi32> to vector<16x1xi32>
    %eq3A_56 = vector.broadcast %broadcast_in_dim3A_55 : vector<16x1xi32> to vector<16x64xi32>
    %eq3A_57 = arith.cmpi eq, %select_n3A_52, %eq3A_56 : vector<16x64xi32>
    %jit3A_58 = arith.constant 64 : i32
    %broadcast_in_dim3A_59 = vector.broadcast %jit3A_58 : i32 to vector<16x64xi32>
    %select_n3A_60 = arith.select %eq3A_57, %broadcast_in_dim3A_59, %select_n3A_52 : vector<16x64xi1>, vector<16x64xi32>
    %reduce_min3A_61 = arith.constant dense<2147483647> : vector<16xi32>
    %reduce_min3A_62 = vector.multi_reduction <minsi>, %select_n3A_60, %reduce_min3A_61 [1] : vector<16x64xi32> to vector<16xi32>
    %broadcast_in_dim3A_63 = vector.shape_cast %reduce_min3A_62 : vector<16xi32> to vector<16x1xi32>
    %eq3A_64 = vector.broadcast %broadcast_in_dim3A_63 : vector<16x1xi32> to vector<16x64xi32>
    %eq3A_65 = arith.cmpi eq, %select_n3A_60, %eq3A_64 : vector<16x64xi32>
    %jit3A_66 = arith.constant 64 : i32
    %broadcast_in_dim3A_67 = vector.broadcast %jit3A_66 : i32 to vector<16x64xi32>
    %select_n3A_68 = arith.select %eq3A_65, %broadcast_in_dim3A_67, %select_n3A_60 : vector<16x64xi1>, vector<16x64xi32>
    %reduce_min3A_69 = arith.constant dense<2147483647> : vector<16xi32>
    %reduce_min3A_70 = vector.multi_reduction <minsi>, %select_n3A_68, %reduce_min3A_69 [1] : vector<16x64xi32> to vector<16xi32>
    %broadcast_in_dim3A_71 = vector.shape_cast %reduce_min3A_70 : vector<16xi32> to vector<16x1xi32>
    %eq3A_72 = vector.broadcast %broadcast_in_dim3A_71 : vector<16x1xi32> to vector<16x64xi32>
    %eq3A_73 = arith.cmpi eq, %select_n3A_68, %eq3A_72 : vector<16x64xi32>
    %jit3A_74 = arith.constant 64 : i32
    %broadcast_in_dim3A_75 = vector.broadcast %jit3A_74 : i32 to vector<16x64xi32>
    %select_n3A_76 = arith.select %eq3A_73, %broadcast_in_dim3A_75, %select_n3A_68 : vector<16x64xi1>, vector<16x64xi32>
    %reduce_min3A_77 = arith.constant dense<2147483647> : vector<16xi32>
    %reduce_min3A_78 = vector.multi_reduction <minsi>, %select_n3A_76, %reduce_min3A_77 [1] : vector<16x64xi32> to vector<16xi32>
    %broadcast_in_dim3A_79 = vector.shape_cast %reduce_min3A_78 : vector<16xi32> to vector<16x1xi32>
    %eq3A_80 = vector.broadcast %broadcast_in_dim3A_79 : vector<16x1xi32> to vector<16x64xi32>
    %eq3A_81 = arith.cmpi eq, %select_n3A_76, %eq3A_80 : vector<16x64xi32>
    %jit3A_82 = arith.constant 64 : i32
    %broadcast_in_dim3A_83 = vector.broadcast %jit3A_82 : i32 to vector<16x64xi32>
    %select_n3A_84 = arith.select %eq3A_81, %broadcast_in_dim3A_83, %select_n3A_76 : vector<16x64xi1>, vector<16x64xi32>
    %reduce_min3A_85 = arith.constant dense<2147483647> : vector<16xi32>
    %reduce_min3A_86 = vector.multi_reduction <minsi>, %select_n3A_84, %reduce_min3A_85 [1] : vector<16x64xi32> to vector<16xi32>
    %broadcast_in_dim3A_87 = vector.shape_cast %reduce_min3A_86 : vector<16xi32> to vector<16x1xi32>
    %eq3A_88 = vector.broadcast %broadcast_in_dim3A_87 : vector<16x1xi32> to vector<16x64xi32>
    %eq3A_89 = arith.cmpi eq, %select_n3A_84, %eq3A_88 : vector<16x64xi32>
    %jit3A_90 = arith.constant 64 : i32
    %broadcast_in_dim3A_91 = vector.broadcast %jit3A_90 : i32 to vector<16x64xi32>
    %select_n3A_92 = arith.select %eq3A_89, %broadcast_in_dim3A_91, %select_n3A_84 : vector<16x64xi1>, vector<16x64xi32>
    %reduce_min3A_93 = arith.constant dense<2147483647> : vector<16xi32>
    %reduce_min3A_94 = vector.multi_reduction <minsi>, %select_n3A_92, %reduce_min3A_93 [1] : vector<16x64xi32> to vector<16xi32>
    %broadcast_in_dim3A_95 = vector.shape_cast %reduce_min3A_94 : vector<16xi32> to vector<16x1xi32>
    %eq3A_96 = vector.broadcast %broadcast_in_dim3A_95 : vector<16x1xi32> to vector<16x64xi32>
    %eq3A_97 = arith.cmpi eq, %select_n3A_92, %eq3A_96 : vector<16x64xi32>
    %jit3A_98 = arith.constant 64 : i32
    %broadcast_in_dim3A_99 = vector.broadcast %jit3A_98 : i32 to vector<16x64xi32>
    %select_n3A_100 = arith.select %eq3A_97, %broadcast_in_dim3A_99, %select_n3A_92 : vector<16x64xi1>, vector<16x64xi32>
    %reduce_min3A_101 = arith.constant dense<2147483647> : vector<16xi32>
    %reduce_min3A_102 = vector.multi_reduction <minsi>, %select_n3A_100, %reduce_min3A_101 [1] : vector<16x64xi32> to vector<16xi32>
    %broadcast_in_dim3A_103 = vector.shape_cast %reduce_min3A_102 : vector<16xi32> to vector<16x1xi32>
    %eq3A_104 = vector.broadcast %broadcast_in_dim3A_103 : vector<16x1xi32> to vector<16x64xi32>
    %eq3A_105 = arith.cmpi eq, %select_n3A_100, %eq3A_104 : vector<16x64xi32>
    %jit3A_106 = arith.constant 64 : i32
    %broadcast_in_dim3A_107 = vector.broadcast %jit3A_106 : i32 to vector<16x64xi32>
    %select_n3A_108 = arith.select %eq3A_105, %broadcast_in_dim3A_107, %select_n3A_100 : vector<16x64xi1>, vector<16x64xi32>
    %reduce_min3A_109 = arith.constant dense<2147483647> : vector<16xi32>
    %reduce_min3A_110 = vector.multi_reduction <minsi>, %select_n3A_108, %reduce_min3A_109 [1] : vector<16x64xi32> to vector<16xi32>
    %broadcast_in_dim3A_111 = vector.shape_cast %reduce_min3A_110 : vector<16xi32> to vector<16x1xi32>
    %eq3A_112 = vector.broadcast %broadcast_in_dim3A_111 : vector<16x1xi32> to vector<16x64xi32>
    %eq3A_113 = arith.cmpi eq, %select_n3A_108, %eq3A_112 : vector<16x64xi32>
    %jit3A_114 = arith.constant 64 : i32
    %broadcast_in_dim3A_115 = vector.broadcast %jit3A_114 : i32 to vector<16x64xi32>
    %select_n3A_116 = arith.select %eq3A_113, %broadcast_in_dim3A_115, %select_n3A_108 : vector<16x64xi1>, vector<16x64xi32>
    %reduce_min3A_117 = arith.constant dense<2147483647> : vector<16xi32>
    %reduce_min3A_118 = vector.multi_reduction <minsi>, %select_n3A_116, %reduce_min3A_117 [1] : vector<16x64xi32> to vector<16xi32>
    %broadcast_in_dim3A_119 = vector.shape_cast %reduce_min3A_118 : vector<16xi32> to vector<16x1xi32>
    %eq3A_120 = vector.broadcast %broadcast_in_dim3A_119 : vector<16x1xi32> to vector<16x64xi32>
    %eq3A_121 = arith.cmpi eq, %select_n3A_116, %eq3A_120 : vector<16x64xi32>
    %jit3A_122 = arith.constant 64 : i32
    %broadcast_in_dim3A_123 = vector.broadcast %jit3A_122 : i32 to vector<16x64xi32>
    %select_n3A_124 = arith.select %eq3A_121, %broadcast_in_dim3A_123, %select_n3A_116 : vector<16x64xi1>, vector<16x64xi32>
    %reduce_min3A_125 = arith.constant dense<2147483647> : vector<16xi32>
    %reduce_min3A_126 = vector.multi_reduction <minsi>, %select_n3A_124, %reduce_min3A_125 [1] : vector<16x64xi32> to vector<16xi32>
    %broadcast_in_dim3A_127 = vector.shape_cast %reduce_min3A_126 : vector<16xi32> to vector<16x1xi32>
    %eq3A_128 = vector.broadcast %broadcast_in_dim3A_127 : vector<16x1xi32> to vector<16x64xi32>
    %eq3A_129 = arith.cmpi eq, %select_n3A_124, %eq3A_128 : vector<16x64xi32>
    %jit3A_130 = arith.constant 64 : i32
    %broadcast_in_dim3A_131 = vector.broadcast %jit3A_130 : i32 to vector<16x64xi32>
    %select_n3A_132 = arith.select %eq3A_129, %broadcast_in_dim3A_131, %select_n3A_124 : vector<16x64xi1>, vector<16x64xi32>
    %reduce_min3A_133 = arith.constant dense<2147483647> : vector<16xi32>
    %reduce_min3A_134 = vector.multi_reduction <minsi>, %select_n3A_132, %reduce_min3A_133 [1] : vector<16x64xi32> to vector<16xi32>
    %broadcast_in_dim3A_135 = vector.shape_cast %reduce_min3A_134 : vector<16xi32> to vector<16x1xi32>
    %eq3A_136 = vector.broadcast %broadcast_in_dim3A_135 : vector<16x1xi32> to vector<16x64xi32>
    %eq3A_137 = arith.cmpi eq, %select_n3A_132, %eq3A_136 : vector<16x64xi32>
    %jit3A_138 = arith.constant 64 : i32
    %broadcast_in_dim3A_139 = vector.broadcast %jit3A_138 : i32 to vector<16x64xi32>
    %select_n3A_140 = arith.select %eq3A_137, %broadcast_in_dim3A_139, %select_n3A_132 : vector<16x64xi1>, vector<16x64xi32>
    %reduce_min3A_141 = arith.constant dense<2147483647> : vector<16xi32>
    %reduce_min3A_142 = vector.multi_reduction <minsi>, %select_n3A_140, %reduce_min3A_141 [1] : vector<16x64xi32> to vector<16xi32>
    %broadcast_in_dim3A_143 = vector.shape_cast %reduce_min3A_142 : vector<16xi32> to vector<16x1xi32>
    %eq3A_144 = vector.broadcast %broadcast_in_dim3A_143 : vector<16x1xi32> to vector<16x64xi32>
    %eq3A_145 = arith.cmpi eq, %select_n3A_140, %eq3A_144 : vector<16x64xi32>
    %jit3A_146 = arith.constant 64 : i32
    %broadcast_in_dim3A_147 = vector.broadcast %jit3A_146 : i32 to vector<16x64xi32>
    %select_n3A_148 = arith.select %eq3A_145, %broadcast_in_dim3A_147, %select_n3A_140 : vector<16x64xi1>, vector<16x64xi32>
    %reduce_min3A_149 = arith.constant dense<2147483647> : vector<16xi32>
    %reduce_min3A_150 = vector.multi_reduction <minsi>, %select_n3A_148, %reduce_min3A_149 [1] : vector<16x64xi32> to vector<16xi32>
    %broadcast_in_dim3A_151 = vector.shape_cast %reduce_min3A_150 : vector<16xi32> to vector<16x1xi32>
    %eq3A_152 = vector.broadcast %broadcast_in_dim3A_151 : vector<16x1xi32> to vector<16x64xi32>
    %eq3A_153 = arith.cmpi eq, %select_n3A_148, %eq3A_152 : vector<16x64xi32>
    %jit3A_154 = arith.constant 64 : i32
    %broadcast_in_dim3A_155 = vector.broadcast %jit3A_154 : i32 to vector<16x64xi32>
    %select_n3A_156 = arith.select %eq3A_153, %broadcast_in_dim3A_155, %select_n3A_148 : vector<16x64xi1>, vector<16x64xi32>
    %reduce_min3A_157 = arith.constant dense<2147483647> : vector<16xi32>
    %reduce_min3A_158 = vector.multi_reduction <minsi>, %select_n3A_156, %reduce_min3A_157 [1] : vector<16x64xi32> to vector<16xi32>
    %broadcast_in_dim3A_159 = vector.shape_cast %reduce_min3A_158 : vector<16xi32> to vector<16x1xi32>
    %eq3A_160 = vector.broadcast %broadcast_in_dim3A_159 : vector<16x1xi32> to vector<16x64xi32>
    %eq3A_161 = arith.cmpi eq, %select_n3A_156, %eq3A_160 : vector<16x64xi32>
    %jit3A_162 = arith.constant 64 : i32
    %broadcast_in_dim3A_163 = vector.broadcast %jit3A_162 : i32 to vector<16x64xi32>
    %select_n3A_164 = arith.select %eq3A_161, %broadcast_in_dim3A_163, %select_n3A_156 : vector<16x64xi1>, vector<16x64xi32>
    %reduce_min3A_165 = arith.constant dense<2147483647> : vector<16xi32>
    %reduce_min3A_166 = vector.multi_reduction <minsi>, %select_n3A_164, %reduce_min3A_165 [1] : vector<16x64xi32> to vector<16xi32>
    %broadcast_in_dim3A_167 = vector.shape_cast %reduce_min3A_166 : vector<16xi32> to vector<16x1xi32>
    %eq3A_168 = vector.broadcast %broadcast_in_dim3A_167 : vector<16x1xi32> to vector<16x64xi32>
    %eq3A_169 = arith.cmpi eq, %select_n3A_164, %eq3A_168 : vector<16x64xi32>
    %jit3A_170 = arith.constant 64 : i32
    %broadcast_in_dim3A_171 = vector.broadcast %jit3A_170 : i32 to vector<16x64xi32>
    %select_n3A_172 = arith.select %eq3A_169, %broadcast_in_dim3A_171, %select_n3A_164 : vector<16x64xi1>, vector<16x64xi32>
    %reduce_min3A_173 = arith.constant dense<2147483647> : vector<16xi32>
    %reduce_min3A_174 = vector.multi_reduction <minsi>, %select_n3A_172, %reduce_min3A_173 [1] : vector<16x64xi32> to vector<16xi32>
    %broadcast_in_dim3A_175 = vector.shape_cast %reduce_min3A_174 : vector<16xi32> to vector<16x1xi32>
    %eq3A_176 = vector.broadcast %broadcast_in_dim3A_175 : vector<16x1xi32> to vector<16x64xi32>
    %eq3A_177 = arith.cmpi eq, %select_n3A_172, %eq3A_176 : vector<16x64xi32>
    %jit3A_178 = arith.constant 64 : i32
    %broadcast_in_dim3A_179 = vector.broadcast %jit3A_178 : i32 to vector<16x64xi32>
    %select_n3A_180 = arith.select %eq3A_177, %broadcast_in_dim3A_179, %select_n3A_172 : vector<16x64xi1>, vector<16x64xi32>
    %reduce_min3A_181 = arith.constant dense<2147483647> : vector<16xi32>
    %reduce_min3A_182 = vector.multi_reduction <minsi>, %select_n3A_180, %reduce_min3A_181 [1] : vector<16x64xi32> to vector<16xi32>
    %broadcast_in_dim3A_183 = vector.shape_cast %reduce_min3A_182 : vector<16xi32> to vector<16x1xi32>
    %eq3A_184 = vector.broadcast %broadcast_in_dim3A_183 : vector<16x1xi32> to vector<16x64xi32>
    %eq3A_185 = arith.cmpi eq, %select_n3A_180, %eq3A_184 : vector<16x64xi32>
    %jit3A_186 = arith.constant 64 : i32
    %broadcast_in_dim3A_187 = vector.broadcast %jit3A_186 : i32 to vector<16x64xi32>
    %select_n3A_188 = arith.select %eq3A_185, %broadcast_in_dim3A_187, %select_n3A_180 : vector<16x64xi1>, vector<16x64xi32>
    %reduce_min3A_189 = arith.constant dense<2147483647> : vector<16xi32>
    %reduce_min3A_190 = vector.multi_reduction <minsi>, %select_n3A_188, %reduce_min3A_189 [1] : vector<16x64xi32> to vector<16xi32>
    %broadcast_in_dim3A_191 = vector.shape_cast %reduce_min3A_190 : vector<16xi32> to vector<16x1xi32>
    %eq3A_192 = vector.broadcast %broadcast_in_dim3A_191 : vector<16x1xi32> to vector<16x64xi32>
    %eq3A_193 = arith.cmpi eq, %select_n3A_188, %eq3A_192 : vector<16x64xi32>
    %jit3A_194 = arith.constant 64 : i32
    %broadcast_in_dim3A_195 = vector.broadcast %jit3A_194 : i32 to vector<16x64xi32>
    %select_n3A_196 = arith.select %eq3A_193, %broadcast_in_dim3A_195, %select_n3A_188 : vector<16x64xi1>, vector<16x64xi32>
    %reduce_min3A_197 = arith.constant dense<2147483647> : vector<16xi32>
    %reduce_min3A_198 = vector.multi_reduction <minsi>, %select_n3A_196, %reduce_min3A_197 [1] : vector<16x64xi32> to vector<16xi32>
    %broadcast_in_dim3A_199 = vector.shape_cast %reduce_min3A_198 : vector<16xi32> to vector<16x1xi32>
    %eq3A_200 = vector.broadcast %broadcast_in_dim3A_199 : vector<16x1xi32> to vector<16x64xi32>
    %eq3A_201 = arith.cmpi eq, %select_n3A_196, %eq3A_200 : vector<16x64xi32>
    %jit3A_202 = arith.constant 64 : i32
    %broadcast_in_dim3A_203 = vector.broadcast %jit3A_202 : i32 to vector<16x64xi32>
    %select_n3A_204 = arith.select %eq3A_201, %broadcast_in_dim3A_203, %select_n3A_196 : vector<16x64xi1>, vector<16x64xi32>
    %reduce_min3A_205 = arith.constant dense<2147483647> : vector<16xi32>
    %reduce_min3A_206 = vector.multi_reduction <minsi>, %select_n3A_204, %reduce_min3A_205 [1] : vector<16x64xi32> to vector<16xi32>
    %broadcast_in_dim3A_207 = vector.shape_cast %reduce_min3A_206 : vector<16xi32> to vector<16x1xi32>
    %eq3A_208 = vector.broadcast %broadcast_in_dim3A_207 : vector<16x1xi32> to vector<16x64xi32>
    %eq3A_209 = arith.cmpi eq, %select_n3A_204, %eq3A_208 : vector<16x64xi32>
    %jit3A_210 = arith.constant 64 : i32
    %broadcast_in_dim3A_211 = vector.broadcast %jit3A_210 : i32 to vector<16x64xi32>
    %select_n3A_212 = arith.select %eq3A_209, %broadcast_in_dim3A_211, %select_n3A_204 : vector<16x64xi1>, vector<16x64xi32>
    %reduce_min3A_213 = arith.constant dense<2147483647> : vector<16xi32>
    %reduce_min3A_214 = vector.multi_reduction <minsi>, %select_n3A_212, %reduce_min3A_213 [1] : vector<16x64xi32> to vector<16xi32>
    %broadcast_in_dim3A_215 = vector.shape_cast %reduce_min3A_214 : vector<16xi32> to vector<16x1xi32>
    %eq3A_216 = vector.broadcast %broadcast_in_dim3A_215 : vector<16x1xi32> to vector<16x64xi32>
    %eq3A_217 = arith.cmpi eq, %select_n3A_212, %eq3A_216 : vector<16x64xi32>
    %jit3A_218 = arith.constant 64 : i32
    %broadcast_in_dim3A_219 = vector.broadcast %jit3A_218 : i32 to vector<16x64xi32>
    %select_n3A_220 = arith.select %eq3A_217, %broadcast_in_dim3A_219, %select_n3A_212 : vector<16x64xi1>, vector<16x64xi32>
    %reduce_min3A_221 = arith.constant dense<2147483647> : vector<16xi32>
    %reduce_min3A_222 = vector.multi_reduction <minsi>, %select_n3A_220, %reduce_min3A_221 [1] : vector<16x64xi32> to vector<16xi32>
    %broadcast_in_dim3A_223 = vector.shape_cast %reduce_min3A_222 : vector<16xi32> to vector<16x1xi32>
    %eq3A_224 = vector.broadcast %broadcast_in_dim3A_223 : vector<16x1xi32> to vector<16x64xi32>
    %eq3A_225 = arith.cmpi eq, %select_n3A_220, %eq3A_224 : vector<16x64xi32>
    %jit3A_226 = arith.constant 64 : i32
    %broadcast_in_dim3A_227 = vector.broadcast %jit3A_226 : i32 to vector<16x64xi32>
    %select_n3A_228 = arith.select %eq3A_225, %broadcast_in_dim3A_227, %select_n3A_220 : vector<16x64xi1>, vector<16x64xi32>
    %reduce_min3A_229 = arith.constant dense<2147483647> : vector<16xi32>
    %reduce_min3A_230 = vector.multi_reduction <minsi>, %select_n3A_228, %reduce_min3A_229 [1] : vector<16x64xi32> to vector<16xi32>
    %broadcast_in_dim3A_231 = vector.shape_cast %reduce_min3A_230 : vector<16xi32> to vector<16x1xi32>
    %eq3A_232 = vector.broadcast %broadcast_in_dim3A_231 : vector<16x1xi32> to vector<16x64xi32>
    %eq3A_233 = arith.cmpi eq, %select_n3A_228, %eq3A_232 : vector<16x64xi32>
    %jit3A_234 = arith.constant 64 : i32
    %broadcast_in_dim3A_235 = vector.broadcast %jit3A_234 : i32 to vector<16x64xi32>
    %select_n3A_236 = arith.select %eq3A_233, %broadcast_in_dim3A_235, %select_n3A_228 : vector<16x64xi1>, vector<16x64xi32>
    %reduce_min3A_237 = arith.constant dense<2147483647> : vector<16xi32>
    %reduce_min3A_238 = vector.multi_reduction <minsi>, %select_n3A_236, %reduce_min3A_237 [1] : vector<16x64xi32> to vector<16xi32>
    %broadcast_in_dim3A_239 = vector.shape_cast %reduce_min3A_238 : vector<16xi32> to vector<16x1xi32>
    %eq3A_240 = vector.broadcast %broadcast_in_dim3A_239 : vector<16x1xi32> to vector<16x64xi32>
    %eq3A_241 = arith.cmpi eq, %select_n3A_236, %eq3A_240 : vector<16x64xi32>
    %jit3A_242 = arith.constant 64 : i32
    %broadcast_in_dim3A_243 = vector.broadcast %jit3A_242 : i32 to vector<16x64xi32>
    %select_n3A_244 = arith.select %eq3A_241, %broadcast_in_dim3A_243, %select_n3A_236 : vector<16x64xi1>, vector<16x64xi32>
    %reduce_min3A_245 = arith.constant dense<2147483647> : vector<16xi32>
    %reduce_min3A_246 = vector.multi_reduction <minsi>, %select_n3A_244, %reduce_min3A_245 [1] : vector<16x64xi32> to vector<16xi32>
    %broadcast_in_dim3A_247 = vector.shape_cast %reduce_min3A_246 : vector<16xi32> to vector<16x1xi32>
    %eq3A_248 = vector.broadcast %broadcast_in_dim3A_247 : vector<16x1xi32> to vector<16x64xi32>
    %eq3A_249 = arith.cmpi eq, %select_n3A_244, %eq3A_248 : vector<16x64xi32>
    %jit3A_250 = arith.constant 64 : i32
    %broadcast_in_dim3A_251 = vector.broadcast %jit3A_250 : i32 to vector<16x64xi32>
    %select_n3A_252 = arith.select %eq3A_249, %broadcast_in_dim3A_251, %select_n3A_244 : vector<16x64xi1>, vector<16x64xi32>
    %reduce_min3A_253 = arith.constant dense<2147483647> : vector<16xi32>
    %reduce_min3A_254 = vector.multi_reduction <minsi>, %select_n3A_252, %reduce_min3A_253 [1] : vector<16x64xi32> to vector<16xi32>
    %broadcast_in_dim3A_255 = vector.shape_cast %reduce_min3A_254 : vector<16xi32> to vector<16x1xi32>
    %eq3A_256 = vector.broadcast %broadcast_in_dim3A_255 : vector<16x1xi32> to vector<16x64xi32>
    %eq3A_257 = arith.cmpi eq, %select_n3A_252, %eq3A_256 : vector<16x64xi32>
    %jit3A_258 = arith.constant 64 : i32
    %broadcast_in_dim3A_259 = vector.broadcast %jit3A_258 : i32 to vector<16x64xi32>
    %select_n3A_260 = arith.select %eq3A_257, %broadcast_in_dim3A_259, %select_n3A_252 : vector<16x64xi1>, vector<16x64xi32>
    %reduce_min3A_261 = arith.constant dense<2147483647> : vector<16xi32>
    %reduce_min3A_262 = vector.multi_reduction <minsi>, %select_n3A_260, %reduce_min3A_261 [1] : vector<16x64xi32> to vector<16xi32>
    %broadcast_in_dim3A_263 = vector.shape_cast %reduce_min3A_262 : vector<16xi32> to vector<16x1xi32>
    %eq3A_264 = vector.broadcast %broadcast_in_dim3A_263 : vector<16x1xi32> to vector<16x64xi32>
    %eq3A_265 = arith.cmpi eq, %select_n3A_260, %eq3A_264 : vector<16x64xi32>
    %jit3A_266 = arith.constant 64 : i32
    %broadcast_in_dim3A_267 = vector.broadcast %jit3A_266 : i32 to vector<16x64xi32>
    %select_n3A_268 = arith.select %eq3A_265, %broadcast_in_dim3A_267, %select_n3A_260 : vector<16x64xi1>, vector<16x64xi32>
    %reduce_min3A_269 = arith.constant dense<2147483647> : vector<16xi32>
    %reduce_min3A_270 = vector.multi_reduction <minsi>, %select_n3A_268, %reduce_min3A_269 [1] : vector<16x64xi32> to vector<16xi32>
    %broadcast_in_dim3A_271 = vector.shape_cast %reduce_min3A_270 : vector<16xi32> to vector<16x1xi32>
    %concatenate3A = tpu.concatenate %broadcast_in_dim3A_24, %broadcast_in_dim3A_31, %broadcast_in_dim3A_39, %broadcast_in_dim3A_47, %broadcast_in_dim3A_55, %broadcast_in_dim3A_63, %broadcast_in_dim3A_71, %broadcast_in_dim3A_79, %broadcast_in_dim3A_87, %broadcast_in_dim3A_95, %broadcast_in_dim3A_103, %broadcast_in_dim3A_111, %broadcast_in_dim3A_119, %broadcast_in_dim3A_127, %broadcast_in_dim3A_135, %broadcast_in_dim3A_143, %broadcast_in_dim3A_151, %broadcast_in_dim3A_159, %broadcast_in_dim3A_167, %broadcast_in_dim3A_175, %broadcast_in_dim3A_183, %broadcast_in_dim3A_191, %broadcast_in_dim3A_199, %broadcast_in_dim3A_207, %broadcast_in_dim3A_215, %broadcast_in_dim3A_223, %broadcast_in_dim3A_231, %broadcast_in_dim3A_239, %broadcast_in_dim3A_247, %broadcast_in_dim3A_255, %broadcast_in_dim3A_263, %broadcast_in_dim3A_271 in 1 : vector<16x1xi32>, vector<16x1xi32>, vector<16x1xi32>, vector<16x1xi32>, vector<16x1xi32>, vector<16x1xi32>, vector<16x1xi32>, vector<16x1xi32>, vector<16x1xi32>, vector<16x1xi32>, vector<16x1xi32>, vector<16x1xi32>, vector<16x1xi32>, vector<16x1xi32>, vector<16x1xi32>, vector<16x1xi32>, vector<16x1xi32>, vector<16x1xi32>, vector<16x1xi32>, vector<16x1xi32>, vector<16x1xi32>, vector<16x1xi32>, vector<16x1xi32>, vector<16x1xi32>, vector<16x1xi32>, vector<16x1xi32>, vector<16x1xi32>, vector<16x1xi32>, vector<16x1xi32>, vector<16x1xi32>, vector<16x1xi32>, vector<16x1xi32> -> vector<16x32xi32>
    %eq3A_272 = arith.constant 64 : i32
    %eq3A_273 = vector.broadcast %eq3A_272 : i32 to vector<16x32xi32>
    %eq3A_274 = arith.cmpi eq, %concatenate3A, %eq3A_273 : vector<16x32xi32>
    %broadcast_in_dim3A_275 = vector.shape_cast %broadcast_in_dim3A_24 : vector<16x1xi32> to vector<16x1xi32>
    %broadcast_in_dim3A_276 = vector.broadcast %broadcast_in_dim3A_275 : vector<16x1xi32> to vector<16x32xi32>
    %select_n3A_277 = arith.select %eq3A_274, %broadcast_in_dim3A_276, %concatenate3A : vector<16x32xi1>, vector<16x32xi32>
    %swap3A = arith.constant 0 : index
    %swap3A_278 = arith.constant 0 : index
    %swap3A_279 = arith.constant 0 : index
    %swap3A_280 = vector.load %arg4[%swap3A, %swap3A_278, %swap3A_279] : memref<1x16x32xi32, #tpu.memory_space<vmem>>, vector<1x16x32xi32>
    %swap3A_281 = vector.shape_cast %swap3A_280 : vector<1x16x32xi32> to vector<16x32xi32>
    %swap3A_282 = vector.shape_cast %select_n3A_277 : vector<16x32xi32> to vector<1x16x32xi32>
    tpu.vector_store %arg4[%swap3A, %swap3A_278, %swap3A_279], %swap3A_282 {strides = array<i32>} : memref<1x16x32xi32, #tpu.memory_space<vmem>>, vector<1x16x32xi32>,
    return
  }
  func.func @transform_0(%arg0: i32, %arg1: i32) -> (i32, i32, i32) {
    %c0_i32 = arith.constant 0 : i32
    %c0_i32_0 = arith.constant 0 : i32
    return %arg0, %arg1, %c0_i32 : i32, i32, i32
  }
  func.func @transform_1(%arg0: i32, %arg1: i32) -> (i32, i32, i32) {
    %c0_i32 = arith.constant 0 : i32
    %c0_i32_0 = arith.constant 0 : i32
    %c0_i32_1 = arith.constant 0 : i32
    return %arg0, %c0_i32, %c0_i32_0 : i32, i32, i32
  }
  func.func @transform_2(%arg0: i32, %arg1: i32) -> (i32, i32, i32) {
    %c0_i32 = arith.constant 0 : i32
    %c0_i32_0 = arith.constant 0 : i32
    return %arg0, %arg1, %c0_i32 : i32, i32, i32
  }
}

module attributes {stable_mosaic.version = 14 : i64} {
  func.func @_sa_mlp_body(%arg0: i32, %arg1: i32, %arg2: memref<1x64x32x144xf32, #tpu.memory_space<vmem>>, %arg3: memref<1x64x3xf32, #tpu.memory_space<vmem>>, %arg4: memref<128x144xf32, #tpu.memory_space<vmem>>, %arg5: memref<128xf32, #tpu.memory_space<vmem>>, %arg6: memref<128xf32, #tpu.memory_space<vmem>>, %arg7: memref<128xf32, #tpu.memory_space<vmem>>, %arg8: memref<128x128xf32, #tpu.memory_space<vmem>>, %arg9: memref<128xf32, #tpu.memory_space<vmem>>, %arg10: memref<128xf32, #tpu.memory_space<vmem>>, %arg11: memref<128xf32, #tpu.memory_space<vmem>>, %arg12: memref<256x128xf32, #tpu.memory_space<vmem>>, %arg13: memref<256xf32, #tpu.memory_space<vmem>>, %arg14: memref<256xf32, #tpu.memory_space<vmem>>, %arg15: memref<256xf32, #tpu.memory_space<vmem>>, %arg16: memref<1x64x256xf32, #tpu.memory_space<vmem>>) attributes {dimension_semantics = [#tpu.dimension_semantics<arbitrary>, #tpu.dimension_semantics<arbitrary>], iteration_bounds = array<i64: 8, 1>, scalar_prefetch = 0 : i64, scratch_operands = 0 : i64, tpu.core_type = #tpu.core_type<tc>, window_params = [{transform_indices = @transform_0, window_bounds = array<i64: 1, 64, 32, 144>}, {transform_indices = @transform_1, window_bounds = array<i64: 1, 64, 3>}, {pipeline_mode = #tpu.pipeline_mode<synchronous>, transform_indices = @transform_2, window_bounds = array<i64: 128, 144>}, {pipeline_mode = #tpu.pipeline_mode<synchronous>, transform_indices = @transform_3, window_bounds = array<i64: 128>}, {pipeline_mode = #tpu.pipeline_mode<synchronous>, transform_indices = @transform_4, window_bounds = array<i64: 128>}, {pipeline_mode = #tpu.pipeline_mode<synchronous>, transform_indices = @transform_5, window_bounds = array<i64: 128>}, {pipeline_mode = #tpu.pipeline_mode<synchronous>, transform_indices = @transform_6, window_bounds = array<i64: 128, 128>}, {pipeline_mode = #tpu.pipeline_mode<synchronous>, transform_indices = @transform_7, window_bounds = array<i64: 128>}, {pipeline_mode = #tpu.pipeline_mode<synchronous>, transform_indices = @transform_8, window_bounds = array<i64: 128>}, {pipeline_mode = #tpu.pipeline_mode<synchronous>, transform_indices = @transform_9, window_bounds = array<i64: 128>}, {pipeline_mode = #tpu.pipeline_mode<synchronous>, transform_indices = @transform_10, window_bounds = array<i64: 256, 128>}, {pipeline_mode = #tpu.pipeline_mode<synchronous>, transform_indices = @transform_11, window_bounds = array<i64: 256>}, {pipeline_mode = #tpu.pipeline_mode<synchronous>, transform_indices = @transform_12, window_bounds = array<i64: 256>}, {pipeline_mode = #tpu.pipeline_mode<synchronous>, transform_indices = @transform_13, window_bounds = array<i64: 256>}, {transform_indices = @transform_14, window_bounds = array<i64: 1, 64, 256>}]} {
    %get3A = arith.constant 0 : index
    %get3A_0 = arith.constant 0 : index
    %get3A_1 = arith.constant 0 : index
    %get3A_2 = arith.constant 0 : index
    %get3A_3 = vector.load %arg2[%get3A, %get3A_0, %get3A_1, %get3A_2] : memref<1x64x32x144xf32, #tpu.memory_space<vmem>>, vector<1x64x32x144xf32>
    %get3A_4 = vector.shape_cast %get3A_3 : vector<1x64x32x144xf32> to vector<64x32x144xf32>
    %reshape3A = vector.shape_cast %get3A_4 : vector<64x32x144xf32> to vector<2048x144xf32>
    %get3A_5 = arith.constant 0 : index
    %get3A_6 = arith.constant 0 : index
    %get3A_7 = arith.constant 0 : index
    %get3A_8 = vector.load %arg3[%get3A_5, %get3A_6, %get3A_7] : memref<1x64x3xf32, #tpu.memory_space<vmem>>, vector<1x64x3xf32>
    %get3A_9 = vector.shape_cast %get3A_8 : vector<1x64x3xf32> to vector<64x3xf32>
    %get3A_10 = arith.constant 0 : index
    %get3A_11 = arith.constant 0 : index
    %get3A_12 = vector.load %arg4[%get3A_10, %get3A_11] : memref<128x144xf32, #tpu.memory_space<vmem>>, vector<128x144xf32>
    %dot_general3A = arith.constant dense<0.000000e+00> : vector<2048x128xf32>
    %dot_general3A_13 = tpu.matmul %reshape3A, %get3A_12, %dot_general3A {dimension_numbers = #tpu.dot_dimension_numbers<[1], [1], [0], [0], [0, 0, 1, 0], [], []>, transpose_lhs_hint = false} : vector<2048x144xf32>, vector<128x144xf32>, vector<2048x128xf32> -> vector<2048x128xf32>
    %get3A_14 = arith.constant 0 : index
    %get3A_15 = vector.load %arg5[%get3A_14] : memref<128xf32, #tpu.memory_space<vmem>>, vector<128xf32>
    %broadcast_in_dim3A = vector.shape_cast %get3A_15 : vector<128xf32> to vector<1x128xf32>
    %add3A = vector.broadcast %broadcast_in_dim3A : vector<1x128xf32> to vector<2048x128xf32>
    %add3A_16 = arith.addf %dot_general3A_13, %add3A : vector<2048x128xf32>
    %get3A_17 = arith.constant 0 : index
    %get3A_18 = arith.constant 0 : index
    %get3A_19 = vector.load %arg4[%get3A_17, %get3A_18] : memref<128x144xf32, #tpu.memory_space<vmem>>, vector<128x3xf32>
    %dot_general3A_20 = arith.constant dense<0.000000e+00> : vector<64x128xf32>
    %dot_general3A_21 = tpu.matmul %get3A_9, %get3A_19, %dot_general3A_20 {dimension_numbers = #tpu.dot_dimension_numbers<[1], [1], [0], [0], [0, 0, 1, 0], [], []>, transpose_lhs_hint = false} : vector<64x3xf32>, vector<128x3xf32>, vector<64x128xf32> -> vector<64x128xf32>
    %reshape3A_22 = vector.shape_cast %add3A_16 : vector<2048x128xf32> to vector<64x32x128xf32>
    %broadcast_in_dim3A_23 = vector.shape_cast %dot_general3A_21 : vector<64x128xf32> to vector<64x1x128xf32>
    %sub3A = vector.broadcast %broadcast_in_dim3A_23 : vector<64x1x128xf32> to vector<64x32x128xf32>
    %sub3A_24 = arith.subf %reshape3A_22, %sub3A : vector<64x32x128xf32>
    %reshape3A_25 = vector.shape_cast %sub3A_24 : vector<64x32x128xf32> to vector<2048x128xf32>
    %mul3A = arith.constant 0.999994993 : f32
    %mul3A_26 = vector.broadcast %mul3A : f32 to vector<2048x128xf32>
    %mul3A_27 = arith.mulf %reshape3A_25, %mul3A_26 : vector<2048x128xf32>
    %get3A_28 = arith.constant 0 : index
    %get3A_29 = vector.load %arg6[%get3A_28] : memref<128xf32, #tpu.memory_space<vmem>>, vector<128xf32>
    %broadcast_in_dim3A_30 = vector.shape_cast %get3A_29 : vector<128xf32> to vector<1x128xf32>
    %mul3A_31 = vector.broadcast %broadcast_in_dim3A_30 : vector<1x128xf32> to vector<2048x128xf32>
    %mul3A_32 = arith.mulf %mul3A_27, %mul3A_31 : vector<2048x128xf32>
    %get3A_33 = arith.constant 0 : index
    %get3A_34 = vector.load %arg7[%get3A_33] : memref<128xf32, #tpu.memory_space<vmem>>, vector<128xf32>
    %broadcast_in_dim3A_35 = vector.shape_cast %get3A_34 : vector<128xf32> to vector<1x128xf32>
    %add3A_36 = vector.broadcast %broadcast_in_dim3A_35 : vector<1x128xf32> to vector<2048x128xf32>
    %add3A_37 = arith.addf %mul3A_32, %add3A_36 : vector<2048x128xf32>
    %max3A = arith.constant 0.000000e+00 : f32
    %max3A_38 = vector.broadcast %max3A : f32 to vector<2048x128xf32>
    %max3A_39 = arith.maximumf %add3A_37, %max3A_38 : vector<2048x128xf32>
    %get3A_40 = arith.constant 0 : index
    %get3A_41 = arith.constant 0 : index
    %get3A_42 = vector.load %arg8[%get3A_40, %get3A_41] : memref<128x128xf32, #tpu.memory_space<vmem>>, vector<128x128xf32>
    %dot_general3A_43 = arith.constant dense<0.000000e+00> : vector<2048x128xf32>
    %dot_general3A_44 = tpu.matmul %max3A_39, %get3A_42, %dot_general3A_43 {dimension_numbers = #tpu.dot_dimension_numbers<[1], [1], [0], [0], [0, 0, 1, 0], [], []>, transpose_lhs_hint = false} : vector<2048x128xf32>, vector<128x128xf32>, vector<2048x128xf32> -> vector<2048x128xf32>
    %get3A_45 = arith.constant 0 : index
    %get3A_46 = vector.load %arg9[%get3A_45] : memref<128xf32, #tpu.memory_space<vmem>>, vector<128xf32>
    %broadcast_in_dim3A_47 = vector.shape_cast %get3A_46 : vector<128xf32> to vector<1x128xf32>
    %add3A_48 = vector.broadcast %broadcast_in_dim3A_47 : vector<1x128xf32> to vector<2048x128xf32>
    %add3A_49 = arith.addf %dot_general3A_44, %add3A_48 : vector<2048x128xf32>
    %mul3A_50 = arith.constant 0.999994993 : f32
    %mul3A_51 = vector.broadcast %mul3A_50 : f32 to vector<2048x128xf32>
    %mul3A_52 = arith.mulf %add3A_49, %mul3A_51 : vector<2048x128xf32>
    %get3A_53 = arith.constant 0 : index
    %get3A_54 = vector.load %arg10[%get3A_53] : memref<128xf32, #tpu.memory_space<vmem>>, vector<128xf32>
    %broadcast_in_dim3A_55 = vector.shape_cast %get3A_54 : vector<128xf32> to vector<1x128xf32>
    %mul3A_56 = vector.broadcast %broadcast_in_dim3A_55 : vector<1x128xf32> to vector<2048x128xf32>
    %mul3A_57 = arith.mulf %mul3A_52, %mul3A_56 : vector<2048x128xf32>
    %get3A_58 = arith.constant 0 : index
    %get3A_59 = vector.load %arg11[%get3A_58] : memref<128xf32, #tpu.memory_space<vmem>>, vector<128xf32>
    %broadcast_in_dim3A_60 = vector.shape_cast %get3A_59 : vector<128xf32> to vector<1x128xf32>
    %add3A_61 = vector.broadcast %broadcast_in_dim3A_60 : vector<1x128xf32> to vector<2048x128xf32>
    %add3A_62 = arith.addf %mul3A_57, %add3A_61 : vector<2048x128xf32>
    %max3A_63 = arith.constant 0.000000e+00 : f32
    %max3A_64 = vector.broadcast %max3A_63 : f32 to vector<2048x128xf32>
    %max3A_65 = arith.maximumf %add3A_62, %max3A_64 : vector<2048x128xf32>
    %get3A_66 = arith.constant 0 : index
    %get3A_67 = arith.constant 0 : index
    %get3A_68 = vector.load %arg12[%get3A_66, %get3A_67] : memref<256x128xf32, #tpu.memory_space<vmem>>, vector<256x128xf32>
    %dot_general3A_69 = arith.constant dense<0.000000e+00> : vector<2048x256xf32>
    %dot_general3A_70 = tpu.matmul %max3A_65, %get3A_68, %dot_general3A_69 {dimension_numbers = #tpu.dot_dimension_numbers<[1], [1], [0], [0], [0, 0, 1, 0], [], []>, transpose_lhs_hint = false} : vector<2048x128xf32>, vector<256x128xf32>, vector<2048x256xf32> -> vector<2048x256xf32>
    %get3A_71 = arith.constant 0 : index
    %get3A_72 = vector.load %arg13[%get3A_71] : memref<256xf32, #tpu.memory_space<vmem>>, vector<256xf32>
    %broadcast_in_dim3A_73 = vector.shape_cast %get3A_72 : vector<256xf32> to vector<1x256xf32>
    %add3A_74 = vector.broadcast %broadcast_in_dim3A_73 : vector<1x256xf32> to vector<2048x256xf32>
    %add3A_75 = arith.addf %dot_general3A_70, %add3A_74 : vector<2048x256xf32>
    %mul3A_76 = arith.constant 0.999994993 : f32
    %mul3A_77 = vector.broadcast %mul3A_76 : f32 to vector<2048x256xf32>
    %mul3A_78 = arith.mulf %add3A_75, %mul3A_77 : vector<2048x256xf32>
    %get3A_79 = arith.constant 0 : index
    %get3A_80 = vector.load %arg14[%get3A_79] : memref<256xf32, #tpu.memory_space<vmem>>, vector<256xf32>
    %broadcast_in_dim3A_81 = vector.shape_cast %get3A_80 : vector<256xf32> to vector<1x256xf32>
    %mul3A_82 = vector.broadcast %broadcast_in_dim3A_81 : vector<1x256xf32> to vector<2048x256xf32>
    %mul3A_83 = arith.mulf %mul3A_78, %mul3A_82 : vector<2048x256xf32>
    %get3A_84 = arith.constant 0 : index
    %get3A_85 = vector.load %arg15[%get3A_84] : memref<256xf32, #tpu.memory_space<vmem>>, vector<256xf32>
    %broadcast_in_dim3A_86 = vector.shape_cast %get3A_85 : vector<256xf32> to vector<1x256xf32>
    %add3A_87 = vector.broadcast %broadcast_in_dim3A_86 : vector<1x256xf32> to vector<2048x256xf32>
    %add3A_88 = arith.addf %mul3A_83, %add3A_87 : vector<2048x256xf32>
    %max3A_89 = arith.constant 0.000000e+00 : f32
    %max3A_90 = vector.broadcast %max3A_89 : f32 to vector<2048x256xf32>
    %max3A_91 = arith.maximumf %add3A_88, %max3A_90 : vector<2048x256xf32>
    %reshape3A_92 = vector.shape_cast %max3A_91 : vector<2048x256xf32> to vector<64x32x256xf32>
    %reduce_max3A = arith.constant dense<0xFF800000> : vector<64x256xf32>
    %reduce_max3A_93 = vector.multi_reduction <maximumf>, %reshape3A_92, %reduce_max3A [1] : vector<64x32x256xf32> to vector<64x256xf32>
    %swap3A = arith.constant 0 : index
    %swap3A_94 = arith.constant 0 : index
    %swap3A_95 = arith.constant 0 : index
    %swap3A_96 = vector.load %arg16[%swap3A, %swap3A_94, %swap3A_95] : memref<1x64x256xf32, #tpu.memory_space<vmem>>, vector<1x64x256xf32>
    %swap3A_97 = vector.shape_cast %swap3A_96 : vector<1x64x256xf32> to vector<64x256xf32>
    %swap3A_98 = vector.shape_cast %reduce_max3A_93 : vector<64x256xf32> to vector<1x64x256xf32>
    tpu.vector_store %arg16[%swap3A, %swap3A_94, %swap3A_95], %swap3A_98 {strides = array<i32>} : memref<1x64x256xf32, #tpu.memory_space<vmem>>, vector<1x64x256xf32>,
    return
  }
  func.func @transform_0(%arg0: i32, %arg1: i32) -> (i32, i32, i32, i32) {
    %c0_i32 = arith.constant 0 : i32
    %c0_i32_0 = arith.constant 0 : i32
    %c0_i32_1 = arith.constant 0 : i32
    return %arg0, %arg1, %c0_i32, %c0_i32_0 : i32, i32, i32, i32
  }
  func.func @transform_1(%arg0: i32, %arg1: i32) -> (i32, i32, i32) {
    %c0_i32 = arith.constant 0 : i32
    %c0_i32_0 = arith.constant 0 : i32
    return %arg0, %arg1, %c0_i32 : i32, i32, i32
  }
  func.func @transform_2(%arg0: i32, %arg1: i32) -> (i32, i32) {
    %c0_i32 = arith.constant 0 : i32
    %c0_i32_0 = arith.constant 0 : i32
    %c0_i32_1 = arith.constant 0 : i32
    return %c0_i32, %c0_i32_0 : i32, i32
  }
  func.func @transform_3(%arg0: i32, %arg1: i32) -> i32 {
    %c0_i32 = arith.constant 0 : i32
    %c0_i32_0 = arith.constant 0 : i32
    return %c0_i32 : i32
  }
  func.func @transform_4(%arg0: i32, %arg1: i32) -> i32 {
    %c0_i32 = arith.constant 0 : i32
    %c0_i32_0 = arith.constant 0 : i32
    return %c0_i32 : i32
  }
  func.func @transform_5(%arg0: i32, %arg1: i32) -> i32 {
    %c0_i32 = arith.constant 0 : i32
    %c0_i32_0 = arith.constant 0 : i32
    return %c0_i32 : i32
  }
  func.func @transform_6(%arg0: i32, %arg1: i32) -> (i32, i32) {
    %c0_i32 = arith.constant 0 : i32
    %c0_i32_0 = arith.constant 0 : i32
    %c0_i32_1 = arith.constant 0 : i32
    return %c0_i32, %c0_i32_0 : i32, i32
  }
  func.func @transform_7(%arg0: i32, %arg1: i32) -> i32 {
    %c0_i32 = arith.constant 0 : i32
    %c0_i32_0 = arith.constant 0 : i32
    return %c0_i32 : i32
  }
  func.func @transform_8(%arg0: i32, %arg1: i32) -> i32 {
    %c0_i32 = arith.constant 0 : i32
    %c0_i32_0 = arith.constant 0 : i32
    return %c0_i32 : i32
  }
  func.func @transform_9(%arg0: i32, %arg1: i32) -> i32 {
    %c0_i32 = arith.constant 0 : i32
    %c0_i32_0 = arith.constant 0 : i32
    return %c0_i32 : i32
  }
  func.func @transform_10(%arg0: i32, %arg1: i32) -> (i32, i32) {
    %c0_i32 = arith.constant 0 : i32
    %c0_i32_0 = arith.constant 0 : i32
    %c0_i32_1 = arith.constant 0 : i32
    return %c0_i32, %c0_i32_0 : i32, i32
  }
  func.func @transform_11(%arg0: i32, %arg1: i32) -> i32 {
    %c0_i32 = arith.constant 0 : i32
    %c0_i32_0 = arith.constant 0 : i32
    return %c0_i32 : i32
  }
  func.func @transform_12(%arg0: i32, %arg1: i32) -> i32 {
    %c0_i32 = arith.constant 0 : i32
    %c0_i32_0 = arith.constant 0 : i32
    return %c0_i32 : i32
  }
  func.func @transform_13(%arg0: i32, %arg1: i32) -> i32 {
    %c0_i32 = arith.constant 0 : i32
    %c0_i32_0 = arith.constant 0 : i32
    return %c0_i32 : i32
  }
  func.func @transform_14(%arg0: i32, %arg1: i32) -> (i32, i32, i32) {
    %c0_i32 = arith.constant 0 : i32
    %c0_i32_0 = arith.constant 0 : i32
    return %arg0, %arg1, %c0_i32 : i32, i32, i32
  }
}

module attributes {stable_mosaic.version = 14 : i64} {
  func.func @_sa_mlp_body(%arg0: i32, %arg1: i32, %arg2: memref<1x16x32x272xf32, #tpu.memory_space<vmem>>, %arg3: memref<1x16x3xf32, #tpu.memory_space<vmem>>, %arg4: memref<256x272xf32, #tpu.memory_space<vmem>>, %arg5: memref<256xf32, #tpu.memory_space<vmem>>, %arg6: memref<256xf32, #tpu.memory_space<vmem>>, %arg7: memref<256xf32, #tpu.memory_space<vmem>>, %arg8: memref<256x256xf32, #tpu.memory_space<vmem>>, %arg9: memref<256xf32, #tpu.memory_space<vmem>>, %arg10: memref<256xf32, #tpu.memory_space<vmem>>, %arg11: memref<256xf32, #tpu.memory_space<vmem>>, %arg12: memref<512x256xf32, #tpu.memory_space<vmem>>, %arg13: memref<512xf32, #tpu.memory_space<vmem>>, %arg14: memref<512xf32, #tpu.memory_space<vmem>>, %arg15: memref<512xf32, #tpu.memory_space<vmem>>, %arg16: memref<1x16x512xf32, #tpu.memory_space<vmem>>) attributes {dimension_semantics = [#tpu.dimension_semantics<arbitrary>, #tpu.dimension_semantics<arbitrary>], iteration_bounds = array<i64: 8, 1>, scalar_prefetch = 0 : i64, scratch_operands = 0 : i64, tpu.core_type = #tpu.core_type<tc>, window_params = [{transform_indices = @transform_0, window_bounds = array<i64: 1, 16, 32, 272>}, {transform_indices = @transform_1, window_bounds = array<i64: 1, 16, 3>}, {pipeline_mode = #tpu.pipeline_mode<synchronous>, transform_indices = @transform_2, window_bounds = array<i64: 256, 272>}, {pipeline_mode = #tpu.pipeline_mode<synchronous>, transform_indices = @transform_3, window_bounds = array<i64: 256>}, {pipeline_mode = #tpu.pipeline_mode<synchronous>, transform_indices = @transform_4, window_bounds = array<i64: 256>}, {pipeline_mode = #tpu.pipeline_mode<synchronous>, transform_indices = @transform_5, window_bounds = array<i64: 256>}, {pipeline_mode = #tpu.pipeline_mode<synchronous>, transform_indices = @transform_6, window_bounds = array<i64: 256, 256>}, {pipeline_mode = #tpu.pipeline_mode<synchronous>, transform_indices = @transform_7, window_bounds = array<i64: 256>}, {pipeline_mode = #tpu.pipeline_mode<synchronous>, transform_indices = @transform_8, window_bounds = array<i64: 256>}, {pipeline_mode = #tpu.pipeline_mode<synchronous>, transform_indices = @transform_9, window_bounds = array<i64: 256>}, {pipeline_mode = #tpu.pipeline_mode<synchronous>, transform_indices = @transform_10, window_bounds = array<i64: 512, 256>}, {pipeline_mode = #tpu.pipeline_mode<synchronous>, transform_indices = @transform_11, window_bounds = array<i64: 512>}, {pipeline_mode = #tpu.pipeline_mode<synchronous>, transform_indices = @transform_12, window_bounds = array<i64: 512>}, {pipeline_mode = #tpu.pipeline_mode<synchronous>, transform_indices = @transform_13, window_bounds = array<i64: 512>}, {transform_indices = @transform_14, window_bounds = array<i64: 1, 16, 512>}]} {
    %get3A = arith.constant 0 : index
    %get3A_0 = arith.constant 0 : index
    %get3A_1 = arith.constant 0 : index
    %get3A_2 = arith.constant 0 : index
    %get3A_3 = vector.load %arg2[%get3A, %get3A_0, %get3A_1, %get3A_2] : memref<1x16x32x272xf32, #tpu.memory_space<vmem>>, vector<1x16x32x272xf32>
    %get3A_4 = vector.shape_cast %get3A_3 : vector<1x16x32x272xf32> to vector<16x32x272xf32>
    %reshape3A = vector.shape_cast %get3A_4 : vector<16x32x272xf32> to vector<512x272xf32>
    %get3A_5 = arith.constant 0 : index
    %get3A_6 = arith.constant 0 : index
    %get3A_7 = arith.constant 0 : index
    %get3A_8 = vector.load %arg3[%get3A_5, %get3A_6, %get3A_7] : memref<1x16x3xf32, #tpu.memory_space<vmem>>, vector<1x16x3xf32>
    %get3A_9 = vector.shape_cast %get3A_8 : vector<1x16x3xf32> to vector<16x3xf32>
    %get3A_10 = arith.constant 0 : index
    %get3A_11 = arith.constant 0 : index
    %get3A_12 = vector.load %arg4[%get3A_10, %get3A_11] : memref<256x272xf32, #tpu.memory_space<vmem>>, vector<256x272xf32>
    %dot_general3A = arith.constant dense<0.000000e+00> : vector<512x256xf32>
    %dot_general3A_13 = tpu.matmul %reshape3A, %get3A_12, %dot_general3A {dimension_numbers = #tpu.dot_dimension_numbers<[1], [1], [0], [0], [0, 0, 1, 0], [], []>, transpose_lhs_hint = false} : vector<512x272xf32>, vector<256x272xf32>, vector<512x256xf32> -> vector<512x256xf32>
    %get3A_14 = arith.constant 0 : index
    %get3A_15 = vector.load %arg5[%get3A_14] : memref<256xf32, #tpu.memory_space<vmem>>, vector<256xf32>
    %broadcast_in_dim3A = vector.shape_cast %get3A_15 : vector<256xf32> to vector<1x256xf32>
    %add3A = vector.broadcast %broadcast_in_dim3A : vector<1x256xf32> to vector<512x256xf32>
    %add3A_16 = arith.addf %dot_general3A_13, %add3A : vector<512x256xf32>
    %get3A_17 = arith.constant 0 : index
    %get3A_18 = arith.constant 0 : index
    %get3A_19 = vector.load %arg4[%get3A_17, %get3A_18] : memref<256x272xf32, #tpu.memory_space<vmem>>, vector<256x3xf32>
    %dot_general3A_20 = arith.constant dense<0.000000e+00> : vector<16x256xf32>
    %dot_general3A_21 = tpu.matmul %get3A_9, %get3A_19, %dot_general3A_20 {dimension_numbers = #tpu.dot_dimension_numbers<[1], [1], [0], [0], [0, 0, 1, 0], [], []>, transpose_lhs_hint = false} : vector<16x3xf32>, vector<256x3xf32>, vector<16x256xf32> -> vector<16x256xf32>
    %reshape3A_22 = vector.shape_cast %add3A_16 : vector<512x256xf32> to vector<16x32x256xf32>
    %broadcast_in_dim3A_23 = vector.shape_cast %dot_general3A_21 : vector<16x256xf32> to vector<16x1x256xf32>
    %sub3A = vector.broadcast %broadcast_in_dim3A_23 : vector<16x1x256xf32> to vector<16x32x256xf32>
    %sub3A_24 = arith.subf %reshape3A_22, %sub3A : vector<16x32x256xf32>
    %reshape3A_25 = vector.shape_cast %sub3A_24 : vector<16x32x256xf32> to vector<512x256xf32>
    %mul3A = arith.constant 0.999994993 : f32
    %mul3A_26 = vector.broadcast %mul3A : f32 to vector<512x256xf32>
    %mul3A_27 = arith.mulf %reshape3A_25, %mul3A_26 : vector<512x256xf32>
    %get3A_28 = arith.constant 0 : index
    %get3A_29 = vector.load %arg6[%get3A_28] : memref<256xf32, #tpu.memory_space<vmem>>, vector<256xf32>
    %broadcast_in_dim3A_30 = vector.shape_cast %get3A_29 : vector<256xf32> to vector<1x256xf32>
    %mul3A_31 = vector.broadcast %broadcast_in_dim3A_30 : vector<1x256xf32> to vector<512x256xf32>
    %mul3A_32 = arith.mulf %mul3A_27, %mul3A_31 : vector<512x256xf32>
    %get3A_33 = arith.constant 0 : index
    %get3A_34 = vector.load %arg7[%get3A_33] : memref<256xf32, #tpu.memory_space<vmem>>, vector<256xf32>
    %broadcast_in_dim3A_35 = vector.shape_cast %get3A_34 : vector<256xf32> to vector<1x256xf32>
    %add3A_36 = vector.broadcast %broadcast_in_dim3A_35 : vector<1x256xf32> to vector<512x256xf32>
    %add3A_37 = arith.addf %mul3A_32, %add3A_36 : vector<512x256xf32>
    %max3A = arith.constant 0.000000e+00 : f32
    %max3A_38 = vector.broadcast %max3A : f32 to vector<512x256xf32>
    %max3A_39 = arith.maximumf %add3A_37, %max3A_38 : vector<512x256xf32>
    %get3A_40 = arith.constant 0 : index
    %get3A_41 = arith.constant 0 : index
    %get3A_42 = vector.load %arg8[%get3A_40, %get3A_41] : memref<256x256xf32, #tpu.memory_space<vmem>>, vector<256x256xf32>
    %dot_general3A_43 = arith.constant dense<0.000000e+00> : vector<512x256xf32>
    %dot_general3A_44 = tpu.matmul %max3A_39, %get3A_42, %dot_general3A_43 {dimension_numbers = #tpu.dot_dimension_numbers<[1], [1], [0], [0], [0, 0, 1, 0], [], []>, transpose_lhs_hint = false} : vector<512x256xf32>, vector<256x256xf32>, vector<512x256xf32> -> vector<512x256xf32>
    %get3A_45 = arith.constant 0 : index
    %get3A_46 = vector.load %arg9[%get3A_45] : memref<256xf32, #tpu.memory_space<vmem>>, vector<256xf32>
    %broadcast_in_dim3A_47 = vector.shape_cast %get3A_46 : vector<256xf32> to vector<1x256xf32>
    %add3A_48 = vector.broadcast %broadcast_in_dim3A_47 : vector<1x256xf32> to vector<512x256xf32>
    %add3A_49 = arith.addf %dot_general3A_44, %add3A_48 : vector<512x256xf32>
    %mul3A_50 = arith.constant 0.999994993 : f32
    %mul3A_51 = vector.broadcast %mul3A_50 : f32 to vector<512x256xf32>
    %mul3A_52 = arith.mulf %add3A_49, %mul3A_51 : vector<512x256xf32>
    %get3A_53 = arith.constant 0 : index
    %get3A_54 = vector.load %arg10[%get3A_53] : memref<256xf32, #tpu.memory_space<vmem>>, vector<256xf32>
    %broadcast_in_dim3A_55 = vector.shape_cast %get3A_54 : vector<256xf32> to vector<1x256xf32>
    %mul3A_56 = vector.broadcast %broadcast_in_dim3A_55 : vector<1x256xf32> to vector<512x256xf32>
    %mul3A_57 = arith.mulf %mul3A_52, %mul3A_56 : vector<512x256xf32>
    %get3A_58 = arith.constant 0 : index
    %get3A_59 = vector.load %arg11[%get3A_58] : memref<256xf32, #tpu.memory_space<vmem>>, vector<256xf32>
    %broadcast_in_dim3A_60 = vector.shape_cast %get3A_59 : vector<256xf32> to vector<1x256xf32>
    %add3A_61 = vector.broadcast %broadcast_in_dim3A_60 : vector<1x256xf32> to vector<512x256xf32>
    %add3A_62 = arith.addf %mul3A_57, %add3A_61 : vector<512x256xf32>
    %max3A_63 = arith.constant 0.000000e+00 : f32
    %max3A_64 = vector.broadcast %max3A_63 : f32 to vector<512x256xf32>
    %max3A_65 = arith.maximumf %add3A_62, %max3A_64 : vector<512x256xf32>
    %get3A_66 = arith.constant 0 : index
    %get3A_67 = arith.constant 0 : index
    %get3A_68 = vector.load %arg12[%get3A_66, %get3A_67] : memref<512x256xf32, #tpu.memory_space<vmem>>, vector<512x256xf32>
    %dot_general3A_69 = arith.constant dense<0.000000e+00> : vector<512x512xf32>
    %dot_general3A_70 = tpu.matmul %max3A_65, %get3A_68, %dot_general3A_69 {dimension_numbers = #tpu.dot_dimension_numbers<[1], [1], [0], [0], [0, 0, 1, 0], [], []>, transpose_lhs_hint = false} : vector<512x256xf32>, vector<512x256xf32>, vector<512x512xf32> -> vector<512x512xf32>
    %get3A_71 = arith.constant 0 : index
    %get3A_72 = vector.load %arg13[%get3A_71] : memref<512xf32, #tpu.memory_space<vmem>>, vector<512xf32>
    %broadcast_in_dim3A_73 = vector.shape_cast %get3A_72 : vector<512xf32> to vector<1x512xf32>
    %add3A_74 = vector.broadcast %broadcast_in_dim3A_73 : vector<1x512xf32> to vector<512x512xf32>
    %add3A_75 = arith.addf %dot_general3A_70, %add3A_74 : vector<512x512xf32>
    %mul3A_76 = arith.constant 0.999994993 : f32
    %mul3A_77 = vector.broadcast %mul3A_76 : f32 to vector<512x512xf32>
    %mul3A_78 = arith.mulf %add3A_75, %mul3A_77 : vector<512x512xf32>
    %get3A_79 = arith.constant 0 : index
    %get3A_80 = vector.load %arg14[%get3A_79] : memref<512xf32, #tpu.memory_space<vmem>>, vector<512xf32>
    %broadcast_in_dim3A_81 = vector.shape_cast %get3A_80 : vector<512xf32> to vector<1x512xf32>
    %mul3A_82 = vector.broadcast %broadcast_in_dim3A_81 : vector<1x512xf32> to vector<512x512xf32>
    %mul3A_83 = arith.mulf %mul3A_78, %mul3A_82 : vector<512x512xf32>
    %get3A_84 = arith.constant 0 : index
    %get3A_85 = vector.load %arg15[%get3A_84] : memref<512xf32, #tpu.memory_space<vmem>>, vector<512xf32>
    %broadcast_in_dim3A_86 = vector.shape_cast %get3A_85 : vector<512xf32> to vector<1x512xf32>
    %add3A_87 = vector.broadcast %broadcast_in_dim3A_86 : vector<1x512xf32> to vector<512x512xf32>
    %add3A_88 = arith.addf %mul3A_83, %add3A_87 : vector<512x512xf32>
    %max3A_89 = arith.constant 0.000000e+00 : f32
    %max3A_90 = vector.broadcast %max3A_89 : f32 to vector<512x512xf32>
    %max3A_91 = arith.maximumf %add3A_88, %max3A_90 : vector<512x512xf32>
    %reshape3A_92 = vector.shape_cast %max3A_91 : vector<512x512xf32> to vector<16x32x512xf32>
    %reduce_max3A = arith.constant dense<0xFF800000> : vector<16x512xf32>
    %reduce_max3A_93 = vector.multi_reduction <maximumf>, %reshape3A_92, %reduce_max3A [1] : vector<16x32x512xf32> to vector<16x512xf32>
    %swap3A = arith.constant 0 : index
    %swap3A_94 = arith.constant 0 : index
    %swap3A_95 = arith.constant 0 : index
    %swap3A_96 = vector.load %arg16[%swap3A, %swap3A_94, %swap3A_95] : memref<1x16x512xf32, #tpu.memory_space<vmem>>, vector<1x16x512xf32>
    %swap3A_97 = vector.shape_cast %swap3A_96 : vector<1x16x512xf32> to vector<16x512xf32>
    %swap3A_98 = vector.shape_cast %reduce_max3A_93 : vector<16x512xf32> to vector<1x16x512xf32>
    tpu.vector_store %arg16[%swap3A, %swap3A_94, %swap3A_95], %swap3A_98 {strides = array<i32>} : memref<1x16x512xf32, #tpu.memory_space<vmem>>, vector<1x16x512xf32>,
    return
  }
  func.func @transform_0(%arg0: i32, %arg1: i32) -> (i32, i32, i32, i32) {
    %c0_i32 = arith.constant 0 : i32
    %c0_i32_0 = arith.constant 0 : i32
    %c0_i32_1 = arith.constant 0 : i32
    return %arg0, %arg1, %c0_i32, %c0_i32_0 : i32, i32, i32, i32
  }
  func.func @transform_1(%arg0: i32, %arg1: i32) -> (i32, i32, i32) {
    %c0_i32 = arith.constant 0 : i32
    %c0_i32_0 = arith.constant 0 : i32
    return %arg0, %arg1, %c0_i32 : i32, i32, i32
  }
  func.func @transform_2(%arg0: i32, %arg1: i32) -> (i32, i32) {
    %c0_i32 = arith.constant 0 : i32
    %c0_i32_0 = arith.constant 0 : i32
    %c0_i32_1 = arith.constant 0 : i32
    return %c0_i32, %c0_i32_0 : i32, i32
  }
  func.func @transform_3(%arg0: i32, %arg1: i32) -> i32 {
    %c0_i32 = arith.constant 0 : i32
    %c0_i32_0 = arith.constant 0 : i32
    return %c0_i32 : i32
  }
  func.func @transform_4(%arg0: i32, %arg1: i32) -> i32 {
    %c0_i32 = arith.constant 0 : i32
    %c0_i32_0 = arith.constant 0 : i32
    return %c0_i32 : i32
  }
  func.func @transform_5(%arg0: i32, %arg1: i32) -> i32 {
    %c0_i32 = arith.constant 0 : i32
    %c0_i32_0 = arith.constant 0 : i32
    return %c0_i32 : i32
  }
  func.func @transform_6(%arg0: i32, %arg1: i32) -> (i32, i32) {
    %c0_i32 = arith.constant 0 : i32
    %c0_i32_0 = arith.constant 0 : i32
    %c0_i32_1 = arith.constant 0 : i32
    return %c0_i32, %c0_i32_0 : i32, i32
  }
  func.func @transform_7(%arg0: i32, %arg1: i32) -> i32 {
    %c0_i32 = arith.constant 0 : i32
    %c0_i32_0 = arith.constant 0 : i32
    return %c0_i32 : i32
  }
  func.func @transform_8(%arg0: i32, %arg1: i32) -> i32 {
    %c0_i32 = arith.constant 0 : i32
    %c0_i32_0 = arith.constant 0 : i32
    return %c0_i32 : i32
  }
  func.func @transform_9(%arg0: i32, %arg1: i32) -> i32 {
    %c0_i32 = arith.constant 0 : i32
    %c0_i32_0 = arith.constant 0 : i32
    return %c0_i32 : i32
  }
  func.func @transform_10(%arg0: i32, %arg1: i32) -> (i32, i32) {
    %c0_i32 = arith.constant 0 : i32
    %c0_i32_0 = arith.constant 0 : i32
    %c0_i32_1 = arith.constant 0 : i32
    return %c0_i32, %c0_i32_0 : i32, i32
  }
  func.func @transform_11(%arg0: i32, %arg1: i32) -> i32 {
    %c0_i32 = arith.constant 0 : i32
    %c0_i32_0 = arith.constant 0 : i32
    return %c0_i32 : i32
  }
  func.func @transform_12(%arg0: i32, %arg1: i32) -> i32 {
    %c0_i32 = arith.constant 0 : i32
    %c0_i32_0 = arith.constant 0 : i32
    return %c0_i32 : i32
  }
  func.func @transform_13(%arg0: i32, %arg1: i32) -> i32 {
    %c0_i32 = arith.constant 0 : i32
    %c0_i32_0 = arith.constant 0 : i32
    return %c0_i32 : i32
  }
  func.func @transform_14(%arg0: i32, %arg1: i32) -> (i32, i32, i32) {
    %c0_i32 = arith.constant 0 : i32
    %c0_i32_0 = arith.constant 0 : i32
    return %arg0, %arg1, %c0_i32 : i32, i32, i32
  }
}

module attributes {stable_mosaic.version = 14 : i64} {
  func.func @_fp_body(%arg0: i32, %arg1: i32, %arg2: memref<1x64x3xf32, #tpu.memory_space<vmem>>, %arg3: memref<1x3x16xf32, #tpu.memory_space<vmem>>, %arg4: memref<1x16x512xf32, #tpu.memory_space<vmem>>, %arg5: memref<1x64x256xf32, #tpu.memory_space<vmem>>, %arg6: memref<256x768xf32, #tpu.memory_space<vmem>>, %arg7: memref<256xf32, #tpu.memory_space<vmem>>, %arg8: memref<256xf32, #tpu.memory_space<vmem>>, %arg9: memref<256xf32, #tpu.memory_space<vmem>>, %arg10: memref<256x256xf32, #tpu.memory_space<vmem>>, %arg11: memref<256xf32, #tpu.memory_space<vmem>>, %arg12: memref<256xf32, #tpu.memory_space<vmem>>, %arg13: memref<256xf32, #tpu.memory_space<vmem>>, %arg14: memref<1x64x256xf32, #tpu.memory_space<vmem>>) attributes {dimension_semantics = [#tpu.dimension_semantics<arbitrary>, #tpu.dimension_semantics<arbitrary>], iteration_bounds = array<i64: 8, 1>, scalar_prefetch = 0 : i64, scratch_operands = 0 : i64, tpu.core_type = #tpu.core_type<tc>, window_params = [{transform_indices = @transform_0, window_bounds = array<i64: 1, 64, 3>}, {transform_indices = @transform_1, window_bounds = array<i64: 1, 3, 16>}, {transform_indices = @transform_2, window_bounds = array<i64: 1, 16, 512>}, {transform_indices = @transform_3, window_bounds = array<i64: 1, 64, 256>}, {pipeline_mode = #tpu.pipeline_mode<synchronous>, transform_indices = @transform_4, window_bounds = array<i64: 256, 768>}, {pipeline_mode = #tpu.pipeline_mode<synchronous>, transform_indices = @transform_5, window_bounds = array<i64: 256>}, {pipeline_mode = #tpu.pipeline_mode<synchronous>, transform_indices = @transform_6, window_bounds = array<i64: 256>}, {pipeline_mode = #tpu.pipeline_mode<synchronous>, transform_indices = @transform_7, window_bounds = array<i64: 256>}, {pipeline_mode = #tpu.pipeline_mode<synchronous>, transform_indices = @transform_8, window_bounds = array<i64: 256, 256>}, {pipeline_mode = #tpu.pipeline_mode<synchronous>, transform_indices = @transform_9, window_bounds = array<i64: 256>}, {pipeline_mode = #tpu.pipeline_mode<synchronous>, transform_indices = @transform_10, window_bounds = array<i64: 256>}, {pipeline_mode = #tpu.pipeline_mode<synchronous>, transform_indices = @transform_11, window_bounds = array<i64: 256>}, {transform_indices = @transform_12, window_bounds = array<i64: 1, 64, 256>}]} {
    %get3A = arith.constant 0 : index
    %get3A_0 = arith.constant 0 : index
    %get3A_1 = arith.constant 0 : index
    %get3A_2 = vector.load %arg2[%get3A, %get3A_0, %get3A_1] : memref<1x64x3xf32, #tpu.memory_space<vmem>>, vector<1x64x3xf32>
    %get3A_3 = vector.shape_cast %get3A_2 : vector<1x64x3xf32> to vector<64x3xf32>
    %get3A_4 = arith.constant 0 : index
    %get3A_5 = arith.constant 0 : index
    %get3A_6 = arith.constant 0 : index
    %get3A_7 = vector.load %arg3[%get3A_4, %get3A_5, %get3A_6] : memref<1x3x16xf32, #tpu.memory_space<vmem>>, vector<1x3x16xf32>
    %get3A_8 = vector.shape_cast %get3A_7 : vector<1x3x16xf32> to vector<3x16xf32>
    %get3A_9 = arith.constant 0 : index
    %get3A_10 = arith.constant 0 : index
    %get3A_11 = arith.constant 0 : index
    %get3A_12 = vector.load %arg4[%get3A_9, %get3A_10, %get3A_11] : memref<1x16x512xf32, #tpu.memory_space<vmem>>, vector<1x16x512xf32>
    %get3A_13 = vector.shape_cast %get3A_12 : vector<1x16x512xf32> to vector<16x512xf32>
    %mul3A = arith.mulf %get3A_3, %get3A_3 : vector<64x3xf32>
    %reduce_sum3A = arith.constant dense<0.000000e+00> : vector<64xf32>
    %reduce_sum3A_14 = vector.multi_reduction <add>, %mul3A, %reduce_sum3A [1] : vector<64x3xf32> to vector<64xf32>
    %broadcast_in_dim3A = vector.shape_cast %reduce_sum3A_14 : vector<64xf32> to vector<64x1xf32>
    %mul3A_15 = arith.mulf %get3A_8, %get3A_8 : vector<3x16xf32>
    %reduce_sum3A_16 = arith.constant dense<0.000000e+00> : vector<16xf32>
    %reduce_sum3A_17 = vector.multi_reduction <add>, %mul3A_15, %reduce_sum3A_16 [0] : vector<3x16xf32> to vector<16xf32>
    %broadcast_in_dim3A_18 = vector.shape_cast %reduce_sum3A_17 : vector<16xf32> to vector<1x16xf32>
    %dot_general3A = arith.constant dense<0.000000e+00> : vector<64x16xf32>
    %dot_general3A_19 = tpu.matmul %get3A_3, %get3A_8, %dot_general3A {dimension_numbers = #tpu.dot_dimension_numbers<[1], [0], [0], [1], [0, 0, 1, 1], [], []>, transpose_lhs_hint = false} : vector<64x3xf32>, vector<3x16xf32>, vector<64x16xf32> -> vector<64x16xf32>
    %add3A = vector.broadcast %broadcast_in_dim3A : vector<64x1xf32> to vector<64x16xf32>
    %add3A_20 = vector.broadcast %broadcast_in_dim3A_18 : vector<1x16xf32> to vector<64x16xf32>
    %add3A_21 = arith.addf %add3A, %add3A_20 : vector<64x16xf32>
    %mul3A_22 = arith.constant 2.000000e+00 : f32
    %mul3A_23 = vector.broadcast %mul3A_22 : f32 to vector<64x16xf32>
    %mul3A_24 = arith.mulf %mul3A_23, %dot_general3A_19 : vector<64x16xf32>
    %sub3A = arith.subf %add3A_21, %mul3A_24 : vector<64x16xf32>
    %iota3A = tpu.iota {dimensions = array<i32: 1>} : vector<64x16xi32>
    %reduce_min3A = arith.constant dense<0x7F800000> : vector<64xf32>
    %reduce_min3A_25 = vector.multi_reduction <minimumf>, %sub3A, %reduce_min3A [1] : vector<64x16xf32> to vector<64xf32>
    %broadcast_in_dim3A_26 = vector.shape_cast %reduce_min3A_25 : vector<64xf32> to vector<64x1xf32>
    %eq3A = vector.broadcast %broadcast_in_dim3A_26 : vector<64x1xf32> to vector<64x16xf32>
    %eq3A_27 = arith.cmpf oeq, %sub3A, %eq3A : vector<64x16xf32>
    %jit3A = arith.constant 16 : i32
    %broadcast_in_dim3A_28 = vector.broadcast %jit3A : i32 to vector<64x16xi32>
    %select_n3A = arith.select %eq3A_27, %iota3A, %broadcast_in_dim3A_28 : vector<64x16xi1>, vector<64x16xi32>
    %reduce_min3A_29 = arith.constant dense<2147483647> : vector<64xi32>
    %reduce_min3A_30 = vector.multi_reduction <minsi>, %select_n3A, %reduce_min3A_29 [1] : vector<64x16xi32> to vector<64xi32>
    %broadcast_in_dim3A_31 = vector.shape_cast %reduce_min3A_30 : vector<64xi32> to vector<64x1xi32>
    %add3A_32 = arith.constant 9.99999993E-9 : f32
    %add3A_33 = vector.broadcast %add3A_32 : f32 to vector<64x1xf32>
    %add3A_34 = arith.addf %broadcast_in_dim3A_26, %add3A_33 : vector<64x1xf32>
    %div3A = arith.constant 1.000000e+00 : f32
    %div3A_35 = vector.broadcast %div3A : f32 to vector<64x1xf32>
    %div3A_36 = arith.divf %div3A_35, %add3A_34 : vector<64x1xf32>
    %eq3A_37 = vector.broadcast %broadcast_in_dim3A_31 : vector<64x1xi32> to vector<64x16xi32>
    %eq3A_38 = arith.cmpi eq, %iota3A, %eq3A_37 : vector<64x16xi32>
    %jit3A_39 = arith.constant 3.400000e+38 : f32
    %broadcast_in_dim3A_40 = vector.broadcast %jit3A_39 : f32 to vector<64x16xf32>
    %select_n3A_41 = arith.select %eq3A_38, %broadcast_in_dim3A_40, %sub3A : vector<64x16xi1>, vector<64x16xf32>
    %reduce_min3A_42 = arith.constant dense<0x7F800000> : vector<64xf32>
    %reduce_min3A_43 = vector.multi_reduction <minimumf>, %select_n3A_41, %reduce_min3A_42 [1] : vector<64x16xf32> to vector<64xf32>
    %broadcast_in_dim3A_44 = vector.shape_cast %reduce_min3A_43 : vector<64xf32> to vector<64x1xf32>
    %eq3A_45 = vector.broadcast %broadcast_in_dim3A_44 : vector<64x1xf32> to vector<64x16xf32>
    %eq3A_46 = arith.cmpf oeq, %select_n3A_41, %eq3A_45 : vector<64x16xf32>
    %jit3A_47 = arith.constant 16 : i32
    %broadcast_in_dim3A_48 = vector.broadcast %jit3A_47 : i32 to vector<64x16xi32>
    %select_n3A_49 = arith.select %eq3A_46, %iota3A, %broadcast_in_dim3A_48 : vector<64x16xi1>, vector<64x16xi32>
    %reduce_min3A_50 = arith.constant dense<2147483647> : vector<64xi32>
    %reduce_min3A_51 = vector.multi_reduction <minsi>, %select_n3A_49, %reduce_min3A_50 [1] : vector<64x16xi32> to vector<64xi32>
    %broadcast_in_dim3A_52 = vector.shape_cast %reduce_min3A_51 : vector<64xi32> to vector<64x1xi32>
    %add3A_53 = arith.constant 9.99999993E-9 : f32
    %add3A_54 = vector.broadcast %add3A_53 : f32 to vector<64x1xf32>
    %add3A_55 = arith.addf %broadcast_in_dim3A_44, %add3A_54 : vector<64x1xf32>
    %div3A_56 = arith.constant 1.000000e+00 : f32
    %div3A_57 = vector.broadcast %div3A_56 : f32 to vector<64x1xf32>
    %div3A_58 = arith.divf %div3A_57, %add3A_55 : vector<64x1xf32>
    %eq3A_59 = vector.broadcast %broadcast_in_dim3A_52 : vector<64x1xi32> to vector<64x16xi32>
    %eq3A_60 = arith.cmpi eq, %iota3A, %eq3A_59 : vector<64x16xi32>
    %jit3A_61 = arith.constant 3.400000e+38 : f32
    %broadcast_in_dim3A_62 = vector.broadcast %jit3A_61 : f32 to vector<64x16xf32>
    %select_n3A_63 = arith.select %eq3A_60, %broadcast_in_dim3A_62, %select_n3A_41 : vector<64x16xi1>, vector<64x16xf32>
    %reduce_min3A_64 = arith.constant dense<0x7F800000> : vector<64xf32>
    %reduce_min3A_65 = vector.multi_reduction <minimumf>, %select_n3A_63, %reduce_min3A_64 [1] : vector<64x16xf32> to vector<64xf32>
    %broadcast_in_dim3A_66 = vector.shape_cast %reduce_min3A_65 : vector<64xf32> to vector<64x1xf32>
    %eq3A_67 = vector.broadcast %broadcast_in_dim3A_66 : vector<64x1xf32> to vector<64x16xf32>
    %eq3A_68 = arith.cmpf oeq, %select_n3A_63, %eq3A_67 : vector<64x16xf32>
    %jit3A_69 = arith.constant 16 : i32
    %broadcast_in_dim3A_70 = vector.broadcast %jit3A_69 : i32 to vector<64x16xi32>
    %select_n3A_71 = arith.select %eq3A_68, %iota3A, %broadcast_in_dim3A_70 : vector<64x16xi1>, vector<64x16xi32>
    %reduce_min3A_72 = arith.constant dense<2147483647> : vector<64xi32>
    %reduce_min3A_73 = vector.multi_reduction <minsi>, %select_n3A_71, %reduce_min3A_72 [1] : vector<64x16xi32> to vector<64xi32>
    %broadcast_in_dim3A_74 = vector.shape_cast %reduce_min3A_73 : vector<64xi32> to vector<64x1xi32>
    %add3A_75 = arith.constant 9.99999993E-9 : f32
    %add3A_76 = vector.broadcast %add3A_75 : f32 to vector<64x1xf32>
    %add3A_77 = arith.addf %broadcast_in_dim3A_66, %add3A_76 : vector<64x1xf32>
    %div3A_78 = arith.constant 1.000000e+00 : f32
    %div3A_79 = vector.broadcast %div3A_78 : f32 to vector<64x1xf32>
    %div3A_80 = arith.divf %div3A_79, %add3A_77 : vector<64x1xf32>
    %add3A_81 = arith.addf %div3A_36, %div3A_58 : vector<64x1xf32>
    %add3A_82 = arith.addf %add3A_81, %div3A_80 : vector<64x1xf32>
    %broadcast_in_dim3A_83 = arith.constant 0.000000e+00 : f32
    %broadcast_in_dim3A_84 = vector.broadcast %broadcast_in_dim3A_83 : f32 to vector<64x16xf32>
    %eq3A_85 = vector.broadcast %broadcast_in_dim3A_31 : vector<64x1xi32> to vector<64x16xi32>
    %eq3A_86 = arith.cmpi eq, %iota3A, %eq3A_85 : vector<64x16xi32>
    %div3A_87 = arith.divf %div3A_36, %add3A_82 : vector<64x1xf32>
    %broadcast_in_dim3A_88 = vector.shape_cast %div3A_87 : vector<64x1xf32> to vector<64x1xf32>
    %broadcast_in_dim3A_89 = vector.broadcast %broadcast_in_dim3A_88 : vector<64x1xf32> to vector<64x16xf32>
    %select_n3A_90 = arith.select %eq3A_86, %broadcast_in_dim3A_89, %broadcast_in_dim3A_84 : vector<64x16xi1>, vector<64x16xf32>
    %eq3A_91 = vector.broadcast %broadcast_in_dim3A_52 : vector<64x1xi32> to vector<64x16xi32>
    %eq3A_92 = arith.cmpi eq, %iota3A, %eq3A_91 : vector<64x16xi32>
    %div3A_93 = arith.divf %div3A_58, %add3A_82 : vector<64x1xf32>
    %broadcast_in_dim3A_94 = vector.shape_cast %div3A_93 : vector<64x1xf32> to vector<64x1xf32>
    %broadcast_in_dim3A_95 = vector.broadcast %broadcast_in_dim3A_94 : vector<64x1xf32> to vector<64x16xf32>
    %select_n3A_96 = arith.select %eq3A_92, %broadcast_in_dim3A_95, %select_n3A_90 : vector<64x16xi1>, vector<64x16xf32>
    %eq3A_97 = vector.broadcast %broadcast_in_dim3A_74 : vector<64x1xi32> to vector<64x16xi32>
    %eq3A_98 = arith.cmpi eq, %iota3A, %eq3A_97 : vector<64x16xi32>
    %div3A_99 = arith.divf %div3A_80, %add3A_82 : vector<64x1xf32>
    %broadcast_in_dim3A_100 = vector.shape_cast %div3A_99 : vector<64x1xf32> to vector<64x1xf32>
    %broadcast_in_dim3A_101 = vector.broadcast %broadcast_in_dim3A_100 : vector<64x1xf32> to vector<64x16xf32>
    %select_n3A_102 = arith.select %eq3A_98, %broadcast_in_dim3A_101, %select_n3A_96 : vector<64x16xi1>, vector<64x16xf32>
    %dot_general3A_103 = arith.constant dense<0.000000e+00> : vector<64x512xf32>
    %dot_general3A_104 = tpu.matmul %select_n3A_102, %get3A_13, %dot_general3A_103 {dimension_numbers = #tpu.dot_dimension_numbers<[1], [0], [0], [1], [0, 0, 1, 1], [], []>, transpose_lhs_hint = false} : vector<64x16xf32>, vector<16x512xf32>, vector<64x512xf32> -> vector<64x512xf32>
    %get3A_105 = arith.constant 0 : index
    %get3A_106 = arith.constant 0 : index
    %get3A_107 = arith.constant 0 : index
    %get3A_108 = vector.load %arg5[%get3A_105, %get3A_106, %get3A_107] : memref<1x64x256xf32, #tpu.memory_space<vmem>>, vector<1x64x256xf32>
    %get3A_109 = vector.shape_cast %get3A_108 : vector<1x64x256xf32> to vector<64x256xf32>
    %concatenate3A = tpu.concatenate %get3A_109, %dot_general3A_104 in 1 : vector<64x256xf32>, vector<64x512xf32> -> vector<64x768xf32>
    %get3A_110 = arith.constant 0 : index
    %get3A_111 = arith.constant 0 : index
    %get3A_112 = vector.load %arg6[%get3A_110, %get3A_111] : memref<256x768xf32, #tpu.memory_space<vmem>>, vector<256x768xf32>
    %dot_general3A_113 = arith.constant dense<0.000000e+00> : vector<64x256xf32>
    %dot_general3A_114 = tpu.matmul %concatenate3A, %get3A_112, %dot_general3A_113 {dimension_numbers = #tpu.dot_dimension_numbers<[1], [1], [0], [0], [0, 0, 1, 0], [], []>, transpose_lhs_hint = false} : vector<64x768xf32>, vector<256x768xf32>, vector<64x256xf32> -> vector<64x256xf32>
    %get3A_115 = arith.constant 0 : index
    %get3A_116 = vector.load %arg7[%get3A_115] : memref<256xf32, #tpu.memory_space<vmem>>, vector<256xf32>
    %broadcast_in_dim3A_117 = vector.shape_cast %get3A_116 : vector<256xf32> to vector<1x256xf32>
    %add3A_118 = vector.broadcast %broadcast_in_dim3A_117 : vector<1x256xf32> to vector<64x256xf32>
    %add3A_119 = arith.addf %dot_general3A_114, %add3A_118 : vector<64x256xf32>
    %mul3A_120 = arith.constant 0.999994993 : f32
    %mul3A_121 = vector.broadcast %mul3A_120 : f32 to vector<64x256xf32>
    %mul3A_122 = arith.mulf %add3A_119, %mul3A_121 : vector<64x256xf32>
    %get3A_123 = arith.constant 0 : index
    %get3A_124 = vector.load %arg8[%get3A_123] : memref<256xf32, #tpu.memory_space<vmem>>, vector<256xf32>
    %broadcast_in_dim3A_125 = vector.shape_cast %get3A_124 : vector<256xf32> to vector<1x256xf32>
    %mul3A_126 = vector.broadcast %broadcast_in_dim3A_125 : vector<1x256xf32> to vector<64x256xf32>
    %mul3A_127 = arith.mulf %mul3A_122, %mul3A_126 : vector<64x256xf32>
    %get3A_128 = arith.constant 0 : index
    %get3A_129 = vector.load %arg9[%get3A_128] : memref<256xf32, #tpu.memory_space<vmem>>, vector<256xf32>
    %broadcast_in_dim3A_130 = vector.shape_cast %get3A_129 : vector<256xf32> to vector<1x256xf32>
    %add3A_131 = vector.broadcast %broadcast_in_dim3A_130 : vector<1x256xf32> to vector<64x256xf32>
    %add3A_132 = arith.addf %mul3A_127, %add3A_131 : vector<64x256xf32>
    %max3A = arith.constant 0.000000e+00 : f32
    %max3A_133 = vector.broadcast %max3A : f32 to vector<64x256xf32>
    %max3A_134 = arith.maximumf %add3A_132, %max3A_133 : vector<64x256xf32>
    %get3A_135 = arith.constant 0 : index
    %get3A_136 = arith.constant 0 : index
    %get3A_137 = vector.load %arg10[%get3A_135, %get3A_136] : memref<256x256xf32, #tpu.memory_space<vmem>>, vector<256x256xf32>
    %dot_general3A_138 = arith.constant dense<0.000000e+00> : vector<64x256xf32>
    %dot_general3A_139 = tpu.matmul %max3A_134, %get3A_137, %dot_general3A_138 {dimension_numbers = #tpu.dot_dimension_numbers<[1], [1], [0], [0], [0, 0, 1, 0], [], []>, transpose_lhs_hint = false} : vector<64x256xf32>, vector<256x256xf32>, vector<64x256xf32> -> vector<64x256xf32>
    %get3A_140 = arith.constant 0 : index
    %get3A_141 = vector.load %arg11[%get3A_140] : memref<256xf32, #tpu.memory_space<vmem>>, vector<256xf32>
    %broadcast_in_dim3A_142 = vector.shape_cast %get3A_141 : vector<256xf32> to vector<1x256xf32>
    %add3A_143 = vector.broadcast %broadcast_in_dim3A_142 : vector<1x256xf32> to vector<64x256xf32>
    %add3A_144 = arith.addf %dot_general3A_139, %add3A_143 : vector<64x256xf32>
    %mul3A_145 = arith.constant 0.999994993 : f32
    %mul3A_146 = vector.broadcast %mul3A_145 : f32 to vector<64x256xf32>
    %mul3A_147 = arith.mulf %add3A_144, %mul3A_146 : vector<64x256xf32>
    %get3A_148 = arith.constant 0 : index
    %get3A_149 = vector.load %arg12[%get3A_148] : memref<256xf32, #tpu.memory_space<vmem>>, vector<256xf32>
    %broadcast_in_dim3A_150 = vector.shape_cast %get3A_149 : vector<256xf32> to vector<1x256xf32>
    %mul3A_151 = vector.broadcast %broadcast_in_dim3A_150 : vector<1x256xf32> to vector<64x256xf32>
    %mul3A_152 = arith.mulf %mul3A_147, %mul3A_151 : vector<64x256xf32>
    %get3A_153 = arith.constant 0 : index
    %get3A_154 = vector.load %arg13[%get3A_153] : memref<256xf32, #tpu.memory_space<vmem>>, vector<256xf32>
    %broadcast_in_dim3A_155 = vector.shape_cast %get3A_154 : vector<256xf32> to vector<1x256xf32>
    %add3A_156 = vector.broadcast %broadcast_in_dim3A_155 : vector<1x256xf32> to vector<64x256xf32>
    %add3A_157 = arith.addf %mul3A_152, %add3A_156 : vector<64x256xf32>
    %max3A_158 = arith.constant 0.000000e+00 : f32
    %max3A_159 = vector.broadcast %max3A_158 : f32 to vector<64x256xf32>
    %max3A_160 = arith.maximumf %add3A_157, %max3A_159 : vector<64x256xf32>
    %swap3A = arith.constant 0 : index
    %swap3A_161 = arith.constant 0 : index
    %swap3A_162 = arith.constant 0 : index
    %swap3A_163 = vector.load %arg14[%swap3A, %swap3A_161, %swap3A_162] : memref<1x64x256xf32, #tpu.memory_space<vmem>>, vector<1x64x256xf32>
    %swap3A_164 = vector.shape_cast %swap3A_163 : vector<1x64x256xf32> to vector<64x256xf32>
    %swap3A_165 = vector.shape_cast %max3A_160 : vector<64x256xf32> to vector<1x64x256xf32>
    tpu.vector_store %arg14[%swap3A, %swap3A_161, %swap3A_162], %swap3A_165 {strides = array<i32>} : memref<1x64x256xf32, #tpu.memory_space<vmem>>, vector<1x64x256xf32>,
    return
  }
  func.func @transform_0(%arg0: i32, %arg1: i32) -> (i32, i32, i32) {
    %c0_i32 = arith.constant 0 : i32
    %c0_i32_0 = arith.constant 0 : i32
    return %arg0, %arg1, %c0_i32 : i32, i32, i32
  }
  func.func @transform_1(%arg0: i32, %arg1: i32) -> (i32, i32, i32) {
    %c0_i32 = arith.constant 0 : i32
    %c0_i32_0 = arith.constant 0 : i32
    %c0_i32_1 = arith.constant 0 : i32
    return %arg0, %c0_i32, %c0_i32_0 : i32, i32, i32
  }
  func.func @transform_2(%arg0: i32, %arg1: i32) -> (i32, i32, i32) {
    %c0_i32 = arith.constant 0 : i32
    %c0_i32_0 = arith.constant 0 : i32
    %c0_i32_1 = arith.constant 0 : i32
    return %arg0, %c0_i32, %c0_i32_0 : i32, i32, i32
  }
  func.func @transform_3(%arg0: i32, %arg1: i32) -> (i32, i32, i32) {
    %c0_i32 = arith.constant 0 : i32
    %c0_i32_0 = arith.constant 0 : i32
    return %arg0, %arg1, %c0_i32 : i32, i32, i32
  }
  func.func @transform_4(%arg0: i32, %arg1: i32) -> (i32, i32) {
    %c0_i32 = arith.constant 0 : i32
    %c0_i32_0 = arith.constant 0 : i32
    %c0_i32_1 = arith.constant 0 : i32
    return %c0_i32, %c0_i32_0 : i32, i32
  }
  func.func @transform_5(%arg0: i32, %arg1: i32) -> i32 {
    %c0_i32 = arith.constant 0 : i32
    %c0_i32_0 = arith.constant 0 : i32
    return %c0_i32 : i32
  }
  func.func @transform_6(%arg0: i32, %arg1: i32) -> i32 {
    %c0_i32 = arith.constant 0 : i32
    %c0_i32_0 = arith.constant 0 : i32
    return %c0_i32 : i32
  }
  func.func @transform_7(%arg0: i32, %arg1: i32) -> i32 {
    %c0_i32 = arith.constant 0 : i32
    %c0_i32_0 = arith.constant 0 : i32
    return %c0_i32 : i32
  }
  func.func @transform_8(%arg0: i32, %arg1: i32) -> (i32, i32) {
    %c0_i32 = arith.constant 0 : i32
    %c0_i32_0 = arith.constant 0 : i32
    %c0_i32_1 = arith.constant 0 : i32
    return %c0_i32, %c0_i32_0 : i32, i32
  }
  func.func @transform_9(%arg0: i32, %arg1: i32) -> i32 {
    %c0_i32 = arith.constant 0 : i32
    %c0_i32_0 = arith.constant 0 : i32
    return %c0_i32 : i32
  }
  func.func @transform_10(%arg0: i32, %arg1: i32) -> i32 {
    %c0_i32 = arith.constant 0 : i32
    %c0_i32_0 = arith.constant 0 : i32
    return %c0_i32 : i32
  }
  func.func @transform_11(%arg0: i32, %arg1: i32) -> i32 {
    %c0_i32 = arith.constant 0 : i32
    %c0_i32_0 = arith.constant 0 : i32
    return %c0_i32 : i32
  }
  func.func @transform_12(%arg0: i32, %arg1: i32) -> (i32, i32, i32) {
    %c0_i32 = arith.constant 0 : i32
    %c0_i32_0 = arith.constant 0 : i32
    return %arg0, %arg1, %c0_i32 : i32, i32, i32
  }
}

module attributes {stable_mosaic.version = 14 : i64} {
  func.func @_fp_body(%arg0: i32, %arg1: i32, %arg2: memref<1x256x3xf32, #tpu.memory_space<vmem>>, %arg3: memref<1x3x64xf32, #tpu.memory_space<vmem>>, %arg4: memref<1x64x256xf32, #tpu.memory_space<vmem>>, %arg5: memref<1x256x128xf32, #tpu.memory_space<vmem>>, %arg6: memref<256x384xf32, #tpu.memory_space<vmem>>, %arg7: memref<256xf32, #tpu.memory_space<vmem>>, %arg8: memref<256xf32, #tpu.memory_space<vmem>>, %arg9: memref<256xf32, #tpu.memory_space<vmem>>, %arg10: memref<256x256xf32, #tpu.memory_space<vmem>>, %arg11: memref<256xf32, #tpu.memory_space<vmem>>, %arg12: memref<256xf32, #tpu.memory_space<vmem>>, %arg13: memref<256xf32, #tpu.memory_space<vmem>>, %arg14: memref<1x256x256xf32, #tpu.memory_space<vmem>>) attributes {dimension_semantics = [#tpu.dimension_semantics<arbitrary>, #tpu.dimension_semantics<arbitrary>], iteration_bounds = array<i64: 8, 1>, scalar_prefetch = 0 : i64, scratch_operands = 0 : i64, tpu.core_type = #tpu.core_type<tc>, window_params = [{transform_indices = @transform_0, window_bounds = array<i64: 1, 256, 3>}, {transform_indices = @transform_1, window_bounds = array<i64: 1, 3, 64>}, {transform_indices = @transform_2, window_bounds = array<i64: 1, 64, 256>}, {transform_indices = @transform_3, window_bounds = array<i64: 1, 256, 128>}, {pipeline_mode = #tpu.pipeline_mode<synchronous>, transform_indices = @transform_4, window_bounds = array<i64: 256, 384>}, {pipeline_mode = #tpu.pipeline_mode<synchronous>, transform_indices = @transform_5, window_bounds = array<i64: 256>}, {pipeline_mode = #tpu.pipeline_mode<synchronous>, transform_indices = @transform_6, window_bounds = array<i64: 256>}, {pipeline_mode = #tpu.pipeline_mode<synchronous>, transform_indices = @transform_7, window_bounds = array<i64: 256>}, {pipeline_mode = #tpu.pipeline_mode<synchronous>, transform_indices = @transform_8, window_bounds = array<i64: 256, 256>}, {pipeline_mode = #tpu.pipeline_mode<synchronous>, transform_indices = @transform_9, window_bounds = array<i64: 256>}, {pipeline_mode = #tpu.pipeline_mode<synchronous>, transform_indices = @transform_10, window_bounds = array<i64: 256>}, {pipeline_mode = #tpu.pipeline_mode<synchronous>, transform_indices = @transform_11, window_bounds = array<i64: 256>}, {transform_indices = @transform_12, window_bounds = array<i64: 1, 256, 256>}]} {
    %get3A = arith.constant 0 : index
    %get3A_0 = arith.constant 0 : index
    %get3A_1 = arith.constant 0 : index
    %get3A_2 = vector.load %arg2[%get3A, %get3A_0, %get3A_1] : memref<1x256x3xf32, #tpu.memory_space<vmem>>, vector<1x256x3xf32>
    %get3A_3 = vector.shape_cast %get3A_2 : vector<1x256x3xf32> to vector<256x3xf32>
    %get3A_4 = arith.constant 0 : index
    %get3A_5 = arith.constant 0 : index
    %get3A_6 = arith.constant 0 : index
    %get3A_7 = vector.load %arg3[%get3A_4, %get3A_5, %get3A_6] : memref<1x3x64xf32, #tpu.memory_space<vmem>>, vector<1x3x64xf32>
    %get3A_8 = vector.shape_cast %get3A_7 : vector<1x3x64xf32> to vector<3x64xf32>
    %get3A_9 = arith.constant 0 : index
    %get3A_10 = arith.constant 0 : index
    %get3A_11 = arith.constant 0 : index
    %get3A_12 = vector.load %arg4[%get3A_9, %get3A_10, %get3A_11] : memref<1x64x256xf32, #tpu.memory_space<vmem>>, vector<1x64x256xf32>
    %get3A_13 = vector.shape_cast %get3A_12 : vector<1x64x256xf32> to vector<64x256xf32>
    %mul3A = arith.mulf %get3A_3, %get3A_3 : vector<256x3xf32>
    %reduce_sum3A = arith.constant dense<0.000000e+00> : vector<256xf32>
    %reduce_sum3A_14 = vector.multi_reduction <add>, %mul3A, %reduce_sum3A [1] : vector<256x3xf32> to vector<256xf32>
    %broadcast_in_dim3A = vector.shape_cast %reduce_sum3A_14 : vector<256xf32> to vector<256x1xf32>
    %mul3A_15 = arith.mulf %get3A_8, %get3A_8 : vector<3x64xf32>
    %reduce_sum3A_16 = arith.constant dense<0.000000e+00> : vector<64xf32>
    %reduce_sum3A_17 = vector.multi_reduction <add>, %mul3A_15, %reduce_sum3A_16 [0] : vector<3x64xf32> to vector<64xf32>
    %broadcast_in_dim3A_18 = vector.shape_cast %reduce_sum3A_17 : vector<64xf32> to vector<1x64xf32>
    %dot_general3A = arith.constant dense<0.000000e+00> : vector<256x64xf32>
    %dot_general3A_19 = tpu.matmul %get3A_3, %get3A_8, %dot_general3A {dimension_numbers = #tpu.dot_dimension_numbers<[1], [0], [0], [1], [0, 0, 1, 1], [], []>, transpose_lhs_hint = false} : vector<256x3xf32>, vector<3x64xf32>, vector<256x64xf32> -> vector<256x64xf32>
    %add3A = vector.broadcast %broadcast_in_dim3A : vector<256x1xf32> to vector<256x64xf32>
    %add3A_20 = vector.broadcast %broadcast_in_dim3A_18 : vector<1x64xf32> to vector<256x64xf32>
    %add3A_21 = arith.addf %add3A, %add3A_20 : vector<256x64xf32>
    %mul3A_22 = arith.constant 2.000000e+00 : f32
    %mul3A_23 = vector.broadcast %mul3A_22 : f32 to vector<256x64xf32>
    %mul3A_24 = arith.mulf %mul3A_23, %dot_general3A_19 : vector<256x64xf32>
    %sub3A = arith.subf %add3A_21, %mul3A_24 : vector<256x64xf32>
    %iota3A = tpu.iota {dimensions = array<i32: 1>} : vector<256x64xi32>
    %reduce_min3A = arith.constant dense<0x7F800000> : vector<256xf32>
    %reduce_min3A_25 = vector.multi_reduction <minimumf>, %sub3A, %reduce_min3A [1] : vector<256x64xf32> to vector<256xf32>
    %broadcast_in_dim3A_26 = vector.shape_cast %reduce_min3A_25 : vector<256xf32> to vector<256x1xf32>
    %eq3A = vector.broadcast %broadcast_in_dim3A_26 : vector<256x1xf32> to vector<256x64xf32>
    %eq3A_27 = arith.cmpf oeq, %sub3A, %eq3A : vector<256x64xf32>
    %jit3A = arith.constant 64 : i32
    %broadcast_in_dim3A_28 = vector.broadcast %jit3A : i32 to vector<256x64xi32>
    %select_n3A = arith.select %eq3A_27, %iota3A, %broadcast_in_dim3A_28 : vector<256x64xi1>, vector<256x64xi32>
    %reduce_min3A_29 = arith.constant dense<2147483647> : vector<256xi32>
    %reduce_min3A_30 = vector.multi_reduction <minsi>, %select_n3A, %reduce_min3A_29 [1] : vector<256x64xi32> to vector<256xi32>
    %broadcast_in_dim3A_31 = vector.shape_cast %reduce_min3A_30 : vector<256xi32> to vector<256x1xi32>
    %add3A_32 = arith.constant 9.99999993E-9 : f32
    %add3A_33 = vector.broadcast %add3A_32 : f32 to vector<256x1xf32>
    %add3A_34 = arith.addf %broadcast_in_dim3A_26, %add3A_33 : vector<256x1xf32>
    %div3A = arith.constant 1.000000e+00 : f32
    %div3A_35 = vector.broadcast %div3A : f32 to vector<256x1xf32>
    %div3A_36 = arith.divf %div3A_35, %add3A_34 : vector<256x1xf32>
    %eq3A_37 = vector.broadcast %broadcast_in_dim3A_31 : vector<256x1xi32> to vector<256x64xi32>
    %eq3A_38 = arith.cmpi eq, %iota3A, %eq3A_37 : vector<256x64xi32>
    %jit3A_39 = arith.constant 3.400000e+38 : f32
    %broadcast_in_dim3A_40 = vector.broadcast %jit3A_39 : f32 to vector<256x64xf32>
    %select_n3A_41 = arith.select %eq3A_38, %broadcast_in_dim3A_40, %sub3A : vector<256x64xi1>, vector<256x64xf32>
    %reduce_min3A_42 = arith.constant dense<0x7F800000> : vector<256xf32>
    %reduce_min3A_43 = vector.multi_reduction <minimumf>, %select_n3A_41, %reduce_min3A_42 [1] : vector<256x64xf32> to vector<256xf32>
    %broadcast_in_dim3A_44 = vector.shape_cast %reduce_min3A_43 : vector<256xf32> to vector<256x1xf32>
    %eq3A_45 = vector.broadcast %broadcast_in_dim3A_44 : vector<256x1xf32> to vector<256x64xf32>
    %eq3A_46 = arith.cmpf oeq, %select_n3A_41, %eq3A_45 : vector<256x64xf32>
    %jit3A_47 = arith.constant 64 : i32
    %broadcast_in_dim3A_48 = vector.broadcast %jit3A_47 : i32 to vector<256x64xi32>
    %select_n3A_49 = arith.select %eq3A_46, %iota3A, %broadcast_in_dim3A_48 : vector<256x64xi1>, vector<256x64xi32>
    %reduce_min3A_50 = arith.constant dense<2147483647> : vector<256xi32>
    %reduce_min3A_51 = vector.multi_reduction <minsi>, %select_n3A_49, %reduce_min3A_50 [1] : vector<256x64xi32> to vector<256xi32>
    %broadcast_in_dim3A_52 = vector.shape_cast %reduce_min3A_51 : vector<256xi32> to vector<256x1xi32>
    %add3A_53 = arith.constant 9.99999993E-9 : f32
    %add3A_54 = vector.broadcast %add3A_53 : f32 to vector<256x1xf32>
    %add3A_55 = arith.addf %broadcast_in_dim3A_44, %add3A_54 : vector<256x1xf32>
    %div3A_56 = arith.constant 1.000000e+00 : f32
    %div3A_57 = vector.broadcast %div3A_56 : f32 to vector<256x1xf32>
    %div3A_58 = arith.divf %div3A_57, %add3A_55 : vector<256x1xf32>
    %eq3A_59 = vector.broadcast %broadcast_in_dim3A_52 : vector<256x1xi32> to vector<256x64xi32>
    %eq3A_60 = arith.cmpi eq, %iota3A, %eq3A_59 : vector<256x64xi32>
    %jit3A_61 = arith.constant 3.400000e+38 : f32
    %broadcast_in_dim3A_62 = vector.broadcast %jit3A_61 : f32 to vector<256x64xf32>
    %select_n3A_63 = arith.select %eq3A_60, %broadcast_in_dim3A_62, %select_n3A_41 : vector<256x64xi1>, vector<256x64xf32>
    %reduce_min3A_64 = arith.constant dense<0x7F800000> : vector<256xf32>
    %reduce_min3A_65 = vector.multi_reduction <minimumf>, %select_n3A_63, %reduce_min3A_64 [1] : vector<256x64xf32> to vector<256xf32>
    %broadcast_in_dim3A_66 = vector.shape_cast %reduce_min3A_65 : vector<256xf32> to vector<256x1xf32>
    %eq3A_67 = vector.broadcast %broadcast_in_dim3A_66 : vector<256x1xf32> to vector<256x64xf32>
    %eq3A_68 = arith.cmpf oeq, %select_n3A_63, %eq3A_67 : vector<256x64xf32>
    %jit3A_69 = arith.constant 64 : i32
    %broadcast_in_dim3A_70 = vector.broadcast %jit3A_69 : i32 to vector<256x64xi32>
    %select_n3A_71 = arith.select %eq3A_68, %iota3A, %broadcast_in_dim3A_70 : vector<256x64xi1>, vector<256x64xi32>
    %reduce_min3A_72 = arith.constant dense<2147483647> : vector<256xi32>
    %reduce_min3A_73 = vector.multi_reduction <minsi>, %select_n3A_71, %reduce_min3A_72 [1] : vector<256x64xi32> to vector<256xi32>
    %broadcast_in_dim3A_74 = vector.shape_cast %reduce_min3A_73 : vector<256xi32> to vector<256x1xi32>
    %add3A_75 = arith.constant 9.99999993E-9 : f32
    %add3A_76 = vector.broadcast %add3A_75 : f32 to vector<256x1xf32>
    %add3A_77 = arith.addf %broadcast_in_dim3A_66, %add3A_76 : vector<256x1xf32>
    %div3A_78 = arith.constant 1.000000e+00 : f32
    %div3A_79 = vector.broadcast %div3A_78 : f32 to vector<256x1xf32>
    %div3A_80 = arith.divf %div3A_79, %add3A_77 : vector<256x1xf32>
    %add3A_81 = arith.addf %div3A_36, %div3A_58 : vector<256x1xf32>
    %add3A_82 = arith.addf %add3A_81, %div3A_80 : vector<256x1xf32>
    %broadcast_in_dim3A_83 = arith.constant 0.000000e+00 : f32
    %broadcast_in_dim3A_84 = vector.broadcast %broadcast_in_dim3A_83 : f32 to vector<256x64xf32>
    %eq3A_85 = vector.broadcast %broadcast_in_dim3A_31 : vector<256x1xi32> to vector<256x64xi32>
    %eq3A_86 = arith.cmpi eq, %iota3A, %eq3A_85 : vector<256x64xi32>
    %div3A_87 = arith.divf %div3A_36, %add3A_82 : vector<256x1xf32>
    %broadcast_in_dim3A_88 = vector.shape_cast %div3A_87 : vector<256x1xf32> to vector<256x1xf32>
    %broadcast_in_dim3A_89 = vector.broadcast %broadcast_in_dim3A_88 : vector<256x1xf32> to vector<256x64xf32>
    %select_n3A_90 = arith.select %eq3A_86, %broadcast_in_dim3A_89, %broadcast_in_dim3A_84 : vector<256x64xi1>, vector<256x64xf32>
    %eq3A_91 = vector.broadcast %broadcast_in_dim3A_52 : vector<256x1xi32> to vector<256x64xi32>
    %eq3A_92 = arith.cmpi eq, %iota3A, %eq3A_91 : vector<256x64xi32>
    %div3A_93 = arith.divf %div3A_58, %add3A_82 : vector<256x1xf32>
    %broadcast_in_dim3A_94 = vector.shape_cast %div3A_93 : vector<256x1xf32> to vector<256x1xf32>
    %broadcast_in_dim3A_95 = vector.broadcast %broadcast_in_dim3A_94 : vector<256x1xf32> to vector<256x64xf32>
    %select_n3A_96 = arith.select %eq3A_92, %broadcast_in_dim3A_95, %select_n3A_90 : vector<256x64xi1>, vector<256x64xf32>
    %eq3A_97 = vector.broadcast %broadcast_in_dim3A_74 : vector<256x1xi32> to vector<256x64xi32>
    %eq3A_98 = arith.cmpi eq, %iota3A, %eq3A_97 : vector<256x64xi32>
    %div3A_99 = arith.divf %div3A_80, %add3A_82 : vector<256x1xf32>
    %broadcast_in_dim3A_100 = vector.shape_cast %div3A_99 : vector<256x1xf32> to vector<256x1xf32>
    %broadcast_in_dim3A_101 = vector.broadcast %broadcast_in_dim3A_100 : vector<256x1xf32> to vector<256x64xf32>
    %select_n3A_102 = arith.select %eq3A_98, %broadcast_in_dim3A_101, %select_n3A_96 : vector<256x64xi1>, vector<256x64xf32>
    %dot_general3A_103 = arith.constant dense<0.000000e+00> : vector<256x256xf32>
    %dot_general3A_104 = tpu.matmul %select_n3A_102, %get3A_13, %dot_general3A_103 {dimension_numbers = #tpu.dot_dimension_numbers<[1], [0], [0], [1], [0, 0, 1, 1], [], []>, transpose_lhs_hint = false} : vector<256x64xf32>, vector<64x256xf32>, vector<256x256xf32> -> vector<256x256xf32>
    %get3A_105 = arith.constant 0 : index
    %get3A_106 = arith.constant 0 : index
    %get3A_107 = arith.constant 0 : index
    %get3A_108 = vector.load %arg5[%get3A_105, %get3A_106, %get3A_107] : memref<1x256x128xf32, #tpu.memory_space<vmem>>, vector<1x256x128xf32>
    %get3A_109 = vector.shape_cast %get3A_108 : vector<1x256x128xf32> to vector<256x128xf32>
    %concatenate3A = tpu.concatenate %get3A_109, %dot_general3A_104 in 1 : vector<256x128xf32>, vector<256x256xf32> -> vector<256x384xf32>
    %get3A_110 = arith.constant 0 : index
    %get3A_111 = arith.constant 0 : index
    %get3A_112 = vector.load %arg6[%get3A_110, %get3A_111] : memref<256x384xf32, #tpu.memory_space<vmem>>, vector<256x384xf32>
    %dot_general3A_113 = arith.constant dense<0.000000e+00> : vector<256x256xf32>
    %dot_general3A_114 = tpu.matmul %concatenate3A, %get3A_112, %dot_general3A_113 {dimension_numbers = #tpu.dot_dimension_numbers<[1], [1], [0], [0], [0, 0, 1, 0], [], []>, transpose_lhs_hint = false} : vector<256x384xf32>, vector<256x384xf32>, vector<256x256xf32> -> vector<256x256xf32>
    %get3A_115 = arith.constant 0 : index
    %get3A_116 = vector.load %arg7[%get3A_115] : memref<256xf32, #tpu.memory_space<vmem>>, vector<256xf32>
    %broadcast_in_dim3A_117 = vector.shape_cast %get3A_116 : vector<256xf32> to vector<1x256xf32>
    %add3A_118 = vector.broadcast %broadcast_in_dim3A_117 : vector<1x256xf32> to vector<256x256xf32>
    %add3A_119 = arith.addf %dot_general3A_114, %add3A_118 : vector<256x256xf32>
    %mul3A_120 = arith.constant 0.999994993 : f32
    %mul3A_121 = vector.broadcast %mul3A_120 : f32 to vector<256x256xf32>
    %mul3A_122 = arith.mulf %add3A_119, %mul3A_121 : vector<256x256xf32>
    %get3A_123 = arith.constant 0 : index
    %get3A_124 = vector.load %arg8[%get3A_123] : memref<256xf32, #tpu.memory_space<vmem>>, vector<256xf32>
    %broadcast_in_dim3A_125 = vector.shape_cast %get3A_124 : vector<256xf32> to vector<1x256xf32>
    %mul3A_126 = vector.broadcast %broadcast_in_dim3A_125 : vector<1x256xf32> to vector<256x256xf32>
    %mul3A_127 = arith.mulf %mul3A_122, %mul3A_126 : vector<256x256xf32>
    %get3A_128 = arith.constant 0 : index
    %get3A_129 = vector.load %arg9[%get3A_128] : memref<256xf32, #tpu.memory_space<vmem>>, vector<256xf32>
    %broadcast_in_dim3A_130 = vector.shape_cast %get3A_129 : vector<256xf32> to vector<1x256xf32>
    %add3A_131 = vector.broadcast %broadcast_in_dim3A_130 : vector<1x256xf32> to vector<256x256xf32>
    %add3A_132 = arith.addf %mul3A_127, %add3A_131 : vector<256x256xf32>
    %max3A = arith.constant 0.000000e+00 : f32
    %max3A_133 = vector.broadcast %max3A : f32 to vector<256x256xf32>
    %max3A_134 = arith.maximumf %add3A_132, %max3A_133 : vector<256x256xf32>
    %get3A_135 = arith.constant 0 : index
    %get3A_136 = arith.constant 0 : index
    %get3A_137 = vector.load %arg10[%get3A_135, %get3A_136] : memref<256x256xf32, #tpu.memory_space<vmem>>, vector<256x256xf32>
    %dot_general3A_138 = arith.constant dense<0.000000e+00> : vector<256x256xf32>
    %dot_general3A_139 = tpu.matmul %max3A_134, %get3A_137, %dot_general3A_138 {dimension_numbers = #tpu.dot_dimension_numbers<[1], [1], [0], [0], [0, 0, 1, 0], [], []>, transpose_lhs_hint = false} : vector<256x256xf32>, vector<256x256xf32>, vector<256x256xf32> -> vector<256x256xf32>
    %get3A_140 = arith.constant 0 : index
    %get3A_141 = vector.load %arg11[%get3A_140] : memref<256xf32, #tpu.memory_space<vmem>>, vector<256xf32>
    %broadcast_in_dim3A_142 = vector.shape_cast %get3A_141 : vector<256xf32> to vector<1x256xf32>
    %add3A_143 = vector.broadcast %broadcast_in_dim3A_142 : vector<1x256xf32> to vector<256x256xf32>
    %add3A_144 = arith.addf %dot_general3A_139, %add3A_143 : vector<256x256xf32>
    %mul3A_145 = arith.constant 0.999994993 : f32
    %mul3A_146 = vector.broadcast %mul3A_145 : f32 to vector<256x256xf32>
    %mul3A_147 = arith.mulf %add3A_144, %mul3A_146 : vector<256x256xf32>
    %get3A_148 = arith.constant 0 : index
    %get3A_149 = vector.load %arg12[%get3A_148] : memref<256xf32, #tpu.memory_space<vmem>>, vector<256xf32>
    %broadcast_in_dim3A_150 = vector.shape_cast %get3A_149 : vector<256xf32> to vector<1x256xf32>
    %mul3A_151 = vector.broadcast %broadcast_in_dim3A_150 : vector<1x256xf32> to vector<256x256xf32>
    %mul3A_152 = arith.mulf %mul3A_147, %mul3A_151 : vector<256x256xf32>
    %get3A_153 = arith.constant 0 : index
    %get3A_154 = vector.load %arg13[%get3A_153] : memref<256xf32, #tpu.memory_space<vmem>>, vector<256xf32>
    %broadcast_in_dim3A_155 = vector.shape_cast %get3A_154 : vector<256xf32> to vector<1x256xf32>
    %add3A_156 = vector.broadcast %broadcast_in_dim3A_155 : vector<1x256xf32> to vector<256x256xf32>
    %add3A_157 = arith.addf %mul3A_152, %add3A_156 : vector<256x256xf32>
    %max3A_158 = arith.constant 0.000000e+00 : f32
    %max3A_159 = vector.broadcast %max3A_158 : f32 to vector<256x256xf32>
    %max3A_160 = arith.maximumf %add3A_157, %max3A_159 : vector<256x256xf32>
    %swap3A = arith.constant 0 : index
    %swap3A_161 = arith.constant 0 : index
    %swap3A_162 = arith.constant 0 : index
    %swap3A_163 = vector.load %arg14[%swap3A, %swap3A_161, %swap3A_162] : memref<1x256x256xf32, #tpu.memory_space<vmem>>, vector<1x256x256xf32>
    %swap3A_164 = vector.shape_cast %swap3A_163 : vector<1x256x256xf32> to vector<256x256xf32>
    %swap3A_165 = vector.shape_cast %max3A_160 : vector<256x256xf32> to vector<1x256x256xf32>
    tpu.vector_store %arg14[%swap3A, %swap3A_161, %swap3A_162], %swap3A_165 {strides = array<i32>} : memref<1x256x256xf32, #tpu.memory_space<vmem>>, vector<1x256x256xf32>,
    return
  }
  func.func @transform_0(%arg0: i32, %arg1: i32) -> (i32, i32, i32) {
    %c0_i32 = arith.constant 0 : i32
    %c0_i32_0 = arith.constant 0 : i32
    return %arg0, %arg1, %c0_i32 : i32, i32, i32
  }
  func.func @transform_1(%arg0: i32, %arg1: i32) -> (i32, i32, i32) {
    %c0_i32 = arith.constant 0 : i32
    %c0_i32_0 = arith.constant 0 : i32
    %c0_i32_1 = arith.constant 0 : i32
    return %arg0, %c0_i32, %c0_i32_0 : i32, i32, i32
  }
  func.func @transform_2(%arg0: i32, %arg1: i32) -> (i32, i32, i32) {
    %c0_i32 = arith.constant 0 : i32
    %c0_i32_0 = arith.constant 0 : i32
    %c0_i32_1 = arith.constant 0 : i32
    return %arg0, %c0_i32, %c0_i32_0 : i32, i32, i32
  }
  func.func @transform_3(%arg0: i32, %arg1: i32) -> (i32, i32, i32) {
    %c0_i32 = arith.constant 0 : i32
    %c0_i32_0 = arith.constant 0 : i32
    return %arg0, %arg1, %c0_i32 : i32, i32, i32
  }
  func.func @transform_4(%arg0: i32, %arg1: i32) -> (i32, i32) {
    %c0_i32 = arith.constant 0 : i32
    %c0_i32_0 = arith.constant 0 : i32
    %c0_i32_1 = arith.constant 0 : i32
    return %c0_i32, %c0_i32_0 : i32, i32
  }
  func.func @transform_5(%arg0: i32, %arg1: i32) -> i32 {
    %c0_i32 = arith.constant 0 : i32
    %c0_i32_0 = arith.constant 0 : i32
    return %c0_i32 : i32
  }
  func.func @transform_6(%arg0: i32, %arg1: i32) -> i32 {
    %c0_i32 = arith.constant 0 : i32
    %c0_i32_0 = arith.constant 0 : i32
    return %c0_i32 : i32
  }
  func.func @transform_7(%arg0: i32, %arg1: i32) -> i32 {
    %c0_i32 = arith.constant 0 : i32
    %c0_i32_0 = arith.constant 0 : i32
    return %c0_i32 : i32
  }
  func.func @transform_8(%arg0: i32, %arg1: i32) -> (i32, i32) {
    %c0_i32 = arith.constant 0 : i32
    %c0_i32_0 = arith.constant 0 : i32
    %c0_i32_1 = arith.constant 0 : i32
    return %c0_i32, %c0_i32_0 : i32, i32
  }
  func.func @transform_9(%arg0: i32, %arg1: i32) -> i32 {
    %c0_i32 = arith.constant 0 : i32
    %c0_i32_0 = arith.constant 0 : i32
    return %c0_i32 : i32
  }
  func.func @transform_10(%arg0: i32, %arg1: i32) -> i32 {
    %c0_i32 = arith.constant 0 : i32
    %c0_i32_0 = arith.constant 0 : i32
    return %c0_i32 : i32
  }
  func.func @transform_11(%arg0: i32, %arg1: i32) -> i32 {
    %c0_i32 = arith.constant 0 : i32
    %c0_i32_0 = arith.constant 0 : i32
    return %c0_i32 : i32
  }
  func.func @transform_12(%arg0: i32, %arg1: i32) -> (i32, i32, i32) {
    %c0_i32 = arith.constant 0 : i32
    %c0_i32_0 = arith.constant 0 : i32
    return %arg0, %arg1, %c0_i32 : i32, i32, i32
  }
}

module attributes {stable_mosaic.version = 14 : i64} {
  func.func @_fp_body(%arg0: i32, %arg1: i32, %arg2: memref<1x512x3xf32, #tpu.memory_space<vmem>>, %arg3: memref<1x3x256xf32, #tpu.memory_space<vmem>>, %arg4: memref<1x256x256xf32, #tpu.memory_space<vmem>>, %arg5: memref<1x512x64xf32, #tpu.memory_space<vmem>>, %arg6: memref<256x320xf32, #tpu.memory_space<vmem>>, %arg7: memref<256xf32, #tpu.memory_space<vmem>>, %arg8: memref<256xf32, #tpu.memory_space<vmem>>, %arg9: memref<256xf32, #tpu.memory_space<vmem>>, %arg10: memref<128x256xf32, #tpu.memory_space<vmem>>, %arg11: memref<128xf32, #tpu.memory_space<vmem>>, %arg12: memref<128xf32, #tpu.memory_space<vmem>>, %arg13: memref<128xf32, #tpu.memory_space<vmem>>, %arg14: memref<1x512x128xf32, #tpu.memory_space<vmem>>) attributes {dimension_semantics = [#tpu.dimension_semantics<arbitrary>, #tpu.dimension_semantics<arbitrary>], iteration_bounds = array<i64: 8, 2>, scalar_prefetch = 0 : i64, scratch_operands = 0 : i64, tpu.core_type = #tpu.core_type<tc>, window_params = [{transform_indices = @transform_0, window_bounds = array<i64: 1, 512, 3>}, {transform_indices = @transform_1, window_bounds = array<i64: 1, 3, 256>}, {transform_indices = @transform_2, window_bounds = array<i64: 1, 256, 256>}, {transform_indices = @transform_3, window_bounds = array<i64: 1, 512, 64>}, {pipeline_mode = #tpu.pipeline_mode<synchronous>, transform_indices = @transform_4, window_bounds = array<i64: 256, 320>}, {pipeline_mode = #tpu.pipeline_mode<synchronous>, transform_indices = @transform_5, window_bounds = array<i64: 256>}, {pipeline_mode = #tpu.pipeline_mode<synchronous>, transform_indices = @transform_6, window_bounds = array<i64: 256>}, {pipeline_mode = #tpu.pipeline_mode<synchronous>, transform_indices = @transform_7, window_bounds = array<i64: 256>}, {pipeline_mode = #tpu.pipeline_mode<synchronous>, transform_indices = @transform_8, window_bounds = array<i64: 128, 256>}, {pipeline_mode = #tpu.pipeline_mode<synchronous>, transform_indices = @transform_9, window_bounds = array<i64: 128>}, {pipeline_mode = #tpu.pipeline_mode<synchronous>, transform_indices = @transform_10, window_bounds = array<i64: 128>}, {pipeline_mode = #tpu.pipeline_mode<synchronous>, transform_indices = @transform_11, window_bounds = array<i64: 128>}, {transform_indices = @transform_12, window_bounds = array<i64: 1, 512, 128>}]} {
    %get3A = arith.constant 0 : index
    %get3A_0 = arith.constant 0 : index
    %get3A_1 = arith.constant 0 : index
    %get3A_2 = vector.load %arg2[%get3A, %get3A_0, %get3A_1] : memref<1x512x3xf32, #tpu.memory_space<vmem>>, vector<1x512x3xf32>
    %get3A_3 = vector.shape_cast %get3A_2 : vector<1x512x3xf32> to vector<512x3xf32>
    %get3A_4 = arith.constant 0 : index
    %get3A_5 = arith.constant 0 : index
    %get3A_6 = arith.constant 0 : index
    %get3A_7 = vector.load %arg3[%get3A_4, %get3A_5, %get3A_6] : memref<1x3x256xf32, #tpu.memory_space<vmem>>, vector<1x3x256xf32>
    %get3A_8 = vector.shape_cast %get3A_7 : vector<1x3x256xf32> to vector<3x256xf32>
    %get3A_9 = arith.constant 0 : index
    %get3A_10 = arith.constant 0 : index
    %get3A_11 = arith.constant 0 : index
    %get3A_12 = vector.load %arg4[%get3A_9, %get3A_10, %get3A_11] : memref<1x256x256xf32, #tpu.memory_space<vmem>>, vector<1x256x256xf32>
    %get3A_13 = vector.shape_cast %get3A_12 : vector<1x256x256xf32> to vector<256x256xf32>
    %mul3A = arith.mulf %get3A_3, %get3A_3 : vector<512x3xf32>
    %reduce_sum3A = arith.constant dense<0.000000e+00> : vector<512xf32>
    %reduce_sum3A_14 = vector.multi_reduction <add>, %mul3A, %reduce_sum3A [1] : vector<512x3xf32> to vector<512xf32>
    %broadcast_in_dim3A = vector.shape_cast %reduce_sum3A_14 : vector<512xf32> to vector<512x1xf32>
    %mul3A_15 = arith.mulf %get3A_8, %get3A_8 : vector<3x256xf32>
    %reduce_sum3A_16 = arith.constant dense<0.000000e+00> : vector<256xf32>
    %reduce_sum3A_17 = vector.multi_reduction <add>, %mul3A_15, %reduce_sum3A_16 [0] : vector<3x256xf32> to vector<256xf32>
    %broadcast_in_dim3A_18 = vector.shape_cast %reduce_sum3A_17 : vector<256xf32> to vector<1x256xf32>
    %dot_general3A = arith.constant dense<0.000000e+00> : vector<512x256xf32>
    %dot_general3A_19 = tpu.matmul %get3A_3, %get3A_8, %dot_general3A {dimension_numbers = #tpu.dot_dimension_numbers<[1], [0], [0], [1], [0, 0, 1, 1], [], []>, transpose_lhs_hint = false} : vector<512x3xf32>, vector<3x256xf32>, vector<512x256xf32> -> vector<512x256xf32>
    %add3A = vector.broadcast %broadcast_in_dim3A : vector<512x1xf32> to vector<512x256xf32>
    %add3A_20 = vector.broadcast %broadcast_in_dim3A_18 : vector<1x256xf32> to vector<512x256xf32>
    %add3A_21 = arith.addf %add3A, %add3A_20 : vector<512x256xf32>
    %mul3A_22 = arith.constant 2.000000e+00 : f32
    %mul3A_23 = vector.broadcast %mul3A_22 : f32 to vector<512x256xf32>
    %mul3A_24 = arith.mulf %mul3A_23, %dot_general3A_19 : vector<512x256xf32>
    %sub3A = arith.subf %add3A_21, %mul3A_24 : vector<512x256xf32>
    %iota3A = tpu.iota {dimensions = array<i32: 1>} : vector<512x256xi32>
    %reduce_min3A = arith.constant dense<0x7F800000> : vector<512xf32>
    %reduce_min3A_25 = vector.multi_reduction <minimumf>, %sub3A, %reduce_min3A [1] : vector<512x256xf32> to vector<512xf32>
    %broadcast_in_dim3A_26 = vector.shape_cast %reduce_min3A_25 : vector<512xf32> to vector<512x1xf32>
    %eq3A = vector.broadcast %broadcast_in_dim3A_26 : vector<512x1xf32> to vector<512x256xf32>
    %eq3A_27 = arith.cmpf oeq, %sub3A, %eq3A : vector<512x256xf32>
    %jit3A = arith.constant 256 : i32
    %broadcast_in_dim3A_28 = vector.broadcast %jit3A : i32 to vector<512x256xi32>
    %select_n3A = arith.select %eq3A_27, %iota3A, %broadcast_in_dim3A_28 : vector<512x256xi1>, vector<512x256xi32>
    %reduce_min3A_29 = arith.constant dense<2147483647> : vector<512xi32>
    %reduce_min3A_30 = vector.multi_reduction <minsi>, %select_n3A, %reduce_min3A_29 [1] : vector<512x256xi32> to vector<512xi32>
    %broadcast_in_dim3A_31 = vector.shape_cast %reduce_min3A_30 : vector<512xi32> to vector<512x1xi32>
    %add3A_32 = arith.constant 9.99999993E-9 : f32
    %add3A_33 = vector.broadcast %add3A_32 : f32 to vector<512x1xf32>
    %add3A_34 = arith.addf %broadcast_in_dim3A_26, %add3A_33 : vector<512x1xf32>
    %div3A = arith.constant 1.000000e+00 : f32
    %div3A_35 = vector.broadcast %div3A : f32 to vector<512x1xf32>
    %div3A_36 = arith.divf %div3A_35, %add3A_34 : vector<512x1xf32>
    %eq3A_37 = vector.broadcast %broadcast_in_dim3A_31 : vector<512x1xi32> to vector<512x256xi32>
    %eq3A_38 = arith.cmpi eq, %iota3A, %eq3A_37 : vector<512x256xi32>
    %jit3A_39 = arith.constant 3.400000e+38 : f32
    %broadcast_in_dim3A_40 = vector.broadcast %jit3A_39 : f32 to vector<512x256xf32>
    %select_n3A_41 = arith.select %eq3A_38, %broadcast_in_dim3A_40, %sub3A : vector<512x256xi1>, vector<512x256xf32>
    %reduce_min3A_42 = arith.constant dense<0x7F800000> : vector<512xf32>
    %reduce_min3A_43 = vector.multi_reduction <minimumf>, %select_n3A_41, %reduce_min3A_42 [1] : vector<512x256xf32> to vector<512xf32>
    %broadcast_in_dim3A_44 = vector.shape_cast %reduce_min3A_43 : vector<512xf32> to vector<512x1xf32>
    %eq3A_45 = vector.broadcast %broadcast_in_dim3A_44 : vector<512x1xf32> to vector<512x256xf32>
    %eq3A_46 = arith.cmpf oeq, %select_n3A_41, %eq3A_45 : vector<512x256xf32>
    %jit3A_47 = arith.constant 256 : i32
    %broadcast_in_dim3A_48 = vector.broadcast %jit3A_47 : i32 to vector<512x256xi32>
    %select_n3A_49 = arith.select %eq3A_46, %iota3A, %broadcast_in_dim3A_48 : vector<512x256xi1>, vector<512x256xi32>
    %reduce_min3A_50 = arith.constant dense<2147483647> : vector<512xi32>
    %reduce_min3A_51 = vector.multi_reduction <minsi>, %select_n3A_49, %reduce_min3A_50 [1] : vector<512x256xi32> to vector<512xi32>
    %broadcast_in_dim3A_52 = vector.shape_cast %reduce_min3A_51 : vector<512xi32> to vector<512x1xi32>
    %add3A_53 = arith.constant 9.99999993E-9 : f32
    %add3A_54 = vector.broadcast %add3A_53 : f32 to vector<512x1xf32>
    %add3A_55 = arith.addf %broadcast_in_dim3A_44, %add3A_54 : vector<512x1xf32>
    %div3A_56 = arith.constant 1.000000e+00 : f32
    %div3A_57 = vector.broadcast %div3A_56 : f32 to vector<512x1xf32>
    %div3A_58 = arith.divf %div3A_57, %add3A_55 : vector<512x1xf32>
    %eq3A_59 = vector.broadcast %broadcast_in_dim3A_52 : vector<512x1xi32> to vector<512x256xi32>
    %eq3A_60 = arith.cmpi eq, %iota3A, %eq3A_59 : vector<512x256xi32>
    %jit3A_61 = arith.constant 3.400000e+38 : f32
    %broadcast_in_dim3A_62 = vector.broadcast %jit3A_61 : f32 to vector<512x256xf32>
    %select_n3A_63 = arith.select %eq3A_60, %broadcast_in_dim3A_62, %select_n3A_41 : vector<512x256xi1>, vector<512x256xf32>
    %reduce_min3A_64 = arith.constant dense<0x7F800000> : vector<512xf32>
    %reduce_min3A_65 = vector.multi_reduction <minimumf>, %select_n3A_63, %reduce_min3A_64 [1] : vector<512x256xf32> to vector<512xf32>
    %broadcast_in_dim3A_66 = vector.shape_cast %reduce_min3A_65 : vector<512xf32> to vector<512x1xf32>
    %eq3A_67 = vector.broadcast %broadcast_in_dim3A_66 : vector<512x1xf32> to vector<512x256xf32>
    %eq3A_68 = arith.cmpf oeq, %select_n3A_63, %eq3A_67 : vector<512x256xf32>
    %jit3A_69 = arith.constant 256 : i32
    %broadcast_in_dim3A_70 = vector.broadcast %jit3A_69 : i32 to vector<512x256xi32>
    %select_n3A_71 = arith.select %eq3A_68, %iota3A, %broadcast_in_dim3A_70 : vector<512x256xi1>, vector<512x256xi32>
    %reduce_min3A_72 = arith.constant dense<2147483647> : vector<512xi32>
    %reduce_min3A_73 = vector.multi_reduction <minsi>, %select_n3A_71, %reduce_min3A_72 [1] : vector<512x256xi32> to vector<512xi32>
    %broadcast_in_dim3A_74 = vector.shape_cast %reduce_min3A_73 : vector<512xi32> to vector<512x1xi32>
    %add3A_75 = arith.constant 9.99999993E-9 : f32
    %add3A_76 = vector.broadcast %add3A_75 : f32 to vector<512x1xf32>
    %add3A_77 = arith.addf %broadcast_in_dim3A_66, %add3A_76 : vector<512x1xf32>
    %div3A_78 = arith.constant 1.000000e+00 : f32
    %div3A_79 = vector.broadcast %div3A_78 : f32 to vector<512x1xf32>
    %div3A_80 = arith.divf %div3A_79, %add3A_77 : vector<512x1xf32>
    %add3A_81 = arith.addf %div3A_36, %div3A_58 : vector<512x1xf32>
    %add3A_82 = arith.addf %add3A_81, %div3A_80 : vector<512x1xf32>
    %broadcast_in_dim3A_83 = arith.constant 0.000000e+00 : f32
    %broadcast_in_dim3A_84 = vector.broadcast %broadcast_in_dim3A_83 : f32 to vector<512x256xf32>
    %eq3A_85 = vector.broadcast %broadcast_in_dim3A_31 : vector<512x1xi32> to vector<512x256xi32>
    %eq3A_86 = arith.cmpi eq, %iota3A, %eq3A_85 : vector<512x256xi32>
    %div3A_87 = arith.divf %div3A_36, %add3A_82 : vector<512x1xf32>
    %broadcast_in_dim3A_88 = vector.shape_cast %div3A_87 : vector<512x1xf32> to vector<512x1xf32>
    %broadcast_in_dim3A_89 = vector.broadcast %broadcast_in_dim3A_88 : vector<512x1xf32> to vector<512x256xf32>
    %select_n3A_90 = arith.select %eq3A_86, %broadcast_in_dim3A_89, %broadcast_in_dim3A_84 : vector<512x256xi1>, vector<512x256xf32>
    %eq3A_91 = vector.broadcast %broadcast_in_dim3A_52 : vector<512x1xi32> to vector<512x256xi32>
    %eq3A_92 = arith.cmpi eq, %iota3A, %eq3A_91 : vector<512x256xi32>
    %div3A_93 = arith.divf %div3A_58, %add3A_82 : vector<512x1xf32>
    %broadcast_in_dim3A_94 = vector.shape_cast %div3A_93 : vector<512x1xf32> to vector<512x1xf32>
    %broadcast_in_dim3A_95 = vector.broadcast %broadcast_in_dim3A_94 : vector<512x1xf32> to vector<512x256xf32>
    %select_n3A_96 = arith.select %eq3A_92, %broadcast_in_dim3A_95, %select_n3A_90 : vector<512x256xi1>, vector<512x256xf32>
    %eq3A_97 = vector.broadcast %broadcast_in_dim3A_74 : vector<512x1xi32> to vector<512x256xi32>
    %eq3A_98 = arith.cmpi eq, %iota3A, %eq3A_97 : vector<512x256xi32>
    %div3A_99 = arith.divf %div3A_80, %add3A_82 : vector<512x1xf32>
    %broadcast_in_dim3A_100 = vector.shape_cast %div3A_99 : vector<512x1xf32> to vector<512x1xf32>
    %broadcast_in_dim3A_101 = vector.broadcast %broadcast_in_dim3A_100 : vector<512x1xf32> to vector<512x256xf32>
    %select_n3A_102 = arith.select %eq3A_98, %broadcast_in_dim3A_101, %select_n3A_96 : vector<512x256xi1>, vector<512x256xf32>
    %dot_general3A_103 = arith.constant dense<0.000000e+00> : vector<512x256xf32>
    %dot_general3A_104 = tpu.matmul %select_n3A_102, %get3A_13, %dot_general3A_103 {dimension_numbers = #tpu.dot_dimension_numbers<[1], [0], [0], [1], [0, 0, 1, 1], [], []>, transpose_lhs_hint = false} : vector<512x256xf32>, vector<256x256xf32>, vector<512x256xf32> -> vector<512x256xf32>
    %get3A_105 = arith.constant 0 : index
    %get3A_106 = arith.constant 0 : index
    %get3A_107 = arith.constant 0 : index
    %get3A_108 = vector.load %arg5[%get3A_105, %get3A_106, %get3A_107] : memref<1x512x64xf32, #tpu.memory_space<vmem>>, vector<1x512x64xf32>
    %get3A_109 = vector.shape_cast %get3A_108 : vector<1x512x64xf32> to vector<512x64xf32>
    %concatenate3A = tpu.concatenate %get3A_109, %dot_general3A_104 in 1 : vector<512x64xf32>, vector<512x256xf32> -> vector<512x320xf32>
    %get3A_110 = arith.constant 0 : index
    %get3A_111 = arith.constant 0 : index
    %get3A_112 = vector.load %arg6[%get3A_110, %get3A_111] : memref<256x320xf32, #tpu.memory_space<vmem>>, vector<256x320xf32>
    %dot_general3A_113 = arith.constant dense<0.000000e+00> : vector<512x256xf32>
    %dot_general3A_114 = tpu.matmul %concatenate3A, %get3A_112, %dot_general3A_113 {dimension_numbers = #tpu.dot_dimension_numbers<[1], [1], [0], [0], [0, 0, 1, 0], [], []>, transpose_lhs_hint = false} : vector<512x320xf32>, vector<256x320xf32>, vector<512x256xf32> -> vector<512x256xf32>
    %get3A_115 = arith.constant 0 : index
    %get3A_116 = vector.load %arg7[%get3A_115] : memref<256xf32, #tpu.memory_space<vmem>>, vector<256xf32>
    %broadcast_in_dim3A_117 = vector.shape_cast %get3A_116 : vector<256xf32> to vector<1x256xf32>
    %add3A_118 = vector.broadcast %broadcast_in_dim3A_117 : vector<1x256xf32> to vector<512x256xf32>
    %add3A_119 = arith.addf %dot_general3A_114, %add3A_118 : vector<512x256xf32>
    %mul3A_120 = arith.constant 0.999994993 : f32
    %mul3A_121 = vector.broadcast %mul3A_120 : f32 to vector<512x256xf32>
    %mul3A_122 = arith.mulf %add3A_119, %mul3A_121 : vector<512x256xf32>
    %get3A_123 = arith.constant 0 : index
    %get3A_124 = vector.load %arg8[%get3A_123] : memref<256xf32, #tpu.memory_space<vmem>>, vector<256xf32>
    %broadcast_in_dim3A_125 = vector.shape_cast %get3A_124 : vector<256xf32> to vector<1x256xf32>
    %mul3A_126 = vector.broadcast %broadcast_in_dim3A_125 : vector<1x256xf32> to vector<512x256xf32>
    %mul3A_127 = arith.mulf %mul3A_122, %mul3A_126 : vector<512x256xf32>
    %get3A_128 = arith.constant 0 : index
    %get3A_129 = vector.load %arg9[%get3A_128] : memref<256xf32, #tpu.memory_space<vmem>>, vector<256xf32>
    %broadcast_in_dim3A_130 = vector.shape_cast %get3A_129 : vector<256xf32> to vector<1x256xf32>
    %add3A_131 = vector.broadcast %broadcast_in_dim3A_130 : vector<1x256xf32> to vector<512x256xf32>
    %add3A_132 = arith.addf %mul3A_127, %add3A_131 : vector<512x256xf32>
    %max3A = arith.constant 0.000000e+00 : f32
    %max3A_133 = vector.broadcast %max3A : f32 to vector<512x256xf32>
    %max3A_134 = arith.maximumf %add3A_132, %max3A_133 : vector<512x256xf32>
    %get3A_135 = arith.constant 0 : index
    %get3A_136 = arith.constant 0 : index
    %get3A_137 = vector.load %arg10[%get3A_135, %get3A_136] : memref<128x256xf32, #tpu.memory_space<vmem>>, vector<128x256xf32>
    %dot_general3A_138 = arith.constant dense<0.000000e+00> : vector<512x128xf32>
    %dot_general3A_139 = tpu.matmul %max3A_134, %get3A_137, %dot_general3A_138 {dimension_numbers = #tpu.dot_dimension_numbers<[1], [1], [0], [0], [0, 0, 1, 0], [], []>, transpose_lhs_hint = false} : vector<512x256xf32>, vector<128x256xf32>, vector<512x128xf32> -> vector<512x128xf32>
    %get3A_140 = arith.constant 0 : index
    %get3A_141 = vector.load %arg11[%get3A_140] : memref<128xf32, #tpu.memory_space<vmem>>, vector<128xf32>
    %broadcast_in_dim3A_142 = vector.shape_cast %get3A_141 : vector<128xf32> to vector<1x128xf32>
    %add3A_143 = vector.broadcast %broadcast_in_dim3A_142 : vector<1x128xf32> to vector<512x128xf32>
    %add3A_144 = arith.addf %dot_general3A_139, %add3A_143 : vector<512x128xf32>
    %mul3A_145 = arith.constant 0.999994993 : f32
    %mul3A_146 = vector.broadcast %mul3A_145 : f32 to vector<512x128xf32>
    %mul3A_147 = arith.mulf %add3A_144, %mul3A_146 : vector<512x128xf32>
    %get3A_148 = arith.constant 0 : index
    %get3A_149 = vector.load %arg12[%get3A_148] : memref<128xf32, #tpu.memory_space<vmem>>, vector<128xf32>
    %broadcast_in_dim3A_150 = vector.shape_cast %get3A_149 : vector<128xf32> to vector<1x128xf32>
    %mul3A_151 = vector.broadcast %broadcast_in_dim3A_150 : vector<1x128xf32> to vector<512x128xf32>
    %mul3A_152 = arith.mulf %mul3A_147, %mul3A_151 : vector<512x128xf32>
    %get3A_153 = arith.constant 0 : index
    %get3A_154 = vector.load %arg13[%get3A_153] : memref<128xf32, #tpu.memory_space<vmem>>, vector<128xf32>
    %broadcast_in_dim3A_155 = vector.shape_cast %get3A_154 : vector<128xf32> to vector<1x128xf32>
    %add3A_156 = vector.broadcast %broadcast_in_dim3A_155 : vector<1x128xf32> to vector<512x128xf32>
    %add3A_157 = arith.addf %mul3A_152, %add3A_156 : vector<512x128xf32>
    %max3A_158 = arith.constant 0.000000e+00 : f32
    %max3A_159 = vector.broadcast %max3A_158 : f32 to vector<512x128xf32>
    %max3A_160 = arith.maximumf %add3A_157, %max3A_159 : vector<512x128xf32>
    %swap3A = arith.constant 0 : index
    %swap3A_161 = arith.constant 0 : index
    %swap3A_162 = arith.constant 0 : index
    %swap3A_163 = vector.load %arg14[%swap3A, %swap3A_161, %swap3A_162] : memref<1x512x128xf32, #tpu.memory_space<vmem>>, vector<1x512x128xf32>
    %swap3A_164 = vector.shape_cast %swap3A_163 : vector<1x512x128xf32> to vector<512x128xf32>
    %swap3A_165 = vector.shape_cast %max3A_160 : vector<512x128xf32> to vector<1x512x128xf32>
    tpu.vector_store %arg14[%swap3A, %swap3A_161, %swap3A_162], %swap3A_165 {strides = array<i32>} : memref<1x512x128xf32, #tpu.memory_space<vmem>>, vector<1x512x128xf32>,
    return
  }
  func.func @transform_0(%arg0: i32, %arg1: i32) -> (i32, i32, i32) {
    %c0_i32 = arith.constant 0 : i32
    %c0_i32_0 = arith.constant 0 : i32
    return %arg0, %arg1, %c0_i32 : i32, i32, i32
  }
  func.func @transform_1(%arg0: i32, %arg1: i32) -> (i32, i32, i32) {
    %c0_i32 = arith.constant 0 : i32
    %c0_i32_0 = arith.constant 0 : i32
    %c0_i32_1 = arith.constant 0 : i32
    return %arg0, %c0_i32, %c0_i32_0 : i32, i32, i32
  }
  func.func @transform_2(%arg0: i32, %arg1: i32) -> (i32, i32, i32) {
    %c0_i32 = arith.constant 0 : i32
    %c0_i32_0 = arith.constant 0 : i32
    %c0_i32_1 = arith.constant 0 : i32
    return %arg0, %c0_i32, %c0_i32_0 : i32, i32, i32
  }
  func.func @transform_3(%arg0: i32, %arg1: i32) -> (i32, i32, i32) {
    %c0_i32 = arith.constant 0 : i32
    %c0_i32_0 = arith.constant 0 : i32
    return %arg0, %arg1, %c0_i32 : i32, i32, i32
  }
  func.func @transform_4(%arg0: i32, %arg1: i32) -> (i32, i32) {
    %c0_i32 = arith.constant 0 : i32
    %c0_i32_0 = arith.constant 0 : i32
    %c0_i32_1 = arith.constant 0 : i32
    return %c0_i32, %c0_i32_0 : i32, i32
  }
  func.func @transform_5(%arg0: i32, %arg1: i32) -> i32 {
    %c0_i32 = arith.constant 0 : i32
    %c0_i32_0 = arith.constant 0 : i32
    return %c0_i32 : i32
  }
  func.func @transform_6(%arg0: i32, %arg1: i32) -> i32 {
    %c0_i32 = arith.constant 0 : i32
    %c0_i32_0 = arith.constant 0 : i32
    return %c0_i32 : i32
  }
  func.func @transform_7(%arg0: i32, %arg1: i32) -> i32 {
    %c0_i32 = arith.constant 0 : i32
    %c0_i32_0 = arith.constant 0 : i32
    return %c0_i32 : i32
  }
  func.func @transform_8(%arg0: i32, %arg1: i32) -> (i32, i32) {
    %c0_i32 = arith.constant 0 : i32
    %c0_i32_0 = arith.constant 0 : i32
    %c0_i32_1 = arith.constant 0 : i32
    return %c0_i32, %c0_i32_0 : i32, i32
  }
  func.func @transform_9(%arg0: i32, %arg1: i32) -> i32 {
    %c0_i32 = arith.constant 0 : i32
    %c0_i32_0 = arith.constant 0 : i32
    return %c0_i32 : i32
  }
  func.func @transform_10(%arg0: i32, %arg1: i32) -> i32 {
    %c0_i32 = arith.constant 0 : i32
    %c0_i32_0 = arith.constant 0 : i32
    return %c0_i32 : i32
  }
  func.func @transform_11(%arg0: i32, %arg1: i32) -> i32 {
    %c0_i32 = arith.constant 0 : i32
    %c0_i32_0 = arith.constant 0 : i32
    return %c0_i32 : i32
  }
  func.func @transform_12(%arg0: i32, %arg1: i32) -> (i32, i32, i32) {
    %c0_i32 = arith.constant 0 : i32
    %c0_i32_0 = arith.constant 0 : i32
    return %arg0, %arg1, %c0_i32 : i32, i32, i32
  }
}

module attributes {stable_mosaic.version = 14 : i64} {
  func.func @_fp_body(%arg0: i32, %arg1: i32, %arg2: memref<1x512x3xf32, #tpu.memory_space<vmem>>, %arg3: memref<1x3x1024xf32, #tpu.memory_space<vmem>>, %arg4: memref<1x1024x128xf32, #tpu.memory_space<vmem>>, %arg5: memref<128x128xf32, #tpu.memory_space<vmem>>, %arg6: memref<128xf32, #tpu.memory_space<vmem>>, %arg7: memref<128xf32, #tpu.memory_space<vmem>>, %arg8: memref<128xf32, #tpu.memory_space<vmem>>, %arg9: memref<128x128xf32, #tpu.memory_space<vmem>>, %arg10: memref<128xf32, #tpu.memory_space<vmem>>, %arg11: memref<128xf32, #tpu.memory_space<vmem>>, %arg12: memref<128xf32, #tpu.memory_space<vmem>>, %arg13: memref<128x128xf32, #tpu.memory_space<vmem>>, %arg14: memref<128xf32, #tpu.memory_space<vmem>>, %arg15: memref<128xf32, #tpu.memory_space<vmem>>, %arg16: memref<128xf32, #tpu.memory_space<vmem>>, %arg17: memref<128x128xf32, #tpu.memory_space<vmem>>, %arg18: memref<128xf32, #tpu.memory_space<vmem>>, %arg19: memref<128xf32, #tpu.memory_space<vmem>>, %arg20: memref<128xf32, #tpu.memory_space<vmem>>, %arg21: memref<13x128xf32, #tpu.memory_space<vmem>>, %arg22: memref<13xf32, #tpu.memory_space<vmem>>, %arg23: memref<1x512x13xf32, #tpu.memory_space<vmem>>) attributes {dimension_semantics = [#tpu.dimension_semantics<arbitrary>, #tpu.dimension_semantics<arbitrary>], iteration_bounds = array<i64: 8, 8>, scalar_prefetch = 0 : i64, scratch_operands = 0 : i64, tpu.core_type = #tpu.core_type<tc>, window_params = [{transform_indices = @transform_0, window_bounds = array<i64: 1, 512, 3>}, {transform_indices = @transform_1, window_bounds = array<i64: 1, 3, 1024>}, {transform_indices = @transform_2, window_bounds = array<i64: 1, 1024, 128>}, {pipeline_mode = #tpu.pipeline_mode<synchronous>, transform_indices = @transform_3, window_bounds = array<i64: 128, 128>}, {pipeline_mode = #tpu.pipeline_mode<synchronous>, transform_indices = @transform_4, window_bounds = array<i64: 128>}, {pipeline_mode = #tpu.pipeline_mode<synchronous>, transform_indices = @transform_5, window_bounds = array<i64: 128>}, {pipeline_mode = #tpu.pipeline_mode<synchronous>, transform_indices = @transform_6, window_bounds = array<i64: 128>}, {pipeline_mode = #tpu.pipeline_mode<synchronous>, transform_indices = @transform_7, window_bounds = array<i64: 128, 128>}, {pipeline_mode = #tpu.pipeline_mode<synchronous>, transform_indices = @transform_8, window_bounds = array<i64: 128>}, {pipeline_mode = #tpu.pipeline_mode<synchronous>, transform_indices = @transform_9, window_bounds = array<i64: 128>}, {pipeline_mode = #tpu.pipeline_mode<synchronous>, transform_indices = @transform_10, window_bounds = array<i64: 128>}, {pipeline_mode = #tpu.pipeline_mode<synchronous>, transform_indices = @transform_11, window_bounds = array<i64: 128, 128>}, {pipeline_mode = #tpu.pipeline_mode<synchronous>, transform_indices = @transform_12, window_bounds = array<i64: 128>}, {pipeline_mode = #tpu.pipeline_mode<synchronous>, transform_indices = @transform_13, window_bounds = array<i64: 128>}, {pipeline_mode = #tpu.pipeline_mode<synchronous>, transform_indices = @transform_14, window_bounds = array<i64: 128>}, {pipeline_mode = #tpu.pipeline_mode<synchronous>, transform_indices = @transform_15, window_bounds = array<i64: 128, 128>}, {pipeline_mode = #tpu.pipeline_mode<synchronous>, transform_indices = @transform_16, window_bounds = array<i64: 128>}, {pipeline_mode = #tpu.pipeline_mode<synchronous>, transform_indices = @transform_17, window_bounds = array<i64: 128>}, {pipeline_mode = #tpu.pipeline_mode<synchronous>, transform_indices = @transform_18, window_bounds = array<i64: 128>}, {pipeline_mode = #tpu.pipeline_mode<synchronous>, transform_indices = @transform_19, window_bounds = array<i64: 13, 128>}, {pipeline_mode = #tpu.pipeline_mode<synchronous>, transform_indices = @transform_20, window_bounds = array<i64: 13>}, {transform_indices = @transform_21, window_bounds = array<i64: 1, 512, 13>}]} {
    %get3A = arith.constant 0 : index
    %get3A_0 = arith.constant 0 : index
    %get3A_1 = arith.constant 0 : index
    %get3A_2 = vector.load %arg2[%get3A, %get3A_0, %get3A_1] : memref<1x512x3xf32, #tpu.memory_space<vmem>>, vector<1x512x3xf32>
    %get3A_3 = vector.shape_cast %get3A_2 : vector<1x512x3xf32> to vector<512x3xf32>
    %get3A_4 = arith.constant 0 : index
    %get3A_5 = arith.constant 0 : index
    %get3A_6 = arith.constant 0 : index
    %get3A_7 = vector.load %arg3[%get3A_4, %get3A_5, %get3A_6] : memref<1x3x1024xf32, #tpu.memory_space<vmem>>, vector<1x3x1024xf32>
    %get3A_8 = vector.shape_cast %get3A_7 : vector<1x3x1024xf32> to vector<3x1024xf32>
    %get3A_9 = arith.constant 0 : index
    %get3A_10 = arith.constant 0 : index
    %get3A_11 = arith.constant 0 : index
    %get3A_12 = vector.load %arg4[%get3A_9, %get3A_10, %get3A_11] : memref<1x1024x128xf32, #tpu.memory_space<vmem>>, vector<1x1024x128xf32>
    %get3A_13 = vector.shape_cast %get3A_12 : vector<1x1024x128xf32> to vector<1024x128xf32>
    %mul3A = arith.mulf %get3A_3, %get3A_3 : vector<512x3xf32>
    %reduce_sum3A = arith.constant dense<0.000000e+00> : vector<512xf32>
    %reduce_sum3A_14 = vector.multi_reduction <add>, %mul3A, %reduce_sum3A [1] : vector<512x3xf32> to vector<512xf32>
    %broadcast_in_dim3A = vector.shape_cast %reduce_sum3A_14 : vector<512xf32> to vector<512x1xf32>
    %mul3A_15 = arith.mulf %get3A_8, %get3A_8 : vector<3x1024xf32>
    %reduce_sum3A_16 = arith.constant dense<0.000000e+00> : vector<1024xf32>
    %reduce_sum3A_17 = vector.multi_reduction <add>, %mul3A_15, %reduce_sum3A_16 [0] : vector<3x1024xf32> to vector<1024xf32>
    %broadcast_in_dim3A_18 = vector.shape_cast %reduce_sum3A_17 : vector<1024xf32> to vector<1x1024xf32>
    %dot_general3A = arith.constant dense<0.000000e+00> : vector<512x1024xf32>
    %dot_general3A_19 = tpu.matmul %get3A_3, %get3A_8, %dot_general3A {dimension_numbers = #tpu.dot_dimension_numbers<[1], [0], [0], [1], [0, 0, 1, 1], [], []>, transpose_lhs_hint = false} : vector<512x3xf32>, vector<3x1024xf32>, vector<512x1024xf32> -> vector<512x1024xf32>
    %add3A = vector.broadcast %broadcast_in_dim3A : vector<512x1xf32> to vector<512x1024xf32>
    %add3A_20 = vector.broadcast %broadcast_in_dim3A_18 : vector<1x1024xf32> to vector<512x1024xf32>
    %add3A_21 = arith.addf %add3A, %add3A_20 : vector<512x1024xf32>
    %mul3A_22 = arith.constant 2.000000e+00 : f32
    %mul3A_23 = vector.broadcast %mul3A_22 : f32 to vector<512x1024xf32>
    %mul3A_24 = arith.mulf %mul3A_23, %dot_general3A_19 : vector<512x1024xf32>
    %sub3A = arith.subf %add3A_21, %mul3A_24 : vector<512x1024xf32>
    %iota3A = tpu.iota {dimensions = array<i32: 1>} : vector<512x1024xi32>
    %reduce_min3A = arith.constant dense<0x7F800000> : vector<512xf32>
    %reduce_min3A_25 = vector.multi_reduction <minimumf>, %sub3A, %reduce_min3A [1] : vector<512x1024xf32> to vector<512xf32>
    %broadcast_in_dim3A_26 = vector.shape_cast %reduce_min3A_25 : vector<512xf32> to vector<512x1xf32>
    %eq3A = vector.broadcast %broadcast_in_dim3A_26 : vector<512x1xf32> to vector<512x1024xf32>
    %eq3A_27 = arith.cmpf oeq, %sub3A, %eq3A : vector<512x1024xf32>
    %jit3A = arith.constant 1024 : i32
    %broadcast_in_dim3A_28 = vector.broadcast %jit3A : i32 to vector<512x1024xi32>
    %select_n3A = arith.select %eq3A_27, %iota3A, %broadcast_in_dim3A_28 : vector<512x1024xi1>, vector<512x1024xi32>
    %reduce_min3A_29 = arith.constant dense<2147483647> : vector<512xi32>
    %reduce_min3A_30 = vector.multi_reduction <minsi>, %select_n3A, %reduce_min3A_29 [1] : vector<512x1024xi32> to vector<512xi32>
    %broadcast_in_dim3A_31 = vector.shape_cast %reduce_min3A_30 : vector<512xi32> to vector<512x1xi32>
    %add3A_32 = arith.constant 9.99999993E-9 : f32
    %add3A_33 = vector.broadcast %add3A_32 : f32 to vector<512x1xf32>
    %add3A_34 = arith.addf %broadcast_in_dim3A_26, %add3A_33 : vector<512x1xf32>
    %div3A = arith.constant 1.000000e+00 : f32
    %div3A_35 = vector.broadcast %div3A : f32 to vector<512x1xf32>
    %div3A_36 = arith.divf %div3A_35, %add3A_34 : vector<512x1xf32>
    %eq3A_37 = vector.broadcast %broadcast_in_dim3A_31 : vector<512x1xi32> to vector<512x1024xi32>
    %eq3A_38 = arith.cmpi eq, %iota3A, %eq3A_37 : vector<512x1024xi32>
    %jit3A_39 = arith.constant 3.400000e+38 : f32
    %broadcast_in_dim3A_40 = vector.broadcast %jit3A_39 : f32 to vector<512x1024xf32>
    %select_n3A_41 = arith.select %eq3A_38, %broadcast_in_dim3A_40, %sub3A : vector<512x1024xi1>, vector<512x1024xf32>
    %reduce_min3A_42 = arith.constant dense<0x7F800000> : vector<512xf32>
    %reduce_min3A_43 = vector.multi_reduction <minimumf>, %select_n3A_41, %reduce_min3A_42 [1] : vector<512x1024xf32> to vector<512xf32>
    %broadcast_in_dim3A_44 = vector.shape_cast %reduce_min3A_43 : vector<512xf32> to vector<512x1xf32>
    %eq3A_45 = vector.broadcast %broadcast_in_dim3A_44 : vector<512x1xf32> to vector<512x1024xf32>
    %eq3A_46 = arith.cmpf oeq, %select_n3A_41, %eq3A_45 : vector<512x1024xf32>
    %jit3A_47 = arith.constant 1024 : i32
    %broadcast_in_dim3A_48 = vector.broadcast %jit3A_47 : i32 to vector<512x1024xi32>
    %select_n3A_49 = arith.select %eq3A_46, %iota3A, %broadcast_in_dim3A_48 : vector<512x1024xi1>, vector<512x1024xi32>
    %reduce_min3A_50 = arith.constant dense<2147483647> : vector<512xi32>
    %reduce_min3A_51 = vector.multi_reduction <minsi>, %select_n3A_49, %reduce_min3A_50 [1] : vector<512x1024xi32> to vector<512xi32>
    %broadcast_in_dim3A_52 = vector.shape_cast %reduce_min3A_51 : vector<512xi32> to vector<512x1xi32>
    %add3A_53 = arith.constant 9.99999993E-9 : f32
    %add3A_54 = vector.broadcast %add3A_53 : f32 to vector<512x1xf32>
    %add3A_55 = arith.addf %broadcast_in_dim3A_44, %add3A_54 : vector<512x1xf32>
    %div3A_56 = arith.constant 1.000000e+00 : f32
    %div3A_57 = vector.broadcast %div3A_56 : f32 to vector<512x1xf32>
    %div3A_58 = arith.divf %div3A_57, %add3A_55 : vector<512x1xf32>
    %eq3A_59 = vector.broadcast %broadcast_in_dim3A_52 : vector<512x1xi32> to vector<512x1024xi32>
    %eq3A_60 = arith.cmpi eq, %iota3A, %eq3A_59 : vector<512x1024xi32>
    %jit3A_61 = arith.constant 3.400000e+38 : f32
    %broadcast_in_dim3A_62 = vector.broadcast %jit3A_61 : f32 to vector<512x1024xf32>
    %select_n3A_63 = arith.select %eq3A_60, %broadcast_in_dim3A_62, %select_n3A_41 : vector<512x1024xi1>, vector<512x1024xf32>
    %reduce_min3A_64 = arith.constant dense<0x7F800000> : vector<512xf32>
    %reduce_min3A_65 = vector.multi_reduction <minimumf>, %select_n3A_63, %reduce_min3A_64 [1] : vector<512x1024xf32> to vector<512xf32>
    %broadcast_in_dim3A_66 = vector.shape_cast %reduce_min3A_65 : vector<512xf32> to vector<512x1xf32>
    %eq3A_67 = vector.broadcast %broadcast_in_dim3A_66 : vector<512x1xf32> to vector<512x1024xf32>
    %eq3A_68 = arith.cmpf oeq, %select_n3A_63, %eq3A_67 : vector<512x1024xf32>
    %jit3A_69 = arith.constant 1024 : i32
    %broadcast_in_dim3A_70 = vector.broadcast %jit3A_69 : i32 to vector<512x1024xi32>
    %select_n3A_71 = arith.select %eq3A_68, %iota3A, %broadcast_in_dim3A_70 : vector<512x1024xi1>, vector<512x1024xi32>
    %reduce_min3A_72 = arith.constant dense<2147483647> : vector<512xi32>
    %reduce_min3A_73 = vector.multi_reduction <minsi>, %select_n3A_71, %reduce_min3A_72 [1] : vector<512x1024xi32> to vector<512xi32>
    %broadcast_in_dim3A_74 = vector.shape_cast %reduce_min3A_73 : vector<512xi32> to vector<512x1xi32>
    %add3A_75 = arith.constant 9.99999993E-9 : f32
    %add3A_76 = vector.broadcast %add3A_75 : f32 to vector<512x1xf32>
    %add3A_77 = arith.addf %broadcast_in_dim3A_66, %add3A_76 : vector<512x1xf32>
    %div3A_78 = arith.constant 1.000000e+00 : f32
    %div3A_79 = vector.broadcast %div3A_78 : f32 to vector<512x1xf32>
    %div3A_80 = arith.divf %div3A_79, %add3A_77 : vector<512x1xf32>
    %add3A_81 = arith.addf %div3A_36, %div3A_58 : vector<512x1xf32>
    %add3A_82 = arith.addf %add3A_81, %div3A_80 : vector<512x1xf32>
    %broadcast_in_dim3A_83 = arith.constant 0.000000e+00 : f32
    %broadcast_in_dim3A_84 = vector.broadcast %broadcast_in_dim3A_83 : f32 to vector<512x1024xf32>
    %eq3A_85 = vector.broadcast %broadcast_in_dim3A_31 : vector<512x1xi32> to vector<512x1024xi32>
    %eq3A_86 = arith.cmpi eq, %iota3A, %eq3A_85 : vector<512x1024xi32>
    %div3A_87 = arith.divf %div3A_36, %add3A_82 : vector<512x1xf32>
    %broadcast_in_dim3A_88 = vector.shape_cast %div3A_87 : vector<512x1xf32> to vector<512x1xf32>
    %broadcast_in_dim3A_89 = vector.broadcast %broadcast_in_dim3A_88 : vector<512x1xf32> to vector<512x1024xf32>
    %select_n3A_90 = arith.select %eq3A_86, %broadcast_in_dim3A_89, %broadcast_in_dim3A_84 : vector<512x1024xi1>, vector<512x1024xf32>
    %eq3A_91 = vector.broadcast %broadcast_in_dim3A_52 : vector<512x1xi32> to vector<512x1024xi32>
    %eq3A_92 = arith.cmpi eq, %iota3A, %eq3A_91 : vector<512x1024xi32>
    %div3A_93 = arith.divf %div3A_58, %add3A_82 : vector<512x1xf32>
    %broadcast_in_dim3A_94 = vector.shape_cast %div3A_93 : vector<512x1xf32> to vector<512x1xf32>
    %broadcast_in_dim3A_95 = vector.broadcast %broadcast_in_dim3A_94 : vector<512x1xf32> to vector<512x1024xf32>
    %select_n3A_96 = arith.select %eq3A_92, %broadcast_in_dim3A_95, %select_n3A_90 : vector<512x1024xi1>, vector<512x1024xf32>
    %eq3A_97 = vector.broadcast %broadcast_in_dim3A_74 : vector<512x1xi32> to vector<512x1024xi32>
    %eq3A_98 = arith.cmpi eq, %iota3A, %eq3A_97 : vector<512x1024xi32>
    %div3A_99 = arith.divf %div3A_80, %add3A_82 : vector<512x1xf32>
    %broadcast_in_dim3A_100 = vector.shape_cast %div3A_99 : vector<512x1xf32> to vector<512x1xf32>
    %broadcast_in_dim3A_101 = vector.broadcast %broadcast_in_dim3A_100 : vector<512x1xf32> to vector<512x1024xf32>
    %select_n3A_102 = arith.select %eq3A_98, %broadcast_in_dim3A_101, %select_n3A_96 : vector<512x1024xi1>, vector<512x1024xf32>
    %dot_general3A_103 = arith.constant dense<0.000000e+00> : vector<512x128xf32>
    %dot_general3A_104 = tpu.matmul %select_n3A_102, %get3A_13, %dot_general3A_103 {dimension_numbers = #tpu.dot_dimension_numbers<[1], [0], [0], [1], [0, 0, 1, 1], [], []>, transpose_lhs_hint = false} : vector<512x1024xf32>, vector<1024x128xf32>, vector<512x128xf32> -> vector<512x128xf32>
    %get3A_105 = arith.constant 0 : index
    %get3A_106 = arith.constant 0 : index
    %get3A_107 = vector.load %arg5[%get3A_105, %get3A_106] : memref<128x128xf32, #tpu.memory_space<vmem>>, vector<128x128xf32>
    %dot_general3A_108 = arith.constant dense<0.000000e+00> : vector<512x128xf32>
    %dot_general3A_109 = tpu.matmul %dot_general3A_104, %get3A_107, %dot_general3A_108 {dimension_numbers = #tpu.dot_dimension_numbers<[1], [1], [0], [0], [0, 0, 1, 0], [], []>, transpose_lhs_hint = false} : vector<512x128xf32>, vector<128x128xf32>, vector<512x128xf32> -> vector<512x128xf32>
    %get3A_110 = arith.constant 0 : index
    %get3A_111 = vector.load %arg6[%get3A_110] : memref<128xf32, #tpu.memory_space<vmem>>, vector<128xf32>
    %broadcast_in_dim3A_112 = vector.shape_cast %get3A_111 : vector<128xf32> to vector<1x128xf32>
    %add3A_113 = vector.broadcast %broadcast_in_dim3A_112 : vector<1x128xf32> to vector<512x128xf32>
    %add3A_114 = arith.addf %dot_general3A_109, %add3A_113 : vector<512x128xf32>
    %mul3A_115 = arith.constant 0.999994993 : f32
    %mul3A_116 = vector.broadcast %mul3A_115 : f32 to vector<512x128xf32>
    %mul3A_117 = arith.mulf %add3A_114, %mul3A_116 : vector<512x128xf32>
    %get3A_118 = arith.constant 0 : index
    %get3A_119 = vector.load %arg7[%get3A_118] : memref<128xf32, #tpu.memory_space<vmem>>, vector<128xf32>
    %broadcast_in_dim3A_120 = vector.shape_cast %get3A_119 : vector<128xf32> to vector<1x128xf32>
    %mul3A_121 = vector.broadcast %broadcast_in_dim3A_120 : vector<1x128xf32> to vector<512x128xf32>
    %mul3A_122 = arith.mulf %mul3A_117, %mul3A_121 : vector<512x128xf32>
    %get3A_123 = arith.constant 0 : index
    %get3A_124 = vector.load %arg8[%get3A_123] : memref<128xf32, #tpu.memory_space<vmem>>, vector<128xf32>
    %broadcast_in_dim3A_125 = vector.shape_cast %get3A_124 : vector<128xf32> to vector<1x128xf32>
    %add3A_126 = vector.broadcast %broadcast_in_dim3A_125 : vector<1x128xf32> to vector<512x128xf32>
    %add3A_127 = arith.addf %mul3A_122, %add3A_126 : vector<512x128xf32>
    %max3A = arith.constant 0.000000e+00 : f32
    %max3A_128 = vector.broadcast %max3A : f32 to vector<512x128xf32>
    %max3A_129 = arith.maximumf %add3A_127, %max3A_128 : vector<512x128xf32>
    %get3A_130 = arith.constant 0 : index
    %get3A_131 = arith.constant 0 : index
    %get3A_132 = vector.load %arg9[%get3A_130, %get3A_131] : memref<128x128xf32, #tpu.memory_space<vmem>>, vector<128x128xf32>
    %dot_general3A_133 = arith.constant dense<0.000000e+00> : vector<512x128xf32>
    %dot_general3A_134 = tpu.matmul %max3A_129, %get3A_132, %dot_general3A_133 {dimension_numbers = #tpu.dot_dimension_numbers<[1], [1], [0], [0], [0, 0, 1, 0], [], []>, transpose_lhs_hint = false} : vector<512x128xf32>, vector<128x128xf32>, vector<512x128xf32> -> vector<512x128xf32>
    %get3A_135 = arith.constant 0 : index
    %get3A_136 = vector.load %arg10[%get3A_135] : memref<128xf32, #tpu.memory_space<vmem>>, vector<128xf32>
    %broadcast_in_dim3A_137 = vector.shape_cast %get3A_136 : vector<128xf32> to vector<1x128xf32>
    %add3A_138 = vector.broadcast %broadcast_in_dim3A_137 : vector<1x128xf32> to vector<512x128xf32>
    %add3A_139 = arith.addf %dot_general3A_134, %add3A_138 : vector<512x128xf32>
    %mul3A_140 = arith.constant 0.999994993 : f32
    %mul3A_141 = vector.broadcast %mul3A_140 : f32 to vector<512x128xf32>
    %mul3A_142 = arith.mulf %add3A_139, %mul3A_141 : vector<512x128xf32>
    %get3A_143 = arith.constant 0 : index
    %get3A_144 = vector.load %arg11[%get3A_143] : memref<128xf32, #tpu.memory_space<vmem>>, vector<128xf32>
    %broadcast_in_dim3A_145 = vector.shape_cast %get3A_144 : vector<128xf32> to vector<1x128xf32>
    %mul3A_146 = vector.broadcast %broadcast_in_dim3A_145 : vector<1x128xf32> to vector<512x128xf32>
    %mul3A_147 = arith.mulf %mul3A_142, %mul3A_146 : vector<512x128xf32>
    %get3A_148 = arith.constant 0 : index
    %get3A_149 = vector.load %arg12[%get3A_148] : memref<128xf32, #tpu.memory_space<vmem>>, vector<128xf32>
    %broadcast_in_dim3A_150 = vector.shape_cast %get3A_149 : vector<128xf32> to vector<1x128xf32>
    %add3A_151 = vector.broadcast %broadcast_in_dim3A_150 : vector<1x128xf32> to vector<512x128xf32>
    %add3A_152 = arith.addf %mul3A_147, %add3A_151 : vector<512x128xf32>
    %max3A_153 = arith.constant 0.000000e+00 : f32
    %max3A_154 = vector.broadcast %max3A_153 : f32 to vector<512x128xf32>
    %max3A_155 = arith.maximumf %add3A_152, %max3A_154 : vector<512x128xf32>
    %get3A_156 = arith.constant 0 : index
    %get3A_157 = arith.constant 0 : index
    %get3A_158 = vector.load %arg13[%get3A_156, %get3A_157] : memref<128x128xf32, #tpu.memory_space<vmem>>, vector<128x128xf32>
    %dot_general3A_159 = arith.constant dense<0.000000e+00> : vector<512x128xf32>
    %dot_general3A_160 = tpu.matmul %max3A_155, %get3A_158, %dot_general3A_159 {dimension_numbers = #tpu.dot_dimension_numbers<[1], [1], [0], [0], [0, 0, 1, 0], [], []>, transpose_lhs_hint = false} : vector<512x128xf32>, vector<128x128xf32>, vector<512x128xf32> -> vector<512x128xf32>
    %get3A_161 = arith.constant 0 : index
    %get3A_162 = vector.load %arg14[%get3A_161] : memref<128xf32, #tpu.memory_space<vmem>>, vector<128xf32>
    %broadcast_in_dim3A_163 = vector.shape_cast %get3A_162 : vector<128xf32> to vector<1x128xf32>
    %add3A_164 = vector.broadcast %broadcast_in_dim3A_163 : vector<1x128xf32> to vector<512x128xf32>
    %add3A_165 = arith.addf %dot_general3A_160, %add3A_164 : vector<512x128xf32>
    %mul3A_166 = arith.constant 0.999994993 : f32
    %mul3A_167 = vector.broadcast %mul3A_166 : f32 to vector<512x128xf32>
    %mul3A_168 = arith.mulf %add3A_165, %mul3A_167 : vector<512x128xf32>
    %get3A_169 = arith.constant 0 : index
    %get3A_170 = vector.load %arg15[%get3A_169] : memref<128xf32, #tpu.memory_space<vmem>>, vector<128xf32>
    %broadcast_in_dim3A_171 = vector.shape_cast %get3A_170 : vector<128xf32> to vector<1x128xf32>
    %mul3A_172 = vector.broadcast %broadcast_in_dim3A_171 : vector<1x128xf32> to vector<512x128xf32>
    %mul3A_173 = arith.mulf %mul3A_168, %mul3A_172 : vector<512x128xf32>
    %get3A_174 = arith.constant 0 : index
    %get3A_175 = vector.load %arg16[%get3A_174] : memref<128xf32, #tpu.memory_space<vmem>>, vector<128xf32>
    %broadcast_in_dim3A_176 = vector.shape_cast %get3A_175 : vector<128xf32> to vector<1x128xf32>
    %add3A_177 = vector.broadcast %broadcast_in_dim3A_176 : vector<1x128xf32> to vector<512x128xf32>
    %add3A_178 = arith.addf %mul3A_173, %add3A_177 : vector<512x128xf32>
    %max3A_179 = arith.constant 0.000000e+00 : f32
    %max3A_180 = vector.broadcast %max3A_179 : f32 to vector<512x128xf32>
    %max3A_181 = arith.maximumf %add3A_178, %max3A_180 : vector<512x128xf32>
    %get3A_182 = arith.constant 0 : index
    %get3A_183 = arith.constant 0 : index
    %get3A_184 = vector.load %arg17[%get3A_182, %get3A_183] : memref<128x128xf32, #tpu.memory_space<vmem>>, vector<128x128xf32>
    %dot_general3A_185 = arith.constant dense<0.000000e+00> : vector<512x128xf32>
    %dot_general3A_186 = tpu.matmul %max3A_181, %get3A_184, %dot_general3A_185 {dimension_numbers = #tpu.dot_dimension_numbers<[1], [1], [0], [0], [0, 0, 1, 0], [], []>, transpose_lhs_hint = false} : vector<512x128xf32>, vector<128x128xf32>, vector<512x128xf32> -> vector<512x128xf32>
    %get3A_187 = arith.constant 0 : index
    %get3A_188 = vector.load %arg18[%get3A_187] : memref<128xf32, #tpu.memory_space<vmem>>, vector<128xf32>
    %broadcast_in_dim3A_189 = vector.shape_cast %get3A_188 : vector<128xf32> to vector<1x128xf32>
    %add3A_190 = vector.broadcast %broadcast_in_dim3A_189 : vector<1x128xf32> to vector<512x128xf32>
    %add3A_191 = arith.addf %dot_general3A_186, %add3A_190 : vector<512x128xf32>
    %mul3A_192 = arith.constant 0.999994993 : f32
    %mul3A_193 = vector.broadcast %mul3A_192 : f32 to vector<512x128xf32>
    %mul3A_194 = arith.mulf %add3A_191, %mul3A_193 : vector<512x128xf32>
    %get3A_195 = arith.constant 0 : index
    %get3A_196 = vector.load %arg19[%get3A_195] : memref<128xf32, #tpu.memory_space<vmem>>, vector<128xf32>
    %broadcast_in_dim3A_197 = vector.shape_cast %get3A_196 : vector<128xf32> to vector<1x128xf32>
    %mul3A_198 = vector.broadcast %broadcast_in_dim3A_197 : vector<1x128xf32> to vector<512x128xf32>
    %mul3A_199 = arith.mulf %mul3A_194, %mul3A_198 : vector<512x128xf32>
    %get3A_200 = arith.constant 0 : index
    %get3A_201 = vector.load %arg20[%get3A_200] : memref<128xf32, #tpu.memory_space<vmem>>, vector<128xf32>
    %broadcast_in_dim3A_202 = vector.shape_cast %get3A_201 : vector<128xf32> to vector<1x128xf32>
    %add3A_203 = vector.broadcast %broadcast_in_dim3A_202 : vector<1x128xf32> to vector<512x128xf32>
    %add3A_204 = arith.addf %mul3A_199, %add3A_203 : vector<512x128xf32>
    %max3A_205 = arith.constant 0.000000e+00 : f32
    %max3A_206 = vector.broadcast %max3A_205 : f32 to vector<512x128xf32>
    %max3A_207 = arith.maximumf %add3A_204, %max3A_206 : vector<512x128xf32>
    %get3A_208 = arith.constant 0 : index
    %get3A_209 = arith.constant 0 : index
    %get3A_210 = vector.load %arg21[%get3A_208, %get3A_209] : memref<13x128xf32, #tpu.memory_space<vmem>>, vector<13x128xf32>
    %dot_general3A_211 = arith.constant dense<0.000000e+00> : vector<512x13xf32>
    %dot_general3A_212 = tpu.matmul %max3A_207, %get3A_210, %dot_general3A_211 {dimension_numbers = #tpu.dot_dimension_numbers<[1], [1], [0], [0], [0, 0, 1, 0], [], []>, transpose_lhs_hint = false} : vector<512x128xf32>, vector<13x128xf32>, vector<512x13xf32> -> vector<512x13xf32>
    %get3A_213 = arith.constant 0 : index
    %get3A_214 = vector.load %arg22[%get3A_213] : memref<13xf32, #tpu.memory_space<vmem>>, vector<13xf32>
    %broadcast_in_dim3A_215 = vector.shape_cast %get3A_214 : vector<13xf32> to vector<1x13xf32>
    %add3A_216 = vector.broadcast %broadcast_in_dim3A_215 : vector<1x13xf32> to vector<512x13xf32>
    %add3A_217 = arith.addf %dot_general3A_212, %add3A_216 : vector<512x13xf32>
    %reduce_max3A = arith.constant dense<0xFF800000> : vector<512xf32>
    %reduce_max3A_218 = vector.multi_reduction <maximumf>, %add3A_217, %reduce_max3A [1] : vector<512x13xf32> to vector<512xf32>
    %max3A_219 = arith.constant 0xFF800000 : f32
    %max3A_220 = vector.broadcast %max3A_219 : f32 to vector<512xf32>
    %max3A_221 = arith.maximumf %max3A_220, %reduce_max3A_218 : vector<512xf32>
    %broadcast_in_dim3A_222 = vector.shape_cast %max3A_221 : vector<512xf32> to vector<512x1xf32>
    %sub3A_223 = vector.broadcast %broadcast_in_dim3A_222 : vector<512x1xf32> to vector<512x13xf32>
    %sub3A_224 = arith.subf %add3A_217, %sub3A_223 : vector<512x13xf32>
    %exp3A = math.exp %sub3A_224 : vector<512x13xf32>
    %reduce_sum3A_225 = arith.constant dense<0.000000e+00> : vector<512xf32>
    %reduce_sum3A_226 = vector.multi_reduction <add>, %exp3A, %reduce_sum3A_225 [1] : vector<512x13xf32> to vector<512xf32>
    %broadcast_in_dim3A_227 = vector.shape_cast %reduce_sum3A_226 : vector<512xf32> to vector<512x1xf32>
    %log3A = math.log %broadcast_in_dim3A_227 : vector<512x1xf32>
    %sub3A_228 = vector.broadcast %log3A : vector<512x1xf32> to vector<512x13xf32>
    %sub3A_229 = arith.subf %sub3A_224, %sub3A_228 : vector<512x13xf32>
    %swap3A = arith.constant 0 : index
    %swap3A_230 = arith.constant 0 : index
    %swap3A_231 = arith.constant 0 : index
    %swap3A_232 = vector.load %arg23[%swap3A, %swap3A_230, %swap3A_231] : memref<1x512x13xf32, #tpu.memory_space<vmem>>, vector<1x512x13xf32>
    %swap3A_233 = vector.shape_cast %swap3A_232 : vector<1x512x13xf32> to vector<512x13xf32>
    %swap3A_234 = vector.shape_cast %sub3A_229 : vector<512x13xf32> to vector<1x512x13xf32>
    tpu.vector_store %arg23[%swap3A, %swap3A_230, %swap3A_231], %swap3A_234 {strides = array<i32>} : memref<1x512x13xf32, #tpu.memory_space<vmem>>, vector<1x512x13xf32>,
    return
  }
  func.func @transform_0(%arg0: i32, %arg1: i32) -> (i32, i32, i32) {
    %c0_i32 = arith.constant 0 : i32
    %c0_i32_0 = arith.constant 0 : i32
    return %arg0, %arg1, %c0_i32 : i32, i32, i32
  }
  func.func @transform_1(%arg0: i32, %arg1: i32) -> (i32, i32, i32) {
    %c0_i32 = arith.constant 0 : i32
    %c0_i32_0 = arith.constant 0 : i32
    %c0_i32_1 = arith.constant 0 : i32
    return %arg0, %c0_i32, %c0_i32_0 : i32, i32, i32
  }
  func.func @transform_2(%arg0: i32, %arg1: i32) -> (i32, i32, i32) {
    %c0_i32 = arith.constant 0 : i32
    %c0_i32_0 = arith.constant 0 : i32
    %c0_i32_1 = arith.constant 0 : i32
    return %arg0, %c0_i32, %c0_i32_0 : i32, i32, i32
  }
  func.func @transform_3(%arg0: i32, %arg1: i32) -> (i32, i32) {
    %c0_i32 = arith.constant 0 : i32
    %c0_i32_0 = arith.constant 0 : i32
    %c0_i32_1 = arith.constant 0 : i32
    return %c0_i32, %c0_i32_0 : i32, i32
  }
  func.func @transform_4(%arg0: i32, %arg1: i32) -> i32 {
    %c0_i32 = arith.constant 0 : i32
    %c0_i32_0 = arith.constant 0 : i32
    return %c0_i32 : i32
  }
  func.func @transform_5(%arg0: i32, %arg1: i32) -> i32 {
    %c0_i32 = arith.constant 0 : i32
    %c0_i32_0 = arith.constant 0 : i32
    return %c0_i32 : i32
  }
  func.func @transform_6(%arg0: i32, %arg1: i32) -> i32 {
    %c0_i32 = arith.constant 0 : i32
    %c0_i32_0 = arith.constant 0 : i32
    return %c0_i32 : i32
  }
  func.func @transform_7(%arg0: i32, %arg1: i32) -> (i32, i32) {
    %c0_i32 = arith.constant 0 : i32
    %c0_i32_0 = arith.constant 0 : i32
    %c0_i32_1 = arith.constant 0 : i32
    return %c0_i32, %c0_i32_0 : i32, i32
  }
  func.func @transform_8(%arg0: i32, %arg1: i32) -> i32 {
    %c0_i32 = arith.constant 0 : i32
    %c0_i32_0 = arith.constant 0 : i32
    return %c0_i32 : i32
  }
  func.func @transform_9(%arg0: i32, %arg1: i32) -> i32 {
    %c0_i32 = arith.constant 0 : i32
    %c0_i32_0 = arith.constant 0 : i32
    return %c0_i32 : i32
  }
  func.func @transform_10(%arg0: i32, %arg1: i32) -> i32 {
    %c0_i32 = arith.constant 0 : i32
    %c0_i32_0 = arith.constant 0 : i32
    return %c0_i32 : i32
  }
  func.func @transform_11(%arg0: i32, %arg1: i32) -> (i32, i32) {
    %c0_i32 = arith.constant 0 : i32
    %c0_i32_0 = arith.constant 0 : i32
    %c0_i32_1 = arith.constant 0 : i32
    return %c0_i32, %c0_i32_0 : i32, i32
  }
  func.func @transform_12(%arg0: i32, %arg1: i32) -> i32 {
    %c0_i32 = arith.constant 0 : i32
    %c0_i32_0 = arith.constant 0 : i32
    return %c0_i32 : i32
  }
  func.func @transform_13(%arg0: i32, %arg1: i32) -> i32 {
    %c0_i32 = arith.constant 0 : i32
    %c0_i32_0 = arith.constant 0 : i32
    return %c0_i32 : i32
  }
  func.func @transform_14(%arg0: i32, %arg1: i32) -> i32 {
    %c0_i32 = arith.constant 0 : i32
    %c0_i32_0 = arith.constant 0 : i32
    return %c0_i32 : i32
  }
  func.func @transform_15(%arg0: i32, %arg1: i32) -> (i32, i32) {
    %c0_i32 = arith.constant 0 : i32
    %c0_i32_0 = arith.constant 0 : i32
    %c0_i32_1 = arith.constant 0 : i32
    return %c0_i32, %c0_i32_0 : i32, i32
  }
  func.func @transform_16(%arg0: i32, %arg1: i32) -> i32 {
    %c0_i32 = arith.constant 0 : i32
    %c0_i32_0 = arith.constant 0 : i32
    return %c0_i32 : i32
  }
  func.func @transform_17(%arg0: i32, %arg1: i32) -> i32 {
    %c0_i32 = arith.constant 0 : i32
    %c0_i32_0 = arith.constant 0 : i32
    return %c0_i32 : i32
  }
  func.func @transform_18(%arg0: i32, %arg1: i32) -> i32 {
    %c0_i32 = arith.constant 0 : i32
    %c0_i32_0 = arith.constant 0 : i32
    return %c0_i32 : i32
  }
  func.func @transform_19(%arg0: i32, %arg1: i32) -> (i32, i32) {
    %c0_i32 = arith.constant 0 : i32
    %c0_i32_0 = arith.constant 0 : i32
    %c0_i32_1 = arith.constant 0 : i32
    return %c0_i32, %c0_i32_0 : i32, i32
  }
  func.func @transform_20(%arg0: i32, %arg1: i32) -> i32 {
    %c0_i32 = arith.constant 0 : i32
    %c0_i32_0 = arith.constant 0 : i32
    return %c0_i32 : i32
  }
  func.func @transform_21(%arg0: i32, %arg1: i32) -> (i32, i32, i32) {
    %c0_i32 = arith.constant 0 : i32
    %c0_i32_0 = arith.constant 0 : i32
    return %arg0, %arg1, %c0_i32 : i32, i32, i32
  }
}

</mosaic_0001>

<sc_bundles>
// kernel: kernel.22.cloned.1.call-start
scs
__scs_entry_jumppad:
0x0: {  	(pc) =	sbr.rel $0x88, $3  }
0x1: {  	(tag) =	ssettag $0x0;
	lr =	simm.s32 $0x1  }
0x2: {  	[smem:$0x3F46] =	sst lr;
	_ =	strace $0xD0000000  }
0x3: {  	_ = 	snop  }
0x4: {  	_ = 	snop  }
0x5: {  	_ = 	snop  }
0x6: {  	_ = 	snop  }
0x7: {  	_ = 	snop  }
__scs_overlays_trampoline_lowered:
0x8: {  	[smem:$0x3F55] =	sst s0  }
0x9: {  	[smem:$0x3F56] =	sst s1  }
0xa: {  	[smem:$0x3F57] =	sst s2  }
0xb: {  	[smem:$0x3F58] =	sst s3  }
0xc: {  	[smem:$0x3F59] =	sst s4  }
0xd: {  	[smem:$0x3F5A] =	sst s5  }
0xe: {  	[smem:$0x3F5B] =	sst s6  }
0xf: {  	[smem:$0x3F5C] =	sst s7  }
0x10: {  	[smem:$0x3F5D] =	sst s8  }
0x11: {  	[smem:$0x3F5E] =	sst s9;
	s0 =	simm.s32 @!p0 $0x0  }
0x12: {  	s1 =	sld [smem:$0x3F44];
	s0 =	simm.s32 @p0 $0x1  }
0x13: {  	[smem:$0x3F5F] =	sst s0;
	s0 =	simm.s32 @!p1 $0x0  }
0x14: {  	s2 =	sld [smem:$0x3F43];
	s0 =	simm.s32 @p1 $0x1  }
0x15: {  	[smem:$0x3F60] =	sst s0;
	s0 =	simm.s32 @!p2 $0x0  }
0x16: {  	s3 =	sld [smem:$0x3FDB];
	s0 =	simm.s32 @p2 $0x1  }
0x17: {  	s4 =	simm.s32 $0x1BF5;
	[smem:$0x3F62] =	sst s0  }
0x18: {  	s0 =	sld [smem:$0x3F45];
	_ =	swait.ge [sflag:s4], $0x0  }
0x19: {  	s7 =	sld [smem:$0x3F46]  }
0x1a: {  	s8 =	sadd.s32 $0xFFFFE003, lr  }
0x1b: {  	s9 =	sadd.s32 $0xFFFFFEF7, lr;
	s5 =	simm.s32 $0xFFFFFFFF;
	p2 =	slt.u32 s8, $0xFFFFF086  }
0x1c: {  	p1 =	slt.u32 s9, $0xF7A;
	s5 =	simm.s32 @!p2 $0x0  }
0x1d: {  	s5 =	simm.s32 @p1 $0x1;
	p0 =	seq.s32 s7, s2  }
0x1e: {  	s7 =	smul.u32 @!p0 $0xF7A, s2;
	p2 =	seq.s32 @!p0 s5, $0x0  }
0x1f: {  	s9 =	smul.u32 $0xF7A, s1;
	s8 =	simm.s32 @!p0 $0x1BF5;
	p2 =	por !p2, p0  }
0x20: {  	[sflag:s8] =	ssyncset.s32 @!p0 $0xFFFFF086;
	s6 =	sadd.s32 @!p0 s3, s7;
	s7 =	simm.s32 @!p0 $0x108  }
0x21: {  	s3 =	sadd.s32 s3, s9;
	s6 =	sadd.s32 @!p0 $0x88, s6;
	s7 =	simm.s32 @p2 $0x1082  }
0x22: {  	[simem:s7], [sflag:s8] =	dma.local @!p0 [hbm:s6], $0xF7A  }
0x23: {  	s9 =	sor.u32 $0xD0000000, s2;
	s6 =	simm.s32 $0x108;
	_ =	swait.ge @!p0 [sflag:s8], $0x0  }
0x24: {  	s3 =	sadd.s32 $0x88, s3;
	s6 =	simm.s32 @!p1 $0x1082;
	[sflag:s4] =	ssyncset.s32 $0xFFFFF086  }
0x25: {  	[simem:s6], [sflag:s4] =	dma.local [hbm:s3], $0xF7A  }
0x26: {  	[smem:$0x3F46] =	sst s1;
	(tag) =	ssettag s2;
	_ =	strace s9  }
0x27: {  	s1 =	sld [smem:$0x3F56]  }
0x28: {  	s2 =	sld [smem:$0x3F57]  }
0x29: {  	s4 =	sld [smem:$0x3F59]  }
0x2a: {  	p0 =	seq.s32 s5, $0x0;
	s5 =	sld [smem:$0x3F5A]  }
0x2b: {  	s6 =	sld [smem:$0x3F5B]  }
0x2c: {  	s7 =	sld [smem:$0x3F5C]  }
0x2d: {  	s3 =	simm.s32 $0x108;
	s8 =	sld [smem:$0x3F5D]  }
0x2e: {  	s3 =	simm.s32 @!p0 $0x1082;
	s9 =	sld [smem:$0x3F5E]  }
0x2f: {  	lr =	sadd.s32 s0, s3;
	s0 =	sld [smem:$0x3F55]  }
0x30: {  	s3 =	sld [smem:$0x3F58]  }
0x31: {  	[smem:$0x3F61] =	sst s10  }
0x32: {  	s10 =	sld [smem:$0x3F5F];
	_ =	sdelay $0x3  }
0x33: {  	p0 =	seq.s32 s10, $0x1;
	s10 =	sld [smem:$0x3F61];
	_ =	sdelay $0x3  }
0x34: {  	[smem:$0x3F61] =	sst s10  }
0x35: {  	s10 =	sld [smem:$0x3F60];
	_ =	sdelay $0x3  }
0x36: {  	p1 =	seq.s32 s10, $0x1;
	s10 =	sld [smem:$0x3F61];
	_ =	sdelay $0x3  }
0x37: {  	[smem:$0x3F61] =	sst s10  }
0x38: {  	s10 =	sld [smem:$0x3F62]  }
0x39: {  	_ = 	snop;
	(pc) =	sbr.ind lr, $3  }
0x3a: {  	_ = 	snop  }
0x3b: {  	_ = 	snop  }
0x3c: {  	p2 =	seq.s32 s10, $0x1;
	s10 =	sld [smem:$0x3F61]  }
0x3d: {  	_ =	shalt  }
0x3e: {  	_ =	shalt  }
0x3f: {  	_ =	shalt  }
0x40: {  	_ =	shalt  }
0x41: {  	_ =	shalt  }
0x42: {  	_ =	shalt  }
0x43: {  	_ =	shalt  }
0x44: {  	_ =	shalt  }
0x45: {  	_ =	shalt  }
0x46: {  	_ =	shalt  }
0x47: {  	_ =	shalt  }
0x48: {  	_ =	shalt  }
0x49: {  	_ =	shalt  }
0x4a: {  	_ =	shalt  }
0x4b: {  	_ =	shalt  }
0x4c: {  	_ =	shalt  }
0x4d: {  	_ =	shalt  }
0x4e: {  	_ =	shalt  }
0x4f: {  	_ =	shalt  }
0x50: {  	_ =	shalt  }
0x51: {  	_ =	shalt  }
0x52: {  	_ =	shalt  }
0x53: {  	_ =	shalt  }
0x54: {  	_ =	shalt  }
0x55: {  	_ =	shalt  }
0x56: {  	_ =	shalt  }
0x57: {  	_ =	shalt  }
0x58: {  	_ =	shalt  }
0x59: {  	_ =	shalt  }
0x5a: {  	_ =	shalt  }
0x5b: {  	_ =	shalt  }
0x5c: {  	_ =	shalt  }
0x5d: {  	_ =	shalt  }
0x5e: {  	_ =	shalt  }
0x5f: {  	_ =	shalt  }
0x60: {  	_ =	shalt  }
0x61: {  	_ =	shalt  }
0x62: {  	_ =	shalt  }
0x63: {  	_ =	shalt  }
0x64: {  	_ =	shalt  }
0x65: {  	_ =	shalt  }
0x66: {  	_ =	shalt  }
0x67: {  	_ =	shalt  }
0x68: {  	_ =	shalt  }
0x69: {  	_ =	shalt  }
0x6a: {  	_ =	shalt  }
0x6b: {  	_ =	shalt  }
0x6c: {  	_ =	shalt  }
0x6d: {  	_ =	shalt  }
0x6e: {  	_ =	shalt  }
0x6f: {  	_ =	shalt  }
0x70: {  	_ =	shalt  }
0x71: {  	_ =	shalt  }
0x72: {  	_ =	shalt  }
0x73: {  	_ =	shalt  }
0x74: {  	_ =	shalt  }
0x75: {  	_ =	shalt  }
0x76: {  	_ =	shalt  }
0x77: {  	_ =	shalt  }
0x78: {  	_ =	shalt  }
0x79: {  	_ =	shalt  }
0x7a: {  	_ =	shalt  }
0x7b: {  	_ =	shalt  }
0x7c: {  	_ =	shalt  }
0x7d: {  	_ =	shalt  }
0x7e: {  	_ =	shalt  }
0x7f: {  	_ =	shalt  }
0x80: {  	_ =	shalt  }
0x81: {  	_ =	shalt  }
0x82: {  	_ =	shalt  }
0x83: {  	_ =	shalt  }
0x84: {  	_ =	shalt  }
0x85: {  	_ =	shalt  }
0x86: {  	_ =	shalt  }
0x87: {  	_ =	shalt  }
.Lfunc_end0:
.L_simem_size_0:
called_computation_lowered:
.L_overlay_start_0:
0x88: {  	s2 =	sld [smem:$0x3FD9]  }
0x89: {  	s3 =	sld [smem:$0x3FFE];
	_ =	sdelay $0x1  }
0x8a: {  	s1 =	srdreg.scid  }
0x8b: {  	s0 =	sand.u32 $0x1, s1  }
0x8c: {  	s17 =	sshll.u32 s0, $0xA;
	s2 =	sadd.s32 s3, s2  }
0x8d: {  	s2 =	sadd.s32 s2, s17  }
0x8e: {  	[smem:$0x3F6D] =	sst s2  }
0x8f: {  	_ = 	snop  }
0x90: {  	s2 =	sld [smem:$0x3FD0];
	(tm) =	ssettm $0x1  }
0x91: {  	s18 =	sld [smem:$0x3FFB];
	_ =	sdelay $0x3  }
0x92: {  	_ =	strace s18  }
0x93: {  	s3 =	sld [smem:$0x3FFC];
	_ =	sdelay $0x3  }
0x94: {  	_ =	strace s3  }
0x95: {  	s3 =	sld [smem:$0x3FFD];
	_ =	sdelay $0x3  }
0x96: {  	_ =	strace s3  }
0x97: {  	_ =	strace $0x8FFFFFFF  }
0x98: {  	s19 =	sld [smem:$0x3FDB];
	_ =	sdelay $0x1  }
0x99: {  	s4 =	simm.s32 $_scs_section_size  }
0x9a: {  	s5 =	simm.s32 $_size__tile_overlayer_lowered;
	s6 =	simm.s32 $_tile_overlayer_lowered  }
0x9b: {  	s22 =	simm.s32 $0x1BFF;
	s21 =	sshll.u32 s6, $0x1;
	s3 =	sadd.s32 s4, s19  }
0x9c: {  	s7 =	simm.s32 $0x0;
	s20 =	sshll.u32 s5, $0x1;
	s5 =	sadd.s32 s21, s3  }
0x9d: {  	[timem:s7], [sflag:s22] =	dma.local [hbm:s5], s20  }
0x9e: {  	_ =	swait.ge [sflag:s22], s20  }
0x9f: {  	s4 =	ssub.s32 $0x0, s20;
	[sflag:s22] =	ssyncset.done $0x0  }
0xa0: {  	[sflag:s22] =	ssyncadd.s32 s4;
	_ =	sdelay $0x1  }
0xa1: {  	s23 =	simm.s32 $0x1B8B  }
0xa2: {  	_ =	swait.ge [sflag:s23], $0x1  }
0xa3: {  	[sflag:s23] =	ssyncset.done $0x0  }
0xa4: {  	s25 =	simm.s32 $0x1B8E;
	s24 =	sld [smem:$0x3FFE];
	[sflag:s23] =	ssyncadd.s32 $0xFFFFFFFF  }
0xa5: {  	s26 =	simm.s32 $execute0_lowered;
	[smem:$0x3FD2] =	sst s25  }
0xa6: {  	s5 =	sshll.u32 s26, $0x1;
	_ =	strace $0x80000046;
	[dreg:$0x1] =	wrdreg $0xFFFFFFFF  }
0xa7: {  	s28 =	simm.s32 $_size_execute0_lowered;
	s3 =	sadd.s32 s3, s5;
	[dreg:$0x0] =	wrdreg $0x0  }
0xa8: {  	s5 =	sshll.u32 s28, $0x1;
	[dreg:$0x2] =	wrdreg s3  }
0xa9: {  	[dreg:$0x3] =	wrdreg s5  }
0xaa: {  	[dreg:$0x4] =	wrdreg $0xC0  }
0xab: {  	_ =	task [dreg:s7], $0x5FFFF  }
0xac: {  	[dreg:$0x1] =	wrdreg $0xFFFFFFFF  }
0xad: {  	[dreg:$0x0] =	wrdreg $0x60  }
0xae: {  	[dreg:$0x2] =	wrdreg s24  }
0xaf: {  	[dreg:$0x3] =	wrdreg s2  }
0xb0: {  	[dreg:$0x4] =	wrdreg $0x9  }
0xb1: {  	_ =	task.clear_ibuf [dreg:s7], $0x5FFFF;
	_ =	strace $0x90000046  }
0xb2: {  	s29 =	simm.s32 $0x9;
	_ =	strace $0x80000048  }
0xb3: {  	_ =	swait.ge [sflag:s29], $0x1  }
0xb4: {  	[sflag:s29] =	ssyncadd.s32 $0xFFFFFFFF  }
0xb5: {  	_ =	strace $0x90000048  }
0xb6: {  	_ =	sfence  }
0xb7: {  	s30 =	sld [smem:$0x0];
	_ =	sdelay $0x2  }
0xb8: {  	s31 =	sshll.u32 s1, $0xD;
	s1 =	sshrl.u32 s1, $0x2  }
0xb9: {  	s3 =	sand.u32 $0x4000, s31;
	s1 =	sadd.s32 s1, s30  }
0xba: {  	s0 =	sor.u32 s3, s0;
	s1 =	sshll.u32 s1, $0x11  }
0xbb: {  	s0 =	sor.u32 s1, s0  }
0xbc: {  	s0 =	sadd.s32 $0x8F2B, s0  }
0xbd: {  	[sflag:s0] =	ssyncadd.remote.s32 $0x1  }
0xbe: {  	_ =	sfence.sel $0xFFFF  }
0xbf: {  	[dreg:$0x0] =	wrdreg $0xFFFFFFFF;
	(pc) =	sbr.abs _section_cstart, $3  }
0xc0: {  	[dreg:$0x1] =	wrdreg $0xFFFFFFFF  }
0xc1: {  	_ =	task.clear_ibuf [dreg:s7], $0x2FFFF;
	_ =	strace $0x9FFFFFFF  }
0xc2: {  	(tm) =	ssettm $0x7FFFFFFF  }
0xc3: {  	_ =	shalt  }
tec
execute0_lowered:
.L_overlay_start_1:
0x0: {  	(tag) =	ssettag $0x1  }
0x1: {  	s1 =	srdreg.scid  }
0x2: {  	s8 =	rddreg [dreg:$0x0];
	s0 =	stileid.u32;
	s10 =	sand.u32 $0x1, s1  }
0x3: {  	s9 =	rddreg [dreg:$0x1];
	s3 =	sshll.u32 s0, $0xE;
	s4 =	sshll.u32 s10, $0xD  }
0x4: {  	s2 =	simm.s32 $0x0;
	s1 =	rddreg [dreg:$0x2];
	s11 =	sor.u32 s4, s3  }
0x5: {  	[smem:$0x7FF] =	sst s2;
	s3 =	sshrl.u32 s11, $0x3  }
0x6: {  	_ =	strace $0x80000047;
	s4 =	sadd.s32 s9, s3;
	s3 =	simm.s32 $0x2  }
0x7: {  	[tilespmem:s2], [sflag:$0x2] =	stream.linear.gather [hbm4b:s4+s2], $0x1000, $0x38;
	[tilespmem:$0x11000] =	vst v63  }
0x8: {  	_ =	swait.ge [sflag:s3], $0x1000  }
0x9: {  	s6 =	simm.s32 $0x1000;
	[sflag:s3] =	ssyncset.done $0x0  }
0xa: {  	s7 =	simm.s32 $0x1;
	s5 =	sadd.s32 $0x8D600, s8;
	[sflag:s3] =	ssyncadd.s32 $0xFFFFF000  }
0xb: {  	[tilespmem:s6], [sflag:$0x1] =	stream.indirect.gather [hbm4b:s5+s6], $0x10, s2, s6, $0xb8;
	[tilespmem:$0x11000] =	vst v63  }
0xc: {  	_ =	swait.ge [sflag:s7], $0x10000  }
0xd: {  	s12 =	sadd.s32 $0xD600, s8;
	s28 =	sshll.u32 s11, $0x1;
	[sflag:s7] =	ssyncset.done $0x0  }
0xe: {  	s8 =	sadd.s32 s12, s28;
	[sflag:s7] =	ssyncadd.s32 $0xFFFF0000  }
0xf: {  	[hbm4b:s8+s2] =	stream.linear.scatter [tilespmem:s6], [sflag:$0x2], $0x10000, $0x38;
	[tilespmem:$0x11000] =	vst v63  }
0x10: {  	s11 =	sor.u32 $0x1000, s11;
	_ =	swait.ge [sflag:s3], $0x10000  }
0x11: {  	s13 =	sshrl.u32 s11, $0x3;
	[sflag:s3] =	ssyncset.done $0x0  }
0x12: {  	s10 =	ssub.s32 $0x2, s10;
	s9 =	sadd.s32 s9, s13;
	[sflag:s3] =	ssyncadd.s32 $0xFFFF0000  }
0x13: {  	[tilespmem:s2], [sflag:$0x2] =	stream.linear.gather [hbm4b:s9+s2], $0x1000, $0x38;
	[tilespmem:$0x11000] =	vst v63  }
0x14: {  	s29 =	sshrl.u32 s10, $0x1;
	_ =	swait.ge [sflag:s3], $0x1000  }
0x15: {  	s13 =	ssub.s32 s10, s29;
	[sflag:s3] =	ssyncset.done $0x0  }
0x16: {  	s31 =	smax.u32 s13, $0x1;
	[sflag:s3] =	ssyncadd.s32 $0xFFFFF000  }
0x17: {  	[tilespmem:s6], [sflag:$0x1] =	stream.indirect.gather [hbm4b:s5+s6], $0x10, s2, s6, $0xb8;
	[tilespmem:$0x11000] =	vst v63  }
0x18: {  	p0 =	sne.s32 s31, $0x1;
	_ =	swait.ge [sflag:s7], $0x10000  }
.Ltmp0:
0x19: {  	s30 =	sshll.u32 s11, $0x1;
	[sflag:s7] =	ssyncset.done $0x0;
	(pc) =	sbr.rel @!p0 .LBB2_2-.Ltmp0, $4  }
0x1a: {  	s10 =	sadd.s32 s12, s30;
	[sflag:s7] =	ssyncadd.s32 $0xFFFF0000  }
0x1b: {  	[hbm4b:s10+s2] =	stream.linear.scatter [tilespmem:s6], [sflag:$0x2], $0x10000, $0x38;
	[tilespmem:$0x11000] =	vst v63  }
0x1c: {  	_ =	swait.ge [sflag:s3], $0x10000  }
0x1d: {  	s11 =	sadd.s32 $0xFFFFFFFF, s31;
	[sflag:s3] =	ssyncset.done $0x0  }
.LBB2_1:
0x1e: {  	p0 =	sne.s32 s11, $0x1;
	s11 =	sadd.s32 $0xFFFFFFFF, s11;
	[sflag:s3] =	ssyncadd.s32 $0xFFFF0000  }
0x1f: {  	[tilespmem:s2], [sflag:$0x2] =	stream.linear.gather [hbm4b:s4+s2], $0x1000, $0x38;
	[tilespmem:$0x11000] =	vst v63  }
0x20: {  	_ =	swait.ge [sflag:s3], $0x1000  }
0x21: {  	[sflag:s3] =	ssyncset.done $0x0  }
0x22: {  	[sflag:s3] =	ssyncadd.s32 $0xFFFFF000  }
0x23: {  	[tilespmem:s6], [sflag:$0x1] =	stream.indirect.gather [hbm4b:s5+s6], $0x10, s2, s6, $0xb8;
	[tilespmem:$0x11000] =	vst v63  }
0x24: {  	_ =	swait.ge [sflag:s7], $0x10000  }
0x25: {  	[sflag:s7] =	ssyncset.done $0x0  }
0x26: {  	[sflag:s7] =	ssyncadd.s32 $0xFFFF0000  }
0x27: {  	[hbm4b:s8+s2] =	stream.linear.scatter [tilespmem:s6], [sflag:$0x2], $0x10000, $0x38;
	[tilespmem:$0x11000] =	vst v63  }
0x28: {  	_ =	swait.ge [sflag:s3], $0x10000  }
0x29: {  	[sflag:s3] =	ssyncset.done $0x0  }
0x2a: {  	[sflag:s3] =	ssyncadd.s32 $0xFFFF0000  }
0x2b: {  	[tilespmem:s2], [sflag:$0x2] =	stream.linear.gather [hbm4b:s9+s2], $0x1000, $0x38;
	[tilespmem:$0x11000] =	vst v63  }
0x2c: {  	_ =	swait.ge [sflag:s3], $0x1000  }
0x2d: {  	[sflag:s3] =	ssyncset.done $0x0  }
0x2e: {  	[sflag:s3] =	ssyncadd.s32 $0xFFFFF000  }
0x2f: {  	[tilespmem:s6], [sflag:$0x1] =	stream.indirect.gather [hbm4b:s5+s6], $0x10, s2, s6, $0xb8;
	[tilespmem:$0x11000] =	vst v63  }
0x30: {  	_ =	swait.ge [sflag:s7], $0x10000  }
.Ltmp1:
0x31: {  	[sflag:s7] =	ssyncset.done $0x0;
	(pc) =	sbr.rel @p0 .LBB2_1-.Ltmp1, $4  }
0x32: {  	[sflag:s7] =	ssyncadd.s32 $0xFFFF0000  }
0x33: {  	[hbm4b:s10+s2] =	stream.linear.scatter [tilespmem:s6], [sflag:$0x2], $0x10000, $0x38;
	[tilespmem:$0x11000] =	vst v63  }
0x34: {  	_ =	swait.ge [sflag:s3], $0x10000  }
0x35: {  	[sflag:s3] =	ssyncset.done $0x0  }
.LBB2_2:
0x36: {  	[sflag:s3] =	ssyncadd.s32 $0xFFFF0000  }
0x37: {  	_ =	sfence.sel $0x180000  }
0x38: {  	[bflag:$0x0] =	sbarrier.arrive $0xFFFF  }
0x39: {  	p0 =	sne.s32 s0, $0x0;
	_ =	strace $0x90000047  }
0x3a: {  	s0 =	sadd.s32 @!p0 $0x100000, s1;
	[bflag:$0x2] =	sbarrier.arrive $0xFFFF  }
0x3b: {  	[sflag:s0] =	ssyncadd.tile.s32 @!p0 $0x1;
	_ =	shalt  }
.Lfunc_end2:
_tile_overlayer_lowered:
.L_overlay_start_2:
0x3c: {  	(tag) =	ssettag $0x2  }
0x3d: {  	s0 =	rddreg [dreg:$0x0];
	s2 =	stileid.u32  }
0x3e: {  	s1 =	rddreg [dreg:$0x1];
	p0 =	sne.s32 s2, $0x0  }
0x3f: {  	s3 =	rddreg [dreg:$0x2];
	[bflag:$0x3] =	sbarrier.arrive $0xFFFF;
	s2 =	simm.s32 @!p0 $0x1C02  }
0x40: {  	[timem:s3], [sflag:s2] =	dma.local @!p0 [hbm:s0], s1  }
0x41: {  	s0 =	simm.s32 @!p0 $0x2  }
0x42: {  	_ =	swait.ge @!p0 [sflag:s0], s1  }
0x43: {  	s1 =	ssub.s32 @!p0 $0x0, s1;
	[sflag:s0] =	ssyncset.done @!p0 $0x0  }
0x44: {  	[sflag:s0] =	ssyncadd.s32 @!p0 s1  }
0x45: {  	[bflag:$0x3] =	sbarrier.arrive $0xFFFF  }
0x46: {  	_ =	shalt  }

// kernel: kernel.25.cloned.1.call-start
scs
__scs_entry_jumppad:
0x0: {  	(pc) =	sbr.rel $0x88, $3  }
0x1: {  	(tag) =	ssettag $0x0;
	lr =	simm.s32 $0x1  }
0x2: {  	[smem:$0x3F46] =	sst lr;
	_ =	strace $0xD0000000  }
0x3: {  	_ = 	snop  }
0x4: {  	_ = 	snop  }
0x5: {  	_ = 	snop  }
0x6: {  	_ = 	snop  }
0x7: {  	_ = 	snop  }
__scs_overlays_trampoline_lowered:
0x8: {  	[smem:$0x3F55] =	sst s0  }
0x9: {  	[smem:$0x3F56] =	sst s1  }
0xa: {  	[smem:$0x3F57] =	sst s2  }
0xb: {  	[smem:$0x3F58] =	sst s3  }
0xc: {  	[smem:$0x3F59] =	sst s4  }
0xd: {  	[smem:$0x3F5A] =	sst s5  }
0xe: {  	[smem:$0x3F5B] =	sst s6  }
0xf: {  	[smem:$0x3F5C] =	sst s7  }
0x10: {  	[smem:$0x3F5D] =	sst s8  }
0x11: {  	[smem:$0x3F5E] =	sst s9;
	s0 =	simm.s32 @!p0 $0x0  }
0x12: {  	s1 =	sld [smem:$0x3F44];
	s0 =	simm.s32 @p0 $0x1  }
0x13: {  	[smem:$0x3F5F] =	sst s0;
	s0 =	simm.s32 @!p1 $0x0  }
0x14: {  	s2 =	sld [smem:$0x3F43];
	s0 =	simm.s32 @p1 $0x1  }
0x15: {  	[smem:$0x3F60] =	sst s0;
	s0 =	simm.s32 @!p2 $0x0  }
0x16: {  	s3 =	sld [smem:$0x3FDB];
	s0 =	simm.s32 @p2 $0x1  }
0x17: {  	s4 =	simm.s32 $0x1BF5;
	[smem:$0x3F62] =	sst s0  }
0x18: {  	s0 =	sld [smem:$0x3F45];
	_ =	swait.ge [sflag:s4], $0x0  }
0x19: {  	s7 =	sld [smem:$0x3F46]  }
0x1a: {  	s8 =	sadd.s32 $0xFFFFE003, lr  }
0x1b: {  	s9 =	sadd.s32 $0xFFFFFEF7, lr;
	s5 =	simm.s32 $0xFFFFFFFF;
	p2 =	slt.u32 s8, $0xFFFFF086  }
0x1c: {  	p1 =	slt.u32 s9, $0xF7A;
	s5 =	simm.s32 @!p2 $0x0  }
0x1d: {  	s5 =	simm.s32 @p1 $0x1;
	p0 =	seq.s32 s7, s2  }
0x1e: {  	s7 =	smul.u32 @!p0 $0xF7A, s2;
	p2 =	seq.s32 @!p0 s5, $0x0  }
0x1f: {  	s9 =	smul.u32 $0xF7A, s1;
	s8 =	simm.s32 @!p0 $0x1BF5;
	p2 =	por !p2, p0  }
0x20: {  	[sflag:s8] =	ssyncset.s32 @!p0 $0xFFFFF086;
	s6 =	sadd.s32 @!p0 s3, s7;
	s7 =	simm.s32 @!p0 $0x108  }
0x21: {  	s3 =	sadd.s32 s3, s9;
	s6 =	sadd.s32 @!p0 $0x88, s6;
	s7 =	simm.s32 @p2 $0x1082  }
0x22: {  	[simem:s7], [sflag:s8] =	dma.local @!p0 [hbm:s6], $0xF7A  }
0x23: {  	s9 =	sor.u32 $0xD0000000, s2;
	s6 =	simm.s32 $0x108;
	_ =	swait.ge @!p0 [sflag:s8], $0x0  }
0x24: {  	s3 =	sadd.s32 $0x88, s3;
	s6 =	simm.s32 @!p1 $0x1082;
	[sflag:s4] =	ssyncset.s32 $0xFFFFF086  }
0x25: {  	[simem:s6], [sflag:s4] =	dma.local [hbm:s3], $0xF7A  }
0x26: {  	[smem:$0x3F46] =	sst s1;
	(tag) =	ssettag s2;
	_ =	strace s9  }
0x27: {  	s1 =	sld [smem:$0x3F56]  }
0x28: {  	s2 =	sld [smem:$0x3F57]  }
0x29: {  	s4 =	sld [smem:$0x3F59]  }
0x2a: {  	p0 =	seq.s32 s5, $0x0;
	s5 =	sld [smem:$0x3F5A]  }
0x2b: {  	s6 =	sld [smem:$0x3F5B]  }
0x2c: {  	s7 =	sld [smem:$0x3F5C]  }
0x2d: {  	s3 =	simm.s32 $0x108;
	s8 =	sld [smem:$0x3F5D]  }
0x2e: {  	s3 =	simm.s32 @!p0 $0x1082;
	s9 =	sld [smem:$0x3F5E]  }
0x2f: {  	lr =	sadd.s32 s0, s3;
	s0 =	sld [smem:$0x3F55]  }
0x30: {  	s3 =	sld [smem:$0x3F58]  }
0x31: {  	[smem:$0x3F61] =	sst s10  }
0x32: {  	s10 =	sld [smem:$0x3F5F];
	_ =	sdelay $0x3  }
0x33: {  	p0 =	seq.s32 s10, $0x1;
	s10 =	sld [smem:$0x3F61];
	_ =	sdelay $0x3  }
0x34: {  	[smem:$0x3F61] =	sst s10  }
0x35: {  	s10 =	sld [smem:$0x3F60];
	_ =	sdelay $0x3  }
0x36: {  	p1 =	seq.s32 s10, $0x1;
	s10 =	sld [smem:$0x3F61];
	_ =	sdelay $0x3  }
0x37: {  	[smem:$0x3F61] =	sst s10  }
0x38: {  	s10 =	sld [smem:$0x3F62]  }
0x39: {  	_ = 	snop;
	(pc) =	sbr.ind lr, $3  }
0x3a: {  	_ = 	snop  }
0x3b: {  	_ = 	snop  }
0x3c: {  	p2 =	seq.s32 s10, $0x1;
	s10 =	sld [smem:$0x3F61]  }
0x3d: {  	_ =	shalt  }
0x3e: {  	_ =	shalt  }
0x3f: {  	_ =	shalt  }
0x40: {  	_ =	shalt  }
0x41: {  	_ =	shalt  }
0x42: {  	_ =	shalt  }
0x43: {  	_ =	shalt  }
0x44: {  	_ =	shalt  }
0x45: {  	_ =	shalt  }
0x46: {  	_ =	shalt  }
0x47: {  	_ =	shalt  }
0x48: {  	_ =	shalt  }
0x49: {  	_ =	shalt  }
0x4a: {  	_ =	shalt  }
0x4b: {  	_ =	shalt  }
0x4c: {  	_ =	shalt  }
0x4d: {  	_ =	shalt  }
0x4e: {  	_ =	shalt  }
0x4f: {  	_ =	shalt  }
0x50: {  	_ =	shalt  }
0x51: {  	_ =	shalt  }
0x52: {  	_ =	shalt  }
0x53: {  	_ =	shalt  }
0x54: {  	_ =	shalt  }
0x55: {  	_ =	shalt  }
0x56: {  	_ =	shalt  }
0x57: {  	_ =	shalt  }
0x58: {  	_ =	shalt  }
0x59: {  	_ =	shalt  }
0x5a: {  	_ =	shalt  }
0x5b: {  	_ =	shalt  }
0x5c: {  	_ =	shalt  }
0x5d: {  	_ =	shalt  }
0x5e: {  	_ =	shalt  }
0x5f: {  	_ =	shalt  }
0x60: {  	_ =	shalt  }
0x61: {  	_ =	shalt  }
0x62: {  	_ =	shalt  }
0x63: {  	_ =	shalt  }
0x64: {  	_ =	shalt  }
0x65: {  	_ =	shalt  }
0x66: {  	_ =	shalt  }
0x67: {  	_ =	shalt  }
0x68: {  	_ =	shalt  }
0x69: {  	_ =	shalt  }
0x6a: {  	_ =	shalt  }
0x6b: {  	_ =	shalt  }
0x6c: {  	_ =	shalt  }
0x6d: {  	_ =	shalt  }
0x6e: {  	_ =	shalt  }
0x6f: {  	_ =	shalt  }
0x70: {  	_ =	shalt  }
0x71: {  	_ =	shalt  }
0x72: {  	_ =	shalt  }
0x73: {  	_ =	shalt  }
0x74: {  	_ =	shalt  }
0x75: {  	_ =	shalt  }
0x76: {  	_ =	shalt  }
0x77: {  	_ =	shalt  }
0x78: {  	_ =	shalt  }
0x79: {  	_ =	shalt  }
0x7a: {  	_ =	shalt  }
0x7b: {  	_ =	shalt  }
0x7c: {  	_ =	shalt  }
0x7d: {  	_ =	shalt  }
0x7e: {  	_ =	shalt  }
0x7f: {  	_ =	shalt  }
0x80: {  	_ =	shalt  }
0x81: {  	_ =	shalt  }
0x82: {  	_ =	shalt  }
0x83: {  	_ =	shalt  }
0x84: {  	_ =	shalt  }
0x85: {  	_ =	shalt  }
0x86: {  	_ =	shalt  }
0x87: {  	_ =	shalt  }
.Lfunc_end0:
.L_simem_size_0:
called_computation.1_lowered:
.L_overlay_start_0:
0x88: {  	s2 =	sld [smem:$0x3FD9]  }
0x89: {  	s3 =	sld [smem:$0x3FFE];
	_ =	sdelay $0x1  }
0x8a: {  	s1 =	srdreg.scid  }
0x8b: {  	s0 =	sand.u32 $0x1, s1  }
0x8c: {  	s16 =	sshll.u32 s0, $0xA;
	s2 =	sadd.s32 s3, s2  }
0x8d: {  	s2 =	sadd.s32 s2, s16  }
0x8e: {  	[smem:$0x3F6D] =	sst s2  }
0x8f: {  	_ = 	snop  }
0x90: {  	(tm) =	ssettm $0x1  }
0x91: {  	s17 =	sld [smem:$0x3FFB];
	_ =	sdelay $0x3  }
0x92: {  	_ =	strace s17  }
0x93: {  	s2 =	sld [smem:$0x3FFC];
	_ =	sdelay $0x3  }
0x94: {  	_ =	strace s2  }
0x95: {  	s2 =	sld [smem:$0x3FFD];
	_ =	sdelay $0x3  }
0x96: {  	_ =	strace s2  }
0x97: {  	_ =	strace $0x8FFFFFFF  }
0x98: {  	s18 =	sld [smem:$0x3FDB];
	_ =	sdelay $0x1  }
0x99: {  	s19 =	simm.s32 $_scs_section_size  }
0x9a: {  	s4 =	simm.s32 $_size__tile_overlayer_lowered;
	s5 =	simm.s32 $_tile_overlayer_lowered  }
0x9b: {  	s22 =	simm.s32 $0x1BFF;
	s21 =	sshll.u32 s5, $0x1;
	s2 =	sadd.s32 s19, s18  }
0x9c: {  	s6 =	simm.s32 $0x0;
	s20 =	sshll.u32 s4, $0x1;
	s4 =	sadd.s32 s21, s2  }
0x9d: {  	[timem:s6], [sflag:s22] =	dma.local [hbm:s4], s20  }
0x9e: {  	_ =	swait.ge [sflag:s22], s20  }
0x9f: {  	s3 =	ssub.s32 $0x0, s20;
	[sflag:s22] =	ssyncset.done $0x0  }
0xa0: {  	[sflag:s22] =	ssyncadd.s32 s3;
	_ =	sdelay $0x1  }
0xa1: {  	s23 =	simm.s32 $0x1B8B  }
0xa2: {  	_ =	swait.ge [sflag:s23], $0x1  }
0xa3: {  	[sflag:s23] =	ssyncset.done $0x0  }
0xa4: {  	s25 =	simm.s32 $0x1B8E;
	s24 =	sld [smem:$0x3FFE];
	[sflag:s23] =	ssyncadd.s32 $0xFFFFFFFF  }
0xa5: {  	s26 =	simm.s32 $execute0_lowered;
	[smem:$0x3FD2] =	sst s25  }
0xa6: {  	s4 =	sshll.u32 s26, $0x1;
	_ =	strace $0x80000049;
	[dreg:$0x1] =	wrdreg $0xFFFFFFFF  }
0xa7: {  	s28 =	simm.s32 $_size_execute0_lowered;
	s2 =	sadd.s32 s2, s4;
	[dreg:$0x0] =	wrdreg $0x0  }
0xa8: {  	s4 =	sshll.u32 s28, $0x1;
	[dreg:$0x2] =	wrdreg s2  }
0xa9: {  	[dreg:$0x3] =	wrdreg s4  }
0xaa: {  	[dreg:$0x4] =	wrdreg $0xC0  }
0xab: {  	_ =	task [dreg:s6], $0x5FFFF  }
0xac: {  	[dreg:$0x1] =	wrdreg $0xFFFFFFFF  }
0xad: {  	[dreg:$0x0] =	wrdreg $0x60  }
0xae: {  	[dreg:$0x2] =	wrdreg s24  }
0xaf: {  	[dreg:$0x3] =	wrdreg $0x9  }
0xb0: {  	_ =	task.clear_ibuf [dreg:s6], $0x4FFFF;
	_ =	strace $0x90000049  }
0xb1: {  	s29 =	simm.s32 $0x9;
	_ =	strace $0x8000004B  }
0xb2: {  	_ =	swait.ge [sflag:s29], $0x1  }
0xb3: {  	[sflag:s29] =	ssyncadd.s32 $0xFFFFFFFF  }
0xb4: {  	_ =	strace $0x9000004B  }
0xb5: {  	_ =	sfence  }
0xb6: {  	s30 =	sld [smem:$0x0];
	_ =	sdelay $0x2  }
0xb7: {  	s31 =	sshll.u32 s1, $0xD;
	s1 =	sshrl.u32 s1, $0x2  }
0xb8: {  	s3 =	sand.u32 $0x4000, s31;
	s1 =	sadd.s32 s1, s30  }
0xb9: {  	s0 =	sor.u32 s3, s0;
	s1 =	sshll.u32 s1, $0x11  }
0xba: {  	s0 =	sor.u32 s1, s0  }
0xbb: {  	s0 =	sadd.s32 $0x8F2B, s0  }
0xbc: {  	[sflag:s0] =	ssyncadd.remote.s32 $0x1  }
0xbd: {  	_ =	sfence.sel $0xFFFF  }
0xbe: {  	[dreg:$0x0] =	wrdreg $0xFFFFFFFF;
	(pc) =	sbr.abs _section_cstart, $3  }
0xbf: {  	[dreg:$0x1] =	wrdreg $0xFFFFFFFF  }
0xc0: {  	_ =	task.clear_ibuf [dreg:s6], $0x2FFFF;
	_ =	strace $0x9FFFFFFF  }
0xc1: {  	(tm) =	ssettm $0x7FFFFFFF  }
tec
execute0_lowered:
.L_overlay_start_1:
0x0: {  	(tag) =	ssettag $0x1  }
0x1: {  	s1 =	srdreg.scid  }
0x2: {  	s0 =	stileid.u32;
	s10 =	sand.u32 $0x1, s1  }
0x3: {  	s8 =	rddreg [dreg:$0x0];
	s3 =	sshll.u32 s0, $0xC;
	s4 =	sshll.u32 s10, $0xB  }
0x4: {  	s2 =	simm.s32 $0x0;
	s1 =	rddreg [dreg:$0x1];
	s9 =	sor.u32 s4, s3  }
0x5: {  	[smem:$0x7FF] =	sst s2;
	s11 =	sadd.s32 $0x9E600, s8;
	s3 =	sshrl.u32 s9, $0x3  }
0x6: {  	_ =	strace $0x8000004A;
	s4 =	sadd.s32 s11, s3;
	s3 =	simm.s32 $0x2  }
0x7: {  	[tilespmem:s2], [sflag:$0x2] =	stream.linear.gather [hbm4b:s4+s2], $0x400, $0x38;
	[tilespmem:$0x14400] =	vst v63  }
0x8: {  	_ =	swait.ge [sflag:s3], $0x400  }
0x9: {  	s6 =	simm.s32 $0x400;
	[sflag:s3] =	ssyncset.done $0x0  }
0xa: {  	s7 =	simm.s32 $0x1;
	s5 =	sadd.s32 $0xD600, s8;
	[sflag:s3] =	ssyncadd.s32 $0xFFFFFC00  }
0xb: {  	[tilespmem:s6], [sflag:$0x1] =	stream.indirect.gather [hbm4b:s5+s6], $0x50, s2, s6, $0xb8;
	[tilespmem:$0x14400] =	vst v63  }
0xc: {  	s12 =	smul.u32 $0xA, s9;
	_ =	swait.ge [sflag:s7], $0x14000  }
0xd: {  	s13 =	sadd.s32 $0xA0600, s8;
	[sflag:s7] =	ssyncset.done $0x0  }
0xe: {  	s8 =	sadd.s32 s13, s12;
	[sflag:s7] =	ssyncadd.s32 $0xFFFEC000  }
0xf: {  	[hbm4b:s8+s2] =	stream.linear.scatter [tilespmem:s6], [sflag:$0x2], $0x14000, $0x38;
	[tilespmem:$0x14400] =	vst v63  }
0x10: {  	s30 =	sor.u32 $0x400, s9;
	_ =	swait.ge [sflag:s3], $0x14000  }
0x11: {  	s9 =	sshrl.u32 s30, $0x3;
	[sflag:s3] =	ssyncset.done $0x0  }
0x12: {  	s10 =	ssub.s32 $0x2, s10;
	s9 =	sadd.s32 s11, s9;
	[sflag:s3] =	ssyncadd.s32 $0xFFFEC000  }
0x13: {  	[tilespmem:s2], [sflag:$0x2] =	stream.linear.gather [hbm4b:s9+s2], $0x400, $0x38;
	[tilespmem:$0x14400] =	vst v63  }
0x14: {  	s31 =	sshrl.u32 s10, $0x1;
	_ =	swait.ge [sflag:s3], $0x400  }
0x15: {  	s11 =	ssub.s32 s10, s31;
	[sflag:s3] =	ssyncset.done $0x0  }
0x16: {  	s11 =	smax.u32 s11, $0x1;
	[sflag:s3] =	ssyncadd.s32 $0xFFFFFC00  }
0x17: {  	[tilespmem:s6], [sflag:$0x1] =	stream.indirect.gather [hbm4b:s5+s6], $0x50, s2, s6, $0xb8;
	[tilespmem:$0x14400] =	vst v63  }
0x18: {  	s12 =	smul.u32 $0xA, s30;
	p0 =	sne.s32 s11, $0x1;
	_ =	swait.ge [sflag:s7], $0x14000  }
.Ltmp0:
0x19: {  	[sflag:s7] =	ssyncset.done $0x0;
	(pc) =	sbr.rel @!p0 .LBB2_2-.Ltmp0, $4  }
0x1a: {  	s10 =	sadd.s32 s13, s12;
	[sflag:s7] =	ssyncadd.s32 $0xFFFEC000  }
0x1b: {  	[hbm4b:s10+s2] =	stream.linear.scatter [tilespmem:s6], [sflag:$0x2], $0x14000, $0x38;
	[tilespmem:$0x14400] =	vst v63  }
0x1c: {  	_ =	swait.ge [sflag:s3], $0x14000  }
0x1d: {  	s11 =	sadd.s32 $0xFFFFFFFF, s11;
	[sflag:s3] =	ssyncset.done $0x0  }
.LBB2_1:
0x1e: {  	p0 =	sne.s32 s11, $0x1;
	s11 =	sadd.s32 $0xFFFFFFFF, s11;
	[sflag:s3] =	ssyncadd.s32 $0xFFFEC000  }
0x1f: {  	[tilespmem:s2], [sflag:$0x2] =	stream.linear.gather [hbm4b:s4+s2], $0x400, $0x38;
	[tilespmem:$0x14400] =	vst v63  }
0x20: {  	_ =	swait.ge [sflag:s3], $0x400  }
0x21: {  	[sflag:s3] =	ssyncset.done $0x0  }
0x22: {  	[sflag:s3] =	ssyncadd.s32 $0xFFFFFC00  }
0x23: {  	[tilespmem:s6], [sflag:$0x1] =	stream.indirect.gather [hbm4b:s5+s6], $0x50, s2, s6, $0xb8;
	[tilespmem:$0x14400] =	vst v63  }
0x24: {  	_ =	swait.ge [sflag:s7], $0x14000  }
0x25: {  	[sflag:s7] =	ssyncset.done $0x0  }
0x26: {  	[sflag:s7] =	ssyncadd.s32 $0xFFFEC000  }
0x27: {  	[hbm4b:s8+s2] =	stream.linear.scatter [tilespmem:s6], [sflag:$0x2], $0x14000, $0x38;
	[tilespmem:$0x14400] =	vst v63  }
0x28: {  	_ =	swait.ge [sflag:s3], $0x14000  }
0x29: {  	[sflag:s3] =	ssyncset.done $0x0  }
0x2a: {  	[sflag:s3] =	ssyncadd.s32 $0xFFFEC000  }
0x2b: {  	[tilespmem:s2], [sflag:$0x2] =	stream.linear.gather [hbm4b:s9+s2], $0x400, $0x38;
	[tilespmem:$0x14400] =	vst v63  }
0x2c: {  	_ =	swait.ge [sflag:s3], $0x400  }
0x2d: {  	[sflag:s3] =	ssyncset.done $0x0  }
0x2e: {  	[sflag:s3] =	ssyncadd.s32 $0xFFFFFC00  }
0x2f: {  	[tilespmem:s6], [sflag:$0x1] =	stream.indirect.gather [hbm4b:s5+s6], $0x50, s2, s6, $0xb8;
	[tilespmem:$0x14400] =	vst v63  }
0x30: {  	_ =	swait.ge [sflag:s7], $0x14000  }
.Ltmp1:
0x31: {  	[sflag:s7] =	ssyncset.done $0x0;
	(pc) =	sbr.rel @p0 .LBB2_1-.Ltmp1, $4  }
0x32: {  	[sflag:s7] =	ssyncadd.s32 $0xFFFEC000  }
0x33: {  	[hbm4b:s10+s2] =	stream.linear.scatter [tilespmem:s6], [sflag:$0x2], $0x14000, $0x38;
	[tilespmem:$0x14400] =	vst v63  }
0x34: {  	_ =	swait.ge [sflag:s3], $0x14000  }
0x35: {  	[sflag:s3] =	ssyncset.done $0x0  }
.LBB2_2:
0x36: {  	[sflag:s3] =	ssyncadd.s32 $0xFFFEC000  }
0x37: {  	_ =	sfence.sel $0x180000  }
0x38: {  	[bflag:$0x0] =	sbarrier.arrive $0xFFFF  }
0x39: {  	p0 =	sne.s32 s0, $0x0;
	_ =	strace $0x9000004A  }
0x3a: {  	s0 =	sadd.s32 @!p0 $0x100000, s1;
	[bflag:$0x2] =	sbarrier.arrive $0xFFFF  }
0x3b: {  	[sflag:s0] =	ssyncadd.tile.s32 @!p0 $0x1;
	_ =	shalt  }
.Lfunc_end2:
_tile_overlayer_lowered:
.L_overlay_start_2:
0x3c: {  	(tag) =	ssettag $0x2  }
0x3d: {  	s0 =	rddreg [dreg:$0x0];
	s2 =	stileid.u32  }
0x3e: {  	s1 =	rddreg [dreg:$0x1];
	p0 =	sne.s32 s2, $0x0  }
0x3f: {  	s3 =	rddreg [dreg:$0x2];
	[bflag:$0x3] =	sbarrier.arrive $0xFFFF;
	s2 =	simm.s32 @!p0 $0x1C02  }
0x40: {  	[timem:s3], [sflag:s2] =	dma.local @!p0 [hbm:s0], s1  }
0x41: {  	s0 =	simm.s32 @!p0 $0x2  }
0x42: {  	_ =	swait.ge @!p0 [sflag:s0], s1  }
0x43: {  	s1 =	ssub.s32 @!p0 $0x0, s1;
	[sflag:s0] =	ssyncset.done @!p0 $0x0  }
0x44: {  	[sflag:s0] =	ssyncadd.s32 @!p0 s1  }
0x45: {  	[bflag:$0x3] =	sbarrier.arrive $0xFFFF  }
0x46: {  	_ =	shalt  }

// kernel: kernel.28.cloned.1.call-start
scs
__scs_entry_jumppad:
0x0: {  	(pc) =	sbr.rel $0x88, $3  }
0x1: {  	(tag) =	ssettag $0x0;
	lr =	simm.s32 $0x1  }
0x2: {  	[smem:$0x3F46] =	sst lr;
	_ =	strace $0xD0000000  }
0x3: {  	_ = 	snop  }
0x4: {  	_ = 	snop  }
0x5: {  	_ = 	snop  }
0x6: {  	_ = 	snop  }
0x7: {  	_ = 	snop  }
__scs_overlays_trampoline_lowered:
0x8: {  	[smem:$0x3F55] =	sst s0  }
0x9: {  	[smem:$0x3F56] =	sst s1  }
0xa: {  	[smem:$0x3F57] =	sst s2  }
0xb: {  	[smem:$0x3F58] =	sst s3  }
0xc: {  	[smem:$0x3F59] =	sst s4  }
0xd: {  	[smem:$0x3F5A] =	sst s5  }
0xe: {  	[smem:$0x3F5B] =	sst s6  }
0xf: {  	[smem:$0x3F5C] =	sst s7  }
0x10: {  	[smem:$0x3F5D] =	sst s8  }
0x11: {  	[smem:$0x3F5E] =	sst s9;
	s0 =	simm.s32 @!p0 $0x0  }
0x12: {  	s1 =	sld [smem:$0x3F44];
	s0 =	simm.s32 @p0 $0x1  }
0x13: {  	[smem:$0x3F5F] =	sst s0;
	s0 =	simm.s32 @!p1 $0x0  }
0x14: {  	s2 =	sld [smem:$0x3F43];
	s0 =	simm.s32 @p1 $0x1  }
0x15: {  	[smem:$0x3F60] =	sst s0;
	s0 =	simm.s32 @!p2 $0x0  }
0x16: {  	s3 =	sld [smem:$0x3FDB];
	s0 =	simm.s32 @p2 $0x1  }
0x17: {  	s4 =	simm.s32 $0x1BF5;
	[smem:$0x3F62] =	sst s0  }
0x18: {  	s0 =	sld [smem:$0x3F45];
	_ =	swait.ge [sflag:s4], $0x0  }
0x19: {  	s7 =	sld [smem:$0x3F46]  }
0x1a: {  	s8 =	sadd.s32 $0xFFFFE003, lr  }
0x1b: {  	s9 =	sadd.s32 $0xFFFFFEF7, lr;
	s5 =	simm.s32 $0xFFFFFFFF;
	p2 =	slt.u32 s8, $0xFFFFF086  }
0x1c: {  	p1 =	slt.u32 s9, $0xF7A;
	s5 =	simm.s32 @!p2 $0x0  }
0x1d: {  	s5 =	simm.s32 @p1 $0x1;
	p0 =	seq.s32 s7, s2  }
0x1e: {  	s7 =	smul.u32 @!p0 $0xF7A, s2;
	p2 =	seq.s32 @!p0 s5, $0x0  }
0x1f: {  	s9 =	smul.u32 $0xF7A, s1;
	s8 =	simm.s32 @!p0 $0x1BF5;
	p2 =	por !p2, p0  }
0x20: {  	[sflag:s8] =	ssyncset.s32 @!p0 $0xFFFFF086;
	s6 =	sadd.s32 @!p0 s3, s7;
	s7 =	simm.s32 @!p0 $0x108  }
0x21: {  	s3 =	sadd.s32 s3, s9;
	s6 =	sadd.s32 @!p0 $0x88, s6;
	s7 =	simm.s32 @p2 $0x1082  }
0x22: {  	[simem:s7], [sflag:s8] =	dma.local @!p0 [hbm:s6], $0xF7A  }
0x23: {  	s9 =	sor.u32 $0xD0000000, s2;
	s6 =	simm.s32 $0x108;
	_ =	swait.ge @!p0 [sflag:s8], $0x0  }
0x24: {  	s3 =	sadd.s32 $0x88, s3;
	s6 =	simm.s32 @!p1 $0x1082;
	[sflag:s4] =	ssyncset.s32 $0xFFFFF086  }
0x25: {  	[simem:s6], [sflag:s4] =	dma.local [hbm:s3], $0xF7A  }
0x26: {  	[smem:$0x3F46] =	sst s1;
	(tag) =	ssettag s2;
	_ =	strace s9  }
0x27: {  	s1 =	sld [smem:$0x3F56]  }
0x28: {  	s2 =	sld [smem:$0x3F57]  }
0x29: {  	s4 =	sld [smem:$0x3F59]  }
0x2a: {  	p0 =	seq.s32 s5, $0x0;
	s5 =	sld [smem:$0x3F5A]  }
0x2b: {  	s6 =	sld [smem:$0x3F5B]  }
0x2c: {  	s7 =	sld [smem:$0x3F5C]  }
0x2d: {  	s3 =	simm.s32 $0x108;
	s8 =	sld [smem:$0x3F5D]  }
0x2e: {  	s3 =	simm.s32 @!p0 $0x1082;
	s9 =	sld [smem:$0x3F5E]  }
0x2f: {  	lr =	sadd.s32 s0, s3;
	s0 =	sld [smem:$0x3F55]  }
0x30: {  	s3 =	sld [smem:$0x3F58]  }
0x31: {  	[smem:$0x3F61] =	sst s10  }
0x32: {  	s10 =	sld [smem:$0x3F5F];
	_ =	sdelay $0x3  }
0x33: {  	p0 =	seq.s32 s10, $0x1;
	s10 =	sld [smem:$0x3F61];
	_ =	sdelay $0x3  }
0x34: {  	[smem:$0x3F61] =	sst s10  }
0x35: {  	s10 =	sld [smem:$0x3F60];
	_ =	sdelay $0x3  }
0x36: {  	p1 =	seq.s32 s10, $0x1;
	s10 =	sld [smem:$0x3F61];
	_ =	sdelay $0x3  }
0x37: {  	[smem:$0x3F61] =	sst s10  }
0x38: {  	s10 =	sld [smem:$0x3F62]  }
0x39: {  	_ = 	snop;
	(pc) =	sbr.ind lr, $3  }
0x3a: {  	_ = 	snop  }
0x3b: {  	_ = 	snop  }
0x3c: {  	p2 =	seq.s32 s10, $0x1;
	s10 =	sld [smem:$0x3F61]  }
0x3d: {  	_ =	shalt  }
0x3e: {  	_ =	shalt  }
0x3f: {  	_ =	shalt  }
0x40: {  	_ =	shalt  }
0x41: {  	_ =	shalt  }
0x42: {  	_ =	shalt  }
0x43: {  	_ =	shalt  }
0x44: {  	_ =	shalt  }
0x45: {  	_ =	shalt  }
0x46: {  	_ =	shalt  }
0x47: {  	_ =	shalt  }
0x48: {  	_ =	shalt  }
0x49: {  	_ =	shalt  }
0x4a: {  	_ =	shalt  }
0x4b: {  	_ =	shalt  }
0x4c: {  	_ =	shalt  }
0x4d: {  	_ =	shalt  }
0x4e: {  	_ =	shalt  }
0x4f: {  	_ =	shalt  }
0x50: {  	_ =	shalt  }
0x51: {  	_ =	shalt  }
0x52: {  	_ =	shalt  }
0x53: {  	_ =	shalt  }
0x54: {  	_ =	shalt  }
0x55: {  	_ =	shalt  }
0x56: {  	_ =	shalt  }
0x57: {  	_ =	shalt  }
0x58: {  	_ =	shalt  }
0x59: {  	_ =	shalt  }
0x5a: {  	_ =	shalt  }
0x5b: {  	_ =	shalt  }
0x5c: {  	_ =	shalt  }
0x5d: {  	_ =	shalt  }
0x5e: {  	_ =	shalt  }
0x5f: {  	_ =	shalt  }
0x60: {  	_ =	shalt  }
0x61: {  	_ =	shalt  }
0x62: {  	_ =	shalt  }
0x63: {  	_ =	shalt  }
0x64: {  	_ =	shalt  }
0x65: {  	_ =	shalt  }
0x66: {  	_ =	shalt  }
0x67: {  	_ =	shalt  }
0x68: {  	_ =	shalt  }
0x69: {  	_ =	shalt  }
0x6a: {  	_ =	shalt  }
0x6b: {  	_ =	shalt  }
0x6c: {  	_ =	shalt  }
0x6d: {  	_ =	shalt  }
0x6e: {  	_ =	shalt  }
0x6f: {  	_ =	shalt  }
0x70: {  	_ =	shalt  }
0x71: {  	_ =	shalt  }
0x72: {  	_ =	shalt  }
0x73: {  	_ =	shalt  }
0x74: {  	_ =	shalt  }
0x75: {  	_ =	shalt  }
0x76: {  	_ =	shalt  }
0x77: {  	_ =	shalt  }
0x78: {  	_ =	shalt  }
0x79: {  	_ =	shalt  }
0x7a: {  	_ =	shalt  }
0x7b: {  	_ =	shalt  }
0x7c: {  	_ =	shalt  }
0x7d: {  	_ =	shalt  }
0x7e: {  	_ =	shalt  }
0x7f: {  	_ =	shalt  }
0x80: {  	_ =	shalt  }
0x81: {  	_ =	shalt  }
0x82: {  	_ =	shalt  }
0x83: {  	_ =	shalt  }
0x84: {  	_ =	shalt  }
0x85: {  	_ =	shalt  }
0x86: {  	_ =	shalt  }
0x87: {  	_ =	shalt  }
.Lfunc_end0:
.L_simem_size_0:
called_computation.2_lowered:
.L_overlay_start_0:
0x88: {  	s2 =	sld [smem:$0x3FD9]  }
0x89: {  	s3 =	sld [smem:$0x3FFE];
	_ =	sdelay $0x1  }
0x8a: {  	s1 =	srdreg.scid  }
0x8b: {  	s0 =	sand.u32 $0x1, s1  }
0x8c: {  	s17 =	sshll.u32 s0, $0xA;
	s2 =	sadd.s32 s3, s2  }
0x8d: {  	s2 =	sadd.s32 s2, s17  }
0x8e: {  	[smem:$0x3F6D] =	sst s2  }
0x8f: {  	_ = 	snop  }
0x90: {  	s2 =	sld [smem:$0x3FD0];
	(tm) =	ssettm $0x1  }
0x91: {  	s18 =	sld [smem:$0x3FFB];
	_ =	sdelay $0x3  }
0x92: {  	_ =	strace s18  }
0x93: {  	s3 =	sld [smem:$0x3FFC];
	_ =	sdelay $0x3  }
0x94: {  	_ =	strace s3  }
0x95: {  	s3 =	sld [smem:$0x3FFD];
	_ =	sdelay $0x3  }
0x96: {  	_ =	strace s3  }
0x97: {  	_ =	strace $0x8FFFFFFF  }
0x98: {  	s19 =	sld [smem:$0x3FDB];
	_ =	sdelay $0x1  }
0x99: {  	s4 =	simm.s32 $_scs_section_size  }
0x9a: {  	s5 =	simm.s32 $_size__tile_overlayer_lowered;
	s6 =	simm.s32 $_tile_overlayer_lowered  }
0x9b: {  	s22 =	simm.s32 $0x1BFF;
	s21 =	sshll.u32 s6, $0x1;
	s3 =	sadd.s32 s4, s19  }
0x9c: {  	s7 =	simm.s32 $0x0;
	s20 =	sshll.u32 s5, $0x1;
	s5 =	sadd.s32 s21, s3  }
0x9d: {  	[timem:s7], [sflag:s22] =	dma.local [hbm:s5], s20  }
0x9e: {  	_ =	swait.ge [sflag:s22], s20  }
0x9f: {  	s4 =	ssub.s32 $0x0, s20;
	[sflag:s22] =	ssyncset.done $0x0  }
0xa0: {  	[sflag:s22] =	ssyncadd.s32 s4;
	_ =	sdelay $0x1  }
0xa1: {  	s23 =	simm.s32 $0x1B8B  }
0xa2: {  	_ =	swait.ge [sflag:s23], $0x1  }
0xa3: {  	[sflag:s23] =	ssyncset.done $0x0  }
0xa4: {  	s25 =	simm.s32 $0x1B8E;
	s24 =	sld [smem:$0x3FFE];
	[sflag:s23] =	ssyncadd.s32 $0xFFFFFFFF  }
0xa5: {  	s26 =	simm.s32 $execute0_lowered;
	[smem:$0x3FD2] =	sst s25  }
0xa6: {  	s5 =	sshll.u32 s26, $0x1;
	_ =	strace $0x8000004C;
	[dreg:$0x1] =	wrdreg $0xFFFFFFFF  }
0xa7: {  	s28 =	simm.s32 $_size_execute0_lowered;
	s3 =	sadd.s32 s3, s5;
	[dreg:$0x0] =	wrdreg $0x0  }
0xa8: {  	s5 =	sshll.u32 s28, $0x1;
	[dreg:$0x2] =	wrdreg s3  }
0xa9: {  	[dreg:$0x3] =	wrdreg s5  }
0xaa: {  	[dreg:$0x4] =	wrdreg $0xC0  }
0xab: {  	_ =	task [dreg:s7], $0x5FFFF  }
0xac: {  	[dreg:$0x1] =	wrdreg $0xFFFFFFFF  }
0xad: {  	[dreg:$0x0] =	wrdreg $0x60  }
0xae: {  	[dreg:$0x2] =	wrdreg s2  }
0xaf: {  	[dreg:$0x3] =	wrdreg s24  }
0xb0: {  	[dreg:$0x4] =	wrdreg $0x9  }
0xb1: {  	_ =	task.clear_ibuf [dreg:s7], $0x5FFFF;
	_ =	strace $0x9000004C  }
0xb2: {  	s29 =	simm.s32 $0x9;
	_ =	strace $0x8000004E  }
0xb3: {  	_ =	swait.ge [sflag:s29], $0x1  }
0xb4: {  	[sflag:s29] =	ssyncadd.s32 $0xFFFFFFFF  }
0xb5: {  	_ =	strace $0x9000004E  }
0xb6: {  	_ =	sfence  }
0xb7: {  	s30 =	sld [smem:$0x0];
	_ =	sdelay $0x2  }
0xb8: {  	s31 =	sshll.u32 s1, $0xD;
	s1 =	sshrl.u32 s1, $0x2  }
0xb9: {  	s3 =	sand.u32 $0x4000, s31;
	s1 =	sadd.s32 s1, s30  }
0xba: {  	s0 =	sor.u32 s3, s0;
	s1 =	sshll.u32 s1, $0x11  }
0xbb: {  	s0 =	sor.u32 s1, s0  }
0xbc: {  	s0 =	sadd.s32 $0x8F2B, s0  }
0xbd: {  	[sflag:s0] =	ssyncadd.remote.s32 $0x1  }
0xbe: {  	_ =	sfence.sel $0xFFFF  }
0xbf: {  	[dreg:$0x0] =	wrdreg $0xFFFFFFFF;
	(pc) =	sbr.abs _section_cstart, $3  }
0xc0: {  	[dreg:$0x1] =	wrdreg $0xFFFFFFFF  }
0xc1: {  	_ =	task.clear_ibuf [dreg:s7], $0x2FFFF;
	_ =	strace $0x9FFFFFFF  }
0xc2: {  	(tm) =	ssettm $0x7FFFFFFF  }
0xc3: {  	_ =	shalt  }
tec
execute0_lowered:
.L_overlay_start_1:
0x0: {  	(tag) =	ssettag $0x1  }
0x1: {  	s1 =	srdreg.scid  }
0x2: {  	s0 =	stileid.u32;
	s2 =	rddreg [dreg:$0x0];
	s6 =	sand.u32 $0x1, s1  }
0x3: {  	s8 =	rddreg [dreg:$0x1];
	s30 =	sshll.u32 s0, $0xA;
	s3 =	sshll.u32 s6, $0x9  }
0x4: {  	s1 =	rddreg [dreg:$0x2];
	s7 =	sor.u32 s3, s30  }
0x5: {  	s10 =	ssub.s32 $0x2, s6;
	s3 =	simm.s32 $0x0;
	s4 =	sshrl.u32 s7, $0x3  }
0x6: {  	s6 =	simm.s32 $0x200;
	[smem:$0x7FF] =	sst s3;
	s4 =	sadd.s32 s4, s8  }
0x7: {  	_ =	strace $0x8000004D;
	s5 =	sadd.s32 $0x21600, s4;
	s4 =	simm.s32 $0x2  }
0x8: {  	[tilespmem:s3], [sflag:$0x2] =	stream.linear.gather [hbm4b:s5+s3], $0x200, $0x38;
	[tilespmem:$0x12200] =	vst v63  }
0x9: {  	s11 =	sshrl.u32 s10, $0x1;
	s9 =	smul.u32 $0x12, s7;
	_ =	swait.ge [sflag:s4], $0x200  }
0xa: {  	s7 =	simm.s32 $0x1;
	s31 =	ssub.s32 s10, s11;
	[sflag:s4] =	ssyncset.done $0x0  }
0xb: {  	s8 =	sadd.s32 s9, s8;
	s9 =	smax.u32 s31, $0x1;
	[sflag:s4] =	ssyncadd.s32 $0xFFFFFE00  }
0xc: {  	[tilespmem:s6], [sflag:$0x1] =	stream.indirect.gather [hbm4b:s2+s6], $0x90, s3, s6, $0xb8;
	[tilespmem:$0x12200] =	vst v63  }
0xd: {  	p0 =	sne.s32 s9, $0x1;
	_ =	swait.ge [sflag:s7], $0x12000  }
.Ltmp0:
0xe: {  	[sflag:s7] =	ssyncset.done $0x0;
	(pc) =	sbr.rel @!p0 .LBB2_2-.Ltmp0, $4  }
0xf: {  	s8 =	sadd.s32 $0x21E00, s8;
	[sflag:s7] =	ssyncadd.s32 $0xFFFEE000  }
0x10: {  	[hbm4b:s8+s3] =	stream.linear.scatter [tilespmem:s6], [sflag:$0x2], $0x12000, $0x38;
	[tilespmem:$0x12200] =	vst v63  }
0x11: {  	_ =	swait.ge [sflag:s4], $0x12000  }
0x12: {  	s9 =	sadd.s32 $0xFFFFFFFF, s9;
	[sflag:s4] =	ssyncset.done $0x0  }
.LBB2_1:
0x13: {  	p0 =	sne.s32 s9, $0x1;
	s9 =	sadd.s32 $0xFFFFFFFF, s9;
	[sflag:s4] =	ssyncadd.s32 $0xFFFEE000  }
0x14: {  	[tilespmem:s3], [sflag:$0x2] =	stream.linear.gather [hbm4b:s5+s3], $0x200, $0x38;
	[tilespmem:$0x12200] =	vst v63  }
0x15: {  	_ =	swait.ge [sflag:s4], $0x200  }
0x16: {  	[sflag:s4] =	ssyncset.done $0x0  }
0x17: {  	[sflag:s4] =	ssyncadd.s32 $0xFFFFFE00  }
0x18: {  	[tilespmem:s6], [sflag:$0x1] =	stream.indirect.gather [hbm4b:s2+s6], $0x90, s3, s6, $0xb8;
	[tilespmem:$0x12200] =	vst v63  }
0x19: {  	_ =	swait.ge [sflag:s7], $0x12000  }
.Ltmp1:
0x1a: {  	[sflag:s7] =	ssyncset.done $0x0;
	(pc) =	sbr.rel @p0 .LBB2_1-.Ltmp1, $4  }
0x1b: {  	[sflag:s7] =	ssyncadd.s32 $0xFFFEE000  }
0x1c: {  	[hbm4b:s8+s3] =	stream.linear.scatter [tilespmem:s6], [sflag:$0x2], $0x12000, $0x38;
	[tilespmem:$0x12200] =	vst v63  }
0x1d: {  	_ =	swait.ge [sflag:s4], $0x12000  }
0x1e: {  	[sflag:s4] =	ssyncset.done $0x0  }
.LBB2_2:
0x1f: {  	[sflag:s4] =	ssyncadd.s32 $0xFFFEE000  }
0x20: {  	_ =	sfence.sel $0x180000  }
0x21: {  	[bflag:$0x0] =	sbarrier.arrive $0xFFFF  }
0x22: {  	p0 =	sne.s32 s0, $0x0;
	_ =	strace $0x9000004D  }
0x23: {  	s0 =	sadd.s32 @!p0 $0x100000, s1;
	[bflag:$0x2] =	sbarrier.arrive $0xFFFF  }
0x24: {  	[sflag:s0] =	ssyncadd.tile.s32 @!p0 $0x1;
	_ =	shalt  }
.Lfunc_end2:
_tile_overlayer_lowered:
.L_overlay_start_2:
0x25: {  	(tag) =	ssettag $0x2  }
0x26: {  	s0 =	rddreg [dreg:$0x0];
	s2 =	stileid.u32  }
0x27: {  	s1 =	rddreg [dreg:$0x1];
	p0 =	sne.s32 s2, $0x0  }
0x28: {  	s3 =	rddreg [dreg:$0x2];
	[bflag:$0x3] =	sbarrier.arrive $0xFFFF;
	s2 =	simm.s32 @!p0 $0x1C02  }
0x29: {  	[timem:s3], [sflag:s2] =	dma.local @!p0 [hbm:s0], s1  }
0x2a: {  	s0 =	simm.s32 @!p0 $0x2  }
0x2b: {  	_ =	swait.ge @!p0 [sflag:s0], s1  }
0x2c: {  	s1 =	ssub.s32 @!p0 $0x0, s1;
	[sflag:s0] =	ssyncset.done @!p0 $0x0  }
0x2d: {  	[sflag:s0] =	ssyncadd.s32 @!p0 s1  }
0x2e: {  	[bflag:$0x3] =	sbarrier.arrive $0xFFFF  }
0x2f: {  	_ =	shalt  }

// kernel: kernel.31.cloned.1.call-start
scs
__scs_entry_jumppad:
0x0: {  	(pc) =	sbr.rel $0x88, $3  }
0x1: {  	(tag) =	ssettag $0x0;
	lr =	simm.s32 $0x1  }
0x2: {  	[smem:$0x3F46] =	sst lr;
	_ =	strace $0xD0000000  }
0x3: {  	_ = 	snop  }
0x4: {  	_ = 	snop  }
0x5: {  	_ = 	snop  }
0x6: {  	_ = 	snop  }
0x7: {  	_ = 	snop  }
__scs_overlays_trampoline_lowered:
0x8: {  	[smem:$0x3F55] =	sst s0  }
0x9: {  	[smem:$0x3F56] =	sst s1  }
0xa: {  	[smem:$0x3F57] =	sst s2  }
0xb: {  	[smem:$0x3F58] =	sst s3  }
0xc: {  	[smem:$0x3F59] =	sst s4  }
0xd: {  	[smem:$0x3F5A] =	sst s5  }
0xe: {  	[smem:$0x3F5B] =	sst s6  }
0xf: {  	[smem:$0x3F5C] =	sst s7  }
0x10: {  	[smem:$0x3F5D] =	sst s8  }
0x11: {  	[smem:$0x3F5E] =	sst s9;
	s0 =	simm.s32 @!p0 $0x0  }
0x12: {  	s1 =	sld [smem:$0x3F44];
	s0 =	simm.s32 @p0 $0x1  }
0x13: {  	[smem:$0x3F5F] =	sst s0;
	s0 =	simm.s32 @!p1 $0x0  }
0x14: {  	s2 =	sld [smem:$0x3F43];
	s0 =	simm.s32 @p1 $0x1  }
0x15: {  	[smem:$0x3F60] =	sst s0;
	s0 =	simm.s32 @!p2 $0x0  }
0x16: {  	s3 =	sld [smem:$0x3FDB];
	s0 =	simm.s32 @p2 $0x1  }
0x17: {  	s4 =	simm.s32 $0x1BF5;
	[smem:$0x3F62] =	sst s0  }
0x18: {  	s0 =	sld [smem:$0x3F45];
	_ =	swait.ge [sflag:s4], $0x0  }
0x19: {  	s7 =	sld [smem:$0x3F46]  }
0x1a: {  	s8 =	sadd.s32 $0xFFFFE003, lr  }
0x1b: {  	s9 =	sadd.s32 $0xFFFFFEF7, lr;
	s5 =	simm.s32 $0xFFFFFFFF;
	p2 =	slt.u32 s8, $0xFFFFF086  }
0x1c: {  	p1 =	slt.u32 s9, $0xF7A;
	s5 =	simm.s32 @!p2 $0x0  }
0x1d: {  	s5 =	simm.s32 @p1 $0x1;
	p0 =	seq.s32 s7, s2  }
0x1e: {  	s7 =	smul.u32 @!p0 $0xF7A, s2;
	p2 =	seq.s32 @!p0 s5, $0x0  }
0x1f: {  	s9 =	smul.u32 $0xF7A, s1;
	s8 =	simm.s32 @!p0 $0x1BF5;
	p2 =	por !p2, p0  }
0x20: {  	[sflag:s8] =	ssyncset.s32 @!p0 $0xFFFFF086;
	s6 =	sadd.s32 @!p0 s3, s7;
	s7 =	simm.s32 @!p0 $0x108  }
0x21: {  	s3 =	sadd.s32 s3, s9;
	s6 =	sadd.s32 @!p0 $0x88, s6;
	s7 =	simm.s32 @p2 $0x1082  }
0x22: {  	[simem:s7], [sflag:s8] =	dma.local @!p0 [hbm:s6], $0xF7A  }
0x23: {  	s9 =	sor.u32 $0xD0000000, s2;
	s6 =	simm.s32 $0x108;
	_ =	swait.ge @!p0 [sflag:s8], $0x0  }
0x24: {  	s3 =	sadd.s32 $0x88, s3;
	s6 =	simm.s32 @!p1 $0x1082;
	[sflag:s4] =	ssyncset.s32 $0xFFFFF086  }
0x25: {  	[simem:s6], [sflag:s4] =	dma.local [hbm:s3], $0xF7A  }
0x26: {  	[smem:$0x3F46] =	sst s1;
	(tag) =	ssettag s2;
	_ =	strace s9  }
0x27: {  	s1 =	sld [smem:$0x3F56]  }
0x28: {  	s2 =	sld [smem:$0x3F57]  }
0x29: {  	s4 =	sld [smem:$0x3F59]  }
0x2a: {  	p0 =	seq.s32 s5, $0x0;
	s5 =	sld [smem:$0x3F5A]  }
0x2b: {  	s6 =	sld [smem:$0x3F5B]  }
0x2c: {  	s7 =	sld [smem:$0x3F5C]  }
0x2d: {  	s3 =	simm.s32 $0x108;
	s8 =	sld [smem:$0x3F5D]  }
0x2e: {  	s3 =	simm.s32 @!p0 $0x1082;
	s9 =	sld [smem:$0x3F5E]  }
0x2f: {  	lr =	sadd.s32 s0, s3;
	s0 =	sld [smem:$0x3F55]  }
0x30: {  	s3 =	sld [smem:$0x3F58]  }
0x31: {  	[smem:$0x3F61] =	sst s10  }
0x32: {  	s10 =	sld [smem:$0x3F5F];
	_ =	sdelay $0x3  }
0x33: {  	p0 =	seq.s32 s10, $0x1;
	s10 =	sld [smem:$0x3F61];
	_ =	sdelay $0x3  }
0x34: {  	[smem:$0x3F61] =	sst s10  }
0x35: {  	s10 =	sld [smem:$0x3F60];
	_ =	sdelay $0x3  }
0x36: {  	p1 =	seq.s32 s10, $0x1;
	s10 =	sld [smem:$0x3F61];
	_ =	sdelay $0x3  }
0x37: {  	[smem:$0x3F61] =	sst s10  }
0x38: {  	s10 =	sld [smem:$0x3F62]  }
0x39: {  	_ = 	snop;
	(pc) =	sbr.ind lr, $3  }
0x3a: {  	_ = 	snop  }
0x3b: {  	_ = 	snop  }
0x3c: {  	p2 =	seq.s32 s10, $0x1;
	s10 =	sld [smem:$0x3F61]  }
0x3d: {  	_ =	shalt  }
0x3e: {  	_ =	shalt  }
0x3f: {  	_ =	shalt  }
0x40: {  	_ =	shalt  }
0x41: {  	_ =	shalt  }
0x42: {  	_ =	shalt  }
0x43: {  	_ =	shalt  }
0x44: {  	_ =	shalt  }
0x45: {  	_ =	shalt  }
0x46: {  	_ =	shalt  }
0x47: {  	_ =	shalt  }
0x48: {  	_ =	shalt  }
0x49: {  	_ =	shalt  }
0x4a: {  	_ =	shalt  }
0x4b: {  	_ =	shalt  }
0x4c: {  	_ =	shalt  }
0x4d: {  	_ =	shalt  }
0x4e: {  	_ =	shalt  }
0x4f: {  	_ =	shalt  }
0x50: {  	_ =	shalt  }
0x51: {  	_ =	shalt  }
0x52: {  	_ =	shalt  }
0x53: {  	_ =	shalt  }
0x54: {  	_ =	shalt  }
0x55: {  	_ =	shalt  }
0x56: {  	_ =	shalt  }
0x57: {  	_ =	shalt  }
0x58: {  	_ =	shalt  }
0x59: {  	_ =	shalt  }
0x5a: {  	_ =	shalt  }
0x5b: {  	_ =	shalt  }
0x5c: {  	_ =	shalt  }
0x5d: {  	_ =	shalt  }
0x5e: {  	_ =	shalt  }
0x5f: {  	_ =	shalt  }
0x60: {  	_ =	shalt  }
0x61: {  	_ =	shalt  }
0x62: {  	_ =	shalt  }
0x63: {  	_ =	shalt  }
0x64: {  	_ =	shalt  }
0x65: {  	_ =	shalt  }
0x66: {  	_ =	shalt  }
0x67: {  	_ =	shalt  }
0x68: {  	_ =	shalt  }
0x69: {  	_ =	shalt  }
0x6a: {  	_ =	shalt  }
0x6b: {  	_ =	shalt  }
0x6c: {  	_ =	shalt  }
0x6d: {  	_ =	shalt  }
0x6e: {  	_ =	shalt  }
0x6f: {  	_ =	shalt  }
0x70: {  	_ =	shalt  }
0x71: {  	_ =	shalt  }
0x72: {  	_ =	shalt  }
0x73: {  	_ =	shalt  }
0x74: {  	_ =	shalt  }
0x75: {  	_ =	shalt  }
0x76: {  	_ =	shalt  }
0x77: {  	_ =	shalt  }
0x78: {  	_ =	shalt  }
0x79: {  	_ =	shalt  }
0x7a: {  	_ =	shalt  }
0x7b: {  	_ =	shalt  }
0x7c: {  	_ =	shalt  }
0x7d: {  	_ =	shalt  }
0x7e: {  	_ =	shalt  }
0x7f: {  	_ =	shalt  }
0x80: {  	_ =	shalt  }
0x81: {  	_ =	shalt  }
0x82: {  	_ =	shalt  }
0x83: {  	_ =	shalt  }
0x84: {  	_ =	shalt  }
0x85: {  	_ =	shalt  }
0x86: {  	_ =	shalt  }
0x87: {  	_ =	shalt  }
.Lfunc_end0:
.L_simem_size_0:
called_computation.3_lowered:
.L_overlay_start_0:
0x88: {  	s2 =	sld [smem:$0x3FD9]  }
0x89: {  	s3 =	sld [smem:$0x3FFE];
	_ =	sdelay $0x1  }
0x8a: {  	s1 =	srdreg.scid  }
0x8b: {  	s0 =	sand.u32 $0x1, s1  }
0x8c: {  	s17 =	sshll.u32 s0, $0xA;
	s2 =	sadd.s32 s3, s2  }
0x8d: {  	s2 =	sadd.s32 s2, s17  }
0x8e: {  	[smem:$0x3F6D] =	sst s2  }
0x8f: {  	_ = 	snop  }
0x90: {  	s2 =	sld [smem:$0x3FD0];
	(tm) =	ssettm $0x1  }
0x91: {  	s18 =	sld [smem:$0x3FFB];
	_ =	sdelay $0x3  }
0x92: {  	_ =	strace s18  }
0x93: {  	s3 =	sld [smem:$0x3FFC];
	_ =	sdelay $0x3  }
0x94: {  	_ =	strace s3  }
0x95: {  	s3 =	sld [smem:$0x3FFD];
	_ =	sdelay $0x3  }
0x96: {  	_ =	strace s3  }
0x97: {  	_ =	strace $0x8FFFFFFF  }
0x98: {  	s19 =	sld [smem:$0x3FDB];
	_ =	sdelay $0x1  }
0x99: {  	s4 =	simm.s32 $_scs_section_size  }
0x9a: {  	s5 =	simm.s32 $_size__tile_overlayer_lowered;
	s6 =	simm.s32 $_tile_overlayer_lowered  }
0x9b: {  	s22 =	simm.s32 $0x1BFF;
	s21 =	sshll.u32 s6, $0x1;
	s3 =	sadd.s32 s4, s19  }
0x9c: {  	s7 =	simm.s32 $0x0;
	s20 =	sshll.u32 s5, $0x1;
	s5 =	sadd.s32 s21, s3  }
0x9d: {  	[timem:s7], [sflag:s22] =	dma.local [hbm:s5], s20  }
0x9e: {  	_ =	swait.ge [sflag:s22], s20  }
0x9f: {  	s4 =	ssub.s32 $0x0, s20;
	[sflag:s22] =	ssyncset.done $0x0  }
0xa0: {  	[sflag:s22] =	ssyncadd.s32 s4;
	_ =	sdelay $0x1  }
0xa1: {  	s23 =	simm.s32 $0x1B8B  }
0xa2: {  	_ =	swait.ge [sflag:s23], $0x1  }
0xa3: {  	[sflag:s23] =	ssyncset.done $0x0  }
0xa4: {  	s25 =	simm.s32 $0x1B8E;
	s24 =	sld [smem:$0x3FFE];
	[sflag:s23] =	ssyncadd.s32 $0xFFFFFFFF  }
0xa5: {  	s26 =	simm.s32 $execute0_lowered;
	[smem:$0x3FD2] =	sst s25  }
0xa6: {  	s5 =	sshll.u32 s26, $0x1;
	_ =	strace $0x8000004F;
	[dreg:$0x1] =	wrdreg $0xFFFFFFFF  }
0xa7: {  	s28 =	simm.s32 $_size_execute0_lowered;
	s3 =	sadd.s32 s3, s5;
	[dreg:$0x0] =	wrdreg $0x0  }
0xa8: {  	s5 =	sshll.u32 s28, $0x1;
	[dreg:$0x2] =	wrdreg s3  }
0xa9: {  	[dreg:$0x3] =	wrdreg s5  }
0xaa: {  	[dreg:$0x4] =	wrdreg $0xC0  }
0xab: {  	_ =	task [dreg:s7], $0x5FFFF  }
0xac: {  	[dreg:$0x1] =	wrdreg $0xFFFFFFFF  }
0xad: {  	[dreg:$0x0] =	wrdreg $0x60  }
0xae: {  	[dreg:$0x2] =	wrdreg s2  }
0xaf: {  	[dreg:$0x3] =	wrdreg s24  }
0xb0: {  	[dreg:$0x4] =	wrdreg $0x9  }
0xb1: {  	_ =	task.clear_ibuf [dreg:s7], $0x5FFFF;
	_ =	strace $0x9000004F  }
0xb2: {  	s29 =	simm.s32 $0x9;
	_ =	strace $0x80000051  }
0xb3: {  	_ =	swait.ge [sflag:s29], $0x1  }
0xb4: {  	[sflag:s29] =	ssyncadd.s32 $0xFFFFFFFF  }
0xb5: {  	_ =	strace $0x90000051  }
0xb6: {  	_ =	sfence  }
0xb7: {  	s30 =	sld [smem:$0x0];
	_ =	sdelay $0x2  }
0xb8: {  	s31 =	sshll.u32 s1, $0xD;
	s1 =	sshrl.u32 s1, $0x2  }
0xb9: {  	s3 =	sand.u32 $0x4000, s31;
	s1 =	sadd.s32 s1, s30  }
0xba: {  	s0 =	sor.u32 s3, s0;
	s1 =	sshll.u32 s1, $0x11  }
0xbb: {  	s0 =	sor.u32 s1, s0  }
0xbc: {  	s0 =	sadd.s32 $0x8F2B, s0  }
0xbd: {  	[sflag:s0] =	ssyncadd.remote.s32 $0x1  }
0xbe: {  	_ =	sfence.sel $0xFFFF  }
0xbf: {  	[dreg:$0x0] =	wrdreg $0xFFFFFFFF;
	(pc) =	sbr.abs _section_cstart, $3  }
0xc0: {  	[dreg:$0x1] =	wrdreg $0xFFFFFFFF  }
0xc1: {  	_ =	task.clear_ibuf [dreg:s7], $0x2FFFF;
	_ =	strace $0x9FFFFFFF  }
0xc2: {  	(tm) =	ssettm $0x7FFFFFFF  }
0xc3: {  	_ =	shalt  }
tec
execute0_lowered:
.L_overlay_start_1:
0x0: {  	(tag) =	ssettag $0x1  }
0x1: {  	s1 =	srdreg.scid  }
0x2: {  	s0 =	stileid.u32;
	s2 =	rddreg [dreg:$0x0];
	s6 =	sand.u32 $0x1, s1  }
0x3: {  	s8 =	rddreg [dreg:$0x1];
	s30 =	sshll.u32 s0, $0x8;
	s3 =	sshll.u32 s6, $0x7  }
0x4: {  	s1 =	rddreg [dreg:$0x2];
	s7 =	sor.u32 s3, s30  }
0x5: {  	s10 =	ssub.s32 $0x2, s6;
	s3 =	simm.s32 $0x0;
	s4 =	sshrl.u32 s7, $0x3  }
0x6: {  	s6 =	simm.s32 $0x80;
	[smem:$0x7FF] =	sst s3;
	s4 =	sadd.s32 s4, s8  }
0x7: {  	_ =	strace $0x80000050;
	s5 =	sadd.s32 $0xD600, s4;
	s4 =	simm.s32 $0x2  }
0x8: {  	[tilespmem:s3], [sflag:$0x2] =	stream.linear.gather [hbm4b:s5+s3], $0x80, $0x38;
	[tilespmem:$0x8880] =	vst v63  }
0x9: {  	s11 =	sshrl.u32 s10, $0x1;
	s9 =	smul.u32 $0x22, s7;
	_ =	swait.ge [sflag:s4], $0x80  }
0xa: {  	s7 =	simm.s32 $0x1;
	s31 =	ssub.s32 s10, s11;
	[sflag:s4] =	ssyncset.done $0x0  }
0xb: {  	s8 =	sadd.s32 s9, s8;
	s9 =	smax.u32 s31, $0x1;
	[sflag:s4] =	ssyncadd.s32 $0xFFFFFF80  }
0xc: {  	[tilespmem:s6], [sflag:$0x1] =	stream.indirect.gather [hbm4b:s2+s6], $0x110, s3, s6, $0xb8;
	[tilespmem:$0x8880] =	vst v63  }
0xd: {  	p0 =	sne.s32 s9, $0x1;
	_ =	swait.ge [sflag:s7], $0x8800  }
.Ltmp0:
0xe: {  	[sflag:s7] =	ssyncset.done $0x0;
	(pc) =	sbr.rel @!p0 .LBB2_2-.Ltmp0, $4  }
0xf: {  	s8 =	sadd.s32 $0xD800, s8;
	[sflag:s7] =	ssyncadd.s32 $0xFFFF7800  }
0x10: {  	[hbm4b:s8+s3] =	stream.linear.scatter [tilespmem:s6], [sflag:$0x2], $0x8800, $0x38;
	[tilespmem:$0x8880] =	vst v63  }
0x11: {  	_ =	swait.ge [sflag:s4], $0x8800  }
0x12: {  	s9 =	sadd.s32 $0xFFFFFFFF, s9;
	[sflag:s4] =	ssyncset.done $0x0  }
.LBB2_1:
0x13: {  	p0 =	sne.s32 s9, $0x1;
	s9 =	sadd.s32 $0xFFFFFFFF, s9;
	[sflag:s4] =	ssyncadd.s32 $0xFFFF7800  }
0x14: {  	[tilespmem:s3], [sflag:$0x2] =	stream.linear.gather [hbm4b:s5+s3], $0x80, $0x38;
	[tilespmem:$0x8880] =	vst v63  }
0x15: {  	_ =	swait.ge [sflag:s4], $0x80  }
0x16: {  	[sflag:s4] =	ssyncset.done $0x0  }
0x17: {  	[sflag:s4] =	ssyncadd.s32 $0xFFFFFF80  }
0x18: {  	[tilespmem:s6], [sflag:$0x1] =	stream.indirect.gather [hbm4b:s2+s6], $0x110, s3, s6, $0xb8;
	[tilespmem:$0x8880] =	vst v63  }
0x19: {  	_ =	swait.ge [sflag:s7], $0x8800  }
.Ltmp1:
0x1a: {  	[sflag:s7] =	ssyncset.done $0x0;
	(pc) =	sbr.rel @p0 .LBB2_1-.Ltmp1, $4  }
0x1b: {  	[sflag:s7] =	ssyncadd.s32 $0xFFFF7800  }
0x1c: {  	[hbm4b:s8+s3] =	stream.linear.scatter [tilespmem:s6], [sflag:$0x2], $0x8800, $0x38;
	[tilespmem:$0x8880] =	vst v63  }
0x1d: {  	_ =	swait.ge [sflag:s4], $0x8800  }
0x1e: {  	[sflag:s4] =	ssyncset.done $0x0  }
.LBB2_2:
0x1f: {  	[sflag:s4] =	ssyncadd.s32 $0xFFFF7800  }
0x20: {  	_ =	sfence.sel $0x180000  }
0x21: {  	[bflag:$0x0] =	sbarrier.arrive $0xFFFF  }
0x22: {  	p0 =	sne.s32 s0, $0x0;
	_ =	strace $0x90000050  }
0x23: {  	s0 =	sadd.s32 @!p0 $0x100000, s1;
	[bflag:$0x2] =	sbarrier.arrive $0xFFFF  }
0x24: {  	[sflag:s0] =	ssyncadd.tile.s32 @!p0 $0x1;
	_ =	shalt  }
.Lfunc_end2:
_tile_overlayer_lowered:
.L_overlay_start_2:
0x25: {  	(tag) =	ssettag $0x2  }
0x26: {  	s0 =	rddreg [dreg:$0x0];
	s2 =	stileid.u32  }
0x27: {  	s1 =	rddreg [dreg:$0x1];
	p0 =	sne.s32 s2, $0x0  }
0x28: {  	s3 =	rddreg [dreg:$0x2];
	[bflag:$0x3] =	sbarrier.arrive $0xFFFF;
	s2 =	simm.s32 @!p0 $0x1C02  }
0x29: {  	[timem:s3], [sflag:s2] =	dma.local @!p0 [hbm:s0], s1  }
0x2a: {  	s0 =	simm.s32 @!p0 $0x2  }
0x2b: {  	_ =	swait.ge @!p0 [sflag:s0], s1  }
0x2c: {  	s1 =	ssub.s32 @!p0 $0x0, s1;
	[sflag:s0] =	ssyncset.done @!p0 $0x0  }
0x2d: {  	[sflag:s0] =	ssyncadd.s32 @!p0 s1  }
0x2e: {  	[bflag:$0x3] =	sbarrier.arrive $0xFFFF  }
0x2f: {  	_ =	shalt  }

</sc_bundles>
